<compile_context>
chip_gen: v7x
topology: tpu7x:2x2x1
jax: 0.10.2.dev20260603
libtpu: 0.0.44.dev20260713+nightly
codegen_flags: <defaults>
</compile_context>

<pallas_src>
import jax
import jax.numpy as jnp
from jax import lax
from jax.experimental import pallas as pl
from jax.experimental.pallas import tpu as pltpu
from jax.experimental.pallas import tpu_sc as plsc

N = 100000
D = 16
HD = D // 2
TD = HD + 1
E = 3200000
CHUNK = 128
G = 8
GE = G * CHUNK
E_PAD = 3211264
NPAD = N + 352
BODIES_PER_TILE = E_PAD // (16 * GE)
ROWS_PER_TILE = NPAD // 16


def _mlp_body(x_ref, w1_ref, b1_ref, w2_ref, b2_ref, oa_ref, ob_ref):
    h = jnp.maximum(
        jnp.dot(x_ref[...], w1_ref[...], preferred_element_type=jnp.float32)
        + b1_ref[...], 0.0)
    y = (jnp.dot(h, w2_ref[...], preferred_element_type=jnp.float32)
         + b2_ref[...])
    ones = jnp.ones((y.shape[0], 1), jnp.float32)
    oa_ref[...] = jnp.concatenate([y[:, :HD], ones], axis=1)
    ob_ref[...] = jnp.concatenate([y[:, HD:], ones], axis=1)


def _mlp(x, w1, b1, w2, b2):
    blk = 10000
    grid = (N // blk,)
    return pl.pallas_call(
        _mlp_body,
        grid=grid,
        in_specs=[
            pl.BlockSpec((blk, D), lambda i: (i, 0)),
            pl.BlockSpec((D, D), lambda i: (0, 0)),
            pl.BlockSpec((1, D), lambda i: (0, 0)),
            pl.BlockSpec((D, D), lambda i: (0, 0)),
            pl.BlockSpec((1, D), lambda i: (0, 0)),
        ],
        out_specs=[
            pl.BlockSpec((blk, TD), lambda i: (i, 0)),
            pl.BlockSpec((blk, TD), lambda i: (i, 0)),
        ],
        out_shape=[
            jax.ShapeDtypeStruct((N, TD), jnp.float32),
            jax.ShapeDtypeStruct((N, TD), jnp.float32),
        ],
    )(x, w1, b1.reshape(1, D), w2, b2.reshape(1, D))


def _seg_body(table_hbm, srcg_hbm, dstg_hbm, z2_hbm,
              sums_hbm,
              src_v, dst_v, rows_v, acc_sh, isem, gsem, ssem0, ssem1):
    cid = lax.axis_index("c")
    sid = lax.axis_index("s")
    g0 = sid * BODIES_PER_TILE
    tbl = table_hbm

    r0 = sid * ROWS_PER_TILE
    for z in range(8):
        pltpu.sync_copy(z2_hbm,
                        acc_sh.at[pl.ds(r0 + z * (ROWS_PER_TILE // 8),
                                        ROWS_PER_TILE // 8)])
    plsc.subcore_barrier()

    del ssem1
    b0 = sid * BODIES_PER_TILE

    def fetch_idx(islot, p):
        pltpu.async_copy(srcg_hbm.at[cid].at[p], src_v.at[islot], isem)
        pltpu.async_copy(dstg_hbm.at[p], dst_v.at[islot], isem)

    def wait_idx(islot):
        pltpu.make_async_copy(srcg_hbm.at[0].at[0], src_v.at[islot],
                              isem).wait()
        pltpu.make_async_copy(dstg_hbm.at[0], dst_v.at[islot], isem).wait()

    def run(islot, prefetch):
        wait_idx(islot)
        hg = [pltpu.async_copy(tbl.at[src_v.at[islot].at[b]],
                               rows_v.at[pl.ds(b * CHUNK, CHUNK)], gsem)
              for b in range(G)]
        for h in hg:
            h.wait()
        if prefetch is not None:
            fetch_idx(1 - islot, prefetch)
        hs = [pltpu.async_copy(rows_v.at[pl.ds(b * CHUNK, CHUNK)],
                               acc_sh.at[dst_v.at[islot].at[b]],
                               ssem0, add=True)
              for b in range(G)]
        for h in hs:
            h.wait()

    fetch_idx(0, b0)

    def pair_body(i, carry):
        gbase = 2 * i
        run(0, b0 + gbase + 1)
        run(1, b0 + gbase + 2)
        return carry

    lax.fori_loop(0, BODIES_PER_TILE // 2 - 1, pair_body, 0)
    run(0, b0 + BODIES_PER_TILE - 1)
    run(1, None)

    plsc.subcore_barrier()
    pltpu.sync_copy(acc_sh.at[pl.ds(r0, ROWS_PER_TILE)],
                    sums_hbm.at[cid].at[pl.ds(r0, ROWS_PER_TILE)])


def _segment(table2, srcg, dstg, z2):
    mesh = plsc.VectorSubcoreMesh(core_axis_name="c", subcore_axis_name="s")
    fn = pl.kernel(
        _seg_body, mesh=mesh,
        out_type=jax.ShapeDtypeStruct((2, NPAD, TD), jnp.float32),
        scratch_types=[
            pltpu.VMEM((2, G, CHUNK), jnp.int32),
            pltpu.VMEM((2, G, CHUNK), jnp.int32),
            pltpu.VMEM((GE, TD), jnp.float32),
            pltpu.VMEM_SHARED((NPAD, TD), jnp.float32),
            pltpu.SemaphoreType.DMA,
            pltpu.SemaphoreType.DMA,
            pltpu.SemaphoreType.DMA,
            pltpu.SemaphoreType.DMA,
        ],
        compiler_params=pltpu.CompilerParams(use_tc_tiling_on_sc=False),
    )
    return fn(table2, srcg, dstg, z2)


def _fin_body(p0_ref, p1_ref, a_ref, b_ref, wo_ref, bo_ref, o_ref):
    s0 = p0_ref[...] + a_ref[...]
    s1 = p1_ref[...] + b_ref[...]
    cnt = s0[:, HD:TD]
    mean = jnp.concatenate([s0[:, :HD], s1[:, :HD]], axis=1) / cnt
    o_ref[...] = (
        jnp.dot(mean, wo_ref[...], preferred_element_type=jnp.float32)
        + bo_ref[...])


def _finalize(p0, p1, ta, tb, wo, bo):
    blk = 2000
    grid = (N // blk,)
    return pl.pallas_call(
        _fin_body,
        grid=grid,
        in_specs=[
            pl.BlockSpec((blk, TD), lambda i: (i, 0)),
            pl.BlockSpec((blk, TD), lambda i: (i, 0)),
            pl.BlockSpec((blk, TD), lambda i: (i, 0)),
            pl.BlockSpec((blk, TD), lambda i: (i, 0)),
            pl.BlockSpec((D, D), lambda i: (0, 0)),
            pl.BlockSpec((1, D), lambda i: (0, 0)),
        ],
        out_specs=pl.BlockSpec((blk, D), lambda i: (i, 0)),
        out_shape=jax.ShapeDtypeStruct((N, D), jnp.float32),
    )(p0, p1, ta, tb, wo, bo.reshape(1, D))


@jax.jit
def kernel(edge_index, edge_attr,
           c1_W1, c1_b1, c1_W2, c1_b2, c1_Wo, c1_bo,
           c2_W1, c2_b1, c2_W2, c2_b2, c2_Wo, c2_bo):
    ta, tb = _mlp(edge_attr[:N], c2_W1, c2_b1, c2_W2, c2_b2)
    table2 = jnp.concatenate([ta, tb])

    pad = E_PAD - E
    src = jnp.concatenate([edge_index[0], jnp.zeros((pad,), jnp.int32)])
    dst = jnp.concatenate([edge_index[1], jnp.full((pad,), N, jnp.int32)])
    srcg = jnp.stack([src, src + N]).reshape(2, E_PAD // GE, G, CHUNK)
    dstg = dst.reshape(E_PAD // GE, G, CHUNK)
    z2 = jnp.zeros((NPAD // 16 // 8, TD), jnp.float32)

    sums = _segment(table2, srcg, dstg, z2)

    return _finalize(sums[0, :N], sums[1, :N], ta, tb, c2_Wo, c2_bo)

# --- scband reference (transcript-rebuilt; emitter-appended) ---
"""Pipeline reference for scband-gnn-77584289235350 (READ-ONLY COPY).

The authoritative reference and input builder live on the scoring server;
editing this copy changes nothing except your own understanding.
"""

import jax, jax.numpy as jnp
import numpy as np


def _edge_mlp(ea, W1, b1, W2, b2):
    h = jnp.maximum(ea @ W1 + b1, 0.0)
    return h @ W2 + b2


def _layer(edge_index, edge_attr, W1, b1, W2, b2, Wo, bo, num_nodes):
    # add_self_loops(edge_index, num_nodes=edge_index.max()+1)
    loops = jnp.arange(num_nodes, dtype=edge_index.dtype)
    ei = jnp.concatenate([edge_index, jnp.stack([loops, loops], axis=0)], axis=1)
    # edge_attr = edge_mlp(edge_attr)
    ea = _edge_mlp(edge_attr, W1, b1, W2, b2)
    # PyG lifts edge_attr_j = edge_attr.index_select(0, edge_index[0]) (source indices)
    msg = jnp.take(ea, ei[0], axis=0)
    # aggr='mean' over destination nodes (count clamped to >=1)
    sums = jax.ops.segment_sum(msg, ei[1], num_segments=num_nodes)
    cnt = jax.ops.segment_sum(jnp.ones((ei.shape[1],), jnp.float32), ei[1], num_segments=num_nodes)
    out = sums / jnp.clip(cnt, 1.0)[:, None]
    return out @ Wo + bo


def setup_inputs(seed: int = 0):
    key = jax.random.key(seed)
    ks = jax.random.split(key, 16)
    E = 3200000
    N = 100000
    D = 16  # policy_input_dim == hidden_dim == 16
    edge_index = jax.random.randint(ks[0], (2, E), 0, N, dtype=jnp.int32)
    edge_attr = jax.random.normal(ks[1], (E, D), dtype=jnp.float32)
    s = 1.0 / np.sqrt(D)
    inp = {"edge_index": edge_index, "edge_attr": edge_attr}
    names = ["c1_W1", "c1_b1", "c1_W2", "c1_b2", "c1_Wo", "c1_bo",
             "c2_W1", "c2_b1", "c2_W2", "c2_b2", "c2_Wo", "c2_bo"]
    for i, name in enumerate(names):
        shape = (D, D) if name.endswith(("W1", "W2", "Wo")) else (D,)
        inp[name] = jax.random.uniform(ks[2 + i], shape, dtype=jnp.float32, minval=-s, maxval=s)
    return inp


def reference(edge_index, edge_attr,
              c1_W1, c1_b1, c1_W2, c1_b2, c1_Wo, c1_bo,
              c2_W1, c2_b1, c2_W2, c2_b2, c2_Wo, c2_bo):
    # GNN.forward: x = relu(conv1(ei, ea)); x = conv2(ei, ea); return x
    num_nodes = 100000
    x = jnp.maximum(_layer(edge_index, edge_attr, c1_W1, c1_b1, c1_W2, c1_b2, c1_Wo, c1_bo, num_nodes), 0.0)
    x = _layer(edge_index, edge_attr, c2_W1, c2_b1, c2_W2, c2_b2, c2_Wo, c2_bo, num_nodes)
    return x

if __name__ == "__main__":
    import jax
    _d = setup_inputs()
    print(jax.jit(kernel)(*tuple(_d.values())))

</pallas_src>

<mosaic_0001>
#map = affine_map<(d0, d1) -> (0, 0)>
#map1 = affine_map<(d0, d1) -> (0, 0, 0, 0)>
#map2 = affine_map<(d0, d1) -> (0, 0, 0)>
module attributes {stable_mosaic.version = 14 : i64} {
  func.func @_seg_body(%arg0: i32, %arg1: i32, %arg2: memref<200000x9xf32, #tpu.memory_space<hbm>>, %arg3: memref<2x3136x8x128xi32, #tpu.memory_space<hbm>>, %arg4: memref<3136x8x128xi32, #tpu.memory_space<hbm>>, %arg5: memref<784x9xf32, #tpu.memory_space<hbm>>, %arg6: memref<2x100352x9xf32, #tpu.memory_space<hbm>>, %arg7: memref<2x8x128xi32, #tpu.memory_space<vmem>>, %arg8: memref<2x8x128xi32, #tpu.memory_space<vmem>>, %arg9: memref<1024x9xf32, #tpu.memory_space<vmem>>, %arg10: memref<100352x9xf32, #tpu.memory_space<vmem_shared>>, %arg11: memref<!tpu.dma_semaphore, #tpu.memory_space<semaphore_mem>>, %arg12: memref<!tpu.dma_semaphore, #tpu.memory_space<semaphore_mem>>, %arg13: memref<!tpu.dma_semaphore, #tpu.memory_space<semaphore_mem>>, %arg14: memref<!tpu.dma_semaphore, #tpu.memory_space<semaphore_mem>>) attributes {dimension_semantics = [#tpu.dimension_semantics<core_parallel>, #tpu.dimension_semantics<subcore_parallel>], iteration_bounds = array<i64: 2, 16>, scalar_prefetch = 0 : i64, scratch_operands = 8 : i64, tpu.core_type = #tpu.core_type<sc_vector_subcore>, window_params = [{transform_indices = #map}, {transform_indices = #map1}, {transform_indices = #map2}, {transform_indices = #map}, {transform_indices = #map2}]} {
    %mul3A = arith.constant 196 : i32
    %mul3A_0 = arith.muli %arg1, %mul3A : i32
    %mul3A_1 = arith.constant 6272 : i32
    %mul3A_2 = arith.muli %arg1, %mul3A_1 : i32
    %add3A = arith.constant 0 : i32
    %add3A_3 = arith.addi %mul3A_2, %add3A : i32
    "tpu.region"() ({
      %run_scoped3A = tpu.sem_alloc : memref<!tpu.dma_semaphore, #tpu.memory_space<semaphore_mem>>
      %dma_start3A_1169 = arith.constant 0 : i32
      %dma_start3A_1170 = tpu.memref_slice %arg10[%add3A_3, %dma_start3A_1169] : memref<100352x9xf32, #tpu.memory_space<vmem_shared>> -> memref<784x9xf32, #tpu.memory_space<vmem_shared>>
      tpu.enqueue_dma source(%arg5 : memref<784x9xf32, #tpu.memory_space<hbm>>) target(%dma_start3A_1170 : memref<784x9xf32, #tpu.memory_space<vmem_shared>>) target_semaphore(%run_scoped3A : memref<!tpu.dma_semaphore, #tpu.memory_space<semaphore_mem>>)
      %dma_wait3A_1171 = arith.constant 0 : i32
      %dma_wait3A_1172 = tpu.memref_slice %arg10[%add3A_3, %dma_wait3A_1171] : memref<100352x9xf32, #tpu.memory_space<vmem_shared>> -> memref<784x9xf32, #tpu.memory_space<vmem_shared>>
      tpu.wait_dma2 semaphore(%run_scoped3A : memref<!tpu.dma_semaphore, #tpu.memory_space<semaphore_mem>>) src(%arg5 : memref<784x9xf32, #tpu.memory_space<hbm>>) dst(%dma_wait3A_1172 : memref<784x9xf32, #tpu.memory_space<vmem_shared>>)
      tpu.yield
    }) : () -> ()
    %add3A_4 = arith.constant 784 : i32
    %add3A_5 = arith.addi %mul3A_2, %add3A_4 : i32
    "tpu.region"() ({
      %run_scoped3A = tpu.sem_alloc : memref<!tpu.dma_semaphore, #tpu.memory_space<semaphore_mem>>
      %dma_start3A_1169 = arith.constant 0 : i32
      %dma_start3A_1170 = tpu.memref_slice %arg10[%add3A_5, %dma_start3A_1169] : memref<100352x9xf32, #tpu.memory_space<vmem_shared>> -> memref<784x9xf32, #tpu.memory_space<vmem_shared>>
      tpu.enqueue_dma source(%arg5 : memref<784x9xf32, #tpu.memory_space<hbm>>) target(%dma_start3A_1170 : memref<784x9xf32, #tpu.memory_space<vmem_shared>>) target_semaphore(%run_scoped3A : memref<!tpu.dma_semaphore, #tpu.memory_space<semaphore_mem>>)
      %dma_wait3A_1171 = arith.constant 0 : i32
      %dma_wait3A_1172 = tpu.memref_slice %arg10[%add3A_5, %dma_wait3A_1171] : memref<100352x9xf32, #tpu.memory_space<vmem_shared>> -> memref<784x9xf32, #tpu.memory_space<vmem_shared>>
      tpu.wait_dma2 semaphore(%run_scoped3A : memref<!tpu.dma_semaphore, #tpu.memory_space<semaphore_mem>>) src(%arg5 : memref<784x9xf32, #tpu.memory_space<hbm>>) dst(%dma_wait3A_1172 : memref<784x9xf32, #tpu.memory_space<vmem_shared>>)
      tpu.yield
    }) : () -> ()
    %add3A_6 = arith.constant 1568 : i32
    %add3A_7 = arith.addi %mul3A_2, %add3A_6 : i32
    "tpu.region"() ({
      %run_scoped3A = tpu.sem_alloc : memref<!tpu.dma_semaphore, #tpu.memory_space<semaphore_mem>>
      %dma_start3A_1169 = arith.constant 0 : i32
      %dma_start3A_1170 = tpu.memref_slice %arg10[%add3A_7, %dma_start3A_1169] : memref<100352x9xf32, #tpu.memory_space<vmem_shared>> -> memref<784x9xf32, #tpu.memory_space<vmem_shared>>
      tpu.enqueue_dma source(%arg5 : memref<784x9xf32, #tpu.memory_space<hbm>>) target(%dma_start3A_1170 : memref<784x9xf32, #tpu.memory_space<vmem_shared>>) target_semaphore(%run_scoped3A : memref<!tpu.dma_semaphore, #tpu.memory_space<semaphore_mem>>)
      %dma_wait3A_1171 = arith.constant 0 : i32
      %dma_wait3A_1172 = tpu.memref_slice %arg10[%add3A_7, %dma_wait3A_1171] : memref<100352x9xf32, #tpu.memory_space<vmem_shared>> -> memref<784x9xf32, #tpu.memory_space<vmem_shared>>
      tpu.wait_dma2 semaphore(%run_scoped3A : memref<!tpu.dma_semaphore, #tpu.memory_space<semaphore_mem>>) src(%arg5 : memref<784x9xf32, #tpu.memory_space<hbm>>) dst(%dma_wait3A_1172 : memref<784x9xf32, #tpu.memory_space<vmem_shared>>)
      tpu.yield
    }) : () -> ()
    %add3A_8 = arith.constant 2352 : i32
    %add3A_9 = arith.addi %mul3A_2, %add3A_8 : i32
    "tpu.region"() ({
      %run_scoped3A = tpu.sem_alloc : memref<!tpu.dma_semaphore, #tpu.memory_space<semaphore_mem>>
      %dma_start3A_1169 = arith.constant 0 : i32
      %dma_start3A_1170 = tpu.memref_slice %arg10[%add3A_9, %dma_start3A_1169] : memref<100352x9xf32, #tpu.memory_space<vmem_shared>> -> memref<784x9xf32, #tpu.memory_space<vmem_shared>>
      tpu.enqueue_dma source(%arg5 : memref<784x9xf32, #tpu.memory_space<hbm>>) target(%dma_start3A_1170 : memref<784x9xf32, #tpu.memory_space<vmem_shared>>) target_semaphore(%run_scoped3A : memref<!tpu.dma_semaphore, #tpu.memory_space<semaphore_mem>>)
      %dma_wait3A_1171 = arith.constant 0 : i32
      %dma_wait3A_1172 = tpu.memref_slice %arg10[%add3A_9, %dma_wait3A_1171] : memref<100352x9xf32, #tpu.memory_space<vmem_shared>> -> memref<784x9xf32, #tpu.memory_space<vmem_shared>>
      tpu.wait_dma2 semaphore(%run_scoped3A : memref<!tpu.dma_semaphore, #tpu.memory_space<semaphore_mem>>) src(%arg5 : memref<784x9xf32, #tpu.memory_space<hbm>>) dst(%dma_wait3A_1172 : memref<784x9xf32, #tpu.memory_space<vmem_shared>>)
      tpu.yield
    }) : () -> ()
    %add3A_10 = arith.constant 3136 : i32
    %add3A_11 = arith.addi %mul3A_2, %add3A_10 : i32
    "tpu.region"() ({
      %run_scoped3A = tpu.sem_alloc : memref<!tpu.dma_semaphore, #tpu.memory_space<semaphore_mem>>
      %dma_start3A_1169 = arith.constant 0 : i32
      %dma_start3A_1170 = tpu.memref_slice %arg10[%add3A_11, %dma_start3A_1169] : memref<100352x9xf32, #tpu.memory_space<vmem_shared>> -> memref<784x9xf32, #tpu.memory_space<vmem_shared>>
      tpu.enqueue_dma source(%arg5 : memref<784x9xf32, #tpu.memory_space<hbm>>) target(%dma_start3A_1170 : memref<784x9xf32, #tpu.memory_space<vmem_shared>>) target_semaphore(%run_scoped3A : memref<!tpu.dma_semaphore, #tpu.memory_space<semaphore_mem>>)
      %dma_wait3A_1171 = arith.constant 0 : i32
      %dma_wait3A_1172 = tpu.memref_slice %arg10[%add3A_11, %dma_wait3A_1171] : memref<100352x9xf32, #tpu.memory_space<vmem_shared>> -> memref<784x9xf32, #tpu.memory_space<vmem_shared>>
      tpu.wait_dma2 semaphore(%run_scoped3A : memref<!tpu.dma_semaphore, #tpu.memory_space<semaphore_mem>>) src(%arg5 : memref<784x9xf32, #tpu.memory_space<hbm>>) dst(%dma_wait3A_1172 : memref<784x9xf32, #tpu.memory_space<vmem_shared>>)
      tpu.yield
    }) : () -> ()
    %add3A_12 = arith.constant 3920 : i32
    %add3A_13 = arith.addi %mul3A_2, %add3A_12 : i32
    "tpu.region"() ({
      %run_scoped3A = tpu.sem_alloc : memref<!tpu.dma_semaphore, #tpu.memory_space<semaphore_mem>>
      %dma_start3A_1169 = arith.constant 0 : i32
      %dma_start3A_1170 = tpu.memref_slice %arg10[%add3A_13, %dma_start3A_1169] : memref<100352x9xf32, #tpu.memory_space<vmem_shared>> -> memref<784x9xf32, #tpu.memory_space<vmem_shared>>
      tpu.enqueue_dma source(%arg5 : memref<784x9xf32, #tpu.memory_space<hbm>>) target(%dma_start3A_1170 : memref<784x9xf32, #tpu.memory_space<vmem_shared>>) target_semaphore(%run_scoped3A : memref<!tpu.dma_semaphore, #tpu.memory_space<semaphore_mem>>)
      %dma_wait3A_1171 = arith.constant 0 : i32
      %dma_wait3A_1172 = tpu.memref_slice %arg10[%add3A_13, %dma_wait3A_1171] : memref<100352x9xf32, #tpu.memory_space<vmem_shared>> -> memref<784x9xf32, #tpu.memory_space<vmem_shared>>
      tpu.wait_dma2 semaphore(%run_scoped3A : memref<!tpu.dma_semaphore, #tpu.memory_space<semaphore_mem>>) src(%arg5 : memref<784x9xf32, #tpu.memory_space<hbm>>) dst(%dma_wait3A_1172 : memref<784x9xf32, #tpu.memory_space<vmem_shared>>)
      tpu.yield
    }) : () -> ()
    %add3A_14 = arith.constant 4704 : i32
    %add3A_15 = arith.addi %mul3A_2, %add3A_14 : i32
    "tpu.region"() ({
      %run_scoped3A = tpu.sem_alloc : memref<!tpu.dma_semaphore, #tpu.memory_space<semaphore_mem>>
      %dma_start3A_1169 = arith.constant 0 : i32
      %dma_start3A_1170 = tpu.memref_slice %arg10[%add3A_15, %dma_start3A_1169] : memref<100352x9xf32, #tpu.memory_space<vmem_shared>> -> memref<784x9xf32, #tpu.memory_space<vmem_shared>>
      tpu.enqueue_dma source(%arg5 : memref<784x9xf32, #tpu.memory_space<hbm>>) target(%dma_start3A_1170 : memref<784x9xf32, #tpu.memory_space<vmem_shared>>) target_semaphore(%run_scoped3A : memref<!tpu.dma_semaphore, #tpu.memory_space<semaphore_mem>>)
      %dma_wait3A_1171 = arith.constant 0 : i32
      %dma_wait3A_1172 = tpu.memref_slice %arg10[%add3A_15, %dma_wait3A_1171] : memref<100352x9xf32, #tpu.memory_space<vmem_shared>> -> memref<784x9xf32, #tpu.memory_space<vmem_shared>>
      tpu.wait_dma2 semaphore(%run_scoped3A : memref<!tpu.dma_semaphore, #tpu.memory_space<semaphore_mem>>) src(%arg5 : memref<784x9xf32, #tpu.memory_space<hbm>>) dst(%dma_wait3A_1172 : memref<784x9xf32, #tpu.memory_space<vmem_shared>>)
      tpu.yield
    }) : () -> ()
    %add3A_16 = arith.constant 5488 : i32
    %add3A_17 = arith.addi %mul3A_2, %add3A_16 : i32
    "tpu.region"() ({
      %run_scoped3A = tpu.sem_alloc : memref<!tpu.dma_semaphore, #tpu.memory_space<semaphore_mem>>
      %dma_start3A_1169 = arith.constant 0 : i32
      %dma_start3A_1170 = tpu.memref_slice %arg10[%add3A_17, %dma_start3A_1169] : memref<100352x9xf32, #tpu.memory_space<vmem_shared>> -> memref<784x9xf32, #tpu.memory_space<vmem_shared>>
      tpu.enqueue_dma source(%arg5 : memref<784x9xf32, #tpu.memory_space<hbm>>) target(%dma_start3A_1170 : memref<784x9xf32, #tpu.memory_space<vmem_shared>>) target_semaphore(%run_scoped3A : memref<!tpu.dma_semaphore, #tpu.memory_space<semaphore_mem>>)
      %dma_wait3A_1171 = arith.constant 0 : i32
      %dma_wait3A_1172 = tpu.memref_slice %arg10[%add3A_17, %dma_wait3A_1171] : memref<100352x9xf32, #tpu.memory_space<vmem_shared>> -> memref<784x9xf32, #tpu.memory_space<vmem_shared>>
      tpu.wait_dma2 semaphore(%run_scoped3A : memref<!tpu.dma_semaphore, #tpu.memory_space<semaphore_mem>>) src(%arg5 : memref<784x9xf32, #tpu.memory_space<hbm>>) dst(%dma_wait3A_1172 : memref<784x9xf32, #tpu.memory_space<vmem_shared>>)
      tpu.yield
    }) : () -> ()
    %barrier3A = arith.constant 0 : index
    tpu.barrier barrier_id(%barrier3A)
    %mul3A_18 = arith.constant 196 : i32
    %mul3A_19 = arith.muli %arg1, %mul3A_18 : i32
    %dma_start3A = arith.constant 0 : i32
    %dma_start3A_20 = arith.constant 0 : i32
    %dma_start3A_21 = arith.constant 0 : i32
    %dma_start3A_22 = tpu.memref_slice %arg7[%dma_start3A, %dma_start3A_20, %dma_start3A_21] : memref<2x8x128xi32, #tpu.memory_space<vmem>> -> memref<1x8x128xi32, #tpu.memory_space<vmem>>
    %dma_start3A_23 = tpu.memref_squeeze %dma_start3A_22 : memref<1x8x128xi32, #tpu.memory_space<vmem>> -> memref<8x128xi32, #tpu.memory_space<vmem>>
    %dma_start3A_24 = arith.constant 0 : i32
    %dma_start3A_25 = arith.constant 0 : i32
    %dma_start3A_26 = arith.constant 0 : i32
    %dma_start3A_27 = tpu.memref_slice %arg3[%arg0, %dma_start3A_24, %dma_start3A_25, %dma_start3A_26] : memref<2x3136x8x128xi32, #tpu.memory_space<hbm>> -> memref<1x3136x8x128xi32, #tpu.memory_space<hbm>>
    %dma_start3A_28 = tpu.memref_squeeze %dma_start3A_27 : memref<1x3136x8x128xi32, #tpu.memory_space<hbm>> -> memref<3136x8x128xi32, #tpu.memory_space<hbm>>
    %dma_start3A_29 = arith.constant 0 : i32
    %dma_start3A_30 = arith.constant 0 : i32
    %dma_start3A_31 = tpu.memref_slice %dma_start3A_28[%mul3A_19, %dma_start3A_29, %dma_start3A_30] : memref<3136x8x128xi32, #tpu.memory_space<hbm>> -> memref<1x8x128xi32, #tpu.memory_space<hbm>>
    %dma_start3A_32 = tpu.memref_squeeze %dma_start3A_31 : memref<1x8x128xi32, #tpu.memory_space<hbm>> -> memref<8x128xi32, #tpu.memory_space<hbm>>
    %dma_start3A_33 = arith.constant 0 : i32
    %dma_start3A_34 = arith.constant 0 : i32
    %dma_start3A_35 = tpu.memref_slice %arg7[%dma_start3A, %dma_start3A_33, %dma_start3A_34] : memref<2x8x128xi32, #tpu.memory_space<vmem>> -> memref<1x8x128xi32, #tpu.memory_space<vmem>>
    %dma_start3A_36 = tpu.memref_squeeze %dma_start3A_35 : memref<1x8x128xi32, #tpu.memory_space<vmem>> -> memref<8x128xi32, #tpu.memory_space<vmem>>
    %dma_start3A_37 = arith.constant 0 : i32
    %dma_start3A_38 = arith.constant 0 : i32
    %dma_start3A_39 = arith.constant 0 : i32
    %dma_start3A_40 = tpu.memref_slice %arg3[%arg0, %dma_start3A_37, %dma_start3A_38, %dma_start3A_39] : memref<2x3136x8x128xi32, #tpu.memory_space<hbm>> -> memref<1x3136x8x128xi32, #tpu.memory_space<hbm>>
    %dma_start3A_41 = tpu.memref_squeeze %dma_start3A_40 : memref<1x3136x8x128xi32, #tpu.memory_space<hbm>> -> memref<3136x8x128xi32, #tpu.memory_space<hbm>>
    %dma_start3A_42 = arith.constant 0 : i32
    %dma_start3A_43 = arith.constant 0 : i32
    %dma_start3A_44 = tpu.memref_slice %dma_start3A_41[%mul3A_19, %dma_start3A_42, %dma_start3A_43] : memref<3136x8x128xi32, #tpu.memory_space<hbm>> -> memref<1x8x128xi32, #tpu.memory_space<hbm>>
    %dma_start3A_45 = tpu.memref_squeeze %dma_start3A_44 : memref<1x8x128xi32, #tpu.memory_space<hbm>> -> memref<8x128xi32, #tpu.memory_space<hbm>>
    tpu.enqueue_dma source(%dma_start3A_45 : memref<8x128xi32, #tpu.memory_space<hbm>>) target(%dma_start3A_36 : memref<8x128xi32, #tpu.memory_space<vmem>>) target_semaphore(%arg11 : memref<!tpu.dma_semaphore, #tpu.memory_space<semaphore_mem>>)
    %dma_start3A_46 = arith.constant 0 : i32
    %dma_start3A_47 = arith.constant 0 : i32
    %dma_start3A_48 = arith.constant 0 : i32
    %dma_start3A_49 = tpu.memref_slice %arg8[%dma_start3A_46, %dma_start3A_47, %dma_start3A_48] : memref<2x8x128xi32, #tpu.memory_space<vmem>> -> memref<1x8x128xi32, #tpu.memory_space<vmem>>
    %dma_start3A_50 = tpu.memref_squeeze %dma_start3A_49 : memref<1x8x128xi32, #tpu.memory_space<vmem>> -> memref<8x128xi32, #tpu.memory_space<vmem>>
    %dma_start3A_51 = arith.constant 0 : i32
    %dma_start3A_52 = arith.constant 0 : i32
    %dma_start3A_53 = tpu.memref_slice %arg4[%mul3A_19, %dma_start3A_51, %dma_start3A_52] : memref<3136x8x128xi32, #tpu.memory_space<hbm>> -> memref<1x8x128xi32, #tpu.memory_space<hbm>>
    %dma_start3A_54 = tpu.memref_squeeze %dma_start3A_53 : memref<1x8x128xi32, #tpu.memory_space<hbm>> -> memref<8x128xi32, #tpu.memory_space<hbm>>
    %dma_start3A_55 = arith.constant 0 : i32
    %dma_start3A_56 = arith.constant 0 : i32
    %dma_start3A_57 = tpu.memref_slice %arg8[%dma_start3A_46, %dma_start3A_55, %dma_start3A_56] : memref<2x8x128xi32, #tpu.memory_space<vmem>> -> memref<1x8x128xi32, #tpu.memory_space<vmem>>
    %dma_start3A_58 = tpu.memref_squeeze %dma_start3A_57 : memref<1x8x128xi32, #tpu.memory_space<vmem>> -> memref<8x128xi32, #tpu.memory_space<vmem>>
    %dma_start3A_59 = arith.constant 0 : i32
    %dma_start3A_60 = arith.constant 0 : i32
    %dma_start3A_61 = tpu.memref_slice %arg4[%mul3A_19, %dma_start3A_59, %dma_start3A_60] : memref<3136x8x128xi32, #tpu.memory_space<hbm>> -> memref<1x8x128xi32, #tpu.memory_space<hbm>>
    %dma_start3A_62 = tpu.memref_squeeze %dma_start3A_61 : memref<1x8x128xi32, #tpu.memory_space<hbm>> -> memref<8x128xi32, #tpu.memory_space<hbm>>
    tpu.enqueue_dma source(%dma_start3A_62 : memref<8x128xi32, #tpu.memory_space<hbm>>) target(%dma_start3A_58 : memref<8x128xi32, #tpu.memory_space<vmem>>) target_semaphore(%arg11 : memref<!tpu.dma_semaphore, #tpu.memory_space<semaphore_mem>>)
    %scan3A = arith.constant 0 : i32
    %scan3A_63 = arith.constant 0 : i32
    %scan3A_64 = arith.constant 97 : i32
    %scan3A_65 = arith.addi %scan3A_63, %scan3A_64 : i32
    %scan3A_66 = arith.constant 1 : i32
    scf.for %scan3A_1169 = %scan3A_63 to %scan3A_65 step %scan3A_66  : i32 {
      %mul3A_1170 = arith.constant 2 : i32
      %mul3A_1171 = arith.muli %mul3A_1170, %scan3A_1169 : i32
      %add3A_1172 = arith.addi %mul3A_19, %mul3A_1171 : i32
      %add3A_1173 = arith.constant 1 : i32
      %add3A_1174 = arith.addi %add3A_1172, %add3A_1173 : i32
      %dma_wait3A_1175 = arith.constant 0 : i32
      %dma_wait3A_1176 = arith.constant 0 : i32
      %dma_wait3A_1177 = arith.constant 0 : i32
      %dma_wait3A_1178 = arith.constant 0 : i32
      %dma_wait3A_1179 = arith.constant 0 : i32
      %dma_wait3A_1180 = tpu.memref_slice %arg7[%dma_wait3A_1177, %dma_wait3A_1178, %dma_wait3A_1179] : memref<2x8x128xi32, #tpu.memory_space<vmem>> -> memref<1x8x128xi32, #tpu.memory_space<vmem>>
      %dma_wait3A_1181 = tpu.memref_squeeze %dma_wait3A_1180 : memref<1x8x128xi32, #tpu.memory_space<vmem>> -> memref<8x128xi32, #tpu.memory_space<vmem>>
      %dma_wait3A_1182 = arith.constant 0 : i32
      %dma_wait3A_1183 = arith.constant 0 : i32
      %dma_wait3A_1184 = arith.constant 0 : i32
      %dma_wait3A_1185 = tpu.memref_slice %arg3[%dma_wait3A_1175, %dma_wait3A_1182, %dma_wait3A_1183, %dma_wait3A_1184] : memref<2x3136x8x128xi32, #tpu.memory_space<hbm>> -> memref<1x3136x8x128xi32, #tpu.memory_space<hbm>>
      %dma_wait3A_1186 = tpu.memref_squeeze %dma_wait3A_1185 : memref<1x3136x8x128xi32, #tpu.memory_space<hbm>> -> memref<3136x8x128xi32, #tpu.memory_space<hbm>>
      %dma_wait3A_1187 = arith.constant 0 : i32
      %dma_wait3A_1188 = arith.constant 0 : i32
      %dma_wait3A_1189 = tpu.memref_slice %dma_wait3A_1186[%dma_wait3A_1176, %dma_wait3A_1187, %dma_wait3A_1188] : memref<3136x8x128xi32, #tpu.memory_space<hbm>> -> memref<1x8x128xi32, #tpu.memory_space<hbm>>
      %dma_wait3A_1190 = tpu.memref_squeeze %dma_wait3A_1189 : memref<1x8x128xi32, #tpu.memory_space<hbm>> -> memref<8x128xi32, #tpu.memory_space<hbm>>
      %dma_wait3A_1191 = arith.constant 0 : i32
      %dma_wait3A_1192 = arith.constant 0 : i32
      %dma_wait3A_1193 = tpu.memref_slice %arg7[%dma_wait3A_1177, %dma_wait3A_1191, %dma_wait3A_1192] : memref<2x8x128xi32, #tpu.memory_space<vmem>> -> memref<1x8x128xi32, #tpu.memory_space<vmem>>
      %dma_wait3A_1194 = tpu.memref_squeeze %dma_wait3A_1193 : memref<1x8x128xi32, #tpu.memory_space<vmem>> -> memref<8x128xi32, #tpu.memory_space<vmem>>
      %dma_wait3A_1195 = arith.constant 0 : i32
      %dma_wait3A_1196 = arith.constant 0 : i32
      %dma_wait3A_1197 = arith.constant 0 : i32
      %dma_wait3A_1198 = tpu.memref_slice %arg3[%dma_wait3A_1175, %dma_wait3A_1195, %dma_wait3A_1196, %dma_wait3A_1197] : memref<2x3136x8x128xi32, #tpu.memory_space<hbm>> -> memref<1x3136x8x128xi32, #tpu.memory_space<hbm>>
      %dma_wait3A_1199 = tpu.memref_squeeze %dma_wait3A_1198 : memref<1x3136x8x128xi32, #tpu.memory_space<hbm>> -> memref<3136x8x128xi32, #tpu.memory_space<hbm>>
      %dma_wait3A_1200 = arith.constant 0 : i32
      %dma_wait3A_1201 = arith.constant 0 : i32
      %dma_wait3A_1202 = tpu.memref_slice %dma_wait3A_1199[%dma_wait3A_1176, %dma_wait3A_1200, %dma_wait3A_1201] : memref<3136x8x128xi32, #tpu.memory_space<hbm>> -> memref<1x8x128xi32, #tpu.memory_space<hbm>>
      %dma_wait3A_1203 = tpu.memref_squeeze %dma_wait3A_1202 : memref<1x8x128xi32, #tpu.memory_space<hbm>> -> memref<8x128xi32, #tpu.memory_space<hbm>>
      tpu.wait_dma2 semaphore(%arg11 : memref<!tpu.dma_semaphore, #tpu.memory_space<semaphore_mem>>) src(%dma_wait3A_1203 : memref<8x128xi32, #tpu.memory_space<hbm>>) dst(%dma_wait3A_1194 : memref<8x128xi32, #tpu.memory_space<vmem>>)
      %dma_wait3A_1204 = arith.constant 0 : i32
      %dma_wait3A_1205 = arith.constant 0 : i32
      %dma_wait3A_1206 = arith.constant 0 : i32
      %dma_wait3A_1207 = arith.constant 0 : i32
      %dma_wait3A_1208 = tpu.memref_slice %arg8[%dma_wait3A_1205, %dma_wait3A_1206, %dma_wait3A_1207] : memref<2x8x128xi32, #tpu.memory_space<vmem>> -> memref<1x8x128xi32, #tpu.memory_space<vmem>>
      %dma_wait3A_1209 = tpu.memref_squeeze %dma_wait3A_1208 : memref<1x8x128xi32, #tpu.memory_space<vmem>> -> memref<8x128xi32, #tpu.memory_space<vmem>>
      %dma_wait3A_1210 = arith.constant 0 : i32
      %dma_wait3A_1211 = arith.constant 0 : i32
      %dma_wait3A_1212 = tpu.memref_slice %arg4[%dma_wait3A_1204, %dma_wait3A_1210, %dma_wait3A_1211] : memref<3136x8x128xi32, #tpu.memory_space<hbm>> -> memref<1x8x128xi32, #tpu.memory_space<hbm>>
      %dma_wait3A_1213 = tpu.memref_squeeze %dma_wait3A_1212 : memref<1x8x128xi32, #tpu.memory_space<hbm>> -> memref<8x128xi32, #tpu.memory_space<hbm>>
      %dma_wait3A_1214 = arith.constant 0 : i32
      %dma_wait3A_1215 = arith.constant 0 : i32
      %dma_wait3A_1216 = tpu.memref_slice %arg8[%dma_wait3A_1205, %dma_wait3A_1214, %dma_wait3A_1215] : memref<2x8x128xi32, #tpu.memory_space<vmem>> -> memref<1x8x128xi32, #tpu.memory_space<vmem>>
      %dma_wait3A_1217 = tpu.memref_squeeze %dma_wait3A_1216 : memref<1x8x128xi32, #tpu.memory_space<vmem>> -> memref<8x128xi32, #tpu.memory_space<vmem>>
      %dma_wait3A_1218 = arith.constant 0 : i32
      %dma_wait3A_1219 = arith.constant 0 : i32
      %dma_wait3A_1220 = tpu.memref_slice %arg4[%dma_wait3A_1204, %dma_wait3A_1218, %dma_wait3A_1219] : memref<3136x8x128xi32, #tpu.memory_space<hbm>> -> memref<1x8x128xi32, #tpu.memory_space<hbm>>
      %dma_wait3A_1221 = tpu.memref_squeeze %dma_wait3A_1220 : memref<1x8x128xi32, #tpu.memory_space<hbm>> -> memref<8x128xi32, #tpu.memory_space<hbm>>
      tpu.wait_dma2 semaphore(%arg11 : memref<!tpu.dma_semaphore, #tpu.memory_space<semaphore_mem>>) src(%dma_wait3A_1221 : memref<8x128xi32, #tpu.memory_space<hbm>>) dst(%dma_wait3A_1217 : memref<8x128xi32, #tpu.memory_space<vmem>>)
      %dma_start3A_1222 = arith.constant 0 : i32
      %dma_start3A_1223 = arith.constant 0 : i32
      %dma_start3A_1224 = arith.constant 0 : i32
      %dma_start3A_1225 = arith.constant 0 : i32
      %dma_start3A_1226 = tpu.memref_slice %arg9[%dma_start3A_1224, %dma_start3A_1225] : memref<1024x9xf32, #tpu.memory_space<vmem>> -> memref<128x9xf32, #tpu.memory_space<vmem>>
      %dma_start3A_1227 = arith.constant 0 : i32
      %dma_start3A_1228 = arith.constant 0 : i32
      %dma_start3A_1229 = tpu.memref_slice %arg7[%dma_start3A_1222, %dma_start3A_1227, %dma_start3A_1228] : memref<2x8x128xi32, #tpu.memory_space<vmem>> -> memref<1x8x128xi32, #tpu.memory_space<vmem>>
      %dma_start3A_1230 = tpu.memref_squeeze %dma_start3A_1229 : memref<1x8x128xi32, #tpu.memory_space<vmem>> -> memref<8x128xi32, #tpu.memory_space<vmem>>
      %dma_start3A_1231 = arith.constant 0 : i32
      %dma_start3A_1232 = tpu.memref_slice %dma_start3A_1230[%dma_start3A_1223, %dma_start3A_1231] : memref<8x128xi32, #tpu.memory_space<vmem>> -> memref<1x128xi32, #tpu.memory_space<vmem>>
      %dma_start3A_1233 = tpu.memref_squeeze %dma_start3A_1232 : memref<1x128xi32, #tpu.memory_space<vmem>> -> memref<128xi32, #tpu.memory_space<vmem>>
      %dma_start3A_1234 = arith.constant 0 : i32
      %dma_start3A_1235 = arith.constant 0 : i32
      %dma_start3A_1236 = tpu.memref_slice %arg2[%dma_start3A_1234, %dma_start3A_1235] : memref<200000x9xf32, #tpu.memory_space<hbm>> -> memref<200000x9xf32, #tpu.memory_space<hbm>>
      tpu.enqueue_indirect_dma source(%dma_start3A_1236 : memref<200000x9xf32, #tpu.memory_space<hbm>>) target(%dma_start3A_1226 : memref<128x9xf32, #tpu.memory_space<vmem>>) offsets(%dma_start3A_1233 : memref<128xi32, #tpu.memory_space<vmem>>) semaphore(%arg12 : memref<!tpu.dma_semaphore, #tpu.memory_space<semaphore_mem>>)
      %dma_start3A_1237 = arith.constant 0 : i32
      %dma_start3A_1238 = arith.constant 1 : i32
      %dma_start3A_1239 = arith.constant 128 : i32
      %dma_start3A_1240 = arith.constant 0 : i32
      %dma_start3A_1241 = tpu.memref_slice %arg9[%dma_start3A_1239, %dma_start3A_1240] : memref<1024x9xf32, #tpu.memory_space<vmem>> -> memref<128x9xf32, #tpu.memory_space<vmem>>
      %dma_start3A_1242 = arith.constant 0 : i32
      %dma_start3A_1243 = arith.constant 0 : i32
      %dma_start3A_1244 = tpu.memref_slice %arg7[%dma_start3A_1237, %dma_start3A_1242, %dma_start3A_1243] : memref<2x8x128xi32, #tpu.memory_space<vmem>> -> memref<1x8x128xi32, #tpu.memory_space<vmem>>
      %dma_start3A_1245 = tpu.memref_squeeze %dma_start3A_1244 : memref<1x8x128xi32, #tpu.memory_space<vmem>> -> memref<8x128xi32, #tpu.memory_space<vmem>>
      %dma_start3A_1246 = arith.constant 0 : i32
      %dma_start3A_1247 = tpu.memref_slice %dma_start3A_1245[%dma_start3A_1238, %dma_start3A_1246] : memref<8x128xi32, #tpu.memory_space<vmem>> -> memref<1x128xi32, #tpu.memory_space<vmem>>
      %dma_start3A_1248 = tpu.memref_squeeze %dma_start3A_1247 : memref<1x128xi32, #tpu.memory_space<vmem>> -> memref<128xi32, #tpu.memory_space<vmem>>
      %dma_start3A_1249 = arith.constant 0 : i32
      %dma_start3A_1250 = arith.constant 0 : i32
      %dma_start3A_1251 = tpu.memref_slice %arg2[%dma_start3A_1249, %dma_start3A_1250] : memref<200000x9xf32, #tpu.memory_space<hbm>> -> memref<200000x9xf32, #tpu.memory_space<hbm>>
      tpu.enqueue_indirect_dma source(%dma_start3A_1251 : memref<200000x9xf32, #tpu.memory_space<hbm>>) target(%dma_start3A_1241 : memref<128x9xf32, #tpu.memory_space<vmem>>) offsets(%dma_start3A_1248 : memref<128xi32, #tpu.memory_space<vmem>>) semaphore(%arg12 : memref<!tpu.dma_semaphore, #tpu.memory_space<semaphore_mem>>)
      %dma_start3A_1252 = arith.constant 0 : i32
      %dma_start3A_1253 = arith.constant 2 : i32
      %dma_start3A_1254 = arith.constant 256 : i32
      %dma_start3A_1255 = arith.constant 0 : i32
      %dma_start3A_1256 = tpu.memref_slice %arg9[%dma_start3A_1254, %dma_start3A_1255] : memref<1024x9xf32, #tpu.memory_space<vmem>> -> memref<128x9xf32, #tpu.memory_space<vmem>>
      %dma_start3A_1257 = arith.constant 0 : i32
      %dma_start3A_1258 = arith.constant 0 : i32
      %dma_start3A_1259 = tpu.memref_slice %arg7[%dma_start3A_1252, %dma_start3A_1257, %dma_start3A_1258] : memref<2x8x128xi32, #tpu.memory_space<vmem>> -> memref<1x8x128xi32, #tpu.memory_space<vmem>>
      %dma_start3A_1260 = tpu.memref_squeeze %dma_start3A_1259 : memref<1x8x128xi32, #tpu.memory_space<vmem>> -> memref<8x128xi32, #tpu.memory_space<vmem>>
      %dma_start3A_1261 = arith.constant 0 : i32
      %dma_start3A_1262 = tpu.memref_slice %dma_start3A_1260[%dma_start3A_1253, %dma_start3A_1261] : memref<8x128xi32, #tpu.memory_space<vmem>> -> memref<1x128xi32, #tpu.memory_space<vmem>>
      %dma_start3A_1263 = tpu.memref_squeeze %dma_start3A_1262 : memref<1x128xi32, #tpu.memory_space<vmem>> -> memref<128xi32, #tpu.memory_space<vmem>>
      %dma_start3A_1264 = arith.constant 0 : i32
      %dma_start3A_1265 = arith.constant 0 : i32
      %dma_start3A_1266 = tpu.memref_slice %arg2[%dma_start3A_1264, %dma_start3A_1265] : memref<200000x9xf32, #tpu.memory_space<hbm>> -> memref<200000x9xf32, #tpu.memory_space<hbm>>
      tpu.enqueue_indirect_dma source(%dma_start3A_1266 : memref<200000x9xf32, #tpu.memory_space<hbm>>) target(%dma_start3A_1256 : memref<128x9xf32, #tpu.memory_space<vmem>>) offsets(%dma_start3A_1263 : memref<128xi32, #tpu.memory_space<vmem>>) semaphore(%arg12 : memref<!tpu.dma_semaphore, #tpu.memory_space<semaphore_mem>>)
      %dma_start3A_1267 = arith.constant 0 : i32
      %dma_start3A_1268 = arith.constant 3 : i32
      %dma_start3A_1269 = arith.constant 384 : i32
      %dma_start3A_1270 = arith.constant 0 : i32
      %dma_start3A_1271 = tpu.memref_slice %arg9[%dma_start3A_1269, %dma_start3A_1270] : memref<1024x9xf32, #tpu.memory_space<vmem>> -> memref<128x9xf32, #tpu.memory_space<vmem>>
      %dma_start3A_1272 = arith.constant 0 : i32
      %dma_start3A_1273 = arith.constant 0 : i32
      %dma_start3A_1274 = tpu.memref_slice %arg7[%dma_start3A_1267, %dma_start3A_1272, %dma_start3A_1273] : memref<2x8x128xi32, #tpu.memory_space<vmem>> -> memref<1x8x128xi32, #tpu.memory_space<vmem>>
      %dma_start3A_1275 = tpu.memref_squeeze %dma_start3A_1274 : memref<1x8x128xi32, #tpu.memory_space<vmem>> -> memref<8x128xi32, #tpu.memory_space<vmem>>
      %dma_start3A_1276 = arith.constant 0 : i32
      %dma_start3A_1277 = tpu.memref_slice %dma_start3A_1275[%dma_start3A_1268, %dma_start3A_1276] : memref<8x128xi32, #tpu.memory_space<vmem>> -> memref<1x128xi32, #tpu.memory_space<vmem>>
      %dma_start3A_1278 = tpu.memref_squeeze %dma_start3A_1277 : memref<1x128xi32, #tpu.memory_space<vmem>> -> memref<128xi32, #tpu.memory_space<vmem>>
      %dma_start3A_1279 = arith.constant 0 : i32
      %dma_start3A_1280 = arith.constant 0 : i32
      %dma_start3A_1281 = tpu.memref_slice %arg2[%dma_start3A_1279, %dma_start3A_1280] : memref<200000x9xf32, #tpu.memory_space<hbm>> -> memref<200000x9xf32, #tpu.memory_space<hbm>>
      tpu.enqueue_indirect_dma source(%dma_start3A_1281 : memref<200000x9xf32, #tpu.memory_space<hbm>>) target(%dma_start3A_1271 : memref<128x9xf32, #tpu.memory_space<vmem>>) offsets(%dma_start3A_1278 : memref<128xi32, #tpu.memory_space<vmem>>) semaphore(%arg12 : memref<!tpu.dma_semaphore, #tpu.memory_space<semaphore_mem>>)
      %dma_start3A_1282 = arith.constant 0 : i32
      %dma_start3A_1283 = arith.constant 4 : i32
      %dma_start3A_1284 = arith.constant 512 : i32
      %dma_start3A_1285 = arith.constant 0 : i32
      %dma_start3A_1286 = tpu.memref_slice %arg9[%dma_start3A_1284, %dma_start3A_1285] : memref<1024x9xf32, #tpu.memory_space<vmem>> -> memref<128x9xf32, #tpu.memory_space<vmem>>
      %dma_start3A_1287 = arith.constant 0 : i32
      %dma_start3A_1288 = arith.constant 0 : i32
      %dma_start3A_1289 = tpu.memref_slice %arg7[%dma_start3A_1282, %dma_start3A_1287, %dma_start3A_1288] : memref<2x8x128xi32, #tpu.memory_space<vmem>> -> memref<1x8x128xi32, #tpu.memory_space<vmem>>
      %dma_start3A_1290 = tpu.memref_squeeze %dma_start3A_1289 : memref<1x8x128xi32, #tpu.memory_space<vmem>> -> memref<8x128xi32, #tpu.memory_space<vmem>>
      %dma_start3A_1291 = arith.constant 0 : i32
      %dma_start3A_1292 = tpu.memref_slice %dma_start3A_1290[%dma_start3A_1283, %dma_start3A_1291] : memref<8x128xi32, #tpu.memory_space<vmem>> -> memref<1x128xi32, #tpu.memory_space<vmem>>
      %dma_start3A_1293 = tpu.memref_squeeze %dma_start3A_1292 : memref<1x128xi32, #tpu.memory_space<vmem>> -> memref<128xi32, #tpu.memory_space<vmem>>
      %dma_start3A_1294 = arith.constant 0 : i32
      %dma_start3A_1295 = arith.constant 0 : i32
      %dma_start3A_1296 = tpu.memref_slice %arg2[%dma_start3A_1294, %dma_start3A_1295] : memref<200000x9xf32, #tpu.memory_space<hbm>> -> memref<200000x9xf32, #tpu.memory_space<hbm>>
      tpu.enqueue_indirect_dma source(%dma_start3A_1296 : memref<200000x9xf32, #tpu.memory_space<hbm>>) target(%dma_start3A_1286 : memref<128x9xf32, #tpu.memory_space<vmem>>) offsets(%dma_start3A_1293 : memref<128xi32, #tpu.memory_space<vmem>>) semaphore(%arg12 : memref<!tpu.dma_semaphore, #tpu.memory_space<semaphore_mem>>)
      %dma_start3A_1297 = arith.constant 0 : i32
      %dma_start3A_1298 = arith.constant 5 : i32
      %dma_start3A_1299 = arith.constant 640 : i32
      %dma_start3A_1300 = arith.constant 0 : i32
      %dma_start3A_1301 = tpu.memref_slice %arg9[%dma_start3A_1299, %dma_start3A_1300] : memref<1024x9xf32, #tpu.memory_space<vmem>> -> memref<128x9xf32, #tpu.memory_space<vmem>>
      %dma_start3A_1302 = arith.constant 0 : i32
      %dma_start3A_1303 = arith.constant 0 : i32
      %dma_start3A_1304 = tpu.memref_slice %arg7[%dma_start3A_1297, %dma_start3A_1302, %dma_start3A_1303] : memref<2x8x128xi32, #tpu.memory_space<vmem>> -> memref<1x8x128xi32, #tpu.memory_space<vmem>>
      %dma_start3A_1305 = tpu.memref_squeeze %dma_start3A_1304 : memref<1x8x128xi32, #tpu.memory_space<vmem>> -> memref<8x128xi32, #tpu.memory_space<vmem>>
      %dma_start3A_1306 = arith.constant 0 : i32
      %dma_start3A_1307 = tpu.memref_slice %dma_start3A_1305[%dma_start3A_1298, %dma_start3A_1306] : memref<8x128xi32, #tpu.memory_space<vmem>> -> memref<1x128xi32, #tpu.memory_space<vmem>>
      %dma_start3A_1308 = tpu.memref_squeeze %dma_start3A_1307 : memref<1x128xi32, #tpu.memory_space<vmem>> -> memref<128xi32, #tpu.memory_space<vmem>>
      %dma_start3A_1309 = arith.constant 0 : i32
      %dma_start3A_1310 = arith.constant 0 : i32
      %dma_start3A_1311 = tpu.memref_slice %arg2[%dma_start3A_1309, %dma_start3A_1310] : memref<200000x9xf32, #tpu.memory_space<hbm>> -> memref<200000x9xf32, #tpu.memory_space<hbm>>
      tpu.enqueue_indirect_dma source(%dma_start3A_1311 : memref<200000x9xf32, #tpu.memory_space<hbm>>) target(%dma_start3A_1301 : memref<128x9xf32, #tpu.memory_space<vmem>>) offsets(%dma_start3A_1308 : memref<128xi32, #tpu.memory_space<vmem>>) semaphore(%arg12 : memref<!tpu.dma_semaphore, #tpu.memory_space<semaphore_mem>>)
      %dma_start3A_1312 = arith.constant 0 : i32
      %dma_start3A_1313 = arith.constant 6 : i32
      %dma_start3A_1314 = arith.constant 768 : i32
      %dma_start3A_1315 = arith.constant 0 : i32
      %dma_start3A_1316 = tpu.memref_slice %arg9[%dma_start3A_1314, %dma_start3A_1315] : memref<1024x9xf32, #tpu.memory_space<vmem>> -> memref<128x9xf32, #tpu.memory_space<vmem>>
      %dma_start3A_1317 = arith.constant 0 : i32
      %dma_start3A_1318 = arith.constant 0 : i32
      %dma_start3A_1319 = tpu.memref_slice %arg7[%dma_start3A_1312, %dma_start3A_1317, %dma_start3A_1318] : memref<2x8x128xi32, #tpu.memory_space<vmem>> -> memref<1x8x128xi32, #tpu.memory_space<vmem>>
      %dma_start3A_1320 = tpu.memref_squeeze %dma_start3A_1319 : memref<1x8x128xi32, #tpu.memory_space<vmem>> -> memref<8x128xi32, #tpu.memory_space<vmem>>
      %dma_start3A_1321 = arith.constant 0 : i32
      %dma_start3A_1322 = tpu.memref_slice %dma_start3A_1320[%dma_start3A_1313, %dma_start3A_1321] : memref<8x128xi32, #tpu.memory_space<vmem>> -> memref<1x128xi32, #tpu.memory_space<vmem>>
      %dma_start3A_1323 = tpu.memref_squeeze %dma_start3A_1322 : memref<1x128xi32, #tpu.memory_space<vmem>> -> memref<128xi32, #tpu.memory_space<vmem>>
      %dma_start3A_1324 = arith.constant 0 : i32
      %dma_start3A_1325 = arith.constant 0 : i32
      %dma_start3A_1326 = tpu.memref_slice %arg2[%dma_start3A_1324, %dma_start3A_1325] : memref<200000x9xf32, #tpu.memory_space<hbm>> -> memref<200000x9xf32, #tpu.memory_space<hbm>>
      tpu.enqueue_indirect_dma source(%dma_start3A_1326 : memref<200000x9xf32, #tpu.memory_space<hbm>>) target(%dma_start3A_1316 : memref<128x9xf32, #tpu.memory_space<vmem>>) offsets(%dma_start3A_1323 : memref<128xi32, #tpu.memory_space<vmem>>) semaphore(%arg12 : memref<!tpu.dma_semaphore, #tpu.memory_space<semaphore_mem>>)
      %dma_start3A_1327 = arith.constant 0 : i32
      %dma_start3A_1328 = arith.constant 7 : i32
      %dma_start3A_1329 = arith.constant 896 : i32
      %dma_start3A_1330 = arith.constant 0 : i32
      %dma_start3A_1331 = tpu.memref_slice %arg9[%dma_start3A_1329, %dma_start3A_1330] : memref<1024x9xf32, #tpu.memory_space<vmem>> -> memref<128x9xf32, #tpu.memory_space<vmem>>
      %dma_start3A_1332 = arith.constant 0 : i32
      %dma_start3A_1333 = arith.constant 0 : i32
      %dma_start3A_1334 = tpu.memref_slice %arg7[%dma_start3A_1327, %dma_start3A_1332, %dma_start3A_1333] : memref<2x8x128xi32, #tpu.memory_space<vmem>> -> memref<1x8x128xi32, #tpu.memory_space<vmem>>
      %dma_start3A_1335 = tpu.memref_squeeze %dma_start3A_1334 : memref<1x8x128xi32, #tpu.memory_space<vmem>> -> memref<8x128xi32, #tpu.memory_space<vmem>>
      %dma_start3A_1336 = arith.constant 0 : i32
      %dma_start3A_1337 = tpu.memref_slice %dma_start3A_1335[%dma_start3A_1328, %dma_start3A_1336] : memref<8x128xi32, #tpu.memory_space<vmem>> -> memref<1x128xi32, #tpu.memory_space<vmem>>
      %dma_start3A_1338 = tpu.memref_squeeze %dma_start3A_1337 : memref<1x128xi32, #tpu.memory_space<vmem>> -> memref<128xi32, #tpu.memory_space<vmem>>
      %dma_start3A_1339 = arith.constant 0 : i32
      %dma_start3A_1340 = arith.constant 0 : i32
      %dma_start3A_1341 = tpu.memref_slice %arg2[%dma_start3A_1339, %dma_start3A_1340] : memref<200000x9xf32, #tpu.memory_space<hbm>> -> memref<200000x9xf32, #tpu.memory_space<hbm>>
      tpu.enqueue_indirect_dma source(%dma_start3A_1341 : memref<200000x9xf32, #tpu.memory_space<hbm>>) target(%dma_start3A_1331 : memref<128x9xf32, #tpu.memory_space<vmem>>) offsets(%dma_start3A_1338 : memref<128xi32, #tpu.memory_space<vmem>>) semaphore(%arg12 : memref<!tpu.dma_semaphore, #tpu.memory_space<semaphore_mem>>)
      %dma_wait3A_1342 = arith.constant 0 : i32
      %dma_wait3A_1343 = arith.constant 0 : i32
      %dma_wait3A_1344 = arith.constant 0 : i32
      %dma_wait3A_1345 = arith.constant 0 : i32
      %dma_wait3A_1346 = tpu.memref_slice %arg9[%dma_wait3A_1344, %dma_wait3A_1345] : memref<1024x9xf32, #tpu.memory_space<vmem>> -> memref<128x9xf32, #tpu.memory_space<vmem>>
      %dma_wait3A_1347 = arith.constant 0 : i32
      %dma_wait3A_1348 = arith.constant 0 : i32
      %dma_wait3A_1349 = tpu.memref_slice %arg7[%dma_wait3A_1342, %dma_wait3A_1347, %dma_wait3A_1348] : memref<2x8x128xi32, #tpu.memory_space<vmem>> -> memref<1x8x128xi32, #tpu.memory_space<vmem>>
      %dma_wait3A_1350 = tpu.memref_squeeze %dma_wait3A_1349 : memref<1x8x128xi32, #tpu.memory_space<vmem>> -> memref<8x128xi32, #tpu.memory_space<vmem>>
      %dma_wait3A_1351 = arith.constant 0 : i32
      %dma_wait3A_1352 = tpu.memref_slice %dma_wait3A_1350[%dma_wait3A_1343, %dma_wait3A_1351] : memref<8x128xi32, #tpu.memory_space<vmem>> -> memref<1x128xi32, #tpu.memory_space<vmem>>
      %dma_wait3A_1353 = tpu.memref_squeeze %dma_wait3A_1352 : memref<1x128xi32, #tpu.memory_space<vmem>> -> memref<128xi32, #tpu.memory_space<vmem>>
      %dma_wait3A_1354 = arith.constant 0 : i32
      %dma_wait3A_1355 = arith.constant 0 : i32
      %dma_wait3A_1356 = tpu.memref_slice %arg2[%dma_wait3A_1354, %dma_wait3A_1355] : memref<200000x9xf32, #tpu.memory_space<hbm>> -> memref<200000x9xf32, #tpu.memory_space<hbm>>
      tpu.wait_indirect_dma semaphore(%arg12 : memref<!tpu.dma_semaphore, #tpu.memory_space<semaphore_mem>>) src(%dma_wait3A_1356 : memref<200000x9xf32, #tpu.memory_space<hbm>>) dst(%dma_wait3A_1346 : memref<128x9xf32, #tpu.memory_space<vmem>>)
      %dma_wait3A_1357 = arith.constant 0 : i32
      %dma_wait3A_1358 = arith.constant 1 : i32
      %dma_wait3A_1359 = arith.constant 128 : i32
      %dma_wait3A_1360 = arith.constant 0 : i32
      %dma_wait3A_1361 = tpu.memref_slice %arg9[%dma_wait3A_1359, %dma_wait3A_1360] : memref<1024x9xf32, #tpu.memory_space<vmem>> -> memref<128x9xf32, #tpu.memory_space<vmem>>
      %dma_wait3A_1362 = arith.constant 0 : i32
      %dma_wait3A_1363 = arith.constant 0 : i32
      %dma_wait3A_1364 = tpu.memref_slice %arg7[%dma_wait3A_1357, %dma_wait3A_1362, %dma_wait3A_1363] : memref<2x8x128xi32, #tpu.memory_space<vmem>> -> memref<1x8x128xi32, #tpu.memory_space<vmem>>
      %dma_wait3A_1365 = tpu.memref_squeeze %dma_wait3A_1364 : memref<1x8x128xi32, #tpu.memory_space<vmem>> -> memref<8x128xi32, #tpu.memory_space<vmem>>
      %dma_wait3A_1366 = arith.constant 0 : i32
      %dma_wait3A_1367 = tpu.memref_slice %dma_wait3A_1365[%dma_wait3A_1358, %dma_wait3A_1366] : memref<8x128xi32, #tpu.memory_space<vmem>> -> memref<1x128xi32, #tpu.memory_space<vmem>>
      %dma_wait3A_1368 = tpu.memref_squeeze %dma_wait3A_1367 : memref<1x128xi32, #tpu.memory_space<vmem>> -> memref<128xi32, #tpu.memory_space<vmem>>
      %dma_wait3A_1369 = arith.constant 0 : i32
      %dma_wait3A_1370 = arith.constant 0 : i32
      %dma_wait3A_1371 = tpu.memref_slice %arg2[%dma_wait3A_1369, %dma_wait3A_1370] : memref<200000x9xf32, #tpu.memory_space<hbm>> -> memref<200000x9xf32, #tpu.memory_space<hbm>>
      tpu.wait_indirect_dma semaphore(%arg12 : memref<!tpu.dma_semaphore, #tpu.memory_space<semaphore_mem>>) src(%dma_wait3A_1371 : memref<200000x9xf32, #tpu.memory_space<hbm>>) dst(%dma_wait3A_1361 : memref<128x9xf32, #tpu.memory_space<vmem>>)
      %dma_wait3A_1372 = arith.constant 0 : i32
      %dma_wait3A_1373 = arith.constant 2 : i32
      %dma_wait3A_1374 = arith.constant 256 : i32
      %dma_wait3A_1375 = arith.constant 0 : i32
      %dma_wait3A_1376 = tpu.memref_slice %arg9[%dma_wait3A_1374, %dma_wait3A_1375] : memref<1024x9xf32, #tpu.memory_space<vmem>> -> memref<128x9xf32, #tpu.memory_space<vmem>>
      %dma_wait3A_1377 = arith.constant 0 : i32
      %dma_wait3A_1378 = arith.constant 0 : i32
      %dma_wait3A_1379 = tpu.memref_slice %arg7[%dma_wait3A_1372, %dma_wait3A_1377, %dma_wait3A_1378] : memref<2x8x128xi32, #tpu.memory_space<vmem>> -> memref<1x8x128xi32, #tpu.memory_space<vmem>>
      %dma_wait3A_1380 = tpu.memref_squeeze %dma_wait3A_1379 : memref<1x8x128xi32, #tpu.memory_space<vmem>> -> memref<8x128xi32, #tpu.memory_space<vmem>>
      %dma_wait3A_1381 = arith.constant 0 : i32
      %dma_wait3A_1382 = tpu.memref_slice %dma_wait3A_1380[%dma_wait3A_1373, %dma_wait3A_1381] : memref<8x128xi32, #tpu.memory_space<vmem>> -> memref<1x128xi32, #tpu.memory_space<vmem>>
      %dma_wait3A_1383 = tpu.memref_squeeze %dma_wait3A_1382 : memref<1x128xi32, #tpu.memory_space<vmem>> -> memref<128xi32, #tpu.memory_space<vmem>>
      %dma_wait3A_1384 = arith.constant 0 : i32
      %dma_wait3A_1385 = arith.constant 0 : i32
      %dma_wait3A_1386 = tpu.memref_slice %arg2[%dma_wait3A_1384, %dma_wait3A_1385] : memref<200000x9xf32, #tpu.memory_space<hbm>> -> memref<200000x9xf32, #tpu.memory_space<hbm>>
      tpu.wait_indirect_dma semaphore(%arg12 : memref<!tpu.dma_semaphore, #tpu.memory_space<semaphore_mem>>) src(%dma_wait3A_1386 : memref<200000x9xf32, #tpu.memory_space<hbm>>) dst(%dma_wait3A_1376 : memref<128x9xf32, #tpu.memory_space<vmem>>)
      %dma_wait3A_1387 = arith.constant 0 : i32
      %dma_wait3A_1388 = arith.constant 3 : i32
      %dma_wait3A_1389 = arith.constant 384 : i32
      %dma_wait3A_1390 = arith.constant 0 : i32
      %dma_wait3A_1391 = tpu.memref_slice %arg9[%dma_wait3A_1389, %dma_wait3A_1390] : memref<1024x9xf32, #tpu.memory_space<vmem>> -> memref<128x9xf32, #tpu.memory_space<vmem>>
      %dma_wait3A_1392 = arith.constant 0 : i32
      %dma_wait3A_1393 = arith.constant 0 : i32
      %dma_wait3A_1394 = tpu.memref_slice %arg7[%dma_wait3A_1387, %dma_wait3A_1392, %dma_wait3A_1393] : memref<2x8x128xi32, #tpu.memory_space<vmem>> -> memref<1x8x128xi32, #tpu.memory_space<vmem>>
      %dma_wait3A_1395 = tpu.memref_squeeze %dma_wait3A_1394 : memref<1x8x128xi32, #tpu.memory_space<vmem>> -> memref<8x128xi32, #tpu.memory_space<vmem>>
      %dma_wait3A_1396 = arith.constant 0 : i32
      %dma_wait3A_1397 = tpu.memref_slice %dma_wait3A_1395[%dma_wait3A_1388, %dma_wait3A_1396] : memref<8x128xi32, #tpu.memory_space<vmem>> -> memref<1x128xi32, #tpu.memory_space<vmem>>
      %dma_wait3A_1398 = tpu.memref_squeeze %dma_wait3A_1397 : memref<1x128xi32, #tpu.memory_space<vmem>> -> memref<128xi32, #tpu.memory_space<vmem>>
      %dma_wait3A_1399 = arith.constant 0 : i32
      %dma_wait3A_1400 = arith.constant 0 : i32
      %dma_wait3A_1401 = tpu.memref_slice %arg2[%dma_wait3A_1399, %dma_wait3A_1400] : memref<200000x9xf32, #tpu.memory_space<hbm>> -> memref<200000x9xf32, #tpu.memory_space<hbm>>
      tpu.wait_indirect_dma semaphore(%arg12 : memref<!tpu.dma_semaphore, #tpu.memory_space<semaphore_mem>>) src(%dma_wait3A_1401 : memref<200000x9xf32, #tpu.memory_space<hbm>>) dst(%dma_wait3A_1391 : memref<128x9xf32, #tpu.memory_space<vmem>>)
      %dma_wait3A_1402 = arith.constant 0 : i32
      %dma_wait3A_1403 = arith.constant 4 : i32
      %dma_wait3A_1404 = arith.constant 512 : i32
      %dma_wait3A_1405 = arith.constant 0 : i32
      %dma_wait3A_1406 = tpu.memref_slice %arg9[%dma_wait3A_1404, %dma_wait3A_1405] : memref<1024x9xf32, #tpu.memory_space<vmem>> -> memref<128x9xf32, #tpu.memory_space<vmem>>
      %dma_wait3A_1407 = arith.constant 0 : i32
      %dma_wait3A_1408 = arith.constant 0 : i32
      %dma_wait3A_1409 = tpu.memref_slice %arg7[%dma_wait3A_1402, %dma_wait3A_1407, %dma_wait3A_1408] : memref<2x8x128xi32, #tpu.memory_space<vmem>> -> memref<1x8x128xi32, #tpu.memory_space<vmem>>
      %dma_wait3A_1410 = tpu.memref_squeeze %dma_wait3A_1409 : memref<1x8x128xi32, #tpu.memory_space<vmem>> -> memref<8x128xi32, #tpu.memory_space<vmem>>
      %dma_wait3A_1411 = arith.constant 0 : i32
      %dma_wait3A_1412 = tpu.memref_slice %dma_wait3A_1410[%dma_wait3A_1403, %dma_wait3A_1411] : memref<8x128xi32, #tpu.memory_space<vmem>> -> memref<1x128xi32, #tpu.memory_space<vmem>>
      %dma_wait3A_1413 = tpu.memref_squeeze %dma_wait3A_1412 : memref<1x128xi32, #tpu.memory_space<vmem>> -> memref<128xi32, #tpu.memory_space<vmem>>
      %dma_wait3A_1414 = arith.constant 0 : i32
      %dma_wait3A_1415 = arith.constant 0 : i32
      %dma_wait3A_1416 = tpu.memref_slice %arg2[%dma_wait3A_1414, %dma_wait3A_1415] : memref<200000x9xf32, #tpu.memory_space<hbm>> -> memref<200000x9xf32, #tpu.memory_space<hbm>>
      tpu.wait_indirect_dma semaphore(%arg12 : memref<!tpu.dma_semaphore, #tpu.memory_space<semaphore_mem>>) src(%dma_wait3A_1416 : memref<200000x9xf32, #tpu.memory_space<hbm>>) dst(%dma_wait3A_1406 : memref<128x9xf32, #tpu.memory_space<vmem>>)
      %dma_wait3A_1417 = arith.constant 0 : i32
      %dma_wait3A_1418 = arith.constant 5 : i32
      %dma_wait3A_1419 = arith.constant 640 : i32
      %dma_wait3A_1420 = arith.constant 0 : i32
      %dma_wait3A_1421 = tpu.memref_slice %arg9[%dma_wait3A_1419, %dma_wait3A_1420] : memref<1024x9xf32, #tpu.memory_space<vmem>> -> memref<128x9xf32, #tpu.memory_space<vmem>>
      %dma_wait3A_1422 = arith.constant 0 : i32
      %dma_wait3A_1423 = arith.constant 0 : i32
      %dma_wait3A_1424 = tpu.memref_slice %arg7[%dma_wait3A_1417, %dma_wait3A_1422, %dma_wait3A_1423] : memref<2x8x128xi32, #tpu.memory_space<vmem>> -> memref<1x8x128xi32, #tpu.memory_space<vmem>>
      %dma_wait3A_1425 = tpu.memref_squeeze %dma_wait3A_1424 : memref<1x8x128xi32, #tpu.memory_space<vmem>> -> memref<8x128xi32, #tpu.memory_space<vmem>>
      %dma_wait3A_1426 = arith.constant 0 : i32
      %dma_wait3A_1427 = tpu.memref_slice %dma_wait3A_1425[%dma_wait3A_1418, %dma_wait3A_1426] : memref<8x128xi32, #tpu.memory_space<vmem>> -> memref<1x128xi32, #tpu.memory_space<vmem>>
      %dma_wait3A_1428 = tpu.memref_squeeze %dma_wait3A_1427 : memref<1x128xi32, #tpu.memory_space<vmem>> -> memref<128xi32, #tpu.memory_space<vmem>>
      %dma_wait3A_1429 = arith.constant 0 : i32
      %dma_wait3A_1430 = arith.constant 0 : i32
      %dma_wait3A_1431 = tpu.memref_slice %arg2[%dma_wait3A_1429, %dma_wait3A_1430] : memref<200000x9xf32, #tpu.memory_space<hbm>> -> memref<200000x9xf32, #tpu.memory_space<hbm>>
      tpu.wait_indirect_dma semaphore(%arg12 : memref<!tpu.dma_semaphore, #tpu.memory_space<semaphore_mem>>) src(%dma_wait3A_1431 : memref<200000x9xf32, #tpu.memory_space<hbm>>) dst(%dma_wait3A_1421 : memref<128x9xf32, #tpu.memory_space<vmem>>)
      %dma_wait3A_1432 = arith.constant 0 : i32
      %dma_wait3A_1433 = arith.constant 6 : i32
      %dma_wait3A_1434 = arith.constant 768 : i32
      %dma_wait3A_1435 = arith.constant 0 : i32
      %dma_wait3A_1436 = tpu.memref_slice %arg9[%dma_wait3A_1434, %dma_wait3A_1435] : memref<1024x9xf32, #tpu.memory_space<vmem>> -> memref<128x9xf32, #tpu.memory_space<vmem>>
      %dma_wait3A_1437 = arith.constant 0 : i32
      %dma_wait3A_1438 = arith.constant 0 : i32
      %dma_wait3A_1439 = tpu.memref_slice %arg7[%dma_wait3A_1432, %dma_wait3A_1437, %dma_wait3A_1438] : memref<2x8x128xi32, #tpu.memory_space<vmem>> -> memref<1x8x128xi32, #tpu.memory_space<vmem>>
      %dma_wait3A_1440 = tpu.memref_squeeze %dma_wait3A_1439 : memref<1x8x128xi32, #tpu.memory_space<vmem>> -> memref<8x128xi32, #tpu.memory_space<vmem>>
      %dma_wait3A_1441 = arith.constant 0 : i32
      %dma_wait3A_1442 = tpu.memref_slice %dma_wait3A_1440[%dma_wait3A_1433, %dma_wait3A_1441] : memref<8x128xi32, #tpu.memory_space<vmem>> -> memref<1x128xi32, #tpu.memory_space<vmem>>
      %dma_wait3A_1443 = tpu.memref_squeeze %dma_wait3A_1442 : memref<1x128xi32, #tpu.memory_space<vmem>> -> memref<128xi32, #tpu.memory_space<vmem>>
      %dma_wait3A_1444 = arith.constant 0 : i32
      %dma_wait3A_1445 = arith.constant 0 : i32
      %dma_wait3A_1446 = tpu.memref_slice %arg2[%dma_wait3A_1444, %dma_wait3A_1445] : memref<200000x9xf32, #tpu.memory_space<hbm>> -> memref<200000x9xf32, #tpu.memory_space<hbm>>
      tpu.wait_indirect_dma semaphore(%arg12 : memref<!tpu.dma_semaphore, #tpu.memory_space<semaphore_mem>>) src(%dma_wait3A_1446 : memref<200000x9xf32, #tpu.memory_space<hbm>>) dst(%dma_wait3A_1436 : memref<128x9xf32, #tpu.memory_space<vmem>>)
      %dma_wait3A_1447 = arith.constant 0 : i32
      %dma_wait3A_1448 = arith.constant 7 : i32
      %dma_wait3A_1449 = arith.constant 896 : i32
      %dma_wait3A_1450 = arith.constant 0 : i32
      %dma_wait3A_1451 = tpu.memref_slice %arg9[%dma_wait3A_1449, %dma_wait3A_1450] : memref<1024x9xf32, #tpu.memory_space<vmem>> -> memref<128x9xf32, #tpu.memory_space<vmem>>
      %dma_wait3A_1452 = arith.constant 0 : i32
      %dma_wait3A_1453 = arith.constant 0 : i32
      %dma_wait3A_1454 = tpu.memref_slice %arg7[%dma_wait3A_1447, %dma_wait3A_1452, %dma_wait3A_1453] : memref<2x8x128xi32, #tpu.memory_space<vmem>> -> memref<1x8x128xi32, #tpu.memory_space<vmem>>
      %dma_wait3A_1455 = tpu.memref_squeeze %dma_wait3A_1454 : memref<1x8x128xi32, #tpu.memory_space<vmem>> -> memref<8x128xi32, #tpu.memory_space<vmem>>
      %dma_wait3A_1456 = arith.constant 0 : i32
      %dma_wait3A_1457 = tpu.memref_slice %dma_wait3A_1455[%dma_wait3A_1448, %dma_wait3A_1456] : memref<8x128xi32, #tpu.memory_space<vmem>> -> memref<1x128xi32, #tpu.memory_space<vmem>>
      %dma_wait3A_1458 = tpu.memref_squeeze %dma_wait3A_1457 : memref<1x128xi32, #tpu.memory_space<vmem>> -> memref<128xi32, #tpu.memory_space<vmem>>
      %dma_wait3A_1459 = arith.constant 0 : i32
      %dma_wait3A_1460 = arith.constant 0 : i32
      %dma_wait3A_1461 = tpu.memref_slice %arg2[%dma_wait3A_1459, %dma_wait3A_1460] : memref<200000x9xf32, #tpu.memory_space<hbm>> -> memref<200000x9xf32, #tpu.memory_space<hbm>>
      tpu.wait_indirect_dma semaphore(%arg12 : memref<!tpu.dma_semaphore, #tpu.memory_space<semaphore_mem>>) src(%dma_wait3A_1461 : memref<200000x9xf32, #tpu.memory_space<hbm>>) dst(%dma_wait3A_1451 : memref<128x9xf32, #tpu.memory_space<vmem>>)
      %dma_start3A_1462 = arith.constant 1 : i32
      %dma_start3A_1463 = arith.constant 0 : i32
      %dma_start3A_1464 = arith.constant 0 : i32
      %dma_start3A_1465 = tpu.memref_slice %arg7[%dma_start3A_1462, %dma_start3A_1463, %dma_start3A_1464] : memref<2x8x128xi32, #tpu.memory_space<vmem>> -> memref<1x8x128xi32, #tpu.memory_space<vmem>>
      %dma_start3A_1466 = tpu.memref_squeeze %dma_start3A_1465 : memref<1x8x128xi32, #tpu.memory_space<vmem>> -> memref<8x128xi32, #tpu.memory_space<vmem>>
      %dma_start3A_1467 = arith.constant 0 : i32
      %dma_start3A_1468 = arith.constant 0 : i32
      %dma_start3A_1469 = arith.constant 0 : i32
      %dma_start3A_1470 = tpu.memref_slice %arg3[%arg0, %dma_start3A_1467, %dma_start3A_1468, %dma_start3A_1469] : memref<2x3136x8x128xi32, #tpu.memory_space<hbm>> -> memref<1x3136x8x128xi32, #tpu.memory_space<hbm>>
      %dma_start3A_1471 = tpu.memref_squeeze %dma_start3A_1470 : memref<1x3136x8x128xi32, #tpu.memory_space<hbm>> -> memref<3136x8x128xi32, #tpu.memory_space<hbm>>
      %dma_start3A_1472 = arith.constant 0 : i32
      %dma_start3A_1473 = arith.constant 0 : i32
      %dma_start3A_1474 = tpu.memref_slice %dma_start3A_1471[%add3A_1174, %dma_start3A_1472, %dma_start3A_1473] : memref<3136x8x128xi32, #tpu.memory_space<hbm>> -> memref<1x8x128xi32, #tpu.memory_space<hbm>>
      %dma_start3A_1475 = tpu.memref_squeeze %dma_start3A_1474 : memref<1x8x128xi32, #tpu.memory_space<hbm>> -> memref<8x128xi32, #tpu.memory_space<hbm>>
      %dma_start3A_1476 = arith.constant 0 : i32
      %dma_start3A_1477 = arith.constant 0 : i32
      %dma_start3A_1478 = tpu.memref_slice %arg7[%dma_start3A_1462, %dma_start3A_1476, %dma_start3A_1477] : memref<2x8x128xi32, #tpu.memory_space<vmem>> -> memref<1x8x128xi32, #tpu.memory_space<vmem>>
      %dma_start3A_1479 = tpu.memref_squeeze %dma_start3A_1478 : memref<1x8x128xi32, #tpu.memory_space<vmem>> -> memref<8x128xi32, #tpu.memory_space<vmem>>
      %dma_start3A_1480 = arith.constant 0 : i32
      %dma_start3A_1481 = arith.constant 0 : i32
      %dma_start3A_1482 = arith.constant 0 : i32
      %dma_start3A_1483 = tpu.memref_slice %arg3[%arg0, %dma_start3A_1480, %dma_start3A_1481, %dma_start3A_1482] : memref<2x3136x8x128xi32, #tpu.memory_space<hbm>> -> memref<1x3136x8x128xi32, #tpu.memory_space<hbm>>
      %dma_start3A_1484 = tpu.memref_squeeze %dma_start3A_1483 : memref<1x3136x8x128xi32, #tpu.memory_space<hbm>> -> memref<3136x8x128xi32, #tpu.memory_space<hbm>>
      %dma_start3A_1485 = arith.constant 0 : i32
      %dma_start3A_1486 = arith.constant 0 : i32
      %dma_start3A_1487 = tpu.memref_slice %dma_start3A_1484[%add3A_1174, %dma_start3A_1485, %dma_start3A_1486] : memref<3136x8x128xi32, #tpu.memory_space<hbm>> -> memref<1x8x128xi32, #tpu.memory_space<hbm>>
      %dma_start3A_1488 = tpu.memref_squeeze %dma_start3A_1487 : memref<1x8x128xi32, #tpu.memory_space<hbm>> -> memref<8x128xi32, #tpu.memory_space<hbm>>
      tpu.enqueue_dma source(%dma_start3A_1488 : memref<8x128xi32, #tpu.memory_space<hbm>>) target(%dma_start3A_1479 : memref<8x128xi32, #tpu.memory_space<vmem>>) target_semaphore(%arg11 : memref<!tpu.dma_semaphore, #tpu.memory_space<semaphore_mem>>)
      %dma_start3A_1489 = arith.constant 1 : i32
      %dma_start3A_1490 = arith.constant 0 : i32
      %dma_start3A_1491 = arith.constant 0 : i32
      %dma_start3A_1492 = tpu.memref_slice %arg8[%dma_start3A_1489, %dma_start3A_1490, %dma_start3A_1491] : memref<2x8x128xi32, #tpu.memory_space<vmem>> -> memref<1x8x128xi32, #tpu.memory_space<vmem>>
      %dma_start3A_1493 = tpu.memref_squeeze %dma_start3A_1492 : memref<1x8x128xi32, #tpu.memory_space<vmem>> -> memref<8x128xi32, #tpu.memory_space<vmem>>
      %dma_start3A_1494 = arith.constant 0 : i32
      %dma_start3A_1495 = arith.constant 0 : i32
      %dma_start3A_1496 = tpu.memref_slice %arg4[%add3A_1174, %dma_start3A_1494, %dma_start3A_1495] : memref<3136x8x128xi32, #tpu.memory_space<hbm>> -> memref<1x8x128xi32, #tpu.memory_space<hbm>>
      %dma_start3A_1497 = tpu.memref_squeeze %dma_start3A_1496 : memref<1x8x128xi32, #tpu.memory_space<hbm>> -> memref<8x128xi32, #tpu.memory_space<hbm>>
      %dma_start3A_1498 = arith.constant 0 : i32
      %dma_start3A_1499 = arith.constant 0 : i32
      %dma_start3A_1500 = tpu.memref_slice %arg8[%dma_start3A_1489, %dma_start3A_1498, %dma_start3A_1499] : memref<2x8x128xi32, #tpu.memory_space<vmem>> -> memref<1x8x128xi32, #tpu.memory_space<vmem>>
      %dma_start3A_1501 = tpu.memref_squeeze %dma_start3A_1500 : memref<1x8x128xi32, #tpu.memory_space<vmem>> -> memref<8x128xi32, #tpu.memory_space<vmem>>
      %dma_start3A_1502 = arith.constant 0 : i32
      %dma_start3A_1503 = arith.constant 0 : i32
      %dma_start3A_1504 = tpu.memref_slice %arg4[%add3A_1174, %dma_start3A_1502, %dma_start3A_1503] : memref<3136x8x128xi32, #tpu.memory_space<hbm>> -> memref<1x8x128xi32, #tpu.memory_space<hbm>>
      %dma_start3A_1505 = tpu.memref_squeeze %dma_start3A_1504 : memref<1x8x128xi32, #tpu.memory_space<hbm>> -> memref<8x128xi32, #tpu.memory_space<hbm>>
      tpu.enqueue_dma source(%dma_start3A_1505 : memref<8x128xi32, #tpu.memory_space<hbm>>) target(%dma_start3A_1501 : memref<8x128xi32, #tpu.memory_space<vmem>>) target_semaphore(%arg11 : memref<!tpu.dma_semaphore, #tpu.memory_space<semaphore_mem>>)
      %dma_start3A_1506 = arith.constant 0 : i32
      %dma_start3A_1507 = arith.constant 0 : i32
      %dma_start3A_1508 = arith.constant 0 : i32
      %dma_start3A_1509 = arith.constant 0 : i32
      %dma_start3A_1510 = tpu.memref_slice %arg9[%dma_start3A_1508, %dma_start3A_1509] : memref<1024x9xf32, #tpu.memory_space<vmem>> -> memref<128x9xf32, #tpu.memory_space<vmem>>
      %dma_start3A_1511 = arith.constant 0 : i32
      %dma_start3A_1512 = arith.constant 0 : i32
      %dma_start3A_1513 = tpu.memref_slice %arg8[%dma_start3A_1506, %dma_start3A_1511, %dma_start3A_1512] : memref<2x8x128xi32, #tpu.memory_space<vmem>> -> memref<1x8x128xi32, #tpu.memory_space<vmem>>
      %dma_start3A_1514 = tpu.memref_squeeze %dma_start3A_1513 : memref<1x8x128xi32, #tpu.memory_space<vmem>> -> memref<8x128xi32, #tpu.memory_space<vmem>>
      %dma_start3A_1515 = arith.constant 0 : i32
      %dma_start3A_1516 = tpu.memref_slice %dma_start3A_1514[%dma_start3A_1507, %dma_start3A_1515] : memref<8x128xi32, #tpu.memory_space<vmem>> -> memref<1x128xi32, #tpu.memory_space<vmem>>
      %dma_start3A_1517 = tpu.memref_squeeze %dma_start3A_1516 : memref<1x128xi32, #tpu.memory_space<vmem>> -> memref<128xi32, #tpu.memory_space<vmem>>
      %dma_start3A_1518 = arith.constant 0 : i32
      %dma_start3A_1519 = arith.constant 0 : i32
      %dma_start3A_1520 = tpu.memref_slice %arg10[%dma_start3A_1518, %dma_start3A_1519] : memref<100352x9xf32, #tpu.memory_space<vmem_shared>> -> memref<100352x9xf32, #tpu.memory_space<vmem_shared>>
      tpu.enqueue_indirect_dma source(%dma_start3A_1510 : memref<128x9xf32, #tpu.memory_space<vmem>>) target(%dma_start3A_1520 : memref<100352x9xf32, #tpu.memory_space<vmem_shared>>) offsets(%dma_start3A_1517 : memref<128xi32, #tpu.memory_space<vmem>>) semaphore(%arg13 : memref<!tpu.dma_semaphore, #tpu.memory_space<semaphore_mem>>) {add = true}
      %dma_start3A_1521 = arith.constant 0 : i32
      %dma_start3A_1522 = arith.constant 1 : i32
      %dma_start3A_1523 = arith.constant 128 : i32
      %dma_start3A_1524 = arith.constant 0 : i32
      %dma_start3A_1525 = tpu.memref_slice %arg9[%dma_start3A_1523, %dma_start3A_1524] : memref<1024x9xf32, #tpu.memory_space<vmem>> -> memref<128x9xf32, #tpu.memory_space<vmem>>
      %dma_start3A_1526 = arith.constant 0 : i32
      %dma_start3A_1527 = arith.constant 0 : i32
      %dma_start3A_1528 = tpu.memref_slice %arg8[%dma_start3A_1521, %dma_start3A_1526, %dma_start3A_1527] : memref<2x8x128xi32, #tpu.memory_space<vmem>> -> memref<1x8x128xi32, #tpu.memory_space<vmem>>
      %dma_start3A_1529 = tpu.memref_squeeze %dma_start3A_1528 : memref<1x8x128xi32, #tpu.memory_space<vmem>> -> memref<8x128xi32, #tpu.memory_space<vmem>>
      %dma_start3A_1530 = arith.constant 0 : i32
      %dma_start3A_1531 = tpu.memref_slice %dma_start3A_1529[%dma_start3A_1522, %dma_start3A_1530] : memref<8x128xi32, #tpu.memory_space<vmem>> -> memref<1x128xi32, #tpu.memory_space<vmem>>
      %dma_start3A_1532 = tpu.memref_squeeze %dma_start3A_1531 : memref<1x128xi32, #tpu.memory_space<vmem>> -> memref<128xi32, #tpu.memory_space<vmem>>
      %dma_start3A_1533 = arith.constant 0 : i32
      %dma_start3A_1534 = arith.constant 0 : i32
      %dma_start3A_1535 = tpu.memref_slice %arg10[%dma_start3A_1533, %dma_start3A_1534] : memref<100352x9xf32, #tpu.memory_space<vmem_shared>> -> memref<100352x9xf32, #tpu.memory_space<vmem_shared>>
      tpu.enqueue_indirect_dma source(%dma_start3A_1525 : memref<128x9xf32, #tpu.memory_space<vmem>>) target(%dma_start3A_1535 : memref<100352x9xf32, #tpu.memory_space<vmem_shared>>) offsets(%dma_start3A_1532 : memref<128xi32, #tpu.memory_space<vmem>>) semaphore(%arg13 : memref<!tpu.dma_semaphore, #tpu.memory_space<semaphore_mem>>) {add = true}
      %dma_start3A_1536 = arith.constant 0 : i32
      %dma_start3A_1537 = arith.constant 2 : i32
      %dma_start3A_1538 = arith.constant 256 : i32
      %dma_start3A_1539 = arith.constant 0 : i32
      %dma_start3A_1540 = tpu.memref_slice %arg9[%dma_start3A_1538, %dma_start3A_1539] : memref<1024x9xf32, #tpu.memory_space<vmem>> -> memref<128x9xf32, #tpu.memory_space<vmem>>
      %dma_start3A_1541 = arith.constant 0 : i32
      %dma_start3A_1542 = arith.constant 0 : i32
      %dma_start3A_1543 = tpu.memref_slice %arg8[%dma_start3A_1536, %dma_start3A_1541, %dma_start3A_1542] : memref<2x8x128xi32, #tpu.memory_space<vmem>> -> memref<1x8x128xi32, #tpu.memory_space<vmem>>
      %dma_start3A_1544 = tpu.memref_squeeze %dma_start3A_1543 : memref<1x8x128xi32, #tpu.memory_space<vmem>> -> memref<8x128xi32, #tpu.memory_space<vmem>>
      %dma_start3A_1545 = arith.constant 0 : i32
      %dma_start3A_1546 = tpu.memref_slice %dma_start3A_1544[%dma_start3A_1537, %dma_start3A_1545] : memref<8x128xi32, #tpu.memory_space<vmem>> -> memref<1x128xi32, #tpu.memory_space<vmem>>
      %dma_start3A_1547 = tpu.memref_squeeze %dma_start3A_1546 : memref<1x128xi32, #tpu.memory_space<vmem>> -> memref<128xi32, #tpu.memory_space<vmem>>
      %dma_start3A_1548 = arith.constant 0 : i32
      %dma_start3A_1549 = arith.constant 0 : i32
      %dma_start3A_1550 = tpu.memref_slice %arg10[%dma_start3A_1548, %dma_start3A_1549] : memref<100352x9xf32, #tpu.memory_space<vmem_shared>> -> memref<100352x9xf32, #tpu.memory_space<vmem_shared>>
      tpu.enqueue_indirect_dma source(%dma_start3A_1540 : memref<128x9xf32, #tpu.memory_space<vmem>>) target(%dma_start3A_1550 : memref<100352x9xf32, #tpu.memory_space<vmem_shared>>) offsets(%dma_start3A_1547 : memref<128xi32, #tpu.memory_space<vmem>>) semaphore(%arg13 : memref<!tpu.dma_semaphore, #tpu.memory_space<semaphore_mem>>) {add = true}
      %dma_start3A_1551 = arith.constant 0 : i32
      %dma_start3A_1552 = arith.constant 3 : i32
      %dma_start3A_1553 = arith.constant 384 : i32
      %dma_start3A_1554 = arith.constant 0 : i32
      %dma_start3A_1555 = tpu.memref_slice %arg9[%dma_start3A_1553, %dma_start3A_1554] : memref<1024x9xf32, #tpu.memory_space<vmem>> -> memref<128x9xf32, #tpu.memory_space<vmem>>
      %dma_start3A_1556 = arith.constant 0 : i32
      %dma_start3A_1557 = arith.constant 0 : i32
      %dma_start3A_1558 = tpu.memref_slice %arg8[%dma_start3A_1551, %dma_start3A_1556, %dma_start3A_1557] : memref<2x8x128xi32, #tpu.memory_space<vmem>> -> memref<1x8x128xi32, #tpu.memory_space<vmem>>
      %dma_start3A_1559 = tpu.memref_squeeze %dma_start3A_1558 : memref<1x8x128xi32, #tpu.memory_space<vmem>> -> memref<8x128xi32, #tpu.memory_space<vmem>>
      %dma_start3A_1560 = arith.constant 0 : i32
      %dma_start3A_1561 = tpu.memref_slice %dma_start3A_1559[%dma_start3A_1552, %dma_start3A_1560] : memref<8x128xi32, #tpu.memory_space<vmem>> -> memref<1x128xi32, #tpu.memory_space<vmem>>
      %dma_start3A_1562 = tpu.memref_squeeze %dma_start3A_1561 : memref<1x128xi32, #tpu.memory_space<vmem>> -> memref<128xi32, #tpu.memory_space<vmem>>
      %dma_start3A_1563 = arith.constant 0 : i32
      %dma_start3A_1564 = arith.constant 0 : i32
      %dma_start3A_1565 = tpu.memref_slice %arg10[%dma_start3A_1563, %dma_start3A_1564] : memref<100352x9xf32, #tpu.memory_space<vmem_shared>> -> memref<100352x9xf32, #tpu.memory_space<vmem_shared>>
      tpu.enqueue_indirect_dma source(%dma_start3A_1555 : memref<128x9xf32, #tpu.memory_space<vmem>>) target(%dma_start3A_1565 : memref<100352x9xf32, #tpu.memory_space<vmem_shared>>) offsets(%dma_start3A_1562 : memref<128xi32, #tpu.memory_space<vmem>>) semaphore(%arg13 : memref<!tpu.dma_semaphore, #tpu.memory_space<semaphore_mem>>) {add = true}
      %dma_start3A_1566 = arith.constant 0 : i32
      %dma_start3A_1567 = arith.constant 4 : i32
      %dma_start3A_1568 = arith.constant 512 : i32
      %dma_start3A_1569 = arith.constant 0 : i32
      %dma_start3A_1570 = tpu.memref_slice %arg9[%dma_start3A_1568, %dma_start3A_1569] : memref<1024x9xf32, #tpu.memory_space<vmem>> -> memref<128x9xf32, #tpu.memory_space<vmem>>
      %dma_start3A_1571 = arith.constant 0 : i32
      %dma_start3A_1572 = arith.constant 0 : i32
      %dma_start3A_1573 = tpu.memref_slice %arg8[%dma_start3A_1566, %dma_start3A_1571, %dma_start3A_1572] : memref<2x8x128xi32, #tpu.memory_space<vmem>> -> memref<1x8x128xi32, #tpu.memory_space<vmem>>
      %dma_start3A_1574 = tpu.memref_squeeze %dma_start3A_1573 : memref<1x8x128xi32, #tpu.memory_space<vmem>> -> memref<8x128xi32, #tpu.memory_space<vmem>>
      %dma_start3A_1575 = arith.constant 0 : i32
      %dma_start3A_1576 = tpu.memref_slice %dma_start3A_1574[%dma_start3A_1567, %dma_start3A_1575] : memref<8x128xi32, #tpu.memory_space<vmem>> -> memref<1x128xi32, #tpu.memory_space<vmem>>
      %dma_start3A_1577 = tpu.memref_squeeze %dma_start3A_1576 : memref<1x128xi32, #tpu.memory_space<vmem>> -> memref<128xi32, #tpu.memory_space<vmem>>
      %dma_start3A_1578 = arith.constant 0 : i32
      %dma_start3A_1579 = arith.constant 0 : i32
      %dma_start3A_1580 = tpu.memref_slice %arg10[%dma_start3A_1578, %dma_start3A_1579] : memref<100352x9xf32, #tpu.memory_space<vmem_shared>> -> memref<100352x9xf32, #tpu.memory_space<vmem_shared>>
      tpu.enqueue_indirect_dma source(%dma_start3A_1570 : memref<128x9xf32, #tpu.memory_space<vmem>>) target(%dma_start3A_1580 : memref<100352x9xf32, #tpu.memory_space<vmem_shared>>) offsets(%dma_start3A_1577 : memref<128xi32, #tpu.memory_space<vmem>>) semaphore(%arg13 : memref<!tpu.dma_semaphore, #tpu.memory_space<semaphore_mem>>) {add = true}
      %dma_start3A_1581 = arith.constant 0 : i32
      %dma_start3A_1582 = arith.constant 5 : i32
      %dma_start3A_1583 = arith.constant 640 : i32
      %dma_start3A_1584 = arith.constant 0 : i32
      %dma_start3A_1585 = tpu.memref_slice %arg9[%dma_start3A_1583, %dma_start3A_1584] : memref<1024x9xf32, #tpu.memory_space<vmem>> -> memref<128x9xf32, #tpu.memory_space<vmem>>
      %dma_start3A_1586 = arith.constant 0 : i32
      %dma_start3A_1587 = arith.constant 0 : i32
      %dma_start3A_1588 = tpu.memref_slice %arg8[%dma_start3A_1581, %dma_start3A_1586, %dma_start3A_1587] : memref<2x8x128xi32, #tpu.memory_space<vmem>> -> memref<1x8x128xi32, #tpu.memory_space<vmem>>
      %dma_start3A_1589 = tpu.memref_squeeze %dma_start3A_1588 : memref<1x8x128xi32, #tpu.memory_space<vmem>> -> memref<8x128xi32, #tpu.memory_space<vmem>>
      %dma_start3A_1590 = arith.constant 0 : i32
      %dma_start3A_1591 = tpu.memref_slice %dma_start3A_1589[%dma_start3A_1582, %dma_start3A_1590] : memref<8x128xi32, #tpu.memory_space<vmem>> -> memref<1x128xi32, #tpu.memory_space<vmem>>
      %dma_start3A_1592 = tpu.memref_squeeze %dma_start3A_1591 : memref<1x128xi32, #tpu.memory_space<vmem>> -> memref<128xi32, #tpu.memory_space<vmem>>
      %dma_start3A_1593 = arith.constant 0 : i32
      %dma_start3A_1594 = arith.constant 0 : i32
      %dma_start3A_1595 = tpu.memref_slice %arg10[%dma_start3A_1593, %dma_start3A_1594] : memref<100352x9xf32, #tpu.memory_space<vmem_shared>> -> memref<100352x9xf32, #tpu.memory_space<vmem_shared>>
      tpu.enqueue_indirect_dma source(%dma_start3A_1585 : memref<128x9xf32, #tpu.memory_space<vmem>>) target(%dma_start3A_1595 : memref<100352x9xf32, #tpu.memory_space<vmem_shared>>) offsets(%dma_start3A_1592 : memref<128xi32, #tpu.memory_space<vmem>>) semaphore(%arg13 : memref<!tpu.dma_semaphore, #tpu.memory_space<semaphore_mem>>) {add = true}
      %dma_start3A_1596 = arith.constant 0 : i32
      %dma_start3A_1597 = arith.constant 6 : i32
      %dma_start3A_1598 = arith.constant 768 : i32
      %dma_start3A_1599 = arith.constant 0 : i32
      %dma_start3A_1600 = tpu.memref_slice %arg9[%dma_start3A_1598, %dma_start3A_1599] : memref<1024x9xf32, #tpu.memory_space<vmem>> -> memref<128x9xf32, #tpu.memory_space<vmem>>
      %dma_start3A_1601 = arith.constant 0 : i32
      %dma_start3A_1602 = arith.constant 0 : i32
      %dma_start3A_1603 = tpu.memref_slice %arg8[%dma_start3A_1596, %dma_start3A_1601, %dma_start3A_1602] : memref<2x8x128xi32, #tpu.memory_space<vmem>> -> memref<1x8x128xi32, #tpu.memory_space<vmem>>
      %dma_start3A_1604 = tpu.memref_squeeze %dma_start3A_1603 : memref<1x8x128xi32, #tpu.memory_space<vmem>> -> memref<8x128xi32, #tpu.memory_space<vmem>>
      %dma_start3A_1605 = arith.constant 0 : i32
      %dma_start3A_1606 = tpu.memref_slice %dma_start3A_1604[%dma_start3A_1597, %dma_start3A_1605] : memref<8x128xi32, #tpu.memory_space<vmem>> -> memref<1x128xi32, #tpu.memory_space<vmem>>
      %dma_start3A_1607 = tpu.memref_squeeze %dma_start3A_1606 : memref<1x128xi32, #tpu.memory_space<vmem>> -> memref<128xi32, #tpu.memory_space<vmem>>
      %dma_start3A_1608 = arith.constant 0 : i32
      %dma_start3A_1609 = arith.constant 0 : i32
      %dma_start3A_1610 = tpu.memref_slice %arg10[%dma_start3A_1608, %dma_start3A_1609] : memref<100352x9xf32, #tpu.memory_space<vmem_shared>> -> memref<100352x9xf32, #tpu.memory_space<vmem_shared>>
      tpu.enqueue_indirect_dma source(%dma_start3A_1600 : memref<128x9xf32, #tpu.memory_space<vmem>>) target(%dma_start3A_1610 : memref<100352x9xf32, #tpu.memory_space<vmem_shared>>) offsets(%dma_start3A_1607 : memref<128xi32, #tpu.memory_space<vmem>>) semaphore(%arg13 : memref<!tpu.dma_semaphore, #tpu.memory_space<semaphore_mem>>) {add = true}
      %dma_start3A_1611 = arith.constant 0 : i32
      %dma_start3A_1612 = arith.constant 7 : i32
      %dma_start3A_1613 = arith.constant 896 : i32
      %dma_start3A_1614 = arith.constant 0 : i32
      %dma_start3A_1615 = tpu.memref_slice %arg9[%dma_start3A_1613, %dma_start3A_1614] : memref<1024x9xf32, #tpu.memory_space<vmem>> -> memref<128x9xf32, #tpu.memory_space<vmem>>
      %dma_start3A_1616 = arith.constant 0 : i32
      %dma_start3A_1617 = arith.constant 0 : i32
      %dma_start3A_1618 = tpu.memref_slice %arg8[%dma_start3A_1611, %dma_start3A_1616, %dma_start3A_1617] : memref<2x8x128xi32, #tpu.memory_space<vmem>> -> memref<1x8x128xi32, #tpu.memory_space<vmem>>
      %dma_start3A_1619 = tpu.memref_squeeze %dma_start3A_1618 : memref<1x8x128xi32, #tpu.memory_space<vmem>> -> memref<8x128xi32, #tpu.memory_space<vmem>>
      %dma_start3A_1620 = arith.constant 0 : i32
      %dma_start3A_1621 = tpu.memref_slice %dma_start3A_1619[%dma_start3A_1612, %dma_start3A_1620] : memref<8x128xi32, #tpu.memory_space<vmem>> -> memref<1x128xi32, #tpu.memory_space<vmem>>
      %dma_start3A_1622 = tpu.memref_squeeze %dma_start3A_1621 : memref<1x128xi32, #tpu.memory_space<vmem>> -> memref<128xi32, #tpu.memory_space<vmem>>
      %dma_start3A_1623 = arith.constant 0 : i32
      %dma_start3A_1624 = arith.constant 0 : i32
      %dma_start3A_1625 = tpu.memref_slice %arg10[%dma_start3A_1623, %dma_start3A_1624] : memref<100352x9xf32, #tpu.memory_space<vmem_shared>> -> memref<100352x9xf32, #tpu.memory_space<vmem_shared>>
      tpu.enqueue_indirect_dma source(%dma_start3A_1615 : memref<128x9xf32, #tpu.memory_space<vmem>>) target(%dma_start3A_1625 : memref<100352x9xf32, #tpu.memory_space<vmem_shared>>) offsets(%dma_start3A_1622 : memref<128xi32, #tpu.memory_space<vmem>>) semaphore(%arg13 : memref<!tpu.dma_semaphore, #tpu.memory_space<semaphore_mem>>) {add = true}
      %dma_wait3A_1626 = arith.constant 0 : i32
      %dma_wait3A_1627 = arith.constant 0 : i32
      %dma_wait3A_1628 = arith.constant 0 : i32
      %dma_wait3A_1629 = arith.constant 0 : i32
      %dma_wait3A_1630 = tpu.memref_slice %arg9[%dma_wait3A_1628, %dma_wait3A_1629] : memref<1024x9xf32, #tpu.memory_space<vmem>> -> memref<128x9xf32, #tpu.memory_space<vmem>>
      %dma_wait3A_1631 = arith.constant 0 : i32
      %dma_wait3A_1632 = arith.constant 0 : i32
      %dma_wait3A_1633 = tpu.memref_slice %arg8[%dma_wait3A_1626, %dma_wait3A_1631, %dma_wait3A_1632] : memref<2x8x128xi32, #tpu.memory_space<vmem>> -> memref<1x8x128xi32, #tpu.memory_space<vmem>>
      %dma_wait3A_1634 = tpu.memref_squeeze %dma_wait3A_1633 : memref<1x8x128xi32, #tpu.memory_space<vmem>> -> memref<8x128xi32, #tpu.memory_space<vmem>>
      %dma_wait3A_1635 = arith.constant 0 : i32
      %dma_wait3A_1636 = tpu.memref_slice %dma_wait3A_1634[%dma_wait3A_1627, %dma_wait3A_1635] : memref<8x128xi32, #tpu.memory_space<vmem>> -> memref<1x128xi32, #tpu.memory_space<vmem>>
      %dma_wait3A_1637 = tpu.memref_squeeze %dma_wait3A_1636 : memref<1x128xi32, #tpu.memory_space<vmem>> -> memref<128xi32, #tpu.memory_space<vmem>>
      %dma_wait3A_1638 = arith.constant 0 : i32
      %dma_wait3A_1639 = arith.constant 0 : i32
      %dma_wait3A_1640 = tpu.memref_slice %arg10[%dma_wait3A_1638, %dma_wait3A_1639] : memref<100352x9xf32, #tpu.memory_space<vmem_shared>> -> memref<100352x9xf32, #tpu.memory_space<vmem_shared>>
      tpu.wait_indirect_dma semaphore(%arg13 : memref<!tpu.dma_semaphore, #tpu.memory_space<semaphore_mem>>) src(%dma_wait3A_1630 : memref<128x9xf32, #tpu.memory_space<vmem>>) dst(%dma_wait3A_1640 : memref<100352x9xf32, #tpu.memory_space<vmem_shared>>)
      %dma_wait3A_1641 = arith.constant 0 : i32
      %dma_wait3A_1642 = arith.constant 1 : i32
      %dma_wait3A_1643 = arith.constant 128 : i32
      %dma_wait3A_1644 = arith.constant 0 : i32
      %dma_wait3A_1645 = tpu.memref_slice %arg9[%dma_wait3A_1643, %dma_wait3A_1644] : memref<1024x9xf32, #tpu.memory_space<vmem>> -> memref<128x9xf32, #tpu.memory_space<vmem>>
      %dma_wait3A_1646 = arith.constant 0 : i32
      %dma_wait3A_1647 = arith.constant 0 : i32
      %dma_wait3A_1648 = tpu.memref_slice %arg8[%dma_wait3A_1641, %dma_wait3A_1646, %dma_wait3A_1647] : memref<2x8x128xi32, #tpu.memory_space<vmem>> -> memref<1x8x128xi32, #tpu.memory_space<vmem>>
      %dma_wait3A_1649 = tpu.memref_squeeze %dma_wait3A_1648 : memref<1x8x128xi32, #tpu.memory_space<vmem>> -> memref<8x128xi32, #tpu.memory_space<vmem>>
      %dma_wait3A_1650 = arith.constant 0 : i32
      %dma_wait3A_1651 = tpu.memref_slice %dma_wait3A_1649[%dma_wait3A_1642, %dma_wait3A_1650] : memref<8x128xi32, #tpu.memory_space<vmem>> -> memref<1x128xi32, #tpu.memory_space<vmem>>
      %dma_wait3A_1652 = tpu.memref_squeeze %dma_wait3A_1651 : memref<1x128xi32, #tpu.memory_space<vmem>> -> memref<128xi32, #tpu.memory_space<vmem>>
      %dma_wait3A_1653 = arith.constant 0 : i32
      %dma_wait3A_1654 = arith.constant 0 : i32
      %dma_wait3A_1655 = tpu.memref_slice %arg10[%dma_wait3A_1653, %dma_wait3A_1654] : memref<100352x9xf32, #tpu.memory_space<vmem_shared>> -> memref<100352x9xf32, #tpu.memory_space<vmem_shared>>
      tpu.wait_indirect_dma semaphore(%arg13 : memref<!tpu.dma_semaphore, #tpu.memory_space<semaphore_mem>>) src(%dma_wait3A_1645 : memref<128x9xf32, #tpu.memory_space<vmem>>) dst(%dma_wait3A_1655 : memref<100352x9xf32, #tpu.memory_space<vmem_shared>>)
      %dma_wait3A_1656 = arith.constant 0 : i32
      %dma_wait3A_1657 = arith.constant 2 : i32
      %dma_wait3A_1658 = arith.constant 256 : i32
      %dma_wait3A_1659 = arith.constant 0 : i32
      %dma_wait3A_1660 = tpu.memref_slice %arg9[%dma_wait3A_1658, %dma_wait3A_1659] : memref<1024x9xf32, #tpu.memory_space<vmem>> -> memref<128x9xf32, #tpu.memory_space<vmem>>
      %dma_wait3A_1661 = arith.constant 0 : i32
      %dma_wait3A_1662 = arith.constant 0 : i32
      %dma_wait3A_1663 = tpu.memref_slice %arg8[%dma_wait3A_1656, %dma_wait3A_1661, %dma_wait3A_1662] : memref<2x8x128xi32, #tpu.memory_space<vmem>> -> memref<1x8x128xi32, #tpu.memory_space<vmem>>
      %dma_wait3A_1664 = tpu.memref_squeeze %dma_wait3A_1663 : memref<1x8x128xi32, #tpu.memory_space<vmem>> -> memref<8x128xi32, #tpu.memory_space<vmem>>
      %dma_wait3A_1665 = arith.constant 0 : i32
      %dma_wait3A_1666 = tpu.memref_slice %dma_wait3A_1664[%dma_wait3A_1657, %dma_wait3A_1665] : memref<8x128xi32, #tpu.memory_space<vmem>> -> memref<1x128xi32, #tpu.memory_space<vmem>>
      %dma_wait3A_1667 = tpu.memref_squeeze %dma_wait3A_1666 : memref<1x128xi32, #tpu.memory_space<vmem>> -> memref<128xi32, #tpu.memory_space<vmem>>
      %dma_wait3A_1668 = arith.constant 0 : i32
      %dma_wait3A_1669 = arith.constant 0 : i32
      %dma_wait3A_1670 = tpu.memref_slice %arg10[%dma_wait3A_1668, %dma_wait3A_1669] : memref<100352x9xf32, #tpu.memory_space<vmem_shared>> -> memref<100352x9xf32, #tpu.memory_space<vmem_shared>>
      tpu.wait_indirect_dma semaphore(%arg13 : memref<!tpu.dma_semaphore, #tpu.memory_space<semaphore_mem>>) src(%dma_wait3A_1660 : memref<128x9xf32, #tpu.memory_space<vmem>>) dst(%dma_wait3A_1670 : memref<100352x9xf32, #tpu.memory_space<vmem_shared>>)
      %dma_wait3A_1671 = arith.constant 0 : i32
      %dma_wait3A_1672 = arith.constant 3 : i32
      %dma_wait3A_1673 = arith.constant 384 : i32
      %dma_wait3A_1674 = arith.constant 0 : i32
      %dma_wait3A_1675 = tpu.memref_slice %arg9[%dma_wait3A_1673, %dma_wait3A_1674] : memref<1024x9xf32, #tpu.memory_space<vmem>> -> memref<128x9xf32, #tpu.memory_space<vmem>>
      %dma_wait3A_1676 = arith.constant 0 : i32
      %dma_wait3A_1677 = arith.constant 0 : i32
      %dma_wait3A_1678 = tpu.memref_slice %arg8[%dma_wait3A_1671, %dma_wait3A_1676, %dma_wait3A_1677] : memref<2x8x128xi32, #tpu.memory_space<vmem>> -> memref<1x8x128xi32, #tpu.memory_space<vmem>>
      %dma_wait3A_1679 = tpu.memref_squeeze %dma_wait3A_1678 : memref<1x8x128xi32, #tpu.memory_space<vmem>> -> memref<8x128xi32, #tpu.memory_space<vmem>>
      %dma_wait3A_1680 = arith.constant 0 : i32
      %dma_wait3A_1681 = tpu.memref_slice %dma_wait3A_1679[%dma_wait3A_1672, %dma_wait3A_1680] : memref<8x128xi32, #tpu.memory_space<vmem>> -> memref<1x128xi32, #tpu.memory_space<vmem>>
      %dma_wait3A_1682 = tpu.memref_squeeze %dma_wait3A_1681 : memref<1x128xi32, #tpu.memory_space<vmem>> -> memref<128xi32, #tpu.memory_space<vmem>>
      %dma_wait3A_1683 = arith.constant 0 : i32
      %dma_wait3A_1684 = arith.constant 0 : i32
      %dma_wait3A_1685 = tpu.memref_slice %arg10[%dma_wait3A_1683, %dma_wait3A_1684] : memref<100352x9xf32, #tpu.memory_space<vmem_shared>> -> memref<100352x9xf32, #tpu.memory_space<vmem_shared>>
      tpu.wait_indirect_dma semaphore(%arg13 : memref<!tpu.dma_semaphore, #tpu.memory_space<semaphore_mem>>) src(%dma_wait3A_1675 : memref<128x9xf32, #tpu.memory_space<vmem>>) dst(%dma_wait3A_1685 : memref<100352x9xf32, #tpu.memory_space<vmem_shared>>)
      %dma_wait3A_1686 = arith.constant 0 : i32
      %dma_wait3A_1687 = arith.constant 4 : i32
      %dma_wait3A_1688 = arith.constant 512 : i32
      %dma_wait3A_1689 = arith.constant 0 : i32
      %dma_wait3A_1690 = tpu.memref_slice %arg9[%dma_wait3A_1688, %dma_wait3A_1689] : memref<1024x9xf32, #tpu.memory_space<vmem>> -> memref<128x9xf32, #tpu.memory_space<vmem>>
      %dma_wait3A_1691 = arith.constant 0 : i32
      %dma_wait3A_1692 = arith.constant 0 : i32
      %dma_wait3A_1693 = tpu.memref_slice %arg8[%dma_wait3A_1686, %dma_wait3A_1691, %dma_wait3A_1692] : memref<2x8x128xi32, #tpu.memory_space<vmem>> -> memref<1x8x128xi32, #tpu.memory_space<vmem>>
      %dma_wait3A_1694 = tpu.memref_squeeze %dma_wait3A_1693 : memref<1x8x128xi32, #tpu.memory_space<vmem>> -> memref<8x128xi32, #tpu.memory_space<vmem>>
      %dma_wait3A_1695 = arith.constant 0 : i32
      %dma_wait3A_1696 = tpu.memref_slice %dma_wait3A_1694[%dma_wait3A_1687, %dma_wait3A_1695] : memref<8x128xi32, #tpu.memory_space<vmem>> -> memref<1x128xi32, #tpu.memory_space<vmem>>
      %dma_wait3A_1697 = tpu.memref_squeeze %dma_wait3A_1696 : memref<1x128xi32, #tpu.memory_space<vmem>> -> memref<128xi32, #tpu.memory_space<vmem>>
      %dma_wait3A_1698 = arith.constant 0 : i32
      %dma_wait3A_1699 = arith.constant 0 : i32
      %dma_wait3A_1700 = tpu.memref_slice %arg10[%dma_wait3A_1698, %dma_wait3A_1699] : memref<100352x9xf32, #tpu.memory_space<vmem_shared>> -> memref<100352x9xf32, #tpu.memory_space<vmem_shared>>
      tpu.wait_indirect_dma semaphore(%arg13 : memref<!tpu.dma_semaphore, #tpu.memory_space<semaphore_mem>>) src(%dma_wait3A_1690 : memref<128x9xf32, #tpu.memory_space<vmem>>) dst(%dma_wait3A_1700 : memref<100352x9xf32, #tpu.memory_space<vmem_shared>>)
      %dma_wait3A_1701 = arith.constant 0 : i32
      %dma_wait3A_1702 = arith.constant 5 : i32
      %dma_wait3A_1703 = arith.constant 640 : i32
      %dma_wait3A_1704 = arith.constant 0 : i32
      %dma_wait3A_1705 = tpu.memref_slice %arg9[%dma_wait3A_1703, %dma_wait3A_1704] : memref<1024x9xf32, #tpu.memory_space<vmem>> -> memref<128x9xf32, #tpu.memory_space<vmem>>
      %dma_wait3A_1706 = arith.constant 0 : i32
      %dma_wait3A_1707 = arith.constant 0 : i32
      %dma_wait3A_1708 = tpu.memref_slice %arg8[%dma_wait3A_1701, %dma_wait3A_1706, %dma_wait3A_1707] : memref<2x8x128xi32, #tpu.memory_space<vmem>> -> memref<1x8x128xi32, #tpu.memory_space<vmem>>
      %dma_wait3A_1709 = tpu.memref_squeeze %dma_wait3A_1708 : memref<1x8x128xi32, #tpu.memory_space<vmem>> -> memref<8x128xi32, #tpu.memory_space<vmem>>
      %dma_wait3A_1710 = arith.constant 0 : i32
      %dma_wait3A_1711 = tpu.memref_slice %dma_wait3A_1709[%dma_wait3A_1702, %dma_wait3A_1710] : memref<8x128xi32, #tpu.memory_space<vmem>> -> memref<1x128xi32, #tpu.memory_space<vmem>>
      %dma_wait3A_1712 = tpu.memref_squeeze %dma_wait3A_1711 : memref<1x128xi32, #tpu.memory_space<vmem>> -> memref<128xi32, #tpu.memory_space<vmem>>
      %dma_wait3A_1713 = arith.constant 0 : i32
      %dma_wait3A_1714 = arith.constant 0 : i32
      %dma_wait3A_1715 = tpu.memref_slice %arg10[%dma_wait3A_1713, %dma_wait3A_1714] : memref<100352x9xf32, #tpu.memory_space<vmem_shared>> -> memref<100352x9xf32, #tpu.memory_space<vmem_shared>>
      tpu.wait_indirect_dma semaphore(%arg13 : memref<!tpu.dma_semaphore, #tpu.memory_space<semaphore_mem>>) src(%dma_wait3A_1705 : memref<128x9xf32, #tpu.memory_space<vmem>>) dst(%dma_wait3A_1715 : memref<100352x9xf32, #tpu.memory_space<vmem_shared>>)
      %dma_wait3A_1716 = arith.constant 0 : i32
      %dma_wait3A_1717 = arith.constant 6 : i32
      %dma_wait3A_1718 = arith.constant 768 : i32
      %dma_wait3A_1719 = arith.constant 0 : i32
      %dma_wait3A_1720 = tpu.memref_slice %arg9[%dma_wait3A_1718, %dma_wait3A_1719] : memref<1024x9xf32, #tpu.memory_space<vmem>> -> memref<128x9xf32, #tpu.memory_space<vmem>>
      %dma_wait3A_1721 = arith.constant 0 : i32
      %dma_wait3A_1722 = arith.constant 0 : i32
      %dma_wait3A_1723 = tpu.memref_slice %arg8[%dma_wait3A_1716, %dma_wait3A_1721, %dma_wait3A_1722] : memref<2x8x128xi32, #tpu.memory_space<vmem>> -> memref<1x8x128xi32, #tpu.memory_space<vmem>>
      %dma_wait3A_1724 = tpu.memref_squeeze %dma_wait3A_1723 : memref<1x8x128xi32, #tpu.memory_space<vmem>> -> memref<8x128xi32, #tpu.memory_space<vmem>>
      %dma_wait3A_1725 = arith.constant 0 : i32
      %dma_wait3A_1726 = tpu.memref_slice %dma_wait3A_1724[%dma_wait3A_1717, %dma_wait3A_1725] : memref<8x128xi32, #tpu.memory_space<vmem>> -> memref<1x128xi32, #tpu.memory_space<vmem>>
      %dma_wait3A_1727 = tpu.memref_squeeze %dma_wait3A_1726 : memref<1x128xi32, #tpu.memory_space<vmem>> -> memref<128xi32, #tpu.memory_space<vmem>>
      %dma_wait3A_1728 = arith.constant 0 : i32
      %dma_wait3A_1729 = arith.constant 0 : i32
      %dma_wait3A_1730 = tpu.memref_slice %arg10[%dma_wait3A_1728, %dma_wait3A_1729] : memref<100352x9xf32, #tpu.memory_space<vmem_shared>> -> memref<100352x9xf32, #tpu.memory_space<vmem_shared>>
      tpu.wait_indirect_dma semaphore(%arg13 : memref<!tpu.dma_semaphore, #tpu.memory_space<semaphore_mem>>) src(%dma_wait3A_1720 : memref<128x9xf32, #tpu.memory_space<vmem>>) dst(%dma_wait3A_1730 : memref<100352x9xf32, #tpu.memory_space<vmem_shared>>)
      %dma_wait3A_1731 = arith.constant 0 : i32
      %dma_wait3A_1732 = arith.constant 7 : i32
      %dma_wait3A_1733 = arith.constant 896 : i32
      %dma_wait3A_1734 = arith.constant 0 : i32
      %dma_wait3A_1735 = tpu.memref_slice %arg9[%dma_wait3A_1733, %dma_wait3A_1734] : memref<1024x9xf32, #tpu.memory_space<vmem>> -> memref<128x9xf32, #tpu.memory_space<vmem>>
      %dma_wait3A_1736 = arith.constant 0 : i32
      %dma_wait3A_1737 = arith.constant 0 : i32
      %dma_wait3A_1738 = tpu.memref_slice %arg8[%dma_wait3A_1731, %dma_wait3A_1736, %dma_wait3A_1737] : memref<2x8x128xi32, #tpu.memory_space<vmem>> -> memref<1x8x128xi32, #tpu.memory_space<vmem>>
      %dma_wait3A_1739 = tpu.memref_squeeze %dma_wait3A_1738 : memref<1x8x128xi32, #tpu.memory_space<vmem>> -> memref<8x128xi32, #tpu.memory_space<vmem>>
      %dma_wait3A_1740 = arith.constant 0 : i32
      %dma_wait3A_1741 = tpu.memref_slice %dma_wait3A_1739[%dma_wait3A_1732, %dma_wait3A_1740] : memref<8x128xi32, #tpu.memory_space<vmem>> -> memref<1x128xi32, #tpu.memory_space<vmem>>
      %dma_wait3A_1742 = tpu.memref_squeeze %dma_wait3A_1741 : memref<1x128xi32, #tpu.memory_space<vmem>> -> memref<128xi32, #tpu.memory_space<vmem>>
      %dma_wait3A_1743 = arith.constant 0 : i32
      %dma_wait3A_1744 = arith.constant 0 : i32
      %dma_wait3A_1745 = tpu.memref_slice %arg10[%dma_wait3A_1743, %dma_wait3A_1744] : memref<100352x9xf32, #tpu.memory_space<vmem_shared>> -> memref<100352x9xf32, #tpu.memory_space<vmem_shared>>
      tpu.wait_indirect_dma semaphore(%arg13 : memref<!tpu.dma_semaphore, #tpu.memory_space<semaphore_mem>>) src(%dma_wait3A_1735 : memref<128x9xf32, #tpu.memory_space<vmem>>) dst(%dma_wait3A_1745 : memref<100352x9xf32, #tpu.memory_space<vmem_shared>>)
      %add3A_1746 = arith.addi %mul3A_19, %mul3A_1171 : i32
      %add3A_1747 = arith.constant 2 : i32
      %add3A_1748 = arith.addi %add3A_1746, %add3A_1747 : i32
      %dma_wait3A_1749 = arith.constant 0 : i32
      %dma_wait3A_1750 = arith.constant 0 : i32
      %dma_wait3A_1751 = arith.constant 1 : i32
      %dma_wait3A_1752 = arith.constant 0 : i32
      %dma_wait3A_1753 = arith.constant 0 : i32
      %dma_wait3A_1754 = tpu.memref_slice %arg7[%dma_wait3A_1751, %dma_wait3A_1752, %dma_wait3A_1753] : memref<2x8x128xi32, #tpu.memory_space<vmem>> -> memref<1x8x128xi32, #tpu.memory_space<vmem>>
      %dma_wait3A_1755 = tpu.memref_squeeze %dma_wait3A_1754 : memref<1x8x128xi32, #tpu.memory_space<vmem>> -> memref<8x128xi32, #tpu.memory_space<vmem>>
      %dma_wait3A_1756 = arith.constant 0 : i32
      %dma_wait3A_1757 = arith.constant 0 : i32
      %dma_wait3A_1758 = arith.constant 0 : i32
      %dma_wait3A_1759 = tpu.memref_slice %arg3[%dma_wait3A_1749, %dma_wait3A_1756, %dma_wait3A_1757, %dma_wait3A_1758] : memref<2x3136x8x128xi32, #tpu.memory_space<hbm>> -> memref<1x3136x8x128xi32, #tpu.memory_space<hbm>>
      %dma_wait3A_1760 = tpu.memref_squeeze %dma_wait3A_1759 : memref<1x3136x8x128xi32, #tpu.memory_space<hbm>> -> memref<3136x8x128xi32, #tpu.memory_space<hbm>>
      %dma_wait3A_1761 = arith.constant 0 : i32
      %dma_wait3A_1762 = arith.constant 0 : i32
      %dma_wait3A_1763 = tpu.memref_slice %dma_wait3A_1760[%dma_wait3A_1750, %dma_wait3A_1761, %dma_wait3A_1762] : memref<3136x8x128xi32, #tpu.memory_space<hbm>> -> memref<1x8x128xi32, #tpu.memory_space<hbm>>
      %dma_wait3A_1764 = tpu.memref_squeeze %dma_wait3A_1763 : memref<1x8x128xi32, #tpu.memory_space<hbm>> -> memref<8x128xi32, #tpu.memory_space<hbm>>
      %dma_wait3A_1765 = arith.constant 0 : i32
      %dma_wait3A_1766 = arith.constant 0 : i32
      %dma_wait3A_1767 = tpu.memref_slice %arg7[%dma_wait3A_1751, %dma_wait3A_1765, %dma_wait3A_1766] : memref<2x8x128xi32, #tpu.memory_space<vmem>> -> memref<1x8x128xi32, #tpu.memory_space<vmem>>
      %dma_wait3A_1768 = tpu.memref_squeeze %dma_wait3A_1767 : memref<1x8x128xi32, #tpu.memory_space<vmem>> -> memref<8x128xi32, #tpu.memory_space<vmem>>
      %dma_wait3A_1769 = arith.constant 0 : i32
      %dma_wait3A_1770 = arith.constant 0 : i32
      %dma_wait3A_1771 = arith.constant 0 : i32
      %dma_wait3A_1772 = tpu.memref_slice %arg3[%dma_wait3A_1749, %dma_wait3A_1769, %dma_wait3A_1770, %dma_wait3A_1771] : memref<2x3136x8x128xi32, #tpu.memory_space<hbm>> -> memref<1x3136x8x128xi32, #tpu.memory_space<hbm>>
      %dma_wait3A_1773 = tpu.memref_squeeze %dma_wait3A_1772 : memref<1x3136x8x128xi32, #tpu.memory_space<hbm>> -> memref<3136x8x128xi32, #tpu.memory_space<hbm>>
      %dma_wait3A_1774 = arith.constant 0 : i32
      %dma_wait3A_1775 = arith.constant 0 : i32
      %dma_wait3A_1776 = tpu.memref_slice %dma_wait3A_1773[%dma_wait3A_1750, %dma_wait3A_1774, %dma_wait3A_1775] : memref<3136x8x128xi32, #tpu.memory_space<hbm>> -> memref<1x8x128xi32, #tpu.memory_space<hbm>>
      %dma_wait3A_1777 = tpu.memref_squeeze %dma_wait3A_1776 : memref<1x8x128xi32, #tpu.memory_space<hbm>> -> memref<8x128xi32, #tpu.memory_space<hbm>>
      tpu.wait_dma2 semaphore(%arg11 : memref<!tpu.dma_semaphore, #tpu.memory_space<semaphore_mem>>) src(%dma_wait3A_1777 : memref<8x128xi32, #tpu.memory_space<hbm>>) dst(%dma_wait3A_1768 : memref<8x128xi32, #tpu.memory_space<vmem>>)
      %dma_wait3A_1778 = arith.constant 0 : i32
      %dma_wait3A_1779 = arith.constant 1 : i32
      %dma_wait3A_1780 = arith.constant 0 : i32
      %dma_wait3A_1781 = arith.constant 0 : i32
      %dma_wait3A_1782 = tpu.memref_slice %arg8[%dma_wait3A_1779, %dma_wait3A_1780, %dma_wait3A_1781] : memref<2x8x128xi32, #tpu.memory_space<vmem>> -> memref<1x8x128xi32, #tpu.memory_space<vmem>>
      %dma_wait3A_1783 = tpu.memref_squeeze %dma_wait3A_1782 : memref<1x8x128xi32, #tpu.memory_space<vmem>> -> memref<8x128xi32, #tpu.memory_space<vmem>>
      %dma_wait3A_1784 = arith.constant 0 : i32
      %dma_wait3A_1785 = arith.constant 0 : i32
      %dma_wait3A_1786 = tpu.memref_slice %arg4[%dma_wait3A_1778, %dma_wait3A_1784, %dma_wait3A_1785] : memref<3136x8x128xi32, #tpu.memory_space<hbm>> -> memref<1x8x128xi32, #tpu.memory_space<hbm>>
      %dma_wait3A_1787 = tpu.memref_squeeze %dma_wait3A_1786 : memref<1x8x128xi32, #tpu.memory_space<hbm>> -> memref<8x128xi32, #tpu.memory_space<hbm>>
      %dma_wait3A_1788 = arith.constant 0 : i32
      %dma_wait3A_1789 = arith.constant 0 : i32
      %dma_wait3A_1790 = tpu.memref_slice %arg8[%dma_wait3A_1779, %dma_wait3A_1788, %dma_wait3A_1789] : memref<2x8x128xi32, #tpu.memory_space<vmem>> -> memref<1x8x128xi32, #tpu.memory_space<vmem>>
      %dma_wait3A_1791 = tpu.memref_squeeze %dma_wait3A_1790 : memref<1x8x128xi32, #tpu.memory_space<vmem>> -> memref<8x128xi32, #tpu.memory_space<vmem>>
      %dma_wait3A_1792 = arith.constant 0 : i32
      %dma_wait3A_1793 = arith.constant 0 : i32
      %dma_wait3A_1794 = tpu.memref_slice %arg4[%dma_wait3A_1778, %dma_wait3A_1792, %dma_wait3A_1793] : memref<3136x8x128xi32, #tpu.memory_space<hbm>> -> memref<1x8x128xi32, #tpu.memory_space<hbm>>
      %dma_wait3A_1795 = tpu.memref_squeeze %dma_wait3A_1794 : memref<1x8x128xi32, #tpu.memory_space<hbm>> -> memref<8x128xi32, #tpu.memory_space<hbm>>
      tpu.wait_dma2 semaphore(%arg11 : memref<!tpu.dma_semaphore, #tpu.memory_space<semaphore_mem>>) src(%dma_wait3A_1795 : memref<8x128xi32, #tpu.memory_space<hbm>>) dst(%dma_wait3A_1791 : memref<8x128xi32, #tpu.memory_space<vmem>>)
      %dma_start3A_1796 = arith.constant 1 : i32
      %dma_start3A_1797 = arith.constant 0 : i32
      %dma_start3A_1798 = arith.constant 0 : i32
      %dma_start3A_1799 = arith.constant 0 : i32
      %dma_start3A_1800 = tpu.memref_slice %arg9[%dma_start3A_1798, %dma_start3A_1799] : memref<1024x9xf32, #tpu.memory_space<vmem>> -> memref<128x9xf32, #tpu.memory_space<vmem>>
      %dma_start3A_1801 = arith.constant 0 : i32
      %dma_start3A_1802 = arith.constant 0 : i32
      %dma_start3A_1803 = tpu.memref_slice %arg7[%dma_start3A_1796, %dma_start3A_1801, %dma_start3A_1802] : memref<2x8x128xi32, #tpu.memory_space<vmem>> -> memref<1x8x128xi32, #tpu.memory_space<vmem>>
      %dma_start3A_1804 = tpu.memref_squeeze %dma_start3A_1803 : memref<1x8x128xi32, #tpu.memory_space<vmem>> -> memref<8x128xi32, #tpu.memory_space<vmem>>
      %dma_start3A_1805 = arith.constant 0 : i32
      %dma_start3A_1806 = tpu.memref_slice %dma_start3A_1804[%dma_start3A_1797, %dma_start3A_1805] : memref<8x128xi32, #tpu.memory_space<vmem>> -> memref<1x128xi32, #tpu.memory_space<vmem>>
      %dma_start3A_1807 = tpu.memref_squeeze %dma_start3A_1806 : memref<1x128xi32, #tpu.memory_space<vmem>> -> memref<128xi32, #tpu.memory_space<vmem>>
      %dma_start3A_1808 = arith.constant 0 : i32
      %dma_start3A_1809 = arith.constant 0 : i32
      %dma_start3A_1810 = tpu.memref_slice %arg2[%dma_start3A_1808, %dma_start3A_1809] : memref<200000x9xf32, #tpu.memory_space<hbm>> -> memref<200000x9xf32, #tpu.memory_space<hbm>>
      tpu.enqueue_indirect_dma source(%dma_start3A_1810 : memref<200000x9xf32, #tpu.memory_space<hbm>>) target(%dma_start3A_1800 : memref<128x9xf32, #tpu.memory_space<vmem>>) offsets(%dma_start3A_1807 : memref<128xi32, #tpu.memory_space<vmem>>) semaphore(%arg12 : memref<!tpu.dma_semaphore, #tpu.memory_space<semaphore_mem>>)
      %dma_start3A_1811 = arith.constant 1 : i32
      %dma_start3A_1812 = arith.constant 1 : i32
      %dma_start3A_1813 = arith.constant 128 : i32
      %dma_start3A_1814 = arith.constant 0 : i32
      %dma_start3A_1815 = tpu.memref_slice %arg9[%dma_start3A_1813, %dma_start3A_1814] : memref<1024x9xf32, #tpu.memory_space<vmem>> -> memref<128x9xf32, #tpu.memory_space<vmem>>
      %dma_start3A_1816 = arith.constant 0 : i32
      %dma_start3A_1817 = arith.constant 0 : i32
      %dma_start3A_1818 = tpu.memref_slice %arg7[%dma_start3A_1811, %dma_start3A_1816, %dma_start3A_1817] : memref<2x8x128xi32, #tpu.memory_space<vmem>> -> memref<1x8x128xi32, #tpu.memory_space<vmem>>
      %dma_start3A_1819 = tpu.memref_squeeze %dma_start3A_1818 : memref<1x8x128xi32, #tpu.memory_space<vmem>> -> memref<8x128xi32, #tpu.memory_space<vmem>>
      %dma_start3A_1820 = arith.constant 0 : i32
      %dma_start3A_1821 = tpu.memref_slice %dma_start3A_1819[%dma_start3A_1812, %dma_start3A_1820] : memref<8x128xi32, #tpu.memory_space<vmem>> -> memref<1x128xi32, #tpu.memory_space<vmem>>
      %dma_start3A_1822 = tpu.memref_squeeze %dma_start3A_1821 : memref<1x128xi32, #tpu.memory_space<vmem>> -> memref<128xi32, #tpu.memory_space<vmem>>
      %dma_start3A_1823 = arith.constant 0 : i32
      %dma_start3A_1824 = arith.constant 0 : i32
      %dma_start3A_1825 = tpu.memref_slice %arg2[%dma_start3A_1823, %dma_start3A_1824] : memref<200000x9xf32, #tpu.memory_space<hbm>> -> memref<200000x9xf32, #tpu.memory_space<hbm>>
      tpu.enqueue_indirect_dma source(%dma_start3A_1825 : memref<200000x9xf32, #tpu.memory_space<hbm>>) target(%dma_start3A_1815 : memref<128x9xf32, #tpu.memory_space<vmem>>) offsets(%dma_start3A_1822 : memref<128xi32, #tpu.memory_space<vmem>>) semaphore(%arg12 : memref<!tpu.dma_semaphore, #tpu.memory_space<semaphore_mem>>)
      %dma_start3A_1826 = arith.constant 1 : i32
      %dma_start3A_1827 = arith.constant 2 : i32
      %dma_start3A_1828 = arith.constant 256 : i32
      %dma_start3A_1829 = arith.constant 0 : i32
      %dma_start3A_1830 = tpu.memref_slice %arg9[%dma_start3A_1828, %dma_start3A_1829] : memref<1024x9xf32, #tpu.memory_space<vmem>> -> memref<128x9xf32, #tpu.memory_space<vmem>>
      %dma_start3A_1831 = arith.constant 0 : i32
      %dma_start3A_1832 = arith.constant 0 : i32
      %dma_start3A_1833 = tpu.memref_slice %arg7[%dma_start3A_1826, %dma_start3A_1831, %dma_start3A_1832] : memref<2x8x128xi32, #tpu.memory_space<vmem>> -> memref<1x8x128xi32, #tpu.memory_space<vmem>>
      %dma_start3A_1834 = tpu.memref_squeeze %dma_start3A_1833 : memref<1x8x128xi32, #tpu.memory_space<vmem>> -> memref<8x128xi32, #tpu.memory_space<vmem>>
      %dma_start3A_1835 = arith.constant 0 : i32
      %dma_start3A_1836 = tpu.memref_slice %dma_start3A_1834[%dma_start3A_1827, %dma_start3A_1835] : memref<8x128xi32, #tpu.memory_space<vmem>> -> memref<1x128xi32, #tpu.memory_space<vmem>>
      %dma_start3A_1837 = tpu.memref_squeeze %dma_start3A_1836 : memref<1x128xi32, #tpu.memory_space<vmem>> -> memref<128xi32, #tpu.memory_space<vmem>>
      %dma_start3A_1838 = arith.constant 0 : i32
      %dma_start3A_1839 = arith.constant 0 : i32
      %dma_start3A_1840 = tpu.memref_slice %arg2[%dma_start3A_1838, %dma_start3A_1839] : memref<200000x9xf32, #tpu.memory_space<hbm>> -> memref<200000x9xf32, #tpu.memory_space<hbm>>
      tpu.enqueue_indirect_dma source(%dma_start3A_1840 : memref<200000x9xf32, #tpu.memory_space<hbm>>) target(%dma_start3A_1830 : memref<128x9xf32, #tpu.memory_space<vmem>>) offsets(%dma_start3A_1837 : memref<128xi32, #tpu.memory_space<vmem>>) semaphore(%arg12 : memref<!tpu.dma_semaphore, #tpu.memory_space<semaphore_mem>>)
      %dma_start3A_1841 = arith.constant 1 : i32
      %dma_start3A_1842 = arith.constant 3 : i32
      %dma_start3A_1843 = arith.constant 384 : i32
      %dma_start3A_1844 = arith.constant 0 : i32
      %dma_start3A_1845 = tpu.memref_slice %arg9[%dma_start3A_1843, %dma_start3A_1844] : memref<1024x9xf32, #tpu.memory_space<vmem>> -> memref<128x9xf32, #tpu.memory_space<vmem>>
      %dma_start3A_1846 = arith.constant 0 : i32
      %dma_start3A_1847 = arith.constant 0 : i32
      %dma_start3A_1848 = tpu.memref_slice %arg7[%dma_start3A_1841, %dma_start3A_1846, %dma_start3A_1847] : memref<2x8x128xi32, #tpu.memory_space<vmem>> -> memref<1x8x128xi32, #tpu.memory_space<vmem>>
      %dma_start3A_1849 = tpu.memref_squeeze %dma_start3A_1848 : memref<1x8x128xi32, #tpu.memory_space<vmem>> -> memref<8x128xi32, #tpu.memory_space<vmem>>
      %dma_start3A_1850 = arith.constant 0 : i32
      %dma_start3A_1851 = tpu.memref_slice %dma_start3A_1849[%dma_start3A_1842, %dma_start3A_1850] : memref<8x128xi32, #tpu.memory_space<vmem>> -> memref<1x128xi32, #tpu.memory_space<vmem>>
      %dma_start3A_1852 = tpu.memref_squeeze %dma_start3A_1851 : memref<1x128xi32, #tpu.memory_space<vmem>> -> memref<128xi32, #tpu.memory_space<vmem>>
      %dma_start3A_1853 = arith.constant 0 : i32
      %dma_start3A_1854 = arith.constant 0 : i32
      %dma_start3A_1855 = tpu.memref_slice %arg2[%dma_start3A_1853, %dma_start3A_1854] : memref<200000x9xf32, #tpu.memory_space<hbm>> -> memref<200000x9xf32, #tpu.memory_space<hbm>>
      tpu.enqueue_indirect_dma source(%dma_start3A_1855 : memref<200000x9xf32, #tpu.memory_space<hbm>>) target(%dma_start3A_1845 : memref<128x9xf32, #tpu.memory_space<vmem>>) offsets(%dma_start3A_1852 : memref<128xi32, #tpu.memory_space<vmem>>) semaphore(%arg12 : memref<!tpu.dma_semaphore, #tpu.memory_space<semaphore_mem>>)
      %dma_start3A_1856 = arith.constant 1 : i32
      %dma_start3A_1857 = arith.constant 4 : i32
      %dma_start3A_1858 = arith.constant 512 : i32
      %dma_start3A_1859 = arith.constant 0 : i32
      %dma_start3A_1860 = tpu.memref_slice %arg9[%dma_start3A_1858, %dma_start3A_1859] : memref<1024x9xf32, #tpu.memory_space<vmem>> -> memref<128x9xf32, #tpu.memory_space<vmem>>
      %dma_start3A_1861 = arith.constant 0 : i32
      %dma_start3A_1862 = arith.constant 0 : i32
      %dma_start3A_1863 = tpu.memref_slice %arg7[%dma_start3A_1856, %dma_start3A_1861, %dma_start3A_1862] : memref<2x8x128xi32, #tpu.memory_space<vmem>> -> memref<1x8x128xi32, #tpu.memory_space<vmem>>
      %dma_start3A_1864 = tpu.memref_squeeze %dma_start3A_1863 : memref<1x8x128xi32, #tpu.memory_space<vmem>> -> memref<8x128xi32, #tpu.memory_space<vmem>>
      %dma_start3A_1865 = arith.constant 0 : i32
      %dma_start3A_1866 = tpu.memref_slice %dma_start3A_1864[%dma_start3A_1857, %dma_start3A_1865] : memref<8x128xi32, #tpu.memory_space<vmem>> -> memref<1x128xi32, #tpu.memory_space<vmem>>
      %dma_start3A_1867 = tpu.memref_squeeze %dma_start3A_1866 : memref<1x128xi32, #tpu.memory_space<vmem>> -> memref<128xi32, #tpu.memory_space<vmem>>
      %dma_start3A_1868 = arith.constant 0 : i32
      %dma_start3A_1869 = arith.constant 0 : i32
      %dma_start3A_1870 = tpu.memref_slice %arg2[%dma_start3A_1868, %dma_start3A_1869] : memref<200000x9xf32, #tpu.memory_space<hbm>> -> memref<200000x9xf32, #tpu.memory_space<hbm>>
      tpu.enqueue_indirect_dma source(%dma_start3A_1870 : memref<200000x9xf32, #tpu.memory_space<hbm>>) target(%dma_start3A_1860 : memref<128x9xf32, #tpu.memory_space<vmem>>) offsets(%dma_start3A_1867 : memref<128xi32, #tpu.memory_space<vmem>>) semaphore(%arg12 : memref<!tpu.dma_semaphore, #tpu.memory_space<semaphore_mem>>)
      %dma_start3A_1871 = arith.constant 1 : i32
      %dma_start3A_1872 = arith.constant 5 : i32
      %dma_start3A_1873 = arith.constant 640 : i32
      %dma_start3A_1874 = arith.constant 0 : i32
      %dma_start3A_1875 = tpu.memref_slice %arg9[%dma_start3A_1873, %dma_start3A_1874] : memref<1024x9xf32, #tpu.memory_space<vmem>> -> memref<128x9xf32, #tpu.memory_space<vmem>>
      %dma_start3A_1876 = arith.constant 0 : i32
      %dma_start3A_1877 = arith.constant 0 : i32
      %dma_start3A_1878 = tpu.memref_slice %arg7[%dma_start3A_1871, %dma_start3A_1876, %dma_start3A_1877] : memref<2x8x128xi32, #tpu.memory_space<vmem>> -> memref<1x8x128xi32, #tpu.memory_space<vmem>>
      %dma_start3A_1879 = tpu.memref_squeeze %dma_start3A_1878 : memref<1x8x128xi32, #tpu.memory_space<vmem>> -> memref<8x128xi32, #tpu.memory_space<vmem>>
      %dma_start3A_1880 = arith.constant 0 : i32
      %dma_start3A_1881 = tpu.memref_slice %dma_start3A_1879[%dma_start3A_1872, %dma_start3A_1880] : memref<8x128xi32, #tpu.memory_space<vmem>> -> memref<1x128xi32, #tpu.memory_space<vmem>>
      %dma_start3A_1882 = tpu.memref_squeeze %dma_start3A_1881 : memref<1x128xi32, #tpu.memory_space<vmem>> -> memref<128xi32, #tpu.memory_space<vmem>>
      %dma_start3A_1883 = arith.constant 0 : i32
      %dma_start3A_1884 = arith.constant 0 : i32
      %dma_start3A_1885 = tpu.memref_slice %arg2[%dma_start3A_1883, %dma_start3A_1884] : memref<200000x9xf32, #tpu.memory_space<hbm>> -> memref<200000x9xf32, #tpu.memory_space<hbm>>
      tpu.enqueue_indirect_dma source(%dma_start3A_1885 : memref<200000x9xf32, #tpu.memory_space<hbm>>) target(%dma_start3A_1875 : memref<128x9xf32, #tpu.memory_space<vmem>>) offsets(%dma_start3A_1882 : memref<128xi32, #tpu.memory_space<vmem>>) semaphore(%arg12 : memref<!tpu.dma_semaphore, #tpu.memory_space<semaphore_mem>>)
      %dma_start3A_1886 = arith.constant 1 : i32
      %dma_start3A_1887 = arith.constant 6 : i32
      %dma_start3A_1888 = arith.constant 768 : i32
      %dma_start3A_1889 = arith.constant 0 : i32
      %dma_start3A_1890 = tpu.memref_slice %arg9[%dma_start3A_1888, %dma_start3A_1889] : memref<1024x9xf32, #tpu.memory_space<vmem>> -> memref<128x9xf32, #tpu.memory_space<vmem>>
      %dma_start3A_1891 = arith.constant 0 : i32
      %dma_start3A_1892 = arith.constant 0 : i32
      %dma_start3A_1893 = tpu.memref_slice %arg7[%dma_start3A_1886, %dma_start3A_1891, %dma_start3A_1892] : memref<2x8x128xi32, #tpu.memory_space<vmem>> -> memref<1x8x128xi32, #tpu.memory_space<vmem>>
      %dma_start3A_1894 = tpu.memref_squeeze %dma_start3A_1893 : memref<1x8x128xi32, #tpu.memory_space<vmem>> -> memref<8x128xi32, #tpu.memory_space<vmem>>
      %dma_start3A_1895 = arith.constant 0 : i32
      %dma_start3A_1896 = tpu.memref_slice %dma_start3A_1894[%dma_start3A_1887, %dma_start3A_1895] : memref<8x128xi32, #tpu.memory_space<vmem>> -> memref<1x128xi32, #tpu.memory_space<vmem>>
      %dma_start3A_1897 = tpu.memref_squeeze %dma_start3A_1896 : memref<1x128xi32, #tpu.memory_space<vmem>> -> memref<128xi32, #tpu.memory_space<vmem>>
      %dma_start3A_1898 = arith.constant 0 : i32
      %dma_start3A_1899 = arith.constant 0 : i32
      %dma_start3A_1900 = tpu.memref_slice %arg2[%dma_start3A_1898, %dma_start3A_1899] : memref<200000x9xf32, #tpu.memory_space<hbm>> -> memref<200000x9xf32, #tpu.memory_space<hbm>>
      tpu.enqueue_indirect_dma source(%dma_start3A_1900 : memref<200000x9xf32, #tpu.memory_space<hbm>>) target(%dma_start3A_1890 : memref<128x9xf32, #tpu.memory_space<vmem>>) offsets(%dma_start3A_1897 : memref<128xi32, #tpu.memory_space<vmem>>) semaphore(%arg12 : memref<!tpu.dma_semaphore, #tpu.memory_space<semaphore_mem>>)
      %dma_start3A_1901 = arith.constant 1 : i32
      %dma_start3A_1902 = arith.constant 7 : i32
      %dma_start3A_1903 = arith.constant 896 : i32
      %dma_start3A_1904 = arith.constant 0 : i32
      %dma_start3A_1905 = tpu.memref_slice %arg9[%dma_start3A_1903, %dma_start3A_1904] : memref<1024x9xf32, #tpu.memory_space<vmem>> -> memref<128x9xf32, #tpu.memory_space<vmem>>
      %dma_start3A_1906 = arith.constant 0 : i32
      %dma_start3A_1907 = arith.constant 0 : i32
      %dma_start3A_1908 = tpu.memref_slice %arg7[%dma_start3A_1901, %dma_start3A_1906, %dma_start3A_1907] : memref<2x8x128xi32, #tpu.memory_space<vmem>> -> memref<1x8x128xi32, #tpu.memory_space<vmem>>
      %dma_start3A_1909 = tpu.memref_squeeze %dma_start3A_1908 : memref<1x8x128xi32, #tpu.memory_space<vmem>> -> memref<8x128xi32, #tpu.memory_space<vmem>>
      %dma_start3A_1910 = arith.constant 0 : i32
      %dma_start3A_1911 = tpu.memref_slice %dma_start3A_1909[%dma_start3A_1902, %dma_start3A_1910] : memref<8x128xi32, #tpu.memory_space<vmem>> -> memref<1x128xi32, #tpu.memory_space<vmem>>
      %dma_start3A_1912 = tpu.memref_squeeze %dma_start3A_1911 : memref<1x128xi32, #tpu.memory_space<vmem>> -> memref<128xi32, #tpu.memory_space<vmem>>
      %dma_start3A_1913 = arith.constant 0 : i32
      %dma_start3A_1914 = arith.constant 0 : i32
      %dma_start3A_1915 = tpu.memref_slice %arg2[%dma_start3A_1913, %dma_start3A_1914] : memref<200000x9xf32, #tpu.memory_space<hbm>> -> memref<200000x9xf32, #tpu.memory_space<hbm>>
      tpu.enqueue_indirect_dma source(%dma_start3A_1915 : memref<200000x9xf32, #tpu.memory_space<hbm>>) target(%dma_start3A_1905 : memref<128x9xf32, #tpu.memory_space<vmem>>) offsets(%dma_start3A_1912 : memref<128xi32, #tpu.memory_space<vmem>>) semaphore(%arg12 : memref<!tpu.dma_semaphore, #tpu.memory_space<semaphore_mem>>)
      %dma_wait3A_1916 = arith.constant 1 : i32
      %dma_wait3A_1917 = arith.constant 0 : i32
      %dma_wait3A_1918 = arith.constant 0 : i32
      %dma_wait3A_1919 = arith.constant 0 : i32
      %dma_wait3A_1920 = tpu.memref_slice %arg9[%dma_wait3A_1918, %dma_wait3A_1919] : memref<1024x9xf32, #tpu.memory_space<vmem>> -> memref<128x9xf32, #tpu.memory_space<vmem>>
      %dma_wait3A_1921 = arith.constant 0 : i32
      %dma_wait3A_1922 = arith.constant 0 : i32
      %dma_wait3A_1923 = tpu.memref_slice %arg7[%dma_wait3A_1916, %dma_wait3A_1921, %dma_wait3A_1922] : memref<2x8x128xi32, #tpu.memory_space<vmem>> -> memref<1x8x128xi32, #tpu.memory_space<vmem>>
      %dma_wait3A_1924 = tpu.memref_squeeze %dma_wait3A_1923 : memref<1x8x128xi32, #tpu.memory_space<vmem>> -> memref<8x128xi32, #tpu.memory_space<vmem>>
      %dma_wait3A_1925 = arith.constant 0 : i32
      %dma_wait3A_1926 = tpu.memref_slice %dma_wait3A_1924[%dma_wait3A_1917, %dma_wait3A_1925] : memref<8x128xi32, #tpu.memory_space<vmem>> -> memref<1x128xi32, #tpu.memory_space<vmem>>
      %dma_wait3A_1927 = tpu.memref_squeeze %dma_wait3A_1926 : memref<1x128xi32, #tpu.memory_space<vmem>> -> memref<128xi32, #tpu.memory_space<vmem>>
      %dma_wait3A_1928 = arith.constant 0 : i32
      %dma_wait3A_1929 = arith.constant 0 : i32
      %dma_wait3A_1930 = tpu.memref_slice %arg2[%dma_wait3A_1928, %dma_wait3A_1929] : memref<200000x9xf32, #tpu.memory_space<hbm>> -> memref<200000x9xf32, #tpu.memory_space<hbm>>
      tpu.wait_indirect_dma semaphore(%arg12 : memref<!tpu.dma_semaphore, #tpu.memory_space<semaphore_mem>>) src(%dma_wait3A_1930 : memref<200000x9xf32, #tpu.memory_space<hbm>>) dst(%dma_wait3A_1920 : memref<128x9xf32, #tpu.memory_space<vmem>>)
      %dma_wait3A_1931 = arith.constant 1 : i32
      %dma_wait3A_1932 = arith.constant 1 : i32
      %dma_wait3A_1933 = arith.constant 128 : i32
      %dma_wait3A_1934 = arith.constant 0 : i32
      %dma_wait3A_1935 = tpu.memref_slice %arg9[%dma_wait3A_1933, %dma_wait3A_1934] : memref<1024x9xf32, #tpu.memory_space<vmem>> -> memref<128x9xf32, #tpu.memory_space<vmem>>
      %dma_wait3A_1936 = arith.constant 0 : i32
      %dma_wait3A_1937 = arith.constant 0 : i32
      %dma_wait3A_1938 = tpu.memref_slice %arg7[%dma_wait3A_1931, %dma_wait3A_1936, %dma_wait3A_1937] : memref<2x8x128xi32, #tpu.memory_space<vmem>> -> memref<1x8x128xi32, #tpu.memory_space<vmem>>
      %dma_wait3A_1939 = tpu.memref_squeeze %dma_wait3A_1938 : memref<1x8x128xi32, #tpu.memory_space<vmem>> -> memref<8x128xi32, #tpu.memory_space<vmem>>
      %dma_wait3A_1940 = arith.constant 0 : i32
      %dma_wait3A_1941 = tpu.memref_slice %dma_wait3A_1939[%dma_wait3A_1932, %dma_wait3A_1940] : memref<8x128xi32, #tpu.memory_space<vmem>> -> memref<1x128xi32, #tpu.memory_space<vmem>>
      %dma_wait3A_1942 = tpu.memref_squeeze %dma_wait3A_1941 : memref<1x128xi32, #tpu.memory_space<vmem>> -> memref<128xi32, #tpu.memory_space<vmem>>
      %dma_wait3A_1943 = arith.constant 0 : i32
      %dma_wait3A_1944 = arith.constant 0 : i32
      %dma_wait3A_1945 = tpu.memref_slice %arg2[%dma_wait3A_1943, %dma_wait3A_1944] : memref<200000x9xf32, #tpu.memory_space<hbm>> -> memref<200000x9xf32, #tpu.memory_space<hbm>>
      tpu.wait_indirect_dma semaphore(%arg12 : memref<!tpu.dma_semaphore, #tpu.memory_space<semaphore_mem>>) src(%dma_wait3A_1945 : memref<200000x9xf32, #tpu.memory_space<hbm>>) dst(%dma_wait3A_1935 : memref<128x9xf32, #tpu.memory_space<vmem>>)
      %dma_wait3A_1946 = arith.constant 1 : i32
      %dma_wait3A_1947 = arith.constant 2 : i32
      %dma_wait3A_1948 = arith.constant 256 : i32
      %dma_wait3A_1949 = arith.constant 0 : i32
      %dma_wait3A_1950 = tpu.memref_slice %arg9[%dma_wait3A_1948, %dma_wait3A_1949] : memref<1024x9xf32, #tpu.memory_space<vmem>> -> memref<128x9xf32, #tpu.memory_space<vmem>>
      %dma_wait3A_1951 = arith.constant 0 : i32
      %dma_wait3A_1952 = arith.constant 0 : i32
      %dma_wait3A_1953 = tpu.memref_slice %arg7[%dma_wait3A_1946, %dma_wait3A_1951, %dma_wait3A_1952] : memref<2x8x128xi32, #tpu.memory_space<vmem>> -> memref<1x8x128xi32, #tpu.memory_space<vmem>>
      %dma_wait3A_1954 = tpu.memref_squeeze %dma_wait3A_1953 : memref<1x8x128xi32, #tpu.memory_space<vmem>> -> memref<8x128xi32, #tpu.memory_space<vmem>>
      %dma_wait3A_1955 = arith.constant 0 : i32
      %dma_wait3A_1956 = tpu.memref_slice %dma_wait3A_1954[%dma_wait3A_1947, %dma_wait3A_1955] : memref<8x128xi32, #tpu.memory_space<vmem>> -> memref<1x128xi32, #tpu.memory_space<vmem>>
      %dma_wait3A_1957 = tpu.memref_squeeze %dma_wait3A_1956 : memref<1x128xi32, #tpu.memory_space<vmem>> -> memref<128xi32, #tpu.memory_space<vmem>>
      %dma_wait3A_1958 = arith.constant 0 : i32
      %dma_wait3A_1959 = arith.constant 0 : i32
      %dma_wait3A_1960 = tpu.memref_slice %arg2[%dma_wait3A_1958, %dma_wait3A_1959] : memref<200000x9xf32, #tpu.memory_space<hbm>> -> memref<200000x9xf32, #tpu.memory_space<hbm>>
      tpu.wait_indirect_dma semaphore(%arg12 : memref<!tpu.dma_semaphore, #tpu.memory_space<semaphore_mem>>) src(%dma_wait3A_1960 : memref<200000x9xf32, #tpu.memory_space<hbm>>) dst(%dma_wait3A_1950 : memref<128x9xf32, #tpu.memory_space<vmem>>)
      %dma_wait3A_1961 = arith.constant 1 : i32
      %dma_wait3A_1962 = arith.constant 3 : i32
      %dma_wait3A_1963 = arith.constant 384 : i32
      %dma_wait3A_1964 = arith.constant 0 : i32
      %dma_wait3A_1965 = tpu.memref_slice %arg9[%dma_wait3A_1963, %dma_wait3A_1964] : memref<1024x9xf32, #tpu.memory_space<vmem>> -> memref<128x9xf32, #tpu.memory_space<vmem>>
      %dma_wait3A_1966 = arith.constant 0 : i32
      %dma_wait3A_1967 = arith.constant 0 : i32
      %dma_wait3A_1968 = tpu.memref_slice %arg7[%dma_wait3A_1961, %dma_wait3A_1966, %dma_wait3A_1967] : memref<2x8x128xi32, #tpu.memory_space<vmem>> -> memref<1x8x128xi32, #tpu.memory_space<vmem>>
      %dma_wait3A_1969 = tpu.memref_squeeze %dma_wait3A_1968 : memref<1x8x128xi32, #tpu.memory_space<vmem>> -> memref<8x128xi32, #tpu.memory_space<vmem>>
      %dma_wait3A_1970 = arith.constant 0 : i32
      %dma_wait3A_1971 = tpu.memref_slice %dma_wait3A_1969[%dma_wait3A_1962, %dma_wait3A_1970] : memref<8x128xi32, #tpu.memory_space<vmem>> -> memref<1x128xi32, #tpu.memory_space<vmem>>
      %dma_wait3A_1972 = tpu.memref_squeeze %dma_wait3A_1971 : memref<1x128xi32, #tpu.memory_space<vmem>> -> memref<128xi32, #tpu.memory_space<vmem>>
      %dma_wait3A_1973 = arith.constant 0 : i32
      %dma_wait3A_1974 = arith.constant 0 : i32
      %dma_wait3A_1975 = tpu.memref_slice %arg2[%dma_wait3A_1973, %dma_wait3A_1974] : memref<200000x9xf32, #tpu.memory_space<hbm>> -> memref<200000x9xf32, #tpu.memory_space<hbm>>
      tpu.wait_indirect_dma semaphore(%arg12 : memref<!tpu.dma_semaphore, #tpu.memory_space<semaphore_mem>>) src(%dma_wait3A_1975 : memref<200000x9xf32, #tpu.memory_space<hbm>>) dst(%dma_wait3A_1965 : memref<128x9xf32, #tpu.memory_space<vmem>>)
      %dma_wait3A_1976 = arith.constant 1 : i32
      %dma_wait3A_1977 = arith.constant 4 : i32
      %dma_wait3A_1978 = arith.constant 512 : i32
      %dma_wait3A_1979 = arith.constant 0 : i32
      %dma_wait3A_1980 = tpu.memref_slice %arg9[%dma_wait3A_1978, %dma_wait3A_1979] : memref<1024x9xf32, #tpu.memory_space<vmem>> -> memref<128x9xf32, #tpu.memory_space<vmem>>
      %dma_wait3A_1981 = arith.constant 0 : i32
      %dma_wait3A_1982 = arith.constant 0 : i32
      %dma_wait3A_1983 = tpu.memref_slice %arg7[%dma_wait3A_1976, %dma_wait3A_1981, %dma_wait3A_1982] : memref<2x8x128xi32, #tpu.memory_space<vmem>> -> memref<1x8x128xi32, #tpu.memory_space<vmem>>
      %dma_wait3A_1984 = tpu.memref_squeeze %dma_wait3A_1983 : memref<1x8x128xi32, #tpu.memory_space<vmem>> -> memref<8x128xi32, #tpu.memory_space<vmem>>
      %dma_wait3A_1985 = arith.constant 0 : i32
      %dma_wait3A_1986 = tpu.memref_slice %dma_wait3A_1984[%dma_wait3A_1977, %dma_wait3A_1985] : memref<8x128xi32, #tpu.memory_space<vmem>> -> memref<1x128xi32, #tpu.memory_space<vmem>>
      %dma_wait3A_1987 = tpu.memref_squeeze %dma_wait3A_1986 : memref<1x128xi32, #tpu.memory_space<vmem>> -> memref<128xi32, #tpu.memory_space<vmem>>
      %dma_wait3A_1988 = arith.constant 0 : i32
      %dma_wait3A_1989 = arith.constant 0 : i32
      %dma_wait3A_1990 = tpu.memref_slice %arg2[%dma_wait3A_1988, %dma_wait3A_1989] : memref<200000x9xf32, #tpu.memory_space<hbm>> -> memref<200000x9xf32, #tpu.memory_space<hbm>>
      tpu.wait_indirect_dma semaphore(%arg12 : memref<!tpu.dma_semaphore, #tpu.memory_space<semaphore_mem>>) src(%dma_wait3A_1990 : memref<200000x9xf32, #tpu.memory_space<hbm>>) dst(%dma_wait3A_1980 : memref<128x9xf32, #tpu.memory_space<vmem>>)
      %dma_wait3A_1991 = arith.constant 1 : i32
      %dma_wait3A_1992 = arith.constant 5 : i32
      %dma_wait3A_1993 = arith.constant 640 : i32
      %dma_wait3A_1994 = arith.constant 0 : i32
      %dma_wait3A_1995 = tpu.memref_slice %arg9[%dma_wait3A_1993, %dma_wait3A_1994] : memref<1024x9xf32, #tpu.memory_space<vmem>> -> memref<128x9xf32, #tpu.memory_space<vmem>>
      %dma_wait3A_1996 = arith.constant 0 : i32
      %dma_wait3A_1997 = arith.constant 0 : i32
      %dma_wait3A_1998 = tpu.memref_slice %arg7[%dma_wait3A_1991, %dma_wait3A_1996, %dma_wait3A_1997] : memref<2x8x128xi32, #tpu.memory_space<vmem>> -> memref<1x8x128xi32, #tpu.memory_space<vmem>>
      %dma_wait3A_1999 = tpu.memref_squeeze %dma_wait3A_1998 : memref<1x8x128xi32, #tpu.memory_space<vmem>> -> memref<8x128xi32, #tpu.memory_space<vmem>>
      %dma_wait3A_2000 = arith.constant 0 : i32
      %dma_wait3A_2001 = tpu.memref_slice %dma_wait3A_1999[%dma_wait3A_1992, %dma_wait3A_2000] : memref<8x128xi32, #tpu.memory_space<vmem>> -> memref<1x128xi32, #tpu.memory_space<vmem>>
      %dma_wait3A_2002 = tpu.memref_squeeze %dma_wait3A_2001 : memref<1x128xi32, #tpu.memory_space<vmem>> -> memref<128xi32, #tpu.memory_space<vmem>>
      %dma_wait3A_2003 = arith.constant 0 : i32
      %dma_wait3A_2004 = arith.constant 0 : i32
      %dma_wait3A_2005 = tpu.memref_slice %arg2[%dma_wait3A_2003, %dma_wait3A_2004] : memref<200000x9xf32, #tpu.memory_space<hbm>> -> memref<200000x9xf32, #tpu.memory_space<hbm>>
      tpu.wait_indirect_dma semaphore(%arg12 : memref<!tpu.dma_semaphore, #tpu.memory_space<semaphore_mem>>) src(%dma_wait3A_2005 : memref<200000x9xf32, #tpu.memory_space<hbm>>) dst(%dma_wait3A_1995 : memref<128x9xf32, #tpu.memory_space<vmem>>)
      %dma_wait3A_2006 = arith.constant 1 : i32
      %dma_wait3A_2007 = arith.constant 6 : i32
      %dma_wait3A_2008 = arith.constant 768 : i32
      %dma_wait3A_2009 = arith.constant 0 : i32
      %dma_wait3A_2010 = tpu.memref_slice %arg9[%dma_wait3A_2008, %dma_wait3A_2009] : memref<1024x9xf32, #tpu.memory_space<vmem>> -> memref<128x9xf32, #tpu.memory_space<vmem>>
      %dma_wait3A_2011 = arith.constant 0 : i32
      %dma_wait3A_2012 = arith.constant 0 : i32
      %dma_wait3A_2013 = tpu.memref_slice %arg7[%dma_wait3A_2006, %dma_wait3A_2011, %dma_wait3A_2012] : memref<2x8x128xi32, #tpu.memory_space<vmem>> -> memref<1x8x128xi32, #tpu.memory_space<vmem>>
      %dma_wait3A_2014 = tpu.memref_squeeze %dma_wait3A_2013 : memref<1x8x128xi32, #tpu.memory_space<vmem>> -> memref<8x128xi32, #tpu.memory_space<vmem>>
      %dma_wait3A_2015 = arith.constant 0 : i32
      %dma_wait3A_2016 = tpu.memref_slice %dma_wait3A_2014[%dma_wait3A_2007, %dma_wait3A_2015] : memref<8x128xi32, #tpu.memory_space<vmem>> -> memref<1x128xi32, #tpu.memory_space<vmem>>
      %dma_wait3A_2017 = tpu.memref_squeeze %dma_wait3A_2016 : memref<1x128xi32, #tpu.memory_space<vmem>> -> memref<128xi32, #tpu.memory_space<vmem>>
      %dma_wait3A_2018 = arith.constant 0 : i32
      %dma_wait3A_2019 = arith.constant 0 : i32
      %dma_wait3A_2020 = tpu.memref_slice %arg2[%dma_wait3A_2018, %dma_wait3A_2019] : memref<200000x9xf32, #tpu.memory_space<hbm>> -> memref<200000x9xf32, #tpu.memory_space<hbm>>
      tpu.wait_indirect_dma semaphore(%arg12 : memref<!tpu.dma_semaphore, #tpu.memory_space<semaphore_mem>>) src(%dma_wait3A_2020 : memref<200000x9xf32, #tpu.memory_space<hbm>>) dst(%dma_wait3A_2010 : memref<128x9xf32, #tpu.memory_space<vmem>>)
      %dma_wait3A_2021 = arith.constant 1 : i32
      %dma_wait3A_2022 = arith.constant 7 : i32
      %dma_wait3A_2023 = arith.constant 896 : i32
      %dma_wait3A_2024 = arith.constant 0 : i32
      %dma_wait3A_2025 = tpu.memref_slice %arg9[%dma_wait3A_2023, %dma_wait3A_2024] : memref<1024x9xf32, #tpu.memory_space<vmem>> -> memref<128x9xf32, #tpu.memory_space<vmem>>
      %dma_wait3A_2026 = arith.constant 0 : i32
      %dma_wait3A_2027 = arith.constant 0 : i32
      %dma_wait3A_2028 = tpu.memref_slice %arg7[%dma_wait3A_2021, %dma_wait3A_2026, %dma_wait3A_2027] : memref<2x8x128xi32, #tpu.memory_space<vmem>> -> memref<1x8x128xi32, #tpu.memory_space<vmem>>
      %dma_wait3A_2029 = tpu.memref_squeeze %dma_wait3A_2028 : memref<1x8x128xi32, #tpu.memory_space<vmem>> -> memref<8x128xi32, #tpu.memory_space<vmem>>
      %dma_wait3A_2030 = arith.constant 0 : i32
      %dma_wait3A_2031 = tpu.memref_slice %dma_wait3A_2029[%dma_wait3A_2022, %dma_wait3A_2030] : memref<8x128xi32, #tpu.memory_space<vmem>> -> memref<1x128xi32, #tpu.memory_space<vmem>>
      %dma_wait3A_2032 = tpu.memref_squeeze %dma_wait3A_2031 : memref<1x128xi32, #tpu.memory_space<vmem>> -> memref<128xi32, #tpu.memory_space<vmem>>
      %dma_wait3A_2033 = arith.constant 0 : i32
      %dma_wait3A_2034 = arith.constant 0 : i32
      %dma_wait3A_2035 = tpu.memref_slice %arg2[%dma_wait3A_2033, %dma_wait3A_2034] : memref<200000x9xf32, #tpu.memory_space<hbm>> -> memref<200000x9xf32, #tpu.memory_space<hbm>>
      tpu.wait_indirect_dma semaphore(%arg12 : memref<!tpu.dma_semaphore, #tpu.memory_space<semaphore_mem>>) src(%dma_wait3A_2035 : memref<200000x9xf32, #tpu.memory_space<hbm>>) dst(%dma_wait3A_2025 : memref<128x9xf32, #tpu.memory_space<vmem>>)
      %dma_start3A_2036 = arith.constant 0 : i32
      %dma_start3A_2037 = arith.constant 0 : i32
      %dma_start3A_2038 = arith.constant 0 : i32
      %dma_start3A_2039 = tpu.memref_slice %arg7[%dma_start3A_2036, %dma_start3A_2037, %dma_start3A_2038] : memref<2x8x128xi32, #tpu.memory_space<vmem>> -> memref<1x8x128xi32, #tpu.memory_space<vmem>>
      %dma_start3A_2040 = tpu.memref_squeeze %dma_start3A_2039 : memref<1x8x128xi32, #tpu.memory_space<vmem>> -> memref<8x128xi32, #tpu.memory_space<vmem>>
      %dma_start3A_2041 = arith.constant 0 : i32
      %dma_start3A_2042 = arith.constant 0 : i32
      %dma_start3A_2043 = arith.constant 0 : i32
      %dma_start3A_2044 = tpu.memref_slice %arg3[%arg0, %dma_start3A_2041, %dma_start3A_2042, %dma_start3A_2043] : memref<2x3136x8x128xi32, #tpu.memory_space<hbm>> -> memref<1x3136x8x128xi32, #tpu.memory_space<hbm>>
      %dma_start3A_2045 = tpu.memref_squeeze %dma_start3A_2044 : memref<1x3136x8x128xi32, #tpu.memory_space<hbm>> -> memref<3136x8x128xi32, #tpu.memory_space<hbm>>
      %dma_start3A_2046 = arith.constant 0 : i32
      %dma_start3A_2047 = arith.constant 0 : i32
      %dma_start3A_2048 = tpu.memref_slice %dma_start3A_2045[%add3A_1748, %dma_start3A_2046, %dma_start3A_2047] : memref<3136x8x128xi32, #tpu.memory_space<hbm>> -> memref<1x8x128xi32, #tpu.memory_space<hbm>>
      %dma_start3A_2049 = tpu.memref_squeeze %dma_start3A_2048 : memref<1x8x128xi32, #tpu.memory_space<hbm>> -> memref<8x128xi32, #tpu.memory_space<hbm>>
      %dma_start3A_2050 = arith.constant 0 : i32
      %dma_start3A_2051 = arith.constant 0 : i32
      %dma_start3A_2052 = tpu.memref_slice %arg7[%dma_start3A_2036, %dma_start3A_2050, %dma_start3A_2051] : memref<2x8x128xi32, #tpu.memory_space<vmem>> -> memref<1x8x128xi32, #tpu.memory_space<vmem>>
      %dma_start3A_2053 = tpu.memref_squeeze %dma_start3A_2052 : memref<1x8x128xi32, #tpu.memory_space<vmem>> -> memref<8x128xi32, #tpu.memory_space<vmem>>
      %dma_start3A_2054 = arith.constant 0 : i32
      %dma_start3A_2055 = arith.constant 0 : i32
      %dma_start3A_2056 = arith.constant 0 : i32
      %dma_start3A_2057 = tpu.memref_slice %arg3[%arg0, %dma_start3A_2054, %dma_start3A_2055, %dma_start3A_2056] : memref<2x3136x8x128xi32, #tpu.memory_space<hbm>> -> memref<1x3136x8x128xi32, #tpu.memory_space<hbm>>
      %dma_start3A_2058 = tpu.memref_squeeze %dma_start3A_2057 : memref<1x3136x8x128xi32, #tpu.memory_space<hbm>> -> memref<3136x8x128xi32, #tpu.memory_space<hbm>>
      %dma_start3A_2059 = arith.constant 0 : i32
      %dma_start3A_2060 = arith.constant 0 : i32
      %dma_start3A_2061 = tpu.memref_slice %dma_start3A_2058[%add3A_1748, %dma_start3A_2059, %dma_start3A_2060] : memref<3136x8x128xi32, #tpu.memory_space<hbm>> -> memref<1x8x128xi32, #tpu.memory_space<hbm>>
      %dma_start3A_2062 = tpu.memref_squeeze %dma_start3A_2061 : memref<1x8x128xi32, #tpu.memory_space<hbm>> -> memref<8x128xi32, #tpu.memory_space<hbm>>
      tpu.enqueue_dma source(%dma_start3A_2062 : memref<8x128xi32, #tpu.memory_space<hbm>>) target(%dma_start3A_2053 : memref<8x128xi32, #tpu.memory_space<vmem>>) target_semaphore(%arg11 : memref<!tpu.dma_semaphore, #tpu.memory_space<semaphore_mem>>)
      %dma_start3A_2063 = arith.constant 0 : i32
      %dma_start3A_2064 = arith.constant 0 : i32
      %dma_start3A_2065 = arith.constant 0 : i32
      %dma_start3A_2066 = tpu.memref_slice %arg8[%dma_start3A_2063, %dma_start3A_2064, %dma_start3A_2065] : memref<2x8x128xi32, #tpu.memory_space<vmem>> -> memref<1x8x128xi32, #tpu.memory_space<vmem>>
      %dma_start3A_2067 = tpu.memref_squeeze %dma_start3A_2066 : memref<1x8x128xi32, #tpu.memory_space<vmem>> -> memref<8x128xi32, #tpu.memory_space<vmem>>
      %dma_start3A_2068 = arith.constant 0 : i32
      %dma_start3A_2069 = arith.constant 0 : i32
      %dma_start3A_2070 = tpu.memref_slice %arg4[%add3A_1748, %dma_start3A_2068, %dma_start3A_2069] : memref<3136x8x128xi32, #tpu.memory_space<hbm>> -> memref<1x8x128xi32, #tpu.memory_space<hbm>>
      %dma_start3A_2071 = tpu.memref_squeeze %dma_start3A_2070 : memref<1x8x128xi32, #tpu.memory_space<hbm>> -> memref<8x128xi32, #tpu.memory_space<hbm>>
      %dma_start3A_2072 = arith.constant 0 : i32
      %dma_start3A_2073 = arith.constant 0 : i32
      %dma_start3A_2074 = tpu.memref_slice %arg8[%dma_start3A_2063, %dma_start3A_2072, %dma_start3A_2073] : memref<2x8x128xi32, #tpu.memory_space<vmem>> -> memref<1x8x128xi32, #tpu.memory_space<vmem>>
      %dma_start3A_2075 = tpu.memref_squeeze %dma_start3A_2074 : memref<1x8x128xi32, #tpu.memory_space<vmem>> -> memref<8x128xi32, #tpu.memory_space<vmem>>
      %dma_start3A_2076 = arith.constant 0 : i32
      %dma_start3A_2077 = arith.constant 0 : i32
      %dma_start3A_2078 = tpu.memref_slice %arg4[%add3A_1748, %dma_start3A_2076, %dma_start3A_2077] : memref<3136x8x128xi32, #tpu.memory_space<hbm>> -> memref<1x8x128xi32, #tpu.memory_space<hbm>>
      %dma_start3A_2079 = tpu.memref_squeeze %dma_start3A_2078 : memref<1x8x128xi32, #tpu.memory_space<hbm>> -> memref<8x128xi32, #tpu.memory_space<hbm>>
      tpu.enqueue_dma source(%dma_start3A_2079 : memref<8x128xi32, #tpu.memory_space<hbm>>) target(%dma_start3A_2075 : memref<8x128xi32, #tpu.memory_space<vmem>>) target_semaphore(%arg11 : memref<!tpu.dma_semaphore, #tpu.memory_space<semaphore_mem>>)
      %dma_start3A_2080 = arith.constant 1 : i32
      %dma_start3A_2081 = arith.constant 0 : i32
      %dma_start3A_2082 = arith.constant 0 : i32
      %dma_start3A_2083 = arith.constant 0 : i32
      %dma_start3A_2084 = tpu.memref_slice %arg9[%dma_start3A_2082, %dma_start3A_2083] : memref<1024x9xf32, #tpu.memory_space<vmem>> -> memref<128x9xf32, #tpu.memory_space<vmem>>
      %dma_start3A_2085 = arith.constant 0 : i32
      %dma_start3A_2086 = arith.constant 0 : i32
      %dma_start3A_2087 = tpu.memref_slice %arg8[%dma_start3A_2080, %dma_start3A_2085, %dma_start3A_2086] : memref<2x8x128xi32, #tpu.memory_space<vmem>> -> memref<1x8x128xi32, #tpu.memory_space<vmem>>
      %dma_start3A_2088 = tpu.memref_squeeze %dma_start3A_2087 : memref<1x8x128xi32, #tpu.memory_space<vmem>> -> memref<8x128xi32, #tpu.memory_space<vmem>>
      %dma_start3A_2089 = arith.constant 0 : i32
      %dma_start3A_2090 = tpu.memref_slice %dma_start3A_2088[%dma_start3A_2081, %dma_start3A_2089] : memref<8x128xi32, #tpu.memory_space<vmem>> -> memref<1x128xi32, #tpu.memory_space<vmem>>
      %dma_start3A_2091 = tpu.memref_squeeze %dma_start3A_2090 : memref<1x128xi32, #tpu.memory_space<vmem>> -> memref<128xi32, #tpu.memory_space<vmem>>
      %dma_start3A_2092 = arith.constant 0 : i32
      %dma_start3A_2093 = arith.constant 0 : i32
      %dma_start3A_2094 = tpu.memref_slice %arg10[%dma_start3A_2092, %dma_start3A_2093] : memref<100352x9xf32, #tpu.memory_space<vmem_shared>> -> memref<100352x9xf32, #tpu.memory_space<vmem_shared>>
      tpu.enqueue_indirect_dma source(%dma_start3A_2084 : memref<128x9xf32, #tpu.memory_space<vmem>>) target(%dma_start3A_2094 : memref<100352x9xf32, #tpu.memory_space<vmem_shared>>) offsets(%dma_start3A_2091 : memref<128xi32, #tpu.memory_space<vmem>>) semaphore(%arg13 : memref<!tpu.dma_semaphore, #tpu.memory_space<semaphore_mem>>) {add = true}
      %dma_start3A_2095 = arith.constant 1 : i32
      %dma_start3A_2096 = arith.constant 1 : i32
      %dma_start3A_2097 = arith.constant 128 : i32
      %dma_start3A_2098 = arith.constant 0 : i32
      %dma_start3A_2099 = tpu.memref_slice %arg9[%dma_start3A_2097, %dma_start3A_2098] : memref<1024x9xf32, #tpu.memory_space<vmem>> -> memref<128x9xf32, #tpu.memory_space<vmem>>
      %dma_start3A_2100 = arith.constant 0 : i32
      %dma_start3A_2101 = arith.constant 0 : i32
      %dma_start3A_2102 = tpu.memref_slice %arg8[%dma_start3A_2095, %dma_start3A_2100, %dma_start3A_2101] : memref<2x8x128xi32, #tpu.memory_space<vmem>> -> memref<1x8x128xi32, #tpu.memory_space<vmem>>
      %dma_start3A_2103 = tpu.memref_squeeze %dma_start3A_2102 : memref<1x8x128xi32, #tpu.memory_space<vmem>> -> memref<8x128xi32, #tpu.memory_space<vmem>>
      %dma_start3A_2104 = arith.constant 0 : i32
      %dma_start3A_2105 = tpu.memref_slice %dma_start3A_2103[%dma_start3A_2096, %dma_start3A_2104] : memref<8x128xi32, #tpu.memory_space<vmem>> -> memref<1x128xi32, #tpu.memory_space<vmem>>
      %dma_start3A_2106 = tpu.memref_squeeze %dma_start3A_2105 : memref<1x128xi32, #tpu.memory_space<vmem>> -> memref<128xi32, #tpu.memory_space<vmem>>
      %dma_start3A_2107 = arith.constant 0 : i32
      %dma_start3A_2108 = arith.constant 0 : i32
      %dma_start3A_2109 = tpu.memref_slice %arg10[%dma_start3A_2107, %dma_start3A_2108] : memref<100352x9xf32, #tpu.memory_space<vmem_shared>> -> memref<100352x9xf32, #tpu.memory_space<vmem_shared>>
      tpu.enqueue_indirect_dma source(%dma_start3A_2099 : memref<128x9xf32, #tpu.memory_space<vmem>>) target(%dma_start3A_2109 : memref<100352x9xf32, #tpu.memory_space<vmem_shared>>) offsets(%dma_start3A_2106 : memref<128xi32, #tpu.memory_space<vmem>>) semaphore(%arg13 : memref<!tpu.dma_semaphore, #tpu.memory_space<semaphore_mem>>) {add = true}
      %dma_start3A_2110 = arith.constant 1 : i32
      %dma_start3A_2111 = arith.constant 2 : i32
      %dma_start3A_2112 = arith.constant 256 : i32
      %dma_start3A_2113 = arith.constant 0 : i32
      %dma_start3A_2114 = tpu.memref_slice %arg9[%dma_start3A_2112, %dma_start3A_2113] : memref<1024x9xf32, #tpu.memory_space<vmem>> -> memref<128x9xf32, #tpu.memory_space<vmem>>
      %dma_start3A_2115 = arith.constant 0 : i32
      %dma_start3A_2116 = arith.constant 0 : i32
      %dma_start3A_2117 = tpu.memref_slice %arg8[%dma_start3A_2110, %dma_start3A_2115, %dma_start3A_2116] : memref<2x8x128xi32, #tpu.memory_space<vmem>> -> memref<1x8x128xi32, #tpu.memory_space<vmem>>
      %dma_start3A_2118 = tpu.memref_squeeze %dma_start3A_2117 : memref<1x8x128xi32, #tpu.memory_space<vmem>> -> memref<8x128xi32, #tpu.memory_space<vmem>>
      %dma_start3A_2119 = arith.constant 0 : i32
      %dma_start3A_2120 = tpu.memref_slice %dma_start3A_2118[%dma_start3A_2111, %dma_start3A_2119] : memref<8x128xi32, #tpu.memory_space<vmem>> -> memref<1x128xi32, #tpu.memory_space<vmem>>
      %dma_start3A_2121 = tpu.memref_squeeze %dma_start3A_2120 : memref<1x128xi32, #tpu.memory_space<vmem>> -> memref<128xi32, #tpu.memory_space<vmem>>
      %dma_start3A_2122 = arith.constant 0 : i32
      %dma_start3A_2123 = arith.constant 0 : i32
      %dma_start3A_2124 = tpu.memref_slice %arg10[%dma_start3A_2122, %dma_start3A_2123] : memref<100352x9xf32, #tpu.memory_space<vmem_shared>> -> memref<100352x9xf32, #tpu.memory_space<vmem_shared>>
      tpu.enqueue_indirect_dma source(%dma_start3A_2114 : memref<128x9xf32, #tpu.memory_space<vmem>>) target(%dma_start3A_2124 : memref<100352x9xf32, #tpu.memory_space<vmem_shared>>) offsets(%dma_start3A_2121 : memref<128xi32, #tpu.memory_space<vmem>>) semaphore(%arg13 : memref<!tpu.dma_semaphore, #tpu.memory_space<semaphore_mem>>) {add = true}
      %dma_start3A_2125 = arith.constant 1 : i32
      %dma_start3A_2126 = arith.constant 3 : i32
      %dma_start3A_2127 = arith.constant 384 : i32
      %dma_start3A_2128 = arith.constant 0 : i32
      %dma_start3A_2129 = tpu.memref_slice %arg9[%dma_start3A_2127, %dma_start3A_2128] : memref<1024x9xf32, #tpu.memory_space<vmem>> -> memref<128x9xf32, #tpu.memory_space<vmem>>
      %dma_start3A_2130 = arith.constant 0 : i32
      %dma_start3A_2131 = arith.constant 0 : i32
      %dma_start3A_2132 = tpu.memref_slice %arg8[%dma_start3A_2125, %dma_start3A_2130, %dma_start3A_2131] : memref<2x8x128xi32, #tpu.memory_space<vmem>> -> memref<1x8x128xi32, #tpu.memory_space<vmem>>
      %dma_start3A_2133 = tpu.memref_squeeze %dma_start3A_2132 : memref<1x8x128xi32, #tpu.memory_space<vmem>> -> memref<8x128xi32, #tpu.memory_space<vmem>>
      %dma_start3A_2134 = arith.constant 0 : i32
      %dma_start3A_2135 = tpu.memref_slice %dma_start3A_2133[%dma_start3A_2126, %dma_start3A_2134] : memref<8x128xi32, #tpu.memory_space<vmem>> -> memref<1x128xi32, #tpu.memory_space<vmem>>
      %dma_start3A_2136 = tpu.memref_squeeze %dma_start3A_2135 : memref<1x128xi32, #tpu.memory_space<vmem>> -> memref<128xi32, #tpu.memory_space<vmem>>
      %dma_start3A_2137 = arith.constant 0 : i32
      %dma_start3A_2138 = arith.constant 0 : i32
      %dma_start3A_2139 = tpu.memref_slice %arg10[%dma_start3A_2137, %dma_start3A_2138] : memref<100352x9xf32, #tpu.memory_space<vmem_shared>> -> memref<100352x9xf32, #tpu.memory_space<vmem_shared>>
      tpu.enqueue_indirect_dma source(%dma_start3A_2129 : memref<128x9xf32, #tpu.memory_space<vmem>>) target(%dma_start3A_2139 : memref<100352x9xf32, #tpu.memory_space<vmem_shared>>) offsets(%dma_start3A_2136 : memref<128xi32, #tpu.memory_space<vmem>>) semaphore(%arg13 : memref<!tpu.dma_semaphore, #tpu.memory_space<semaphore_mem>>) {add = true}
      %dma_start3A_2140 = arith.constant 1 : i32
      %dma_start3A_2141 = arith.constant 4 : i32
      %dma_start3A_2142 = arith.constant 512 : i32
      %dma_start3A_2143 = arith.constant 0 : i32
      %dma_start3A_2144 = tpu.memref_slice %arg9[%dma_start3A_2142, %dma_start3A_2143] : memref<1024x9xf32, #tpu.memory_space<vmem>> -> memref<128x9xf32, #tpu.memory_space<vmem>>
      %dma_start3A_2145 = arith.constant 0 : i32
      %dma_start3A_2146 = arith.constant 0 : i32
      %dma_start3A_2147 = tpu.memref_slice %arg8[%dma_start3A_2140, %dma_start3A_2145, %dma_start3A_2146] : memref<2x8x128xi32, #tpu.memory_space<vmem>> -> memref<1x8x128xi32, #tpu.memory_space<vmem>>
      %dma_start3A_2148 = tpu.memref_squeeze %dma_start3A_2147 : memref<1x8x128xi32, #tpu.memory_space<vmem>> -> memref<8x128xi32, #tpu.memory_space<vmem>>
      %dma_start3A_2149 = arith.constant 0 : i32
      %dma_start3A_2150 = tpu.memref_slice %dma_start3A_2148[%dma_start3A_2141, %dma_start3A_2149] : memref<8x128xi32, #tpu.memory_space<vmem>> -> memref<1x128xi32, #tpu.memory_space<vmem>>
      %dma_start3A_2151 = tpu.memref_squeeze %dma_start3A_2150 : memref<1x128xi32, #tpu.memory_space<vmem>> -> memref<128xi32, #tpu.memory_space<vmem>>
      %dma_start3A_2152 = arith.constant 0 : i32
      %dma_start3A_2153 = arith.constant 0 : i32
      %dma_start3A_2154 = tpu.memref_slice %arg10[%dma_start3A_2152, %dma_start3A_2153] : memref<100352x9xf32, #tpu.memory_space<vmem_shared>> -> memref<100352x9xf32, #tpu.memory_space<vmem_shared>>
      tpu.enqueue_indirect_dma source(%dma_start3A_2144 : memref<128x9xf32, #tpu.memory_space<vmem>>) target(%dma_start3A_2154 : memref<100352x9xf32, #tpu.memory_space<vmem_shared>>) offsets(%dma_start3A_2151 : memref<128xi32, #tpu.memory_space<vmem>>) semaphore(%arg13 : memref<!tpu.dma_semaphore, #tpu.memory_space<semaphore_mem>>) {add = true}
      %dma_start3A_2155 = arith.constant 1 : i32
      %dma_start3A_2156 = arith.constant 5 : i32
      %dma_start3A_2157 = arith.constant 640 : i32
      %dma_start3A_2158 = arith.constant 0 : i32
      %dma_start3A_2159 = tpu.memref_slice %arg9[%dma_start3A_2157, %dma_start3A_2158] : memref<1024x9xf32, #tpu.memory_space<vmem>> -> memref<128x9xf32, #tpu.memory_space<vmem>>
      %dma_start3A_2160 = arith.constant 0 : i32
      %dma_start3A_2161 = arith.constant 0 : i32
      %dma_start3A_2162 = tpu.memref_slice %arg8[%dma_start3A_2155, %dma_start3A_2160, %dma_start3A_2161] : memref<2x8x128xi32, #tpu.memory_space<vmem>> -> memref<1x8x128xi32, #tpu.memory_space<vmem>>
      %dma_start3A_2163 = tpu.memref_squeeze %dma_start3A_2162 : memref<1x8x128xi32, #tpu.memory_space<vmem>> -> memref<8x128xi32, #tpu.memory_space<vmem>>
      %dma_start3A_2164 = arith.constant 0 : i32
      %dma_start3A_2165 = tpu.memref_slice %dma_start3A_2163[%dma_start3A_2156, %dma_start3A_2164] : memref<8x128xi32, #tpu.memory_space<vmem>> -> memref<1x128xi32, #tpu.memory_space<vmem>>
      %dma_start3A_2166 = tpu.memref_squeeze %dma_start3A_2165 : memref<1x128xi32, #tpu.memory_space<vmem>> -> memref<128xi32, #tpu.memory_space<vmem>>
      %dma_start3A_2167 = arith.constant 0 : i32
      %dma_start3A_2168 = arith.constant 0 : i32
      %dma_start3A_2169 = tpu.memref_slice %arg10[%dma_start3A_2167, %dma_start3A_2168] : memref<100352x9xf32, #tpu.memory_space<vmem_shared>> -> memref<100352x9xf32, #tpu.memory_space<vmem_shared>>
      tpu.enqueue_indirect_dma source(%dma_start3A_2159 : memref<128x9xf32, #tpu.memory_space<vmem>>) target(%dma_start3A_2169 : memref<100352x9xf32, #tpu.memory_space<vmem_shared>>) offsets(%dma_start3A_2166 : memref<128xi32, #tpu.memory_space<vmem>>) semaphore(%arg13 : memref<!tpu.dma_semaphore, #tpu.memory_space<semaphore_mem>>) {add = true}
      %dma_start3A_2170 = arith.constant 1 : i32
      %dma_start3A_2171 = arith.constant 6 : i32
      %dma_start3A_2172 = arith.constant 768 : i32
      %dma_start3A_2173 = arith.constant 0 : i32
      %dma_start3A_2174 = tpu.memref_slice %arg9[%dma_start3A_2172, %dma_start3A_2173] : memref<1024x9xf32, #tpu.memory_space<vmem>> -> memref<128x9xf32, #tpu.memory_space<vmem>>
      %dma_start3A_2175 = arith.constant 0 : i32
      %dma_start3A_2176 = arith.constant 0 : i32
      %dma_start3A_2177 = tpu.memref_slice %arg8[%dma_start3A_2170, %dma_start3A_2175, %dma_start3A_2176] : memref<2x8x128xi32, #tpu.memory_space<vmem>> -> memref<1x8x128xi32, #tpu.memory_space<vmem>>
      %dma_start3A_2178 = tpu.memref_squeeze %dma_start3A_2177 : memref<1x8x128xi32, #tpu.memory_space<vmem>> -> memref<8x128xi32, #tpu.memory_space<vmem>>
      %dma_start3A_2179 = arith.constant 0 : i32
      %dma_start3A_2180 = tpu.memref_slice %dma_start3A_2178[%dma_start3A_2171, %dma_start3A_2179] : memref<8x128xi32, #tpu.memory_space<vmem>> -> memref<1x128xi32, #tpu.memory_space<vmem>>
      %dma_start3A_2181 = tpu.memref_squeeze %dma_start3A_2180 : memref<1x128xi32, #tpu.memory_space<vmem>> -> memref<128xi32, #tpu.memory_space<vmem>>
      %dma_start3A_2182 = arith.constant 0 : i32
      %dma_start3A_2183 = arith.constant 0 : i32
      %dma_start3A_2184 = tpu.memref_slice %arg10[%dma_start3A_2182, %dma_start3A_2183] : memref<100352x9xf32, #tpu.memory_space<vmem_shared>> -> memref<100352x9xf32, #tpu.memory_space<vmem_shared>>
      tpu.enqueue_indirect_dma source(%dma_start3A_2174 : memref<128x9xf32, #tpu.memory_space<vmem>>) target(%dma_start3A_2184 : memref<100352x9xf32, #tpu.memory_space<vmem_shared>>) offsets(%dma_start3A_2181 : memref<128xi32, #tpu.memory_space<vmem>>) semaphore(%arg13 : memref<!tpu.dma_semaphore, #tpu.memory_space<semaphore_mem>>) {add = true}
      %dma_start3A_2185 = arith.constant 1 : i32
      %dma_start3A_2186 = arith.constant 7 : i32
      %dma_start3A_2187 = arith.constant 896 : i32
      %dma_start3A_2188 = arith.constant 0 : i32
      %dma_start3A_2189 = tpu.memref_slice %arg9[%dma_start3A_2187, %dma_start3A_2188] : memref<1024x9xf32, #tpu.memory_space<vmem>> -> memref<128x9xf32, #tpu.memory_space<vmem>>
      %dma_start3A_2190 = arith.constant 0 : i32
      %dma_start3A_2191 = arith.constant 0 : i32
      %dma_start3A_2192 = tpu.memref_slice %arg8[%dma_start3A_2185, %dma_start3A_2190, %dma_start3A_2191] : memref<2x8x128xi32, #tpu.memory_space<vmem>> -> memref<1x8x128xi32, #tpu.memory_space<vmem>>
      %dma_start3A_2193 = tpu.memref_squeeze %dma_start3A_2192 : memref<1x8x128xi32, #tpu.memory_space<vmem>> -> memref<8x128xi32, #tpu.memory_space<vmem>>
      %dma_start3A_2194 = arith.constant 0 : i32
      %dma_start3A_2195 = tpu.memref_slice %dma_start3A_2193[%dma_start3A_2186, %dma_start3A_2194] : memref<8x128xi32, #tpu.memory_space<vmem>> -> memref<1x128xi32, #tpu.memory_space<vmem>>
      %dma_start3A_2196 = tpu.memref_squeeze %dma_start3A_2195 : memref<1x128xi32, #tpu.memory_space<vmem>> -> memref<128xi32, #tpu.memory_space<vmem>>
      %dma_start3A_2197 = arith.constant 0 : i32
      %dma_start3A_2198 = arith.constant 0 : i32
      %dma_start3A_2199 = tpu.memref_slice %arg10[%dma_start3A_2197, %dma_start3A_2198] : memref<100352x9xf32, #tpu.memory_space<vmem_shared>> -> memref<100352x9xf32, #tpu.memory_space<vmem_shared>>
      tpu.enqueue_indirect_dma source(%dma_start3A_2189 : memref<128x9xf32, #tpu.memory_space<vmem>>) target(%dma_start3A_2199 : memref<100352x9xf32, #tpu.memory_space<vmem_shared>>) offsets(%dma_start3A_2196 : memref<128xi32, #tpu.memory_space<vmem>>) semaphore(%arg13 : memref<!tpu.dma_semaphore, #tpu.memory_space<semaphore_mem>>) {add = true}
      %dma_wait3A_2200 = arith.constant 1 : i32
      %dma_wait3A_2201 = arith.constant 0 : i32
      %dma_wait3A_2202 = arith.constant 0 : i32
      %dma_wait3A_2203 = arith.constant 0 : i32
      %dma_wait3A_2204 = tpu.memref_slice %arg9[%dma_wait3A_2202, %dma_wait3A_2203] : memref<1024x9xf32, #tpu.memory_space<vmem>> -> memref<128x9xf32, #tpu.memory_space<vmem>>
      %dma_wait3A_2205 = arith.constant 0 : i32
      %dma_wait3A_2206 = arith.constant 0 : i32
      %dma_wait3A_2207 = tpu.memref_slice %arg8[%dma_wait3A_2200, %dma_wait3A_2205, %dma_wait3A_2206] : memref<2x8x128xi32, #tpu.memory_space<vmem>> -> memref<1x8x128xi32, #tpu.memory_space<vmem>>
      %dma_wait3A_2208 = tpu.memref_squeeze %dma_wait3A_2207 : memref<1x8x128xi32, #tpu.memory_space<vmem>> -> memref<8x128xi32, #tpu.memory_space<vmem>>
      %dma_wait3A_2209 = arith.constant 0 : i32
      %dma_wait3A_2210 = tpu.memref_slice %dma_wait3A_2208[%dma_wait3A_2201, %dma_wait3A_2209] : memref<8x128xi32, #tpu.memory_space<vmem>> -> memref<1x128xi32, #tpu.memory_space<vmem>>
      %dma_wait3A_2211 = tpu.memref_squeeze %dma_wait3A_2210 : memref<1x128xi32, #tpu.memory_space<vmem>> -> memref<128xi32, #tpu.memory_space<vmem>>
      %dma_wait3A_2212 = arith.constant 0 : i32
      %dma_wait3A_2213 = arith.constant 0 : i32
      %dma_wait3A_2214 = tpu.memref_slice %arg10[%dma_wait3A_2212, %dma_wait3A_2213] : memref<100352x9xf32, #tpu.memory_space<vmem_shared>> -> memref<100352x9xf32, #tpu.memory_space<vmem_shared>>
      tpu.wait_indirect_dma semaphore(%arg13 : memref<!tpu.dma_semaphore, #tpu.memory_space<semaphore_mem>>) src(%dma_wait3A_2204 : memref<128x9xf32, #tpu.memory_space<vmem>>) dst(%dma_wait3A_2214 : memref<100352x9xf32, #tpu.memory_space<vmem_shared>>)
      %dma_wait3A_2215 = arith.constant 1 : i32
      %dma_wait3A_2216 = arith.constant 1 : i32
      %dma_wait3A_2217 = arith.constant 128 : i32
      %dma_wait3A_2218 = arith.constant 0 : i32
      %dma_wait3A_2219 = tpu.memref_slice %arg9[%dma_wait3A_2217, %dma_wait3A_2218] : memref<1024x9xf32, #tpu.memory_space<vmem>> -> memref<128x9xf32, #tpu.memory_space<vmem>>
      %dma_wait3A_2220 = arith.constant 0 : i32
      %dma_wait3A_2221 = arith.constant 0 : i32
      %dma_wait3A_2222 = tpu.memref_slice %arg8[%dma_wait3A_2215, %dma_wait3A_2220, %dma_wait3A_2221] : memref<2x8x128xi32, #tpu.memory_space<vmem>> -> memref<1x8x128xi32, #tpu.memory_space<vmem>>
      %dma_wait3A_2223 = tpu.memref_squeeze %dma_wait3A_2222 : memref<1x8x128xi32, #tpu.memory_space<vmem>> -> memref<8x128xi32, #tpu.memory_space<vmem>>
      %dma_wait3A_2224 = arith.constant 0 : i32
      %dma_wait3A_2225 = tpu.memref_slice %dma_wait3A_2223[%dma_wait3A_2216, %dma_wait3A_2224] : memref<8x128xi32, #tpu.memory_space<vmem>> -> memref<1x128xi32, #tpu.memory_space<vmem>>
      %dma_wait3A_2226 = tpu.memref_squeeze %dma_wait3A_2225 : memref<1x128xi32, #tpu.memory_space<vmem>> -> memref<128xi32, #tpu.memory_space<vmem>>
      %dma_wait3A_2227 = arith.constant 0 : i32
      %dma_wait3A_2228 = arith.constant 0 : i32
      %dma_wait3A_2229 = tpu.memref_slice %arg10[%dma_wait3A_2227, %dma_wait3A_2228] : memref<100352x9xf32, #tpu.memory_space<vmem_shared>> -> memref<100352x9xf32, #tpu.memory_space<vmem_shared>>
      tpu.wait_indirect_dma semaphore(%arg13 : memref<!tpu.dma_semaphore, #tpu.memory_space<semaphore_mem>>) src(%dma_wait3A_2219 : memref<128x9xf32, #tpu.memory_space<vmem>>) dst(%dma_wait3A_2229 : memref<100352x9xf32, #tpu.memory_space<vmem_shared>>)
      %dma_wait3A_2230 = arith.constant 1 : i32
      %dma_wait3A_2231 = arith.constant 2 : i32
      %dma_wait3A_2232 = arith.constant 256 : i32
      %dma_wait3A_2233 = arith.constant 0 : i32
      %dma_wait3A_2234 = tpu.memref_slice %arg9[%dma_wait3A_2232, %dma_wait3A_2233] : memref<1024x9xf32, #tpu.memory_space<vmem>> -> memref<128x9xf32, #tpu.memory_space<vmem>>
      %dma_wait3A_2235 = arith.constant 0 : i32
      %dma_wait3A_2236 = arith.constant 0 : i32
      %dma_wait3A_2237 = tpu.memref_slice %arg8[%dma_wait3A_2230, %dma_wait3A_2235, %dma_wait3A_2236] : memref<2x8x128xi32, #tpu.memory_space<vmem>> -> memref<1x8x128xi32, #tpu.memory_space<vmem>>
      %dma_wait3A_2238 = tpu.memref_squeeze %dma_wait3A_2237 : memref<1x8x128xi32, #tpu.memory_space<vmem>> -> memref<8x128xi32, #tpu.memory_space<vmem>>
      %dma_wait3A_2239 = arith.constant 0 : i32
      %dma_wait3A_2240 = tpu.memref_slice %dma_wait3A_2238[%dma_wait3A_2231, %dma_wait3A_2239] : memref<8x128xi32, #tpu.memory_space<vmem>> -> memref<1x128xi32, #tpu.memory_space<vmem>>
      %dma_wait3A_2241 = tpu.memref_squeeze %dma_wait3A_2240 : memref<1x128xi32, #tpu.memory_space<vmem>> -> memref<128xi32, #tpu.memory_space<vmem>>
      %dma_wait3A_2242 = arith.constant 0 : i32
      %dma_wait3A_2243 = arith.constant 0 : i32
      %dma_wait3A_2244 = tpu.memref_slice %arg10[%dma_wait3A_2242, %dma_wait3A_2243] : memref<100352x9xf32, #tpu.memory_space<vmem_shared>> -> memref<100352x9xf32, #tpu.memory_space<vmem_shared>>
      tpu.wait_indirect_dma semaphore(%arg13 : memref<!tpu.dma_semaphore, #tpu.memory_space<semaphore_mem>>) src(%dma_wait3A_2234 : memref<128x9xf32, #tpu.memory_space<vmem>>) dst(%dma_wait3A_2244 : memref<100352x9xf32, #tpu.memory_space<vmem_shared>>)
      %dma_wait3A_2245 = arith.constant 1 : i32
      %dma_wait3A_2246 = arith.constant 3 : i32
      %dma_wait3A_2247 = arith.constant 384 : i32
      %dma_wait3A_2248 = arith.constant 0 : i32
      %dma_wait3A_2249 = tpu.memref_slice %arg9[%dma_wait3A_2247, %dma_wait3A_2248] : memref<1024x9xf32, #tpu.memory_space<vmem>> -> memref<128x9xf32, #tpu.memory_space<vmem>>
      %dma_wait3A_2250 = arith.constant 0 : i32
      %dma_wait3A_2251 = arith.constant 0 : i32
      %dma_wait3A_2252 = tpu.memref_slice %arg8[%dma_wait3A_2245, %dma_wait3A_2250, %dma_wait3A_2251] : memref<2x8x128xi32, #tpu.memory_space<vmem>> -> memref<1x8x128xi32, #tpu.memory_space<vmem>>
      %dma_wait3A_2253 = tpu.memref_squeeze %dma_wait3A_2252 : memref<1x8x128xi32, #tpu.memory_space<vmem>> -> memref<8x128xi32, #tpu.memory_space<vmem>>
      %dma_wait3A_2254 = arith.constant 0 : i32
      %dma_wait3A_2255 = tpu.memref_slice %dma_wait3A_2253[%dma_wait3A_2246, %dma_wait3A_2254] : memref<8x128xi32, #tpu.memory_space<vmem>> -> memref<1x128xi32, #tpu.memory_space<vmem>>
      %dma_wait3A_2256 = tpu.memref_squeeze %dma_wait3A_2255 : memref<1x128xi32, #tpu.memory_space<vmem>> -> memref<128xi32, #tpu.memory_space<vmem>>
      %dma_wait3A_2257 = arith.constant 0 : i32
      %dma_wait3A_2258 = arith.constant 0 : i32
      %dma_wait3A_2259 = tpu.memref_slice %arg10[%dma_wait3A_2257, %dma_wait3A_2258] : memref<100352x9xf32, #tpu.memory_space<vmem_shared>> -> memref<100352x9xf32, #tpu.memory_space<vmem_shared>>
      tpu.wait_indirect_dma semaphore(%arg13 : memref<!tpu.dma_semaphore, #tpu.memory_space<semaphore_mem>>) src(%dma_wait3A_2249 : memref<128x9xf32, #tpu.memory_space<vmem>>) dst(%dma_wait3A_2259 : memref<100352x9xf32, #tpu.memory_space<vmem_shared>>)
      %dma_wait3A_2260 = arith.constant 1 : i32
      %dma_wait3A_2261 = arith.constant 4 : i32
      %dma_wait3A_2262 = arith.constant 512 : i32
      %dma_wait3A_2263 = arith.constant 0 : i32
      %dma_wait3A_2264 = tpu.memref_slice %arg9[%dma_wait3A_2262, %dma_wait3A_2263] : memref<1024x9xf32, #tpu.memory_space<vmem>> -> memref<128x9xf32, #tpu.memory_space<vmem>>
      %dma_wait3A_2265 = arith.constant 0 : i32
      %dma_wait3A_2266 = arith.constant 0 : i32
      %dma_wait3A_2267 = tpu.memref_slice %arg8[%dma_wait3A_2260, %dma_wait3A_2265, %dma_wait3A_2266] : memref<2x8x128xi32, #tpu.memory_space<vmem>> -> memref<1x8x128xi32, #tpu.memory_space<vmem>>
      %dma_wait3A_2268 = tpu.memref_squeeze %dma_wait3A_2267 : memref<1x8x128xi32, #tpu.memory_space<vmem>> -> memref<8x128xi32, #tpu.memory_space<vmem>>
      %dma_wait3A_2269 = arith.constant 0 : i32
      %dma_wait3A_2270 = tpu.memref_slice %dma_wait3A_2268[%dma_wait3A_2261, %dma_wait3A_2269] : memref<8x128xi32, #tpu.memory_space<vmem>> -> memref<1x128xi32, #tpu.memory_space<vmem>>
      %dma_wait3A_2271 = tpu.memref_squeeze %dma_wait3A_2270 : memref<1x128xi32, #tpu.memory_space<vmem>> -> memref<128xi32, #tpu.memory_space<vmem>>
      %dma_wait3A_2272 = arith.constant 0 : i32
      %dma_wait3A_2273 = arith.constant 0 : i32
      %dma_wait3A_2274 = tpu.memref_slice %arg10[%dma_wait3A_2272, %dma_wait3A_2273] : memref<100352x9xf32, #tpu.memory_space<vmem_shared>> -> memref<100352x9xf32, #tpu.memory_space<vmem_shared>>
      tpu.wait_indirect_dma semaphore(%arg13 : memref<!tpu.dma_semaphore, #tpu.memory_space<semaphore_mem>>) src(%dma_wait3A_2264 : memref<128x9xf32, #tpu.memory_space<vmem>>) dst(%dma_wait3A_2274 : memref<100352x9xf32, #tpu.memory_space<vmem_shared>>)
      %dma_wait3A_2275 = arith.constant 1 : i32
      %dma_wait3A_2276 = arith.constant 5 : i32
      %dma_wait3A_2277 = arith.constant 640 : i32
      %dma_wait3A_2278 = arith.constant 0 : i32
      %dma_wait3A_2279 = tpu.memref_slice %arg9[%dma_wait3A_2277, %dma_wait3A_2278] : memref<1024x9xf32, #tpu.memory_space<vmem>> -> memref<128x9xf32, #tpu.memory_space<vmem>>
      %dma_wait3A_2280 = arith.constant 0 : i32
      %dma_wait3A_2281 = arith.constant 0 : i32
      %dma_wait3A_2282 = tpu.memref_slice %arg8[%dma_wait3A_2275, %dma_wait3A_2280, %dma_wait3A_2281] : memref<2x8x128xi32, #tpu.memory_space<vmem>> -> memref<1x8x128xi32, #tpu.memory_space<vmem>>
      %dma_wait3A_2283 = tpu.memref_squeeze %dma_wait3A_2282 : memref<1x8x128xi32, #tpu.memory_space<vmem>> -> memref<8x128xi32, #tpu.memory_space<vmem>>
      %dma_wait3A_2284 = arith.constant 0 : i32
      %dma_wait3A_2285 = tpu.memref_slice %dma_wait3A_2283[%dma_wait3A_2276, %dma_wait3A_2284] : memref<8x128xi32, #tpu.memory_space<vmem>> -> memref<1x128xi32, #tpu.memory_space<vmem>>
      %dma_wait3A_2286 = tpu.memref_squeeze %dma_wait3A_2285 : memref<1x128xi32, #tpu.memory_space<vmem>> -> memref<128xi32, #tpu.memory_space<vmem>>
      %dma_wait3A_2287 = arith.constant 0 : i32
      %dma_wait3A_2288 = arith.constant 0 : i32
      %dma_wait3A_2289 = tpu.memref_slice %arg10[%dma_wait3A_2287, %dma_wait3A_2288] : memref<100352x9xf32, #tpu.memory_space<vmem_shared>> -> memref<100352x9xf32, #tpu.memory_space<vmem_shared>>
      tpu.wait_indirect_dma semaphore(%arg13 : memref<!tpu.dma_semaphore, #tpu.memory_space<semaphore_mem>>) src(%dma_wait3A_2279 : memref<128x9xf32, #tpu.memory_space<vmem>>) dst(%dma_wait3A_2289 : memref<100352x9xf32, #tpu.memory_space<vmem_shared>>)
      %dma_wait3A_2290 = arith.constant 1 : i32
      %dma_wait3A_2291 = arith.constant 6 : i32
      %dma_wait3A_2292 = arith.constant 768 : i32
      %dma_wait3A_2293 = arith.constant 0 : i32
      %dma_wait3A_2294 = tpu.memref_slice %arg9[%dma_wait3A_2292, %dma_wait3A_2293] : memref<1024x9xf32, #tpu.memory_space<vmem>> -> memref<128x9xf32, #tpu.memory_space<vmem>>
      %dma_wait3A_2295 = arith.constant 0 : i32
      %dma_wait3A_2296 = arith.constant 0 : i32
      %dma_wait3A_2297 = tpu.memref_slice %arg8[%dma_wait3A_2290, %dma_wait3A_2295, %dma_wait3A_2296] : memref<2x8x128xi32, #tpu.memory_space<vmem>> -> memref<1x8x128xi32, #tpu.memory_space<vmem>>
      %dma_wait3A_2298 = tpu.memref_squeeze %dma_wait3A_2297 : memref<1x8x128xi32, #tpu.memory_space<vmem>> -> memref<8x128xi32, #tpu.memory_space<vmem>>
      %dma_wait3A_2299 = arith.constant 0 : i32
      %dma_wait3A_2300 = tpu.memref_slice %dma_wait3A_2298[%dma_wait3A_2291, %dma_wait3A_2299] : memref<8x128xi32, #tpu.memory_space<vmem>> -> memref<1x128xi32, #tpu.memory_space<vmem>>
      %dma_wait3A_2301 = tpu.memref_squeeze %dma_wait3A_2300 : memref<1x128xi32, #tpu.memory_space<vmem>> -> memref<128xi32, #tpu.memory_space<vmem>>
      %dma_wait3A_2302 = arith.constant 0 : i32
      %dma_wait3A_2303 = arith.constant 0 : i32
      %dma_wait3A_2304 = tpu.memref_slice %arg10[%dma_wait3A_2302, %dma_wait3A_2303] : memref<100352x9xf32, #tpu.memory_space<vmem_shared>> -> memref<100352x9xf32, #tpu.memory_space<vmem_shared>>
      tpu.wait_indirect_dma semaphore(%arg13 : memref<!tpu.dma_semaphore, #tpu.memory_space<semaphore_mem>>) src(%dma_wait3A_2294 : memref<128x9xf32, #tpu.memory_space<vmem>>) dst(%dma_wait3A_2304 : memref<100352x9xf32, #tpu.memory_space<vmem_shared>>)
      %dma_wait3A_2305 = arith.constant 1 : i32
      %dma_wait3A_2306 = arith.constant 7 : i32
      %dma_wait3A_2307 = arith.constant 896 : i32
      %dma_wait3A_2308 = arith.constant 0 : i32
      %dma_wait3A_2309 = tpu.memref_slice %arg9[%dma_wait3A_2307, %dma_wait3A_2308] : memref<1024x9xf32, #tpu.memory_space<vmem>> -> memref<128x9xf32, #tpu.memory_space<vmem>>
      %dma_wait3A_2310 = arith.constant 0 : i32
      %dma_wait3A_2311 = arith.constant 0 : i32
      %dma_wait3A_2312 = tpu.memref_slice %arg8[%dma_wait3A_2305, %dma_wait3A_2310, %dma_wait3A_2311] : memref<2x8x128xi32, #tpu.memory_space<vmem>> -> memref<1x8x128xi32, #tpu.memory_space<vmem>>
      %dma_wait3A_2313 = tpu.memref_squeeze %dma_wait3A_2312 : memref<1x8x128xi32, #tpu.memory_space<vmem>> -> memref<8x128xi32, #tpu.memory_space<vmem>>
      %dma_wait3A_2314 = arith.constant 0 : i32
      %dma_wait3A_2315 = tpu.memref_slice %dma_wait3A_2313[%dma_wait3A_2306, %dma_wait3A_2314] : memref<8x128xi32, #tpu.memory_space<vmem>> -> memref<1x128xi32, #tpu.memory_space<vmem>>
      %dma_wait3A_2316 = tpu.memref_squeeze %dma_wait3A_2315 : memref<1x128xi32, #tpu.memory_space<vmem>> -> memref<128xi32, #tpu.memory_space<vmem>>
      %dma_wait3A_2317 = arith.constant 0 : i32
      %dma_wait3A_2318 = arith.constant 0 : i32
      %dma_wait3A_2319 = tpu.memref_slice %arg10[%dma_wait3A_2317, %dma_wait3A_2318] : memref<100352x9xf32, #tpu.memory_space<vmem_shared>> -> memref<100352x9xf32, #tpu.memory_space<vmem_shared>>
      tpu.wait_indirect_dma semaphore(%arg13 : memref<!tpu.dma_semaphore, #tpu.memory_space<semaphore_mem>>) src(%dma_wait3A_2309 : memref<128x9xf32, #tpu.memory_space<vmem>>) dst(%dma_wait3A_2319 : memref<100352x9xf32, #tpu.memory_space<vmem_shared>>)
    }
    %scan3A_67 = arith.constant 97 : i32
    %add3A_68 = arith.constant 196 : i32
    %add3A_69 = arith.addi %mul3A_19, %add3A_68 : i32
    %sub3A = arith.constant 1 : i32
    %sub3A_70 = arith.subi %add3A_69, %sub3A : i32
    %dma_wait3A = arith.constant 0 : i32
    %dma_wait3A_71 = arith.constant 0 : i32
    %dma_wait3A_72 = arith.constant 0 : i32
    %dma_wait3A_73 = arith.constant 0 : i32
    %dma_wait3A_74 = arith.constant 0 : i32
    %dma_wait3A_75 = tpu.memref_slice %arg7[%dma_wait3A_72, %dma_wait3A_73, %dma_wait3A_74] : memref<2x8x128xi32, #tpu.memory_space<vmem>> -> memref<1x8x128xi32, #tpu.memory_space<vmem>>
    %dma_wait3A_76 = tpu.memref_squeeze %dma_wait3A_75 : memref<1x8x128xi32, #tpu.memory_space<vmem>> -> memref<8x128xi32, #tpu.memory_space<vmem>>
    %dma_wait3A_77 = arith.constant 0 : i32
    %dma_wait3A_78 = arith.constant 0 : i32
    %dma_wait3A_79 = arith.constant 0 : i32
    %dma_wait3A_80 = tpu.memref_slice %arg3[%dma_wait3A, %dma_wait3A_77, %dma_wait3A_78, %dma_wait3A_79] : memref<2x3136x8x128xi32, #tpu.memory_space<hbm>> -> memref<1x3136x8x128xi32, #tpu.memory_space<hbm>>
    %dma_wait3A_81 = tpu.memref_squeeze %dma_wait3A_80 : memref<1x3136x8x128xi32, #tpu.memory_space<hbm>> -> memref<3136x8x128xi32, #tpu.memory_space<hbm>>
    %dma_wait3A_82 = arith.constant 0 : i32
    %dma_wait3A_83 = arith.constant 0 : i32
    %dma_wait3A_84 = tpu.memref_slice %dma_wait3A_81[%dma_wait3A_71, %dma_wait3A_82, %dma_wait3A_83] : memref<3136x8x128xi32, #tpu.memory_space<hbm>> -> memref<1x8x128xi32, #tpu.memory_space<hbm>>
    %dma_wait3A_85 = tpu.memref_squeeze %dma_wait3A_84 : memref<1x8x128xi32, #tpu.memory_space<hbm>> -> memref<8x128xi32, #tpu.memory_space<hbm>>
    %dma_wait3A_86 = arith.constant 0 : i32
    %dma_wait3A_87 = arith.constant 0 : i32
    %dma_wait3A_88 = tpu.memref_slice %arg7[%dma_wait3A_72, %dma_wait3A_86, %dma_wait3A_87] : memref<2x8x128xi32, #tpu.memory_space<vmem>> -> memref<1x8x128xi32, #tpu.memory_space<vmem>>
    %dma_wait3A_89 = tpu.memref_squeeze %dma_wait3A_88 : memref<1x8x128xi32, #tpu.memory_space<vmem>> -> memref<8x128xi32, #tpu.memory_space<vmem>>
    %dma_wait3A_90 = arith.constant 0 : i32
    %dma_wait3A_91 = arith.constant 0 : i32
    %dma_wait3A_92 = arith.constant 0 : i32
    %dma_wait3A_93 = tpu.memref_slice %arg3[%dma_wait3A, %dma_wait3A_90, %dma_wait3A_91, %dma_wait3A_92] : memref<2x3136x8x128xi32, #tpu.memory_space<hbm>> -> memref<1x3136x8x128xi32, #tpu.memory_space<hbm>>
    %dma_wait3A_94 = tpu.memref_squeeze %dma_wait3A_93 : memref<1x3136x8x128xi32, #tpu.memory_space<hbm>> -> memref<3136x8x128xi32, #tpu.memory_space<hbm>>
    %dma_wait3A_95 = arith.constant 0 : i32
    %dma_wait3A_96 = arith.constant 0 : i32
    %dma_wait3A_97 = tpu.memref_slice %dma_wait3A_94[%dma_wait3A_71, %dma_wait3A_95, %dma_wait3A_96] : memref<3136x8x128xi32, #tpu.memory_space<hbm>> -> memref<1x8x128xi32, #tpu.memory_space<hbm>>
    %dma_wait3A_98 = tpu.memref_squeeze %dma_wait3A_97 : memref<1x8x128xi32, #tpu.memory_space<hbm>> -> memref<8x128xi32, #tpu.memory_space<hbm>>
    tpu.wait_dma2 semaphore(%arg11 : memref<!tpu.dma_semaphore, #tpu.memory_space<semaphore_mem>>) src(%dma_wait3A_98 : memref<8x128xi32, #tpu.memory_space<hbm>>) dst(%dma_wait3A_89 : memref<8x128xi32, #tpu.memory_space<vmem>>)
    %dma_wait3A_99 = arith.constant 0 : i32
    %dma_wait3A_100 = arith.constant 0 : i32
    %dma_wait3A_101 = arith.constant 0 : i32
    %dma_wait3A_102 = arith.constant 0 : i32
    %dma_wait3A_103 = tpu.memref_slice %arg8[%dma_wait3A_100, %dma_wait3A_101, %dma_wait3A_102] : memref<2x8x128xi32, #tpu.memory_space<vmem>> -> memref<1x8x128xi32, #tpu.memory_space<vmem>>
    %dma_wait3A_104 = tpu.memref_squeeze %dma_wait3A_103 : memref<1x8x128xi32, #tpu.memory_space<vmem>> -> memref<8x128xi32, #tpu.memory_space<vmem>>
    %dma_wait3A_105 = arith.constant 0 : i32
    %dma_wait3A_106 = arith.constant 0 : i32
    %dma_wait3A_107 = tpu.memref_slice %arg4[%dma_wait3A_99, %dma_wait3A_105, %dma_wait3A_106] : memref<3136x8x128xi32, #tpu.memory_space<hbm>> -> memref<1x8x128xi32, #tpu.memory_space<hbm>>
    %dma_wait3A_108 = tpu.memref_squeeze %dma_wait3A_107 : memref<1x8x128xi32, #tpu.memory_space<hbm>> -> memref<8x128xi32, #tpu.memory_space<hbm>>
    %dma_wait3A_109 = arith.constant 0 : i32
    %dma_wait3A_110 = arith.constant 0 : i32
    %dma_wait3A_111 = tpu.memref_slice %arg8[%dma_wait3A_100, %dma_wait3A_109, %dma_wait3A_110] : memref<2x8x128xi32, #tpu.memory_space<vmem>> -> memref<1x8x128xi32, #tpu.memory_space<vmem>>
    %dma_wait3A_112 = tpu.memref_squeeze %dma_wait3A_111 : memref<1x8x128xi32, #tpu.memory_space<vmem>> -> memref<8x128xi32, #tpu.memory_space<vmem>>
    %dma_wait3A_113 = arith.constant 0 : i32
    %dma_wait3A_114 = arith.constant 0 : i32
    %dma_wait3A_115 = tpu.memref_slice %arg4[%dma_wait3A_99, %dma_wait3A_113, %dma_wait3A_114] : memref<3136x8x128xi32, #tpu.memory_space<hbm>> -> memref<1x8x128xi32, #tpu.memory_space<hbm>>
    %dma_wait3A_116 = tpu.memref_squeeze %dma_wait3A_115 : memref<1x8x128xi32, #tpu.memory_space<hbm>> -> memref<8x128xi32, #tpu.memory_space<hbm>>
    tpu.wait_dma2 semaphore(%arg11 : memref<!tpu.dma_semaphore, #tpu.memory_space<semaphore_mem>>) src(%dma_wait3A_116 : memref<8x128xi32, #tpu.memory_space<hbm>>) dst(%dma_wait3A_112 : memref<8x128xi32, #tpu.memory_space<vmem>>)
    %dma_start3A_117 = arith.constant 0 : i32
    %dma_start3A_118 = arith.constant 0 : i32
    %dma_start3A_119 = arith.constant 0 : i32
    %dma_start3A_120 = arith.constant 0 : i32
    %dma_start3A_121 = tpu.memref_slice %arg9[%dma_start3A_119, %dma_start3A_120] : memref<1024x9xf32, #tpu.memory_space<vmem>> -> memref<128x9xf32, #tpu.memory_space<vmem>>
    %dma_start3A_122 = arith.constant 0 : i32
    %dma_start3A_123 = arith.constant 0 : i32
    %dma_start3A_124 = tpu.memref_slice %arg7[%dma_start3A_117, %dma_start3A_122, %dma_start3A_123] : memref<2x8x128xi32, #tpu.memory_space<vmem>> -> memref<1x8x128xi32, #tpu.memory_space<vmem>>
    %dma_start3A_125 = tpu.memref_squeeze %dma_start3A_124 : memref<1x8x128xi32, #tpu.memory_space<vmem>> -> memref<8x128xi32, #tpu.memory_space<vmem>>
    %dma_start3A_126 = arith.constant 0 : i32
    %dma_start3A_127 = tpu.memref_slice %dma_start3A_125[%dma_start3A_118, %dma_start3A_126] : memref<8x128xi32, #tpu.memory_space<vmem>> -> memref<1x128xi32, #tpu.memory_space<vmem>>
    %dma_start3A_128 = tpu.memref_squeeze %dma_start3A_127 : memref<1x128xi32, #tpu.memory_space<vmem>> -> memref<128xi32, #tpu.memory_space<vmem>>
    %dma_start3A_129 = arith.constant 0 : i32
    %dma_start3A_130 = arith.constant 0 : i32
    %dma_start3A_131 = tpu.memref_slice %arg2[%dma_start3A_129, %dma_start3A_130] : memref<200000x9xf32, #tpu.memory_space<hbm>> -> memref<200000x9xf32, #tpu.memory_space<hbm>>
    tpu.enqueue_indirect_dma source(%dma_start3A_131 : memref<200000x9xf32, #tpu.memory_space<hbm>>) target(%dma_start3A_121 : memref<128x9xf32, #tpu.memory_space<vmem>>) offsets(%dma_start3A_128 : memref<128xi32, #tpu.memory_space<vmem>>) semaphore(%arg12 : memref<!tpu.dma_semaphore, #tpu.memory_space<semaphore_mem>>)
    %dma_start3A_132 = arith.constant 0 : i32
    %dma_start3A_133 = arith.constant 1 : i32
    %dma_start3A_134 = arith.constant 128 : i32
    %dma_start3A_135 = arith.constant 0 : i32
    %dma_start3A_136 = tpu.memref_slice %arg9[%dma_start3A_134, %dma_start3A_135] : memref<1024x9xf32, #tpu.memory_space<vmem>> -> memref<128x9xf32, #tpu.memory_space<vmem>>
    %dma_start3A_137 = arith.constant 0 : i32
    %dma_start3A_138 = arith.constant 0 : i32
    %dma_start3A_139 = tpu.memref_slice %arg7[%dma_start3A_132, %dma_start3A_137, %dma_start3A_138] : memref<2x8x128xi32, #tpu.memory_space<vmem>> -> memref<1x8x128xi32, #tpu.memory_space<vmem>>
    %dma_start3A_140 = tpu.memref_squeeze %dma_start3A_139 : memref<1x8x128xi32, #tpu.memory_space<vmem>> -> memref<8x128xi32, #tpu.memory_space<vmem>>
    %dma_start3A_141 = arith.constant 0 : i32
    %dma_start3A_142 = tpu.memref_slice %dma_start3A_140[%dma_start3A_133, %dma_start3A_141] : memref<8x128xi32, #tpu.memory_space<vmem>> -> memref<1x128xi32, #tpu.memory_space<vmem>>
    %dma_start3A_143 = tpu.memref_squeeze %dma_start3A_142 : memref<1x128xi32, #tpu.memory_space<vmem>> -> memref<128xi32, #tpu.memory_space<vmem>>
    %dma_start3A_144 = arith.constant 0 : i32
    %dma_start3A_145 = arith.constant 0 : i32
    %dma_start3A_146 = tpu.memref_slice %arg2[%dma_start3A_144, %dma_start3A_145] : memref<200000x9xf32, #tpu.memory_space<hbm>> -> memref<200000x9xf32, #tpu.memory_space<hbm>>
    tpu.enqueue_indirect_dma source(%dma_start3A_146 : memref<200000x9xf32, #tpu.memory_space<hbm>>) target(%dma_start3A_136 : memref<128x9xf32, #tpu.memory_space<vmem>>) offsets(%dma_start3A_143 : memref<128xi32, #tpu.memory_space<vmem>>) semaphore(%arg12 : memref<!tpu.dma_semaphore, #tpu.memory_space<semaphore_mem>>)
    %dma_start3A_147 = arith.constant 0 : i32
    %dma_start3A_148 = arith.constant 2 : i32
    %dma_start3A_149 = arith.constant 256 : i32
    %dma_start3A_150 = arith.constant 0 : i32
    %dma_start3A_151 = tpu.memref_slice %arg9[%dma_start3A_149, %dma_start3A_150] : memref<1024x9xf32, #tpu.memory_space<vmem>> -> memref<128x9xf32, #tpu.memory_space<vmem>>
    %dma_start3A_152 = arith.constant 0 : i32
    %dma_start3A_153 = arith.constant 0 : i32
    %dma_start3A_154 = tpu.memref_slice %arg7[%dma_start3A_147, %dma_start3A_152, %dma_start3A_153] : memref<2x8x128xi32, #tpu.memory_space<vmem>> -> memref<1x8x128xi32, #tpu.memory_space<vmem>>
    %dma_start3A_155 = tpu.memref_squeeze %dma_start3A_154 : memref<1x8x128xi32, #tpu.memory_space<vmem>> -> memref<8x128xi32, #tpu.memory_space<vmem>>
    %dma_start3A_156 = arith.constant 0 : i32
    %dma_start3A_157 = tpu.memref_slice %dma_start3A_155[%dma_start3A_148, %dma_start3A_156] : memref<8x128xi32, #tpu.memory_space<vmem>> -> memref<1x128xi32, #tpu.memory_space<vmem>>
    %dma_start3A_158 = tpu.memref_squeeze %dma_start3A_157 : memref<1x128xi32, #tpu.memory_space<vmem>> -> memref<128xi32, #tpu.memory_space<vmem>>
    %dma_start3A_159 = arith.constant 0 : i32
    %dma_start3A_160 = arith.constant 0 : i32
    %dma_start3A_161 = tpu.memref_slice %arg2[%dma_start3A_159, %dma_start3A_160] : memref<200000x9xf32, #tpu.memory_space<hbm>> -> memref<200000x9xf32, #tpu.memory_space<hbm>>
    tpu.enqueue_indirect_dma source(%dma_start3A_161 : memref<200000x9xf32, #tpu.memory_space<hbm>>) target(%dma_start3A_151 : memref<128x9xf32, #tpu.memory_space<vmem>>) offsets(%dma_start3A_158 : memref<128xi32, #tpu.memory_space<vmem>>) semaphore(%arg12 : memref<!tpu.dma_semaphore, #tpu.memory_space<semaphore_mem>>)
    %dma_start3A_162 = arith.constant 0 : i32
    %dma_start3A_163 = arith.constant 3 : i32
    %dma_start3A_164 = arith.constant 384 : i32
    %dma_start3A_165 = arith.constant 0 : i32
    %dma_start3A_166 = tpu.memref_slice %arg9[%dma_start3A_164, %dma_start3A_165] : memref<1024x9xf32, #tpu.memory_space<vmem>> -> memref<128x9xf32, #tpu.memory_space<vmem>>
    %dma_start3A_167 = arith.constant 0 : i32
    %dma_start3A_168 = arith.constant 0 : i32
    %dma_start3A_169 = tpu.memref_slice %arg7[%dma_start3A_162, %dma_start3A_167, %dma_start3A_168] : memref<2x8x128xi32, #tpu.memory_space<vmem>> -> memref<1x8x128xi32, #tpu.memory_space<vmem>>
    %dma_start3A_170 = tpu.memref_squeeze %dma_start3A_169 : memref<1x8x128xi32, #tpu.memory_space<vmem>> -> memref<8x128xi32, #tpu.memory_space<vmem>>
    %dma_start3A_171 = arith.constant 0 : i32
    %dma_start3A_172 = tpu.memref_slice %dma_start3A_170[%dma_start3A_163, %dma_start3A_171] : memref<8x128xi32, #tpu.memory_space<vmem>> -> memref<1x128xi32, #tpu.memory_space<vmem>>
    %dma_start3A_173 = tpu.memref_squeeze %dma_start3A_172 : memref<1x128xi32, #tpu.memory_space<vmem>> -> memref<128xi32, #tpu.memory_space<vmem>>
    %dma_start3A_174 = arith.constant 0 : i32
    %dma_start3A_175 = arith.constant 0 : i32
    %dma_start3A_176 = tpu.memref_slice %arg2[%dma_start3A_174, %dma_start3A_175] : memref<200000x9xf32, #tpu.memory_space<hbm>> -> memref<200000x9xf32, #tpu.memory_space<hbm>>
    tpu.enqueue_indirect_dma source(%dma_start3A_176 : memref<200000x9xf32, #tpu.memory_space<hbm>>) target(%dma_start3A_166 : memref<128x9xf32, #tpu.memory_space<vmem>>) offsets(%dma_start3A_173 : memref<128xi32, #tpu.memory_space<vmem>>) semaphore(%arg12 : memref<!tpu.dma_semaphore, #tpu.memory_space<semaphore_mem>>)
    %dma_start3A_177 = arith.constant 0 : i32
    %dma_start3A_178 = arith.constant 4 : i32
    %dma_start3A_179 = arith.constant 512 : i32
    %dma_start3A_180 = arith.constant 0 : i32
    %dma_start3A_181 = tpu.memref_slice %arg9[%dma_start3A_179, %dma_start3A_180] : memref<1024x9xf32, #tpu.memory_space<vmem>> -> memref<128x9xf32, #tpu.memory_space<vmem>>
    %dma_start3A_182 = arith.constant 0 : i32
    %dma_start3A_183 = arith.constant 0 : i32
    %dma_start3A_184 = tpu.memref_slice %arg7[%dma_start3A_177, %dma_start3A_182, %dma_start3A_183] : memref<2x8x128xi32, #tpu.memory_space<vmem>> -> memref<1x8x128xi32, #tpu.memory_space<vmem>>
    %dma_start3A_185 = tpu.memref_squeeze %dma_start3A_184 : memref<1x8x128xi32, #tpu.memory_space<vmem>> -> memref<8x128xi32, #tpu.memory_space<vmem>>
    %dma_start3A_186 = arith.constant 0 : i32
    %dma_start3A_187 = tpu.memref_slice %dma_start3A_185[%dma_start3A_178, %dma_start3A_186] : memref<8x128xi32, #tpu.memory_space<vmem>> -> memref<1x128xi32, #tpu.memory_space<vmem>>
    %dma_start3A_188 = tpu.memref_squeeze %dma_start3A_187 : memref<1x128xi32, #tpu.memory_space<vmem>> -> memref<128xi32, #tpu.memory_space<vmem>>
    %dma_start3A_189 = arith.constant 0 : i32
    %dma_start3A_190 = arith.constant 0 : i32
    %dma_start3A_191 = tpu.memref_slice %arg2[%dma_start3A_189, %dma_start3A_190] : memref<200000x9xf32, #tpu.memory_space<hbm>> -> memref<200000x9xf32, #tpu.memory_space<hbm>>
    tpu.enqueue_indirect_dma source(%dma_start3A_191 : memref<200000x9xf32, #tpu.memory_space<hbm>>) target(%dma_start3A_181 : memref<128x9xf32, #tpu.memory_space<vmem>>) offsets(%dma_start3A_188 : memref<128xi32, #tpu.memory_space<vmem>>) semaphore(%arg12 : memref<!tpu.dma_semaphore, #tpu.memory_space<semaphore_mem>>)
    %dma_start3A_192 = arith.constant 0 : i32
    %dma_start3A_193 = arith.constant 5 : i32
    %dma_start3A_194 = arith.constant 640 : i32
    %dma_start3A_195 = arith.constant 0 : i32
    %dma_start3A_196 = tpu.memref_slice %arg9[%dma_start3A_194, %dma_start3A_195] : memref<1024x9xf32, #tpu.memory_space<vmem>> -> memref<128x9xf32, #tpu.memory_space<vmem>>
    %dma_start3A_197 = arith.constant 0 : i32
    %dma_start3A_198 = arith.constant 0 : i32
    %dma_start3A_199 = tpu.memref_slice %arg7[%dma_start3A_192, %dma_start3A_197, %dma_start3A_198] : memref<2x8x128xi32, #tpu.memory_space<vmem>> -> memref<1x8x128xi32, #tpu.memory_space<vmem>>
    %dma_start3A_200 = tpu.memref_squeeze %dma_start3A_199 : memref<1x8x128xi32, #tpu.memory_space<vmem>> -> memref<8x128xi32, #tpu.memory_space<vmem>>
    %dma_start3A_201 = arith.constant 0 : i32
    %dma_start3A_202 = tpu.memref_slice %dma_start3A_200[%dma_start3A_193, %dma_start3A_201] : memref<8x128xi32, #tpu.memory_space<vmem>> -> memref<1x128xi32, #tpu.memory_space<vmem>>
    %dma_start3A_203 = tpu.memref_squeeze %dma_start3A_202 : memref<1x128xi32, #tpu.memory_space<vmem>> -> memref<128xi32, #tpu.memory_space<vmem>>
    %dma_start3A_204 = arith.constant 0 : i32
    %dma_start3A_205 = arith.constant 0 : i32
    %dma_start3A_206 = tpu.memref_slice %arg2[%dma_start3A_204, %dma_start3A_205] : memref<200000x9xf32, #tpu.memory_space<hbm>> -> memref<200000x9xf32, #tpu.memory_space<hbm>>
    tpu.enqueue_indirect_dma source(%dma_start3A_206 : memref<200000x9xf32, #tpu.memory_space<hbm>>) target(%dma_start3A_196 : memref<128x9xf32, #tpu.memory_space<vmem>>) offsets(%dma_start3A_203 : memref<128xi32, #tpu.memory_space<vmem>>) semaphore(%arg12 : memref<!tpu.dma_semaphore, #tpu.memory_space<semaphore_mem>>)
    %dma_start3A_207 = arith.constant 0 : i32
    %dma_start3A_208 = arith.constant 6 : i32
    %dma_start3A_209 = arith.constant 768 : i32
    %dma_start3A_210 = arith.constant 0 : i32
    %dma_start3A_211 = tpu.memref_slice %arg9[%dma_start3A_209, %dma_start3A_210] : memref<1024x9xf32, #tpu.memory_space<vmem>> -> memref<128x9xf32, #tpu.memory_space<vmem>>
    %dma_start3A_212 = arith.constant 0 : i32
    %dma_start3A_213 = arith.constant 0 : i32
    %dma_start3A_214 = tpu.memref_slice %arg7[%dma_start3A_207, %dma_start3A_212, %dma_start3A_213] : memref<2x8x128xi32, #tpu.memory_space<vmem>> -> memref<1x8x128xi32, #tpu.memory_space<vmem>>
    %dma_start3A_215 = tpu.memref_squeeze %dma_start3A_214 : memref<1x8x128xi32, #tpu.memory_space<vmem>> -> memref<8x128xi32, #tpu.memory_space<vmem>>
    %dma_start3A_216 = arith.constant 0 : i32
    %dma_start3A_217 = tpu.memref_slice %dma_start3A_215[%dma_start3A_208, %dma_start3A_216] : memref<8x128xi32, #tpu.memory_space<vmem>> -> memref<1x128xi32, #tpu.memory_space<vmem>>
    %dma_start3A_218 = tpu.memref_squeeze %dma_start3A_217 : memref<1x128xi32, #tpu.memory_space<vmem>> -> memref<128xi32, #tpu.memory_space<vmem>>
    %dma_start3A_219 = arith.constant 0 : i32
    %dma_start3A_220 = arith.constant 0 : i32
    %dma_start3A_221 = tpu.memref_slice %arg2[%dma_start3A_219, %dma_start3A_220] : memref<200000x9xf32, #tpu.memory_space<hbm>> -> memref<200000x9xf32, #tpu.memory_space<hbm>>
    tpu.enqueue_indirect_dma source(%dma_start3A_221 : memref<200000x9xf32, #tpu.memory_space<hbm>>) target(%dma_start3A_211 : memref<128x9xf32, #tpu.memory_space<vmem>>) offsets(%dma_start3A_218 : memref<128xi32, #tpu.memory_space<vmem>>) semaphore(%arg12 : memref<!tpu.dma_semaphore, #tpu.memory_space<semaphore_mem>>)
    %dma_start3A_222 = arith.constant 0 : i32
    %dma_start3A_223 = arith.constant 7 : i32
    %dma_start3A_224 = arith.constant 896 : i32
    %dma_start3A_225 = arith.constant 0 : i32
    %dma_start3A_226 = tpu.memref_slice %arg9[%dma_start3A_224, %dma_start3A_225] : memref<1024x9xf32, #tpu.memory_space<vmem>> -> memref<128x9xf32, #tpu.memory_space<vmem>>
    %dma_start3A_227 = arith.constant 0 : i32
    %dma_start3A_228 = arith.constant 0 : i32
    %dma_start3A_229 = tpu.memref_slice %arg7[%dma_start3A_222, %dma_start3A_227, %dma_start3A_228] : memref<2x8x128xi32, #tpu.memory_space<vmem>> -> memref<1x8x128xi32, #tpu.memory_space<vmem>>
    %dma_start3A_230 = tpu.memref_squeeze %dma_start3A_229 : memref<1x8x128xi32, #tpu.memory_space<vmem>> -> memref<8x128xi32, #tpu.memory_space<vmem>>
    %dma_start3A_231 = arith.constant 0 : i32
    %dma_start3A_232 = tpu.memref_slice %dma_start3A_230[%dma_start3A_223, %dma_start3A_231] : memref<8x128xi32, #tpu.memory_space<vmem>> -> memref<1x128xi32, #tpu.memory_space<vmem>>
    %dma_start3A_233 = tpu.memref_squeeze %dma_start3A_232 : memref<1x128xi32, #tpu.memory_space<vmem>> -> memref<128xi32, #tpu.memory_space<vmem>>
    %dma_start3A_234 = arith.constant 0 : i32
    %dma_start3A_235 = arith.constant 0 : i32
    %dma_start3A_236 = tpu.memref_slice %arg2[%dma_start3A_234, %dma_start3A_235] : memref<200000x9xf32, #tpu.memory_space<hbm>> -> memref<200000x9xf32, #tpu.memory_space<hbm>>
    tpu.enqueue_indirect_dma source(%dma_start3A_236 : memref<200000x9xf32, #tpu.memory_space<hbm>>) target(%dma_start3A_226 : memref<128x9xf32, #tpu.memory_space<vmem>>) offsets(%dma_start3A_233 : memref<128xi32, #tpu.memory_space<vmem>>) semaphore(%arg12 : memref<!tpu.dma_semaphore, #tpu.memory_space<semaphore_mem>>)
    %dma_wait3A_237 = arith.constant 0 : i32
    %dma_wait3A_238 = arith.constant 0 : i32
    %dma_wait3A_239 = arith.constant 0 : i32
    %dma_wait3A_240 = arith.constant 0 : i32
    %dma_wait3A_241 = tpu.memref_slice %arg9[%dma_wait3A_239, %dma_wait3A_240] : memref<1024x9xf32, #tpu.memory_space<vmem>> -> memref<128x9xf32, #tpu.memory_space<vmem>>
    %dma_wait3A_242 = arith.constant 0 : i32
    %dma_wait3A_243 = arith.constant 0 : i32
    %dma_wait3A_244 = tpu.memref_slice %arg7[%dma_wait3A_237, %dma_wait3A_242, %dma_wait3A_243] : memref<2x8x128xi32, #tpu.memory_space<vmem>> -> memref<1x8x128xi32, #tpu.memory_space<vmem>>
    %dma_wait3A_245 = tpu.memref_squeeze %dma_wait3A_244 : memref<1x8x128xi32, #tpu.memory_space<vmem>> -> memref<8x128xi32, #tpu.memory_space<vmem>>
    %dma_wait3A_246 = arith.constant 0 : i32
    %dma_wait3A_247 = tpu.memref_slice %dma_wait3A_245[%dma_wait3A_238, %dma_wait3A_246] : memref<8x128xi32, #tpu.memory_space<vmem>> -> memref<1x128xi32, #tpu.memory_space<vmem>>
    %dma_wait3A_248 = tpu.memref_squeeze %dma_wait3A_247 : memref<1x128xi32, #tpu.memory_space<vmem>> -> memref<128xi32, #tpu.memory_space<vmem>>
    %dma_wait3A_249 = arith.constant 0 : i32
    %dma_wait3A_250 = arith.constant 0 : i32
    %dma_wait3A_251 = tpu.memref_slice %arg2[%dma_wait3A_249, %dma_wait3A_250] : memref<200000x9xf32, #tpu.memory_space<hbm>> -> memref<200000x9xf32, #tpu.memory_space<hbm>>
    tpu.wait_indirect_dma semaphore(%arg12 : memref<!tpu.dma_semaphore, #tpu.memory_space<semaphore_mem>>) src(%dma_wait3A_251 : memref<200000x9xf32, #tpu.memory_space<hbm>>) dst(%dma_wait3A_241 : memref<128x9xf32, #tpu.memory_space<vmem>>)
    %dma_wait3A_252 = arith.constant 0 : i32
    %dma_wait3A_253 = arith.constant 1 : i32
    %dma_wait3A_254 = arith.constant 128 : i32
    %dma_wait3A_255 = arith.constant 0 : i32
    %dma_wait3A_256 = tpu.memref_slice %arg9[%dma_wait3A_254, %dma_wait3A_255] : memref<1024x9xf32, #tpu.memory_space<vmem>> -> memref<128x9xf32, #tpu.memory_space<vmem>>
    %dma_wait3A_257 = arith.constant 0 : i32
    %dma_wait3A_258 = arith.constant 0 : i32
    %dma_wait3A_259 = tpu.memref_slice %arg7[%dma_wait3A_252, %dma_wait3A_257, %dma_wait3A_258] : memref<2x8x128xi32, #tpu.memory_space<vmem>> -> memref<1x8x128xi32, #tpu.memory_space<vmem>>
    %dma_wait3A_260 = tpu.memref_squeeze %dma_wait3A_259 : memref<1x8x128xi32, #tpu.memory_space<vmem>> -> memref<8x128xi32, #tpu.memory_space<vmem>>
    %dma_wait3A_261 = arith.constant 0 : i32
    %dma_wait3A_262 = tpu.memref_slice %dma_wait3A_260[%dma_wait3A_253, %dma_wait3A_261] : memref<8x128xi32, #tpu.memory_space<vmem>> -> memref<1x128xi32, #tpu.memory_space<vmem>>
    %dma_wait3A_263 = tpu.memref_squeeze %dma_wait3A_262 : memref<1x128xi32, #tpu.memory_space<vmem>> -> memref<128xi32, #tpu.memory_space<vmem>>
    %dma_wait3A_264 = arith.constant 0 : i32
    %dma_wait3A_265 = arith.constant 0 : i32
    %dma_wait3A_266 = tpu.memref_slice %arg2[%dma_wait3A_264, %dma_wait3A_265] : memref<200000x9xf32, #tpu.memory_space<hbm>> -> memref<200000x9xf32, #tpu.memory_space<hbm>>
    tpu.wait_indirect_dma semaphore(%arg12 : memref<!tpu.dma_semaphore, #tpu.memory_space<semaphore_mem>>) src(%dma_wait3A_266 : memref<200000x9xf32, #tpu.memory_space<hbm>>) dst(%dma_wait3A_256 : memref<128x9xf32, #tpu.memory_space<vmem>>)
    %dma_wait3A_267 = arith.constant 0 : i32
    %dma_wait3A_268 = arith.constant 2 : i32
    %dma_wait3A_269 = arith.constant 256 : i32
    %dma_wait3A_270 = arith.constant 0 : i32
    %dma_wait3A_271 = tpu.memref_slice %arg9[%dma_wait3A_269, %dma_wait3A_270] : memref<1024x9xf32, #tpu.memory_space<vmem>> -> memref<128x9xf32, #tpu.memory_space<vmem>>
    %dma_wait3A_272 = arith.constant 0 : i32
    %dma_wait3A_273 = arith.constant 0 : i32
    %dma_wait3A_274 = tpu.memref_slice %arg7[%dma_wait3A_267, %dma_wait3A_272, %dma_wait3A_273] : memref<2x8x128xi32, #tpu.memory_space<vmem>> -> memref<1x8x128xi32, #tpu.memory_space<vmem>>
    %dma_wait3A_275 = tpu.memref_squeeze %dma_wait3A_274 : memref<1x8x128xi32, #tpu.memory_space<vmem>> -> memref<8x128xi32, #tpu.memory_space<vmem>>
    %dma_wait3A_276 = arith.constant 0 : i32
    %dma_wait3A_277 = tpu.memref_slice %dma_wait3A_275[%dma_wait3A_268, %dma_wait3A_276] : memref<8x128xi32, #tpu.memory_space<vmem>> -> memref<1x128xi32, #tpu.memory_space<vmem>>
    %dma_wait3A_278 = tpu.memref_squeeze %dma_wait3A_277 : memref<1x128xi32, #tpu.memory_space<vmem>> -> memref<128xi32, #tpu.memory_space<vmem>>
    %dma_wait3A_279 = arith.constant 0 : i32
    %dma_wait3A_280 = arith.constant 0 : i32
    %dma_wait3A_281 = tpu.memref_slice %arg2[%dma_wait3A_279, %dma_wait3A_280] : memref<200000x9xf32, #tpu.memory_space<hbm>> -> memref<200000x9xf32, #tpu.memory_space<hbm>>
    tpu.wait_indirect_dma semaphore(%arg12 : memref<!tpu.dma_semaphore, #tpu.memory_space<semaphore_mem>>) src(%dma_wait3A_281 : memref<200000x9xf32, #tpu.memory_space<hbm>>) dst(%dma_wait3A_271 : memref<128x9xf32, #tpu.memory_space<vmem>>)
    %dma_wait3A_282 = arith.constant 0 : i32
    %dma_wait3A_283 = arith.constant 3 : i32
    %dma_wait3A_284 = arith.constant 384 : i32
    %dma_wait3A_285 = arith.constant 0 : i32
    %dma_wait3A_286 = tpu.memref_slice %arg9[%dma_wait3A_284, %dma_wait3A_285] : memref<1024x9xf32, #tpu.memory_space<vmem>> -> memref<128x9xf32, #tpu.memory_space<vmem>>
    %dma_wait3A_287 = arith.constant 0 : i32
    %dma_wait3A_288 = arith.constant 0 : i32
    %dma_wait3A_289 = tpu.memref_slice %arg7[%dma_wait3A_282, %dma_wait3A_287, %dma_wait3A_288] : memref<2x8x128xi32, #tpu.memory_space<vmem>> -> memref<1x8x128xi32, #tpu.memory_space<vmem>>
    %dma_wait3A_290 = tpu.memref_squeeze %dma_wait3A_289 : memref<1x8x128xi32, #tpu.memory_space<vmem>> -> memref<8x128xi32, #tpu.memory_space<vmem>>
    %dma_wait3A_291 = arith.constant 0 : i32
    %dma_wait3A_292 = tpu.memref_slice %dma_wait3A_290[%dma_wait3A_283, %dma_wait3A_291] : memref<8x128xi32, #tpu.memory_space<vmem>> -> memref<1x128xi32, #tpu.memory_space<vmem>>
    %dma_wait3A_293 = tpu.memref_squeeze %dma_wait3A_292 : memref<1x128xi32, #tpu.memory_space<vmem>> -> memref<128xi32, #tpu.memory_space<vmem>>
    %dma_wait3A_294 = arith.constant 0 : i32
    %dma_wait3A_295 = arith.constant 0 : i32
    %dma_wait3A_296 = tpu.memref_slice %arg2[%dma_wait3A_294, %dma_wait3A_295] : memref<200000x9xf32, #tpu.memory_space<hbm>> -> memref<200000x9xf32, #tpu.memory_space<hbm>>
    tpu.wait_indirect_dma semaphore(%arg12 : memref<!tpu.dma_semaphore, #tpu.memory_space<semaphore_mem>>) src(%dma_wait3A_296 : memref<200000x9xf32, #tpu.memory_space<hbm>>) dst(%dma_wait3A_286 : memref<128x9xf32, #tpu.memory_space<vmem>>)
    %dma_wait3A_297 = arith.constant 0 : i32
    %dma_wait3A_298 = arith.constant 4 : i32
    %dma_wait3A_299 = arith.constant 512 : i32
    %dma_wait3A_300 = arith.constant 0 : i32
    %dma_wait3A_301 = tpu.memref_slice %arg9[%dma_wait3A_299, %dma_wait3A_300] : memref<1024x9xf32, #tpu.memory_space<vmem>> -> memref<128x9xf32, #tpu.memory_space<vmem>>
    %dma_wait3A_302 = arith.constant 0 : i32
    %dma_wait3A_303 = arith.constant 0 : i32
    %dma_wait3A_304 = tpu.memref_slice %arg7[%dma_wait3A_297, %dma_wait3A_302, %dma_wait3A_303] : memref<2x8x128xi32, #tpu.memory_space<vmem>> -> memref<1x8x128xi32, #tpu.memory_space<vmem>>
    %dma_wait3A_305 = tpu.memref_squeeze %dma_wait3A_304 : memref<1x8x128xi32, #tpu.memory_space<vmem>> -> memref<8x128xi32, #tpu.memory_space<vmem>>
    %dma_wait3A_306 = arith.constant 0 : i32
    %dma_wait3A_307 = tpu.memref_slice %dma_wait3A_305[%dma_wait3A_298, %dma_wait3A_306] : memref<8x128xi32, #tpu.memory_space<vmem>> -> memref<1x128xi32, #tpu.memory_space<vmem>>
    %dma_wait3A_308 = tpu.memref_squeeze %dma_wait3A_307 : memref<1x128xi32, #tpu.memory_space<vmem>> -> memref<128xi32, #tpu.memory_space<vmem>>
    %dma_wait3A_309 = arith.constant 0 : i32
    %dma_wait3A_310 = arith.constant 0 : i32
    %dma_wait3A_311 = tpu.memref_slice %arg2[%dma_wait3A_309, %dma_wait3A_310] : memref<200000x9xf32, #tpu.memory_space<hbm>> -> memref<200000x9xf32, #tpu.memory_space<hbm>>
    tpu.wait_indirect_dma semaphore(%arg12 : memref<!tpu.dma_semaphore, #tpu.memory_space<semaphore_mem>>) src(%dma_wait3A_311 : memref<200000x9xf32, #tpu.memory_space<hbm>>) dst(%dma_wait3A_301 : memref<128x9xf32, #tpu.memory_space<vmem>>)
    %dma_wait3A_312 = arith.constant 0 : i32
    %dma_wait3A_313 = arith.constant 5 : i32
    %dma_wait3A_314 = arith.constant 640 : i32
    %dma_wait3A_315 = arith.constant 0 : i32
    %dma_wait3A_316 = tpu.memref_slice %arg9[%dma_wait3A_314, %dma_wait3A_315] : memref<1024x9xf32, #tpu.memory_space<vmem>> -> memref<128x9xf32, #tpu.memory_space<vmem>>
    %dma_wait3A_317 = arith.constant 0 : i32
    %dma_wait3A_318 = arith.constant 0 : i32
    %dma_wait3A_319 = tpu.memref_slice %arg7[%dma_wait3A_312, %dma_wait3A_317, %dma_wait3A_318] : memref<2x8x128xi32, #tpu.memory_space<vmem>> -> memref<1x8x128xi32, #tpu.memory_space<vmem>>
    %dma_wait3A_320 = tpu.memref_squeeze %dma_wait3A_319 : memref<1x8x128xi32, #tpu.memory_space<vmem>> -> memref<8x128xi32, #tpu.memory_space<vmem>>
    %dma_wait3A_321 = arith.constant 0 : i32
    %dma_wait3A_322 = tpu.memref_slice %dma_wait3A_320[%dma_wait3A_313, %dma_wait3A_321] : memref<8x128xi32, #tpu.memory_space<vmem>> -> memref<1x128xi32, #tpu.memory_space<vmem>>
    %dma_wait3A_323 = tpu.memref_squeeze %dma_wait3A_322 : memref<1x128xi32, #tpu.memory_space<vmem>> -> memref<128xi32, #tpu.memory_space<vmem>>
    %dma_wait3A_324 = arith.constant 0 : i32
    %dma_wait3A_325 = arith.constant 0 : i32
    %dma_wait3A_326 = tpu.memref_slice %arg2[%dma_wait3A_324, %dma_wait3A_325] : memref<200000x9xf32, #tpu.memory_space<hbm>> -> memref<200000x9xf32, #tpu.memory_space<hbm>>
    tpu.wait_indirect_dma semaphore(%arg12 : memref<!tpu.dma_semaphore, #tpu.memory_space<semaphore_mem>>) src(%dma_wait3A_326 : memref<200000x9xf32, #tpu.memory_space<hbm>>) dst(%dma_wait3A_316 : memref<128x9xf32, #tpu.memory_space<vmem>>)
    %dma_wait3A_327 = arith.constant 0 : i32
    %dma_wait3A_328 = arith.constant 6 : i32
    %dma_wait3A_329 = arith.constant 768 : i32
    %dma_wait3A_330 = arith.constant 0 : i32
    %dma_wait3A_331 = tpu.memref_slice %arg9[%dma_wait3A_329, %dma_wait3A_330] : memref<1024x9xf32, #tpu.memory_space<vmem>> -> memref<128x9xf32, #tpu.memory_space<vmem>>
    %dma_wait3A_332 = arith.constant 0 : i32
    %dma_wait3A_333 = arith.constant 0 : i32
    %dma_wait3A_334 = tpu.memref_slice %arg7[%dma_wait3A_327, %dma_wait3A_332, %dma_wait3A_333] : memref<2x8x128xi32, #tpu.memory_space<vmem>> -> memref<1x8x128xi32, #tpu.memory_space<vmem>>
    %dma_wait3A_335 = tpu.memref_squeeze %dma_wait3A_334 : memref<1x8x128xi32, #tpu.memory_space<vmem>> -> memref<8x128xi32, #tpu.memory_space<vmem>>
    %dma_wait3A_336 = arith.constant 0 : i32
    %dma_wait3A_337 = tpu.memref_slice %dma_wait3A_335[%dma_wait3A_328, %dma_wait3A_336] : memref<8x128xi32, #tpu.memory_space<vmem>> -> memref<1x128xi32, #tpu.memory_space<vmem>>
    %dma_wait3A_338 = tpu.memref_squeeze %dma_wait3A_337 : memref<1x128xi32, #tpu.memory_space<vmem>> -> memref<128xi32, #tpu.memory_space<vmem>>
    %dma_wait3A_339 = arith.constant 0 : i32
    %dma_wait3A_340 = arith.constant 0 : i32
    %dma_wait3A_341 = tpu.memref_slice %arg2[%dma_wait3A_339, %dma_wait3A_340] : memref<200000x9xf32, #tpu.memory_space<hbm>> -> memref<200000x9xf32, #tpu.memory_space<hbm>>
    tpu.wait_indirect_dma semaphore(%arg12 : memref<!tpu.dma_semaphore, #tpu.memory_space<semaphore_mem>>) src(%dma_wait3A_341 : memref<200000x9xf32, #tpu.memory_space<hbm>>) dst(%dma_wait3A_331 : memref<128x9xf32, #tpu.memory_space<vmem>>)
    %dma_wait3A_342 = arith.constant 0 : i32
    %dma_wait3A_343 = arith.constant 7 : i32
    %dma_wait3A_344 = arith.constant 896 : i32
    %dma_wait3A_345 = arith.constant 0 : i32
    %dma_wait3A_346 = tpu.memref_slice %arg9[%dma_wait3A_344, %dma_wait3A_345] : memref<1024x9xf32, #tpu.memory_space<vmem>> -> memref<128x9xf32, #tpu.memory_space<vmem>>
    %dma_wait3A_347 = arith.constant 0 : i32
    %dma_wait3A_348 = arith.constant 0 : i32
    %dma_wait3A_349 = tpu.memref_slice %arg7[%dma_wait3A_342, %dma_wait3A_347, %dma_wait3A_348] : memref<2x8x128xi32, #tpu.memory_space<vmem>> -> memref<1x8x128xi32, #tpu.memory_space<vmem>>
    %dma_wait3A_350 = tpu.memref_squeeze %dma_wait3A_349 : memref<1x8x128xi32, #tpu.memory_space<vmem>> -> memref<8x128xi32, #tpu.memory_space<vmem>>
    %dma_wait3A_351 = arith.constant 0 : i32
    %dma_wait3A_352 = tpu.memref_slice %dma_wait3A_350[%dma_wait3A_343, %dma_wait3A_351] : memref<8x128xi32, #tpu.memory_space<vmem>> -> memref<1x128xi32, #tpu.memory_space<vmem>>
    %dma_wait3A_353 = tpu.memref_squeeze %dma_wait3A_352 : memref<1x128xi32, #tpu.memory_space<vmem>> -> memref<128xi32, #tpu.memory_space<vmem>>
    %dma_wait3A_354 = arith.constant 0 : i32
    %dma_wait3A_355 = arith.constant 0 : i32
    %dma_wait3A_356 = tpu.memref_slice %arg2[%dma_wait3A_354, %dma_wait3A_355] : memref<200000x9xf32, #tpu.memory_space<hbm>> -> memref<200000x9xf32, #tpu.memory_space<hbm>>
    tpu.wait_indirect_dma semaphore(%arg12 : memref<!tpu.dma_semaphore, #tpu.memory_space<semaphore_mem>>) src(%dma_wait3A_356 : memref<200000x9xf32, #tpu.memory_space<hbm>>) dst(%dma_wait3A_346 : memref<128x9xf32, #tpu.memory_space<vmem>>)
    %dma_start3A_357 = arith.constant 1 : i32
    %dma_start3A_358 = arith.constant 0 : i32
    %dma_start3A_359 = arith.constant 0 : i32
    %dma_start3A_360 = tpu.memref_slice %arg7[%dma_start3A_357, %dma_start3A_358, %dma_start3A_359] : memref<2x8x128xi32, #tpu.memory_space<vmem>> -> memref<1x8x128xi32, #tpu.memory_space<vmem>>
    %dma_start3A_361 = tpu.memref_squeeze %dma_start3A_360 : memref<1x8x128xi32, #tpu.memory_space<vmem>> -> memref<8x128xi32, #tpu.memory_space<vmem>>
    %dma_start3A_362 = arith.constant 0 : i32
    %dma_start3A_363 = arith.constant 0 : i32
    %dma_start3A_364 = arith.constant 0 : i32
    %dma_start3A_365 = tpu.memref_slice %arg3[%arg0, %dma_start3A_362, %dma_start3A_363, %dma_start3A_364] : memref<2x3136x8x128xi32, #tpu.memory_space<hbm>> -> memref<1x3136x8x128xi32, #tpu.memory_space<hbm>>
    %dma_start3A_366 = tpu.memref_squeeze %dma_start3A_365 : memref<1x3136x8x128xi32, #tpu.memory_space<hbm>> -> memref<3136x8x128xi32, #tpu.memory_space<hbm>>
    %dma_start3A_367 = arith.constant 0 : i32
    %dma_start3A_368 = arith.constant 0 : i32
    %dma_start3A_369 = tpu.memref_slice %dma_start3A_366[%sub3A_70, %dma_start3A_367, %dma_start3A_368] : memref<3136x8x128xi32, #tpu.memory_space<hbm>> -> memref<1x8x128xi32, #tpu.memory_space<hbm>>
    %dma_start3A_370 = tpu.memref_squeeze %dma_start3A_369 : memref<1x8x128xi32, #tpu.memory_space<hbm>> -> memref<8x128xi32, #tpu.memory_space<hbm>>
    %dma_start3A_371 = arith.constant 0 : i32
    %dma_start3A_372 = arith.constant 0 : i32
    %dma_start3A_373 = tpu.memref_slice %arg7[%dma_start3A_357, %dma_start3A_371, %dma_start3A_372] : memref<2x8x128xi32, #tpu.memory_space<vmem>> -> memref<1x8x128xi32, #tpu.memory_space<vmem>>
    %dma_start3A_374 = tpu.memref_squeeze %dma_start3A_373 : memref<1x8x128xi32, #tpu.memory_space<vmem>> -> memref<8x128xi32, #tpu.memory_space<vmem>>
    %dma_start3A_375 = arith.constant 0 : i32
    %dma_start3A_376 = arith.constant 0 : i32
    %dma_start3A_377 = arith.constant 0 : i32
    %dma_start3A_378 = tpu.memref_slice %arg3[%arg0, %dma_start3A_375, %dma_start3A_376, %dma_start3A_377] : memref<2x3136x8x128xi32, #tpu.memory_space<hbm>> -> memref<1x3136x8x128xi32, #tpu.memory_space<hbm>>
    %dma_start3A_379 = tpu.memref_squeeze %dma_start3A_378 : memref<1x3136x8x128xi32, #tpu.memory_space<hbm>> -> memref<3136x8x128xi32, #tpu.memory_space<hbm>>
    %dma_start3A_380 = arith.constant 0 : i32
    %dma_start3A_381 = arith.constant 0 : i32
    %dma_start3A_382 = tpu.memref_slice %dma_start3A_379[%sub3A_70, %dma_start3A_380, %dma_start3A_381] : memref<3136x8x128xi32, #tpu.memory_space<hbm>> -> memref<1x8x128xi32, #tpu.memory_space<hbm>>
    %dma_start3A_383 = tpu.memref_squeeze %dma_start3A_382 : memref<1x8x128xi32, #tpu.memory_space<hbm>> -> memref<8x128xi32, #tpu.memory_space<hbm>>
    tpu.enqueue_dma source(%dma_start3A_383 : memref<8x128xi32, #tpu.memory_space<hbm>>) target(%dma_start3A_374 : memref<8x128xi32, #tpu.memory_space<vmem>>) target_semaphore(%arg11 : memref<!tpu.dma_semaphore, #tpu.memory_space<semaphore_mem>>)
    %dma_start3A_384 = arith.constant 1 : i32
    %dma_start3A_385 = arith.constant 0 : i32
    %dma_start3A_386 = arith.constant 0 : i32
    %dma_start3A_387 = tpu.memref_slice %arg8[%dma_start3A_384, %dma_start3A_385, %dma_start3A_386] : memref<2x8x128xi32, #tpu.memory_space<vmem>> -> memref<1x8x128xi32, #tpu.memory_space<vmem>>
    %dma_start3A_388 = tpu.memref_squeeze %dma_start3A_387 : memref<1x8x128xi32, #tpu.memory_space<vmem>> -> memref<8x128xi32, #tpu.memory_space<vmem>>
    %dma_start3A_389 = arith.constant 0 : i32
    %dma_start3A_390 = arith.constant 0 : i32
    %dma_start3A_391 = tpu.memref_slice %arg4[%sub3A_70, %dma_start3A_389, %dma_start3A_390] : memref<3136x8x128xi32, #tpu.memory_space<hbm>> -> memref<1x8x128xi32, #tpu.memory_space<hbm>>
    %dma_start3A_392 = tpu.memref_squeeze %dma_start3A_391 : memref<1x8x128xi32, #tpu.memory_space<hbm>> -> memref<8x128xi32, #tpu.memory_space<hbm>>
    %dma_start3A_393 = arith.constant 0 : i32
    %dma_start3A_394 = arith.constant 0 : i32
    %dma_start3A_395 = tpu.memref_slice %arg8[%dma_start3A_384, %dma_start3A_393, %dma_start3A_394] : memref<2x8x128xi32, #tpu.memory_space<vmem>> -> memref<1x8x128xi32, #tpu.memory_space<vmem>>
    %dma_start3A_396 = tpu.memref_squeeze %dma_start3A_395 : memref<1x8x128xi32, #tpu.memory_space<vmem>> -> memref<8x128xi32, #tpu.memory_space<vmem>>
    %dma_start3A_397 = arith.constant 0 : i32
    %dma_start3A_398 = arith.constant 0 : i32
    %dma_start3A_399 = tpu.memref_slice %arg4[%sub3A_70, %dma_start3A_397, %dma_start3A_398] : memref<3136x8x128xi32, #tpu.memory_space<hbm>> -> memref<1x8x128xi32, #tpu.memory_space<hbm>>
    %dma_start3A_400 = tpu.memref_squeeze %dma_start3A_399 : memref<1x8x128xi32, #tpu.memory_space<hbm>> -> memref<8x128xi32, #tpu.memory_space<hbm>>
    tpu.enqueue_dma source(%dma_start3A_400 : memref<8x128xi32, #tpu.memory_space<hbm>>) target(%dma_start3A_396 : memref<8x128xi32, #tpu.memory_space<vmem>>) target_semaphore(%arg11 : memref<!tpu.dma_semaphore, #tpu.memory_space<semaphore_mem>>)
    %dma_start3A_401 = arith.constant 0 : i32
    %dma_start3A_402 = arith.constant 0 : i32
    %dma_start3A_403 = arith.constant 0 : i32
    %dma_start3A_404 = arith.constant 0 : i32
    %dma_start3A_405 = tpu.memref_slice %arg9[%dma_start3A_403, %dma_start3A_404] : memref<1024x9xf32, #tpu.memory_space<vmem>> -> memref<128x9xf32, #tpu.memory_space<vmem>>
    %dma_start3A_406 = arith.constant 0 : i32
    %dma_start3A_407 = arith.constant 0 : i32
    %dma_start3A_408 = tpu.memref_slice %arg8[%dma_start3A_401, %dma_start3A_406, %dma_start3A_407] : memref<2x8x128xi32, #tpu.memory_space<vmem>> -> memref<1x8x128xi32, #tpu.memory_space<vmem>>
    %dma_start3A_409 = tpu.memref_squeeze %dma_start3A_408 : memref<1x8x128xi32, #tpu.memory_space<vmem>> -> memref<8x128xi32, #tpu.memory_space<vmem>>
    %dma_start3A_410 = arith.constant 0 : i32
    %dma_start3A_411 = tpu.memref_slice %dma_start3A_409[%dma_start3A_402, %dma_start3A_410] : memref<8x128xi32, #tpu.memory_space<vmem>> -> memref<1x128xi32, #tpu.memory_space<vmem>>
    %dma_start3A_412 = tpu.memref_squeeze %dma_start3A_411 : memref<1x128xi32, #tpu.memory_space<vmem>> -> memref<128xi32, #tpu.memory_space<vmem>>
    %dma_start3A_413 = arith.constant 0 : i32
    %dma_start3A_414 = arith.constant 0 : i32
    %dma_start3A_415 = tpu.memref_slice %arg10[%dma_start3A_413, %dma_start3A_414] : memref<100352x9xf32, #tpu.memory_space<vmem_shared>> -> memref<100352x9xf32, #tpu.memory_space<vmem_shared>>
    tpu.enqueue_indirect_dma source(%dma_start3A_405 : memref<128x9xf32, #tpu.memory_space<vmem>>) target(%dma_start3A_415 : memref<100352x9xf32, #tpu.memory_space<vmem_shared>>) offsets(%dma_start3A_412 : memref<128xi32, #tpu.memory_space<vmem>>) semaphore(%arg13 : memref<!tpu.dma_semaphore, #tpu.memory_space<semaphore_mem>>) {add = true}
    %dma_start3A_416 = arith.constant 0 : i32
    %dma_start3A_417 = arith.constant 1 : i32
    %dma_start3A_418 = arith.constant 128 : i32
    %dma_start3A_419 = arith.constant 0 : i32
    %dma_start3A_420 = tpu.memref_slice %arg9[%dma_start3A_418, %dma_start3A_419] : memref<1024x9xf32, #tpu.memory_space<vmem>> -> memref<128x9xf32, #tpu.memory_space<vmem>>
    %dma_start3A_421 = arith.constant 0 : i32
    %dma_start3A_422 = arith.constant 0 : i32
    %dma_start3A_423 = tpu.memref_slice %arg8[%dma_start3A_416, %dma_start3A_421, %dma_start3A_422] : memref<2x8x128xi32, #tpu.memory_space<vmem>> -> memref<1x8x128xi32, #tpu.memory_space<vmem>>
    %dma_start3A_424 = tpu.memref_squeeze %dma_start3A_423 : memref<1x8x128xi32, #tpu.memory_space<vmem>> -> memref<8x128xi32, #tpu.memory_space<vmem>>
    %dma_start3A_425 = arith.constant 0 : i32
    %dma_start3A_426 = tpu.memref_slice %dma_start3A_424[%dma_start3A_417, %dma_start3A_425] : memref<8x128xi32, #tpu.memory_space<vmem>> -> memref<1x128xi32, #tpu.memory_space<vmem>>
    %dma_start3A_427 = tpu.memref_squeeze %dma_start3A_426 : memref<1x128xi32, #tpu.memory_space<vmem>> -> memref<128xi32, #tpu.memory_space<vmem>>
    %dma_start3A_428 = arith.constant 0 : i32
    %dma_start3A_429 = arith.constant 0 : i32
    %dma_start3A_430 = tpu.memref_slice %arg10[%dma_start3A_428, %dma_start3A_429] : memref<100352x9xf32, #tpu.memory_space<vmem_shared>> -> memref<100352x9xf32, #tpu.memory_space<vmem_shared>>
    tpu.enqueue_indirect_dma source(%dma_start3A_420 : memref<128x9xf32, #tpu.memory_space<vmem>>) target(%dma_start3A_430 : memref<100352x9xf32, #tpu.memory_space<vmem_shared>>) offsets(%dma_start3A_427 : memref<128xi32, #tpu.memory_space<vmem>>) semaphore(%arg13 : memref<!tpu.dma_semaphore, #tpu.memory_space<semaphore_mem>>) {add = true}
    %dma_start3A_431 = arith.constant 0 : i32
    %dma_start3A_432 = arith.constant 2 : i32
    %dma_start3A_433 = arith.constant 256 : i32
    %dma_start3A_434 = arith.constant 0 : i32
    %dma_start3A_435 = tpu.memref_slice %arg9[%dma_start3A_433, %dma_start3A_434] : memref<1024x9xf32, #tpu.memory_space<vmem>> -> memref<128x9xf32, #tpu.memory_space<vmem>>
    %dma_start3A_436 = arith.constant 0 : i32
    %dma_start3A_437 = arith.constant 0 : i32
    %dma_start3A_438 = tpu.memref_slice %arg8[%dma_start3A_431, %dma_start3A_436, %dma_start3A_437] : memref<2x8x128xi32, #tpu.memory_space<vmem>> -> memref<1x8x128xi32, #tpu.memory_space<vmem>>
    %dma_start3A_439 = tpu.memref_squeeze %dma_start3A_438 : memref<1x8x128xi32, #tpu.memory_space<vmem>> -> memref<8x128xi32, #tpu.memory_space<vmem>>
    %dma_start3A_440 = arith.constant 0 : i32
    %dma_start3A_441 = tpu.memref_slice %dma_start3A_439[%dma_start3A_432, %dma_start3A_440] : memref<8x128xi32, #tpu.memory_space<vmem>> -> memref<1x128xi32, #tpu.memory_space<vmem>>
    %dma_start3A_442 = tpu.memref_squeeze %dma_start3A_441 : memref<1x128xi32, #tpu.memory_space<vmem>> -> memref<128xi32, #tpu.memory_space<vmem>>
    %dma_start3A_443 = arith.constant 0 : i32
    %dma_start3A_444 = arith.constant 0 : i32
    %dma_start3A_445 = tpu.memref_slice %arg10[%dma_start3A_443, %dma_start3A_444] : memref<100352x9xf32, #tpu.memory_space<vmem_shared>> -> memref<100352x9xf32, #tpu.memory_space<vmem_shared>>
    tpu.enqueue_indirect_dma source(%dma_start3A_435 : memref<128x9xf32, #tpu.memory_space<vmem>>) target(%dma_start3A_445 : memref<100352x9xf32, #tpu.memory_space<vmem_shared>>) offsets(%dma_start3A_442 : memref<128xi32, #tpu.memory_space<vmem>>) semaphore(%arg13 : memref<!tpu.dma_semaphore, #tpu.memory_space<semaphore_mem>>) {add = true}
    %dma_start3A_446 = arith.constant 0 : i32
    %dma_start3A_447 = arith.constant 3 : i32
    %dma_start3A_448 = arith.constant 384 : i32
    %dma_start3A_449 = arith.constant 0 : i32
    %dma_start3A_450 = tpu.memref_slice %arg9[%dma_start3A_448, %dma_start3A_449] : memref<1024x9xf32, #tpu.memory_space<vmem>> -> memref<128x9xf32, #tpu.memory_space<vmem>>
    %dma_start3A_451 = arith.constant 0 : i32
    %dma_start3A_452 = arith.constant 0 : i32
    %dma_start3A_453 = tpu.memref_slice %arg8[%dma_start3A_446, %dma_start3A_451, %dma_start3A_452] : memref<2x8x128xi32, #tpu.memory_space<vmem>> -> memref<1x8x128xi32, #tpu.memory_space<vmem>>
    %dma_start3A_454 = tpu.memref_squeeze %dma_start3A_453 : memref<1x8x128xi32, #tpu.memory_space<vmem>> -> memref<8x128xi32, #tpu.memory_space<vmem>>
    %dma_start3A_455 = arith.constant 0 : i32
    %dma_start3A_456 = tpu.memref_slice %dma_start3A_454[%dma_start3A_447, %dma_start3A_455] : memref<8x128xi32, #tpu.memory_space<vmem>> -> memref<1x128xi32, #tpu.memory_space<vmem>>
    %dma_start3A_457 = tpu.memref_squeeze %dma_start3A_456 : memref<1x128xi32, #tpu.memory_space<vmem>> -> memref<128xi32, #tpu.memory_space<vmem>>
    %dma_start3A_458 = arith.constant 0 : i32
    %dma_start3A_459 = arith.constant 0 : i32
    %dma_start3A_460 = tpu.memref_slice %arg10[%dma_start3A_458, %dma_start3A_459] : memref<100352x9xf32, #tpu.memory_space<vmem_shared>> -> memref<100352x9xf32, #tpu.memory_space<vmem_shared>>
    tpu.enqueue_indirect_dma source(%dma_start3A_450 : memref<128x9xf32, #tpu.memory_space<vmem>>) target(%dma_start3A_460 : memref<100352x9xf32, #tpu.memory_space<vmem_shared>>) offsets(%dma_start3A_457 : memref<128xi32, #tpu.memory_space<vmem>>) semaphore(%arg13 : memref<!tpu.dma_semaphore, #tpu.memory_space<semaphore_mem>>) {add = true}
    %dma_start3A_461 = arith.constant 0 : i32
    %dma_start3A_462 = arith.constant 4 : i32
    %dma_start3A_463 = arith.constant 512 : i32
    %dma_start3A_464 = arith.constant 0 : i32
    %dma_start3A_465 = tpu.memref_slice %arg9[%dma_start3A_463, %dma_start3A_464] : memref<1024x9xf32, #tpu.memory_space<vmem>> -> memref<128x9xf32, #tpu.memory_space<vmem>>
    %dma_start3A_466 = arith.constant 0 : i32
    %dma_start3A_467 = arith.constant 0 : i32
    %dma_start3A_468 = tpu.memref_slice %arg8[%dma_start3A_461, %dma_start3A_466, %dma_start3A_467] : memref<2x8x128xi32, #tpu.memory_space<vmem>> -> memref<1x8x128xi32, #tpu.memory_space<vmem>>
    %dma_start3A_469 = tpu.memref_squeeze %dma_start3A_468 : memref<1x8x128xi32, #tpu.memory_space<vmem>> -> memref<8x128xi32, #tpu.memory_space<vmem>>
    %dma_start3A_470 = arith.constant 0 : i32
    %dma_start3A_471 = tpu.memref_slice %dma_start3A_469[%dma_start3A_462, %dma_start3A_470] : memref<8x128xi32, #tpu.memory_space<vmem>> -> memref<1x128xi32, #tpu.memory_space<vmem>>
    %dma_start3A_472 = tpu.memref_squeeze %dma_start3A_471 : memref<1x128xi32, #tpu.memory_space<vmem>> -> memref<128xi32, #tpu.memory_space<vmem>>
    %dma_start3A_473 = arith.constant 0 : i32
    %dma_start3A_474 = arith.constant 0 : i32
    %dma_start3A_475 = tpu.memref_slice %arg10[%dma_start3A_473, %dma_start3A_474] : memref<100352x9xf32, #tpu.memory_space<vmem_shared>> -> memref<100352x9xf32, #tpu.memory_space<vmem_shared>>
    tpu.enqueue_indirect_dma source(%dma_start3A_465 : memref<128x9xf32, #tpu.memory_space<vmem>>) target(%dma_start3A_475 : memref<100352x9xf32, #tpu.memory_space<vmem_shared>>) offsets(%dma_start3A_472 : memref<128xi32, #tpu.memory_space<vmem>>) semaphore(%arg13 : memref<!tpu.dma_semaphore, #tpu.memory_space<semaphore_mem>>) {add = true}
    %dma_start3A_476 = arith.constant 0 : i32
    %dma_start3A_477 = arith.constant 5 : i32
    %dma_start3A_478 = arith.constant 640 : i32
    %dma_start3A_479 = arith.constant 0 : i32
    %dma_start3A_480 = tpu.memref_slice %arg9[%dma_start3A_478, %dma_start3A_479] : memref<1024x9xf32, #tpu.memory_space<vmem>> -> memref<128x9xf32, #tpu.memory_space<vmem>>
    %dma_start3A_481 = arith.constant 0 : i32
    %dma_start3A_482 = arith.constant 0 : i32
    %dma_start3A_483 = tpu.memref_slice %arg8[%dma_start3A_476, %dma_start3A_481, %dma_start3A_482] : memref<2x8x128xi32, #tpu.memory_space<vmem>> -> memref<1x8x128xi32, #tpu.memory_space<vmem>>
    %dma_start3A_484 = tpu.memref_squeeze %dma_start3A_483 : memref<1x8x128xi32, #tpu.memory_space<vmem>> -> memref<8x128xi32, #tpu.memory_space<vmem>>
    %dma_start3A_485 = arith.constant 0 : i32
    %dma_start3A_486 = tpu.memref_slice %dma_start3A_484[%dma_start3A_477, %dma_start3A_485] : memref<8x128xi32, #tpu.memory_space<vmem>> -> memref<1x128xi32, #tpu.memory_space<vmem>>
    %dma_start3A_487 = tpu.memref_squeeze %dma_start3A_486 : memref<1x128xi32, #tpu.memory_space<vmem>> -> memref<128xi32, #tpu.memory_space<vmem>>
    %dma_start3A_488 = arith.constant 0 : i32
    %dma_start3A_489 = arith.constant 0 : i32
    %dma_start3A_490 = tpu.memref_slice %arg10[%dma_start3A_488, %dma_start3A_489] : memref<100352x9xf32, #tpu.memory_space<vmem_shared>> -> memref<100352x9xf32, #tpu.memory_space<vmem_shared>>
    tpu.enqueue_indirect_dma source(%dma_start3A_480 : memref<128x9xf32, #tpu.memory_space<vmem>>) target(%dma_start3A_490 : memref<100352x9xf32, #tpu.memory_space<vmem_shared>>) offsets(%dma_start3A_487 : memref<128xi32, #tpu.memory_space<vmem>>) semaphore(%arg13 : memref<!tpu.dma_semaphore, #tpu.memory_space<semaphore_mem>>) {add = true}
    %dma_start3A_491 = arith.constant 0 : i32
    %dma_start3A_492 = arith.constant 6 : i32
    %dma_start3A_493 = arith.constant 768 : i32
    %dma_start3A_494 = arith.constant 0 : i32
    %dma_start3A_495 = tpu.memref_slice %arg9[%dma_start3A_493, %dma_start3A_494] : memref<1024x9xf32, #tpu.memory_space<vmem>> -> memref<128x9xf32, #tpu.memory_space<vmem>>
    %dma_start3A_496 = arith.constant 0 : i32
    %dma_start3A_497 = arith.constant 0 : i32
    %dma_start3A_498 = tpu.memref_slice %arg8[%dma_start3A_491, %dma_start3A_496, %dma_start3A_497] : memref<2x8x128xi32, #tpu.memory_space<vmem>> -> memref<1x8x128xi32, #tpu.memory_space<vmem>>
    %dma_start3A_499 = tpu.memref_squeeze %dma_start3A_498 : memref<1x8x128xi32, #tpu.memory_space<vmem>> -> memref<8x128xi32, #tpu.memory_space<vmem>>
    %dma_start3A_500 = arith.constant 0 : i32
    %dma_start3A_501 = tpu.memref_slice %dma_start3A_499[%dma_start3A_492, %dma_start3A_500] : memref<8x128xi32, #tpu.memory_space<vmem>> -> memref<1x128xi32, #tpu.memory_space<vmem>>
    %dma_start3A_502 = tpu.memref_squeeze %dma_start3A_501 : memref<1x128xi32, #tpu.memory_space<vmem>> -> memref<128xi32, #tpu.memory_space<vmem>>
    %dma_start3A_503 = arith.constant 0 : i32
    %dma_start3A_504 = arith.constant 0 : i32
    %dma_start3A_505 = tpu.memref_slice %arg10[%dma_start3A_503, %dma_start3A_504] : memref<100352x9xf32, #tpu.memory_space<vmem_shared>> -> memref<100352x9xf32, #tpu.memory_space<vmem_shared>>
    tpu.enqueue_indirect_dma source(%dma_start3A_495 : memref<128x9xf32, #tpu.memory_space<vmem>>) target(%dma_start3A_505 : memref<100352x9xf32, #tpu.memory_space<vmem_shared>>) offsets(%dma_start3A_502 : memref<128xi32, #tpu.memory_space<vmem>>) semaphore(%arg13 : memref<!tpu.dma_semaphore, #tpu.memory_space<semaphore_mem>>) {add = true}
    %dma_start3A_506 = arith.constant 0 : i32
    %dma_start3A_507 = arith.constant 7 : i32
    %dma_start3A_508 = arith.constant 896 : i32
    %dma_start3A_509 = arith.constant 0 : i32
    %dma_start3A_510 = tpu.memref_slice %arg9[%dma_start3A_508, %dma_start3A_509] : memref<1024x9xf32, #tpu.memory_space<vmem>> -> memref<128x9xf32, #tpu.memory_space<vmem>>
    %dma_start3A_511 = arith.constant 0 : i32
    %dma_start3A_512 = arith.constant 0 : i32
    %dma_start3A_513 = tpu.memref_slice %arg8[%dma_start3A_506, %dma_start3A_511, %dma_start3A_512] : memref<2x8x128xi32, #tpu.memory_space<vmem>> -> memref<1x8x128xi32, #tpu.memory_space<vmem>>
    %dma_start3A_514 = tpu.memref_squeeze %dma_start3A_513 : memref<1x8x128xi32, #tpu.memory_space<vmem>> -> memref<8x128xi32, #tpu.memory_space<vmem>>
    %dma_start3A_515 = arith.constant 0 : i32
    %dma_start3A_516 = tpu.memref_slice %dma_start3A_514[%dma_start3A_507, %dma_start3A_515] : memref<8x128xi32, #tpu.memory_space<vmem>> -> memref<1x128xi32, #tpu.memory_space<vmem>>
    %dma_start3A_517 = tpu.memref_squeeze %dma_start3A_516 : memref<1x128xi32, #tpu.memory_space<vmem>> -> memref<128xi32, #tpu.memory_space<vmem>>
    %dma_start3A_518 = arith.constant 0 : i32
    %dma_start3A_519 = arith.constant 0 : i32
    %dma_start3A_520 = tpu.memref_slice %arg10[%dma_start3A_518, %dma_start3A_519] : memref<100352x9xf32, #tpu.memory_space<vmem_shared>> -> memref<100352x9xf32, #tpu.memory_space<vmem_shared>>
    tpu.enqueue_indirect_dma source(%dma_start3A_510 : memref<128x9xf32, #tpu.memory_space<vmem>>) target(%dma_start3A_520 : memref<100352x9xf32, #tpu.memory_space<vmem_shared>>) offsets(%dma_start3A_517 : memref<128xi32, #tpu.memory_space<vmem>>) semaphore(%arg13 : memref<!tpu.dma_semaphore, #tpu.memory_space<semaphore_mem>>) {add = true}
    %dma_wait3A_521 = arith.constant 0 : i32
    %dma_wait3A_522 = arith.constant 0 : i32
    %dma_wait3A_523 = arith.constant 0 : i32
    %dma_wait3A_524 = arith.constant 0 : i32
    %dma_wait3A_525 = tpu.memref_slice %arg9[%dma_wait3A_523, %dma_wait3A_524] : memref<1024x9xf32, #tpu.memory_space<vmem>> -> memref<128x9xf32, #tpu.memory_space<vmem>>
    %dma_wait3A_526 = arith.constant 0 : i32
    %dma_wait3A_527 = arith.constant 0 : i32
    %dma_wait3A_528 = tpu.memref_slice %arg8[%dma_wait3A_521, %dma_wait3A_526, %dma_wait3A_527] : memref<2x8x128xi32, #tpu.memory_space<vmem>> -> memref<1x8x128xi32, #tpu.memory_space<vmem>>
    %dma_wait3A_529 = tpu.memref_squeeze %dma_wait3A_528 : memref<1x8x128xi32, #tpu.memory_space<vmem>> -> memref<8x128xi32, #tpu.memory_space<vmem>>
    %dma_wait3A_530 = arith.constant 0 : i32
    %dma_wait3A_531 = tpu.memref_slice %dma_wait3A_529[%dma_wait3A_522, %dma_wait3A_530] : memref<8x128xi32, #tpu.memory_space<vmem>> -> memref<1x128xi32, #tpu.memory_space<vmem>>
    %dma_wait3A_532 = tpu.memref_squeeze %dma_wait3A_531 : memref<1x128xi32, #tpu.memory_space<vmem>> -> memref<128xi32, #tpu.memory_space<vmem>>
    %dma_wait3A_533 = arith.constant 0 : i32
    %dma_wait3A_534 = arith.constant 0 : i32
    %dma_wait3A_535 = tpu.memref_slice %arg10[%dma_wait3A_533, %dma_wait3A_534] : memref<100352x9xf32, #tpu.memory_space<vmem_shared>> -> memref<100352x9xf32, #tpu.memory_space<vmem_shared>>
    tpu.wait_indirect_dma semaphore(%arg13 : memref<!tpu.dma_semaphore, #tpu.memory_space<semaphore_mem>>) src(%dma_wait3A_525 : memref<128x9xf32, #tpu.memory_space<vmem>>) dst(%dma_wait3A_535 : memref<100352x9xf32, #tpu.memory_space<vmem_shared>>)
    %dma_wait3A_536 = arith.constant 0 : i32
    %dma_wait3A_537 = arith.constant 1 : i32
    %dma_wait3A_538 = arith.constant 128 : i32
    %dma_wait3A_539 = arith.constant 0 : i32
    %dma_wait3A_540 = tpu.memref_slice %arg9[%dma_wait3A_538, %dma_wait3A_539] : memref<1024x9xf32, #tpu.memory_space<vmem>> -> memref<128x9xf32, #tpu.memory_space<vmem>>
    %dma_wait3A_541 = arith.constant 0 : i32
    %dma_wait3A_542 = arith.constant 0 : i32
    %dma_wait3A_543 = tpu.memref_slice %arg8[%dma_wait3A_536, %dma_wait3A_541, %dma_wait3A_542] : memref<2x8x128xi32, #tpu.memory_space<vmem>> -> memref<1x8x128xi32, #tpu.memory_space<vmem>>
    %dma_wait3A_544 = tpu.memref_squeeze %dma_wait3A_543 : memref<1x8x128xi32, #tpu.memory_space<vmem>> -> memref<8x128xi32, #tpu.memory_space<vmem>>
    %dma_wait3A_545 = arith.constant 0 : i32
    %dma_wait3A_546 = tpu.memref_slice %dma_wait3A_544[%dma_wait3A_537, %dma_wait3A_545] : memref<8x128xi32, #tpu.memory_space<vmem>> -> memref<1x128xi32, #tpu.memory_space<vmem>>
    %dma_wait3A_547 = tpu.memref_squeeze %dma_wait3A_546 : memref<1x128xi32, #tpu.memory_space<vmem>> -> memref<128xi32, #tpu.memory_space<vmem>>
    %dma_wait3A_548 = arith.constant 0 : i32
    %dma_wait3A_549 = arith.constant 0 : i32
    %dma_wait3A_550 = tpu.memref_slice %arg10[%dma_wait3A_548, %dma_wait3A_549] : memref<100352x9xf32, #tpu.memory_space<vmem_shared>> -> memref<100352x9xf32, #tpu.memory_space<vmem_shared>>
    tpu.wait_indirect_dma semaphore(%arg13 : memref<!tpu.dma_semaphore, #tpu.memory_space<semaphore_mem>>) src(%dma_wait3A_540 : memref<128x9xf32, #tpu.memory_space<vmem>>) dst(%dma_wait3A_550 : memref<100352x9xf32, #tpu.memory_space<vmem_shared>>)
    %dma_wait3A_551 = arith.constant 0 : i32
    %dma_wait3A_552 = arith.constant 2 : i32
    %dma_wait3A_553 = arith.constant 256 : i32
    %dma_wait3A_554 = arith.constant 0 : i32
    %dma_wait3A_555 = tpu.memref_slice %arg9[%dma_wait3A_553, %dma_wait3A_554] : memref<1024x9xf32, #tpu.memory_space<vmem>> -> memref<128x9xf32, #tpu.memory_space<vmem>>
    %dma_wait3A_556 = arith.constant 0 : i32
    %dma_wait3A_557 = arith.constant 0 : i32
    %dma_wait3A_558 = tpu.memref_slice %arg8[%dma_wait3A_551, %dma_wait3A_556, %dma_wait3A_557] : memref<2x8x128xi32, #tpu.memory_space<vmem>> -> memref<1x8x128xi32, #tpu.memory_space<vmem>>
    %dma_wait3A_559 = tpu.memref_squeeze %dma_wait3A_558 : memref<1x8x128xi32, #tpu.memory_space<vmem>> -> memref<8x128xi32, #tpu.memory_space<vmem>>
    %dma_wait3A_560 = arith.constant 0 : i32
    %dma_wait3A_561 = tpu.memref_slice %dma_wait3A_559[%dma_wait3A_552, %dma_wait3A_560] : memref<8x128xi32, #tpu.memory_space<vmem>> -> memref<1x128xi32, #tpu.memory_space<vmem>>
    %dma_wait3A_562 = tpu.memref_squeeze %dma_wait3A_561 : memref<1x128xi32, #tpu.memory_space<vmem>> -> memref<128xi32, #tpu.memory_space<vmem>>
    %dma_wait3A_563 = arith.constant 0 : i32
    %dma_wait3A_564 = arith.constant 0 : i32
    %dma_wait3A_565 = tpu.memref_slice %arg10[%dma_wait3A_563, %dma_wait3A_564] : memref<100352x9xf32, #tpu.memory_space<vmem_shared>> -> memref<100352x9xf32, #tpu.memory_space<vmem_shared>>
    tpu.wait_indirect_dma semaphore(%arg13 : memref<!tpu.dma_semaphore, #tpu.memory_space<semaphore_mem>>) src(%dma_wait3A_555 : memref<128x9xf32, #tpu.memory_space<vmem>>) dst(%dma_wait3A_565 : memref<100352x9xf32, #tpu.memory_space<vmem_shared>>)
    %dma_wait3A_566 = arith.constant 0 : i32
    %dma_wait3A_567 = arith.constant 3 : i32
    %dma_wait3A_568 = arith.constant 384 : i32
    %dma_wait3A_569 = arith.constant 0 : i32
    %dma_wait3A_570 = tpu.memref_slice %arg9[%dma_wait3A_568, %dma_wait3A_569] : memref<1024x9xf32, #tpu.memory_space<vmem>> -> memref<128x9xf32, #tpu.memory_space<vmem>>
    %dma_wait3A_571 = arith.constant 0 : i32
    %dma_wait3A_572 = arith.constant 0 : i32
    %dma_wait3A_573 = tpu.memref_slice %arg8[%dma_wait3A_566, %dma_wait3A_571, %dma_wait3A_572] : memref<2x8x128xi32, #tpu.memory_space<vmem>> -> memref<1x8x128xi32, #tpu.memory_space<vmem>>
    %dma_wait3A_574 = tpu.memref_squeeze %dma_wait3A_573 : memref<1x8x128xi32, #tpu.memory_space<vmem>> -> memref<8x128xi32, #tpu.memory_space<vmem>>
    %dma_wait3A_575 = arith.constant 0 : i32
    %dma_wait3A_576 = tpu.memref_slice %dma_wait3A_574[%dma_wait3A_567, %dma_wait3A_575] : memref<8x128xi32, #tpu.memory_space<vmem>> -> memref<1x128xi32, #tpu.memory_space<vmem>>
    %dma_wait3A_577 = tpu.memref_squeeze %dma_wait3A_576 : memref<1x128xi32, #tpu.memory_space<vmem>> -> memref<128xi32, #tpu.memory_space<vmem>>
    %dma_wait3A_578 = arith.constant 0 : i32
    %dma_wait3A_579 = arith.constant 0 : i32
    %dma_wait3A_580 = tpu.memref_slice %arg10[%dma_wait3A_578, %dma_wait3A_579] : memref<100352x9xf32, #tpu.memory_space<vmem_shared>> -> memref<100352x9xf32, #tpu.memory_space<vmem_shared>>
    tpu.wait_indirect_dma semaphore(%arg13 : memref<!tpu.dma_semaphore, #tpu.memory_space<semaphore_mem>>) src(%dma_wait3A_570 : memref<128x9xf32, #tpu.memory_space<vmem>>) dst(%dma_wait3A_580 : memref<100352x9xf32, #tpu.memory_space<vmem_shared>>)
    %dma_wait3A_581 = arith.constant 0 : i32
    %dma_wait3A_582 = arith.constant 4 : i32
    %dma_wait3A_583 = arith.constant 512 : i32
    %dma_wait3A_584 = arith.constant 0 : i32
    %dma_wait3A_585 = tpu.memref_slice %arg9[%dma_wait3A_583, %dma_wait3A_584] : memref<1024x9xf32, #tpu.memory_space<vmem>> -> memref<128x9xf32, #tpu.memory_space<vmem>>
    %dma_wait3A_586 = arith.constant 0 : i32
    %dma_wait3A_587 = arith.constant 0 : i32
    %dma_wait3A_588 = tpu.memref_slice %arg8[%dma_wait3A_581, %dma_wait3A_586, %dma_wait3A_587] : memref<2x8x128xi32, #tpu.memory_space<vmem>> -> memref<1x8x128xi32, #tpu.memory_space<vmem>>
    %dma_wait3A_589 = tpu.memref_squeeze %dma_wait3A_588 : memref<1x8x128xi32, #tpu.memory_space<vmem>> -> memref<8x128xi32, #tpu.memory_space<vmem>>
    %dma_wait3A_590 = arith.constant 0 : i32
    %dma_wait3A_591 = tpu.memref_slice %dma_wait3A_589[%dma_wait3A_582, %dma_wait3A_590] : memref<8x128xi32, #tpu.memory_space<vmem>> -> memref<1x128xi32, #tpu.memory_space<vmem>>
    %dma_wait3A_592 = tpu.memref_squeeze %dma_wait3A_591 : memref<1x128xi32, #tpu.memory_space<vmem>> -> memref<128xi32, #tpu.memory_space<vmem>>
    %dma_wait3A_593 = arith.constant 0 : i32
    %dma_wait3A_594 = arith.constant 0 : i32
    %dma_wait3A_595 = tpu.memref_slice %arg10[%dma_wait3A_593, %dma_wait3A_594] : memref<100352x9xf32, #tpu.memory_space<vmem_shared>> -> memref<100352x9xf32, #tpu.memory_space<vmem_shared>>
    tpu.wait_indirect_dma semaphore(%arg13 : memref<!tpu.dma_semaphore, #tpu.memory_space<semaphore_mem>>) src(%dma_wait3A_585 : memref<128x9xf32, #tpu.memory_space<vmem>>) dst(%dma_wait3A_595 : memref<100352x9xf32, #tpu.memory_space<vmem_shared>>)
    %dma_wait3A_596 = arith.constant 0 : i32
    %dma_wait3A_597 = arith.constant 5 : i32
    %dma_wait3A_598 = arith.constant 640 : i32
    %dma_wait3A_599 = arith.constant 0 : i32
    %dma_wait3A_600 = tpu.memref_slice %arg9[%dma_wait3A_598, %dma_wait3A_599] : memref<1024x9xf32, #tpu.memory_space<vmem>> -> memref<128x9xf32, #tpu.memory_space<vmem>>
    %dma_wait3A_601 = arith.constant 0 : i32
    %dma_wait3A_602 = arith.constant 0 : i32
    %dma_wait3A_603 = tpu.memref_slice %arg8[%dma_wait3A_596, %dma_wait3A_601, %dma_wait3A_602] : memref<2x8x128xi32, #tpu.memory_space<vmem>> -> memref<1x8x128xi32, #tpu.memory_space<vmem>>
    %dma_wait3A_604 = tpu.memref_squeeze %dma_wait3A_603 : memref<1x8x128xi32, #tpu.memory_space<vmem>> -> memref<8x128xi32, #tpu.memory_space<vmem>>
    %dma_wait3A_605 = arith.constant 0 : i32
    %dma_wait3A_606 = tpu.memref_slice %dma_wait3A_604[%dma_wait3A_597, %dma_wait3A_605] : memref<8x128xi32, #tpu.memory_space<vmem>> -> memref<1x128xi32, #tpu.memory_space<vmem>>
    %dma_wait3A_607 = tpu.memref_squeeze %dma_wait3A_606 : memref<1x128xi32, #tpu.memory_space<vmem>> -> memref<128xi32, #tpu.memory_space<vmem>>
    %dma_wait3A_608 = arith.constant 0 : i32
    %dma_wait3A_609 = arith.constant 0 : i32
    %dma_wait3A_610 = tpu.memref_slice %arg10[%dma_wait3A_608, %dma_wait3A_609] : memref<100352x9xf32, #tpu.memory_space<vmem_shared>> -> memref<100352x9xf32, #tpu.memory_space<vmem_shared>>
    tpu.wait_indirect_dma semaphore(%arg13 : memref<!tpu.dma_semaphore, #tpu.memory_space<semaphore_mem>>) src(%dma_wait3A_600 : memref<128x9xf32, #tpu.memory_space<vmem>>) dst(%dma_wait3A_610 : memref<100352x9xf32, #tpu.memory_space<vmem_shared>>)
    %dma_wait3A_611 = arith.constant 0 : i32
    %dma_wait3A_612 = arith.constant 6 : i32
    %dma_wait3A_613 = arith.constant 768 : i32
    %dma_wait3A_614 = arith.constant 0 : i32
    %dma_wait3A_615 = tpu.memref_slice %arg9[%dma_wait3A_613, %dma_wait3A_614] : memref<1024x9xf32, #tpu.memory_space<vmem>> -> memref<128x9xf32, #tpu.memory_space<vmem>>
    %dma_wait3A_616 = arith.constant 0 : i32
    %dma_wait3A_617 = arith.constant 0 : i32
    %dma_wait3A_618 = tpu.memref_slice %arg8[%dma_wait3A_611, %dma_wait3A_616, %dma_wait3A_617] : memref<2x8x128xi32, #tpu.memory_space<vmem>> -> memref<1x8x128xi32, #tpu.memory_space<vmem>>
    %dma_wait3A_619 = tpu.memref_squeeze %dma_wait3A_618 : memref<1x8x128xi32, #tpu.memory_space<vmem>> -> memref<8x128xi32, #tpu.memory_space<vmem>>
    %dma_wait3A_620 = arith.constant 0 : i32
    %dma_wait3A_621 = tpu.memref_slice %dma_wait3A_619[%dma_wait3A_612, %dma_wait3A_620] : memref<8x128xi32, #tpu.memory_space<vmem>> -> memref<1x128xi32, #tpu.memory_space<vmem>>
    %dma_wait3A_622 = tpu.memref_squeeze %dma_wait3A_621 : memref<1x128xi32, #tpu.memory_space<vmem>> -> memref<128xi32, #tpu.memory_space<vmem>>
    %dma_wait3A_623 = arith.constant 0 : i32
    %dma_wait3A_624 = arith.constant 0 : i32
    %dma_wait3A_625 = tpu.memref_slice %arg10[%dma_wait3A_623, %dma_wait3A_624] : memref<100352x9xf32, #tpu.memory_space<vmem_shared>> -> memref<100352x9xf32, #tpu.memory_space<vmem_shared>>
    tpu.wait_indirect_dma semaphore(%arg13 : memref<!tpu.dma_semaphore, #tpu.memory_space<semaphore_mem>>) src(%dma_wait3A_615 : memref<128x9xf32, #tpu.memory_space<vmem>>) dst(%dma_wait3A_625 : memref<100352x9xf32, #tpu.memory_space<vmem_shared>>)
    %dma_wait3A_626 = arith.constant 0 : i32
    %dma_wait3A_627 = arith.constant 7 : i32
    %dma_wait3A_628 = arith.constant 896 : i32
    %dma_wait3A_629 = arith.constant 0 : i32
    %dma_wait3A_630 = tpu.memref_slice %arg9[%dma_wait3A_628, %dma_wait3A_629] : memref<1024x9xf32, #tpu.memory_space<vmem>> -> memref<128x9xf32, #tpu.memory_space<vmem>>
    %dma_wait3A_631 = arith.constant 0 : i32
    %dma_wait3A_632 = arith.constant 0 : i32
    %dma_wait3A_633 = tpu.memref_slice %arg8[%dma_wait3A_626, %dma_wait3A_631, %dma_wait3A_632] : memref<2x8x128xi32, #tpu.memory_space<vmem>> -> memref<1x8x128xi32, #tpu.memory_space<vmem>>
    %dma_wait3A_634 = tpu.memref_squeeze %dma_wait3A_633 : memref<1x8x128xi32, #tpu.memory_space<vmem>> -> memref<8x128xi32, #tpu.memory_space<vmem>>
    %dma_wait3A_635 = arith.constant 0 : i32
    %dma_wait3A_636 = tpu.memref_slice %dma_wait3A_634[%dma_wait3A_627, %dma_wait3A_635] : memref<8x128xi32, #tpu.memory_space<vmem>> -> memref<1x128xi32, #tpu.memory_space<vmem>>
    %dma_wait3A_637 = tpu.memref_squeeze %dma_wait3A_636 : memref<1x128xi32, #tpu.memory_space<vmem>> -> memref<128xi32, #tpu.memory_space<vmem>>
    %dma_wait3A_638 = arith.constant 0 : i32
    %dma_wait3A_639 = arith.constant 0 : i32
    %dma_wait3A_640 = tpu.memref_slice %arg10[%dma_wait3A_638, %dma_wait3A_639] : memref<100352x9xf32, #tpu.memory_space<vmem_shared>> -> memref<100352x9xf32, #tpu.memory_space<vmem_shared>>
    tpu.wait_indirect_dma semaphore(%arg13 : memref<!tpu.dma_semaphore, #tpu.memory_space<semaphore_mem>>) src(%dma_wait3A_630 : memref<128x9xf32, #tpu.memory_space<vmem>>) dst(%dma_wait3A_640 : memref<100352x9xf32, #tpu.memory_space<vmem_shared>>)
    %dma_wait3A_641 = arith.constant 0 : i32
    %dma_wait3A_642 = arith.constant 0 : i32
    %dma_wait3A_643 = arith.constant 1 : i32
    %dma_wait3A_644 = arith.constant 0 : i32
    %dma_wait3A_645 = arith.constant 0 : i32
    %dma_wait3A_646 = tpu.memref_slice %arg7[%dma_wait3A_643, %dma_wait3A_644, %dma_wait3A_645] : memref<2x8x128xi32, #tpu.memory_space<vmem>> -> memref<1x8x128xi32, #tpu.memory_space<vmem>>
    %dma_wait3A_647 = tpu.memref_squeeze %dma_wait3A_646 : memref<1x8x128xi32, #tpu.memory_space<vmem>> -> memref<8x128xi32, #tpu.memory_space<vmem>>
    %dma_wait3A_648 = arith.constant 0 : i32
    %dma_wait3A_649 = arith.constant 0 : i32
    %dma_wait3A_650 = arith.constant 0 : i32
    %dma_wait3A_651 = tpu.memref_slice %arg3[%dma_wait3A_641, %dma_wait3A_648, %dma_wait3A_649, %dma_wait3A_650] : memref<2x3136x8x128xi32, #tpu.memory_space<hbm>> -> memref<1x3136x8x128xi32, #tpu.memory_space<hbm>>
    %dma_wait3A_652 = tpu.memref_squeeze %dma_wait3A_651 : memref<1x3136x8x128xi32, #tpu.memory_space<hbm>> -> memref<3136x8x128xi32, #tpu.memory_space<hbm>>
    %dma_wait3A_653 = arith.constant 0 : i32
    %dma_wait3A_654 = arith.constant 0 : i32
    %dma_wait3A_655 = tpu.memref_slice %dma_wait3A_652[%dma_wait3A_642, %dma_wait3A_653, %dma_wait3A_654] : memref<3136x8x128xi32, #tpu.memory_space<hbm>> -> memref<1x8x128xi32, #tpu.memory_space<hbm>>
    %dma_wait3A_656 = tpu.memref_squeeze %dma_wait3A_655 : memref<1x8x128xi32, #tpu.memory_space<hbm>> -> memref<8x128xi32, #tpu.memory_space<hbm>>
    %dma_wait3A_657 = arith.constant 0 : i32
    %dma_wait3A_658 = arith.constant 0 : i32
    %dma_wait3A_659 = tpu.memref_slice %arg7[%dma_wait3A_643, %dma_wait3A_657, %dma_wait3A_658] : memref<2x8x128xi32, #tpu.memory_space<vmem>> -> memref<1x8x128xi32, #tpu.memory_space<vmem>>
    %dma_wait3A_660 = tpu.memref_squeeze %dma_wait3A_659 : memref<1x8x128xi32, #tpu.memory_space<vmem>> -> memref<8x128xi32, #tpu.memory_space<vmem>>
    %dma_wait3A_661 = arith.constant 0 : i32
    %dma_wait3A_662 = arith.constant 0 : i32
    %dma_wait3A_663 = arith.constant 0 : i32
    %dma_wait3A_664 = tpu.memref_slice %arg3[%dma_wait3A_641, %dma_wait3A_661, %dma_wait3A_662, %dma_wait3A_663] : memref<2x3136x8x128xi32, #tpu.memory_space<hbm>> -> memref<1x3136x8x128xi32, #tpu.memory_space<hbm>>
    %dma_wait3A_665 = tpu.memref_squeeze %dma_wait3A_664 : memref<1x3136x8x128xi32, #tpu.memory_space<hbm>> -> memref<3136x8x128xi32, #tpu.memory_space<hbm>>
    %dma_wait3A_666 = arith.constant 0 : i32
    %dma_wait3A_667 = arith.constant 0 : i32
    %dma_wait3A_668 = tpu.memref_slice %dma_wait3A_665[%dma_wait3A_642, %dma_wait3A_666, %dma_wait3A_667] : memref<3136x8x128xi32, #tpu.memory_space<hbm>> -> memref<1x8x128xi32, #tpu.memory_space<hbm>>
    %dma_wait3A_669 = tpu.memref_squeeze %dma_wait3A_668 : memref<1x8x128xi32, #tpu.memory_space<hbm>> -> memref<8x128xi32, #tpu.memory_space<hbm>>
    tpu.wait_dma2 semaphore(%arg11 : memref<!tpu.dma_semaphore, #tpu.memory_space<semaphore_mem>>) src(%dma_wait3A_669 : memref<8x128xi32, #tpu.memory_space<hbm>>) dst(%dma_wait3A_660 : memref<8x128xi32, #tpu.memory_space<vmem>>)
    %dma_wait3A_670 = arith.constant 0 : i32
    %dma_wait3A_671 = arith.constant 1 : i32
    %dma_wait3A_672 = arith.constant 0 : i32
    %dma_wait3A_673 = arith.constant 0 : i32
    %dma_wait3A_674 = tpu.memref_slice %arg8[%dma_wait3A_671, %dma_wait3A_672, %dma_wait3A_673] : memref<2x8x128xi32, #tpu.memory_space<vmem>> -> memref<1x8x128xi32, #tpu.memory_space<vmem>>
    %dma_wait3A_675 = tpu.memref_squeeze %dma_wait3A_674 : memref<1x8x128xi32, #tpu.memory_space<vmem>> -> memref<8x128xi32, #tpu.memory_space<vmem>>
    %dma_wait3A_676 = arith.constant 0 : i32
    %dma_wait3A_677 = arith.constant 0 : i32
    %dma_wait3A_678 = tpu.memref_slice %arg4[%dma_wait3A_670, %dma_wait3A_676, %dma_wait3A_677] : memref<3136x8x128xi32, #tpu.memory_space<hbm>> -> memref<1x8x128xi32, #tpu.memory_space<hbm>>
    %dma_wait3A_679 = tpu.memref_squeeze %dma_wait3A_678 : memref<1x8x128xi32, #tpu.memory_space<hbm>> -> memref<8x128xi32, #tpu.memory_space<hbm>>
    %dma_wait3A_680 = arith.constant 0 : i32
    %dma_wait3A_681 = arith.constant 0 : i32
    %dma_wait3A_682 = tpu.memref_slice %arg8[%dma_wait3A_671, %dma_wait3A_680, %dma_wait3A_681] : memref<2x8x128xi32, #tpu.memory_space<vmem>> -> memref<1x8x128xi32, #tpu.memory_space<vmem>>
    %dma_wait3A_683 = tpu.memref_squeeze %dma_wait3A_682 : memref<1x8x128xi32, #tpu.memory_space<vmem>> -> memref<8x128xi32, #tpu.memory_space<vmem>>
    %dma_wait3A_684 = arith.constant 0 : i32
    %dma_wait3A_685 = arith.constant 0 : i32
    %dma_wait3A_686 = tpu.memref_slice %arg4[%dma_wait3A_670, %dma_wait3A_684, %dma_wait3A_685] : memref<3136x8x128xi32, #tpu.memory_space<hbm>> -> memref<1x8x128xi32, #tpu.memory_space<hbm>>
    %dma_wait3A_687 = tpu.memref_squeeze %dma_wait3A_686 : memref<1x8x128xi32, #tpu.memory_space<hbm>> -> memref<8x128xi32, #tpu.memory_space<hbm>>
    tpu.wait_dma2 semaphore(%arg11 : memref<!tpu.dma_semaphore, #tpu.memory_space<semaphore_mem>>) src(%dma_wait3A_687 : memref<8x128xi32, #tpu.memory_space<hbm>>) dst(%dma_wait3A_683 : memref<8x128xi32, #tpu.memory_space<vmem>>)
    %dma_start3A_688 = arith.constant 1 : i32
    %dma_start3A_689 = arith.constant 0 : i32
    %dma_start3A_690 = arith.constant 0 : i32
    %dma_start3A_691 = arith.constant 0 : i32
    %dma_start3A_692 = tpu.memref_slice %arg9[%dma_start3A_690, %dma_start3A_691] : memref<1024x9xf32, #tpu.memory_space<vmem>> -> memref<128x9xf32, #tpu.memory_space<vmem>>
    %dma_start3A_693 = arith.constant 0 : i32
    %dma_start3A_694 = arith.constant 0 : i32
    %dma_start3A_695 = tpu.memref_slice %arg7[%dma_start3A_688, %dma_start3A_693, %dma_start3A_694] : memref<2x8x128xi32, #tpu.memory_space<vmem>> -> memref<1x8x128xi32, #tpu.memory_space<vmem>>
    %dma_start3A_696 = tpu.memref_squeeze %dma_start3A_695 : memref<1x8x128xi32, #tpu.memory_space<vmem>> -> memref<8x128xi32, #tpu.memory_space<vmem>>
    %dma_start3A_697 = arith.constant 0 : i32
    %dma_start3A_698 = tpu.memref_slice %dma_start3A_696[%dma_start3A_689, %dma_start3A_697] : memref<8x128xi32, #tpu.memory_space<vmem>> -> memref<1x128xi32, #tpu.memory_space<vmem>>
    %dma_start3A_699 = tpu.memref_squeeze %dma_start3A_698 : memref<1x128xi32, #tpu.memory_space<vmem>> -> memref<128xi32, #tpu.memory_space<vmem>>
    %dma_start3A_700 = arith.constant 0 : i32
    %dma_start3A_701 = arith.constant 0 : i32
    %dma_start3A_702 = tpu.memref_slice %arg2[%dma_start3A_700, %dma_start3A_701] : memref<200000x9xf32, #tpu.memory_space<hbm>> -> memref<200000x9xf32, #tpu.memory_space<hbm>>
    tpu.enqueue_indirect_dma source(%dma_start3A_702 : memref<200000x9xf32, #tpu.memory_space<hbm>>) target(%dma_start3A_692 : memref<128x9xf32, #tpu.memory_space<vmem>>) offsets(%dma_start3A_699 : memref<128xi32, #tpu.memory_space<vmem>>) semaphore(%arg12 : memref<!tpu.dma_semaphore, #tpu.memory_space<semaphore_mem>>)
    %dma_start3A_703 = arith.constant 1 : i32
    %dma_start3A_704 = arith.constant 1 : i32
    %dma_start3A_705 = arith.constant 128 : i32
    %dma_start3A_706 = arith.constant 0 : i32
    %dma_start3A_707 = tpu.memref_slice %arg9[%dma_start3A_705, %dma_start3A_706] : memref<1024x9xf32, #tpu.memory_space<vmem>> -> memref<128x9xf32, #tpu.memory_space<vmem>>
    %dma_start3A_708 = arith.constant 0 : i32
    %dma_start3A_709 = arith.constant 0 : i32
    %dma_start3A_710 = tpu.memref_slice %arg7[%dma_start3A_703, %dma_start3A_708, %dma_start3A_709] : memref<2x8x128xi32, #tpu.memory_space<vmem>> -> memref<1x8x128xi32, #tpu.memory_space<vmem>>
    %dma_start3A_711 = tpu.memref_squeeze %dma_start3A_710 : memref<1x8x128xi32, #tpu.memory_space<vmem>> -> memref<8x128xi32, #tpu.memory_space<vmem>>
    %dma_start3A_712 = arith.constant 0 : i32
    %dma_start3A_713 = tpu.memref_slice %dma_start3A_711[%dma_start3A_704, %dma_start3A_712] : memref<8x128xi32, #tpu.memory_space<vmem>> -> memref<1x128xi32, #tpu.memory_space<vmem>>
    %dma_start3A_714 = tpu.memref_squeeze %dma_start3A_713 : memref<1x128xi32, #tpu.memory_space<vmem>> -> memref<128xi32, #tpu.memory_space<vmem>>
    %dma_start3A_715 = arith.constant 0 : i32
    %dma_start3A_716 = arith.constant 0 : i32
    %dma_start3A_717 = tpu.memref_slice %arg2[%dma_start3A_715, %dma_start3A_716] : memref<200000x9xf32, #tpu.memory_space<hbm>> -> memref<200000x9xf32, #tpu.memory_space<hbm>>
    tpu.enqueue_indirect_dma source(%dma_start3A_717 : memref<200000x9xf32, #tpu.memory_space<hbm>>) target(%dma_start3A_707 : memref<128x9xf32, #tpu.memory_space<vmem>>) offsets(%dma_start3A_714 : memref<128xi32, #tpu.memory_space<vmem>>) semaphore(%arg12 : memref<!tpu.dma_semaphore, #tpu.memory_space<semaphore_mem>>)
    %dma_start3A_718 = arith.constant 1 : i32
    %dma_start3A_719 = arith.constant 2 : i32
    %dma_start3A_720 = arith.constant 256 : i32
    %dma_start3A_721 = arith.constant 0 : i32
    %dma_start3A_722 = tpu.memref_slice %arg9[%dma_start3A_720, %dma_start3A_721] : memref<1024x9xf32, #tpu.memory_space<vmem>> -> memref<128x9xf32, #tpu.memory_space<vmem>>
    %dma_start3A_723 = arith.constant 0 : i32
    %dma_start3A_724 = arith.constant 0 : i32
    %dma_start3A_725 = tpu.memref_slice %arg7[%dma_start3A_718, %dma_start3A_723, %dma_start3A_724] : memref<2x8x128xi32, #tpu.memory_space<vmem>> -> memref<1x8x128xi32, #tpu.memory_space<vmem>>
    %dma_start3A_726 = tpu.memref_squeeze %dma_start3A_725 : memref<1x8x128xi32, #tpu.memory_space<vmem>> -> memref<8x128xi32, #tpu.memory_space<vmem>>
    %dma_start3A_727 = arith.constant 0 : i32
    %dma_start3A_728 = tpu.memref_slice %dma_start3A_726[%dma_start3A_719, %dma_start3A_727] : memref<8x128xi32, #tpu.memory_space<vmem>> -> memref<1x128xi32, #tpu.memory_space<vmem>>
    %dma_start3A_729 = tpu.memref_squeeze %dma_start3A_728 : memref<1x128xi32, #tpu.memory_space<vmem>> -> memref<128xi32, #tpu.memory_space<vmem>>
    %dma_start3A_730 = arith.constant 0 : i32
    %dma_start3A_731 = arith.constant 0 : i32
    %dma_start3A_732 = tpu.memref_slice %arg2[%dma_start3A_730, %dma_start3A_731] : memref<200000x9xf32, #tpu.memory_space<hbm>> -> memref<200000x9xf32, #tpu.memory_space<hbm>>
    tpu.enqueue_indirect_dma source(%dma_start3A_732 : memref<200000x9xf32, #tpu.memory_space<hbm>>) target(%dma_start3A_722 : memref<128x9xf32, #tpu.memory_space<vmem>>) offsets(%dma_start3A_729 : memref<128xi32, #tpu.memory_space<vmem>>) semaphore(%arg12 : memref<!tpu.dma_semaphore, #tpu.memory_space<semaphore_mem>>)
    %dma_start3A_733 = arith.constant 1 : i32
    %dma_start3A_734 = arith.constant 3 : i32
    %dma_start3A_735 = arith.constant 384 : i32
    %dma_start3A_736 = arith.constant 0 : i32
    %dma_start3A_737 = tpu.memref_slice %arg9[%dma_start3A_735, %dma_start3A_736] : memref<1024x9xf32, #tpu.memory_space<vmem>> -> memref<128x9xf32, #tpu.memory_space<vmem>>
    %dma_start3A_738 = arith.constant 0 : i32
    %dma_start3A_739 = arith.constant 0 : i32
    %dma_start3A_740 = tpu.memref_slice %arg7[%dma_start3A_733, %dma_start3A_738, %dma_start3A_739] : memref<2x8x128xi32, #tpu.memory_space<vmem>> -> memref<1x8x128xi32, #tpu.memory_space<vmem>>
    %dma_start3A_741 = tpu.memref_squeeze %dma_start3A_740 : memref<1x8x128xi32, #tpu.memory_space<vmem>> -> memref<8x128xi32, #tpu.memory_space<vmem>>
    %dma_start3A_742 = arith.constant 0 : i32
    %dma_start3A_743 = tpu.memref_slice %dma_start3A_741[%dma_start3A_734, %dma_start3A_742] : memref<8x128xi32, #tpu.memory_space<vmem>> -> memref<1x128xi32, #tpu.memory_space<vmem>>
    %dma_start3A_744 = tpu.memref_squeeze %dma_start3A_743 : memref<1x128xi32, #tpu.memory_space<vmem>> -> memref<128xi32, #tpu.memory_space<vmem>>
    %dma_start3A_745 = arith.constant 0 : i32
    %dma_start3A_746 = arith.constant 0 : i32
    %dma_start3A_747 = tpu.memref_slice %arg2[%dma_start3A_745, %dma_start3A_746] : memref<200000x9xf32, #tpu.memory_space<hbm>> -> memref<200000x9xf32, #tpu.memory_space<hbm>>
    tpu.enqueue_indirect_dma source(%dma_start3A_747 : memref<200000x9xf32, #tpu.memory_space<hbm>>) target(%dma_start3A_737 : memref<128x9xf32, #tpu.memory_space<vmem>>) offsets(%dma_start3A_744 : memref<128xi32, #tpu.memory_space<vmem>>) semaphore(%arg12 : memref<!tpu.dma_semaphore, #tpu.memory_space<semaphore_mem>>)
    %dma_start3A_748 = arith.constant 1 : i32
    %dma_start3A_749 = arith.constant 4 : i32
    %dma_start3A_750 = arith.constant 512 : i32
    %dma_start3A_751 = arith.constant 0 : i32
    %dma_start3A_752 = tpu.memref_slice %arg9[%dma_start3A_750, %dma_start3A_751] : memref<1024x9xf32, #tpu.memory_space<vmem>> -> memref<128x9xf32, #tpu.memory_space<vmem>>
    %dma_start3A_753 = arith.constant 0 : i32
    %dma_start3A_754 = arith.constant 0 : i32
    %dma_start3A_755 = tpu.memref_slice %arg7[%dma_start3A_748, %dma_start3A_753, %dma_start3A_754] : memref<2x8x128xi32, #tpu.memory_space<vmem>> -> memref<1x8x128xi32, #tpu.memory_space<vmem>>
    %dma_start3A_756 = tpu.memref_squeeze %dma_start3A_755 : memref<1x8x128xi32, #tpu.memory_space<vmem>> -> memref<8x128xi32, #tpu.memory_space<vmem>>
    %dma_start3A_757 = arith.constant 0 : i32
    %dma_start3A_758 = tpu.memref_slice %dma_start3A_756[%dma_start3A_749, %dma_start3A_757] : memref<8x128xi32, #tpu.memory_space<vmem>> -> memref<1x128xi32, #tpu.memory_space<vmem>>
    %dma_start3A_759 = tpu.memref_squeeze %dma_start3A_758 : memref<1x128xi32, #tpu.memory_space<vmem>> -> memref<128xi32, #tpu.memory_space<vmem>>
    %dma_start3A_760 = arith.constant 0 : i32
    %dma_start3A_761 = arith.constant 0 : i32
    %dma_start3A_762 = tpu.memref_slice %arg2[%dma_start3A_760, %dma_start3A_761] : memref<200000x9xf32, #tpu.memory_space<hbm>> -> memref<200000x9xf32, #tpu.memory_space<hbm>>
    tpu.enqueue_indirect_dma source(%dma_start3A_762 : memref<200000x9xf32, #tpu.memory_space<hbm>>) target(%dma_start3A_752 : memref<128x9xf32, #tpu.memory_space<vmem>>) offsets(%dma_start3A_759 : memref<128xi32, #tpu.memory_space<vmem>>) semaphore(%arg12 : memref<!tpu.dma_semaphore, #tpu.memory_space<semaphore_mem>>)
    %dma_start3A_763 = arith.constant 1 : i32
    %dma_start3A_764 = arith.constant 5 : i32
    %dma_start3A_765 = arith.constant 640 : i32
    %dma_start3A_766 = arith.constant 0 : i32
    %dma_start3A_767 = tpu.memref_slice %arg9[%dma_start3A_765, %dma_start3A_766] : memref<1024x9xf32, #tpu.memory_space<vmem>> -> memref<128x9xf32, #tpu.memory_space<vmem>>
    %dma_start3A_768 = arith.constant 0 : i32
    %dma_start3A_769 = arith.constant 0 : i32
    %dma_start3A_770 = tpu.memref_slice %arg7[%dma_start3A_763, %dma_start3A_768, %dma_start3A_769] : memref<2x8x128xi32, #tpu.memory_space<vmem>> -> memref<1x8x128xi32, #tpu.memory_space<vmem>>
    %dma_start3A_771 = tpu.memref_squeeze %dma_start3A_770 : memref<1x8x128xi32, #tpu.memory_space<vmem>> -> memref<8x128xi32, #tpu.memory_space<vmem>>
    %dma_start3A_772 = arith.constant 0 : i32
    %dma_start3A_773 = tpu.memref_slice %dma_start3A_771[%dma_start3A_764, %dma_start3A_772] : memref<8x128xi32, #tpu.memory_space<vmem>> -> memref<1x128xi32, #tpu.memory_space<vmem>>
    %dma_start3A_774 = tpu.memref_squeeze %dma_start3A_773 : memref<1x128xi32, #tpu.memory_space<vmem>> -> memref<128xi32, #tpu.memory_space<vmem>>
    %dma_start3A_775 = arith.constant 0 : i32
    %dma_start3A_776 = arith.constant 0 : i32
    %dma_start3A_777 = tpu.memref_slice %arg2[%dma_start3A_775, %dma_start3A_776] : memref<200000x9xf32, #tpu.memory_space<hbm>> -> memref<200000x9xf32, #tpu.memory_space<hbm>>
    tpu.enqueue_indirect_dma source(%dma_start3A_777 : memref<200000x9xf32, #tpu.memory_space<hbm>>) target(%dma_start3A_767 : memref<128x9xf32, #tpu.memory_space<vmem>>) offsets(%dma_start3A_774 : memref<128xi32, #tpu.memory_space<vmem>>) semaphore(%arg12 : memref<!tpu.dma_semaphore, #tpu.memory_space<semaphore_mem>>)
    %dma_start3A_778 = arith.constant 1 : i32
    %dma_start3A_779 = arith.constant 6 : i32
    %dma_start3A_780 = arith.constant 768 : i32
    %dma_start3A_781 = arith.constant 0 : i32
    %dma_start3A_782 = tpu.memref_slice %arg9[%dma_start3A_780, %dma_start3A_781] : memref<1024x9xf32, #tpu.memory_space<vmem>> -> memref<128x9xf32, #tpu.memory_space<vmem>>
    %dma_start3A_783 = arith.constant 0 : i32
    %dma_start3A_784 = arith.constant 0 : i32
    %dma_start3A_785 = tpu.memref_slice %arg7[%dma_start3A_778, %dma_start3A_783, %dma_start3A_784] : memref<2x8x128xi32, #tpu.memory_space<vmem>> -> memref<1x8x128xi32, #tpu.memory_space<vmem>>
    %dma_start3A_786 = tpu.memref_squeeze %dma_start3A_785 : memref<1x8x128xi32, #tpu.memory_space<vmem>> -> memref<8x128xi32, #tpu.memory_space<vmem>>
    %dma_start3A_787 = arith.constant 0 : i32
    %dma_start3A_788 = tpu.memref_slice %dma_start3A_786[%dma_start3A_779, %dma_start3A_787] : memref<8x128xi32, #tpu.memory_space<vmem>> -> memref<1x128xi32, #tpu.memory_space<vmem>>
    %dma_start3A_789 = tpu.memref_squeeze %dma_start3A_788 : memref<1x128xi32, #tpu.memory_space<vmem>> -> memref<128xi32, #tpu.memory_space<vmem>>
    %dma_start3A_790 = arith.constant 0 : i32
    %dma_start3A_791 = arith.constant 0 : i32
    %dma_start3A_792 = tpu.memref_slice %arg2[%dma_start3A_790, %dma_start3A_791] : memref<200000x9xf32, #tpu.memory_space<hbm>> -> memref<200000x9xf32, #tpu.memory_space<hbm>>
    tpu.enqueue_indirect_dma source(%dma_start3A_792 : memref<200000x9xf32, #tpu.memory_space<hbm>>) target(%dma_start3A_782 : memref<128x9xf32, #tpu.memory_space<vmem>>) offsets(%dma_start3A_789 : memref<128xi32, #tpu.memory_space<vmem>>) semaphore(%arg12 : memref<!tpu.dma_semaphore, #tpu.memory_space<semaphore_mem>>)
    %dma_start3A_793 = arith.constant 1 : i32
    %dma_start3A_794 = arith.constant 7 : i32
    %dma_start3A_795 = arith.constant 896 : i32
    %dma_start3A_796 = arith.constant 0 : i32
    %dma_start3A_797 = tpu.memref_slice %arg9[%dma_start3A_795, %dma_start3A_796] : memref<1024x9xf32, #tpu.memory_space<vmem>> -> memref<128x9xf32, #tpu.memory_space<vmem>>
    %dma_start3A_798 = arith.constant 0 : i32
    %dma_start3A_799 = arith.constant 0 : i32
    %dma_start3A_800 = tpu.memref_slice %arg7[%dma_start3A_793, %dma_start3A_798, %dma_start3A_799] : memref<2x8x128xi32, #tpu.memory_space<vmem>> -> memref<1x8x128xi32, #tpu.memory_space<vmem>>
    %dma_start3A_801 = tpu.memref_squeeze %dma_start3A_800 : memref<1x8x128xi32, #tpu.memory_space<vmem>> -> memref<8x128xi32, #tpu.memory_space<vmem>>
    %dma_start3A_802 = arith.constant 0 : i32
    %dma_start3A_803 = tpu.memref_slice %dma_start3A_801[%dma_start3A_794, %dma_start3A_802] : memref<8x128xi32, #tpu.memory_space<vmem>> -> memref<1x128xi32, #tpu.memory_space<vmem>>
    %dma_start3A_804 = tpu.memref_squeeze %dma_start3A_803 : memref<1x128xi32, #tpu.memory_space<vmem>> -> memref<128xi32, #tpu.memory_space<vmem>>
    %dma_start3A_805 = arith.constant 0 : i32
    %dma_start3A_806 = arith.constant 0 : i32
    %dma_start3A_807 = tpu.memref_slice %arg2[%dma_start3A_805, %dma_start3A_806] : memref<200000x9xf32, #tpu.memory_space<hbm>> -> memref<200000x9xf32, #tpu.memory_space<hbm>>
    tpu.enqueue_indirect_dma source(%dma_start3A_807 : memref<200000x9xf32, #tpu.memory_space<hbm>>) target(%dma_start3A_797 : memref<128x9xf32, #tpu.memory_space<vmem>>) offsets(%dma_start3A_804 : memref<128xi32, #tpu.memory_space<vmem>>) semaphore(%arg12 : memref<!tpu.dma_semaphore, #tpu.memory_space<semaphore_mem>>)
    %dma_wait3A_808 = arith.constant 1 : i32
    %dma_wait3A_809 = arith.constant 0 : i32
    %dma_wait3A_810 = arith.constant 0 : i32
    %dma_wait3A_811 = arith.constant 0 : i32
    %dma_wait3A_812 = tpu.memref_slice %arg9[%dma_wait3A_810, %dma_wait3A_811] : memref<1024x9xf32, #tpu.memory_space<vmem>> -> memref<128x9xf32, #tpu.memory_space<vmem>>
    %dma_wait3A_813 = arith.constant 0 : i32
    %dma_wait3A_814 = arith.constant 0 : i32
    %dma_wait3A_815 = tpu.memref_slice %arg7[%dma_wait3A_808, %dma_wait3A_813, %dma_wait3A_814] : memref<2x8x128xi32, #tpu.memory_space<vmem>> -> memref<1x8x128xi32, #tpu.memory_space<vmem>>
    %dma_wait3A_816 = tpu.memref_squeeze %dma_wait3A_815 : memref<1x8x128xi32, #tpu.memory_space<vmem>> -> memref<8x128xi32, #tpu.memory_space<vmem>>
    %dma_wait3A_817 = arith.constant 0 : i32
    %dma_wait3A_818 = tpu.memref_slice %dma_wait3A_816[%dma_wait3A_809, %dma_wait3A_817] : memref<8x128xi32, #tpu.memory_space<vmem>> -> memref<1x128xi32, #tpu.memory_space<vmem>>
    %dma_wait3A_819 = tpu.memref_squeeze %dma_wait3A_818 : memref<1x128xi32, #tpu.memory_space<vmem>> -> memref<128xi32, #tpu.memory_space<vmem>>
    %dma_wait3A_820 = arith.constant 0 : i32
    %dma_wait3A_821 = arith.constant 0 : i32
    %dma_wait3A_822 = tpu.memref_slice %arg2[%dma_wait3A_820, %dma_wait3A_821] : memref<200000x9xf32, #tpu.memory_space<hbm>> -> memref<200000x9xf32, #tpu.memory_space<hbm>>
    tpu.wait_indirect_dma semaphore(%arg12 : memref<!tpu.dma_semaphore, #tpu.memory_space<semaphore_mem>>) src(%dma_wait3A_822 : memref<200000x9xf32, #tpu.memory_space<hbm>>) dst(%dma_wait3A_812 : memref<128x9xf32, #tpu.memory_space<vmem>>)
    %dma_wait3A_823 = arith.constant 1 : i32
    %dma_wait3A_824 = arith.constant 1 : i32
    %dma_wait3A_825 = arith.constant 128 : i32
    %dma_wait3A_826 = arith.constant 0 : i32
    %dma_wait3A_827 = tpu.memref_slice %arg9[%dma_wait3A_825, %dma_wait3A_826] : memref<1024x9xf32, #tpu.memory_space<vmem>> -> memref<128x9xf32, #tpu.memory_space<vmem>>
    %dma_wait3A_828 = arith.constant 0 : i32
    %dma_wait3A_829 = arith.constant 0 : i32
    %dma_wait3A_830 = tpu.memref_slice %arg7[%dma_wait3A_823, %dma_wait3A_828, %dma_wait3A_829] : memref<2x8x128xi32, #tpu.memory_space<vmem>> -> memref<1x8x128xi32, #tpu.memory_space<vmem>>
    %dma_wait3A_831 = tpu.memref_squeeze %dma_wait3A_830 : memref<1x8x128xi32, #tpu.memory_space<vmem>> -> memref<8x128xi32, #tpu.memory_space<vmem>>
    %dma_wait3A_832 = arith.constant 0 : i32
    %dma_wait3A_833 = tpu.memref_slice %dma_wait3A_831[%dma_wait3A_824, %dma_wait3A_832] : memref<8x128xi32, #tpu.memory_space<vmem>> -> memref<1x128xi32, #tpu.memory_space<vmem>>
    %dma_wait3A_834 = tpu.memref_squeeze %dma_wait3A_833 : memref<1x128xi32, #tpu.memory_space<vmem>> -> memref<128xi32, #tpu.memory_space<vmem>>
    %dma_wait3A_835 = arith.constant 0 : i32
    %dma_wait3A_836 = arith.constant 0 : i32
    %dma_wait3A_837 = tpu.memref_slice %arg2[%dma_wait3A_835, %dma_wait3A_836] : memref<200000x9xf32, #tpu.memory_space<hbm>> -> memref<200000x9xf32, #tpu.memory_space<hbm>>
    tpu.wait_indirect_dma semaphore(%arg12 : memref<!tpu.dma_semaphore, #tpu.memory_space<semaphore_mem>>) src(%dma_wait3A_837 : memref<200000x9xf32, #tpu.memory_space<hbm>>) dst(%dma_wait3A_827 : memref<128x9xf32, #tpu.memory_space<vmem>>)
    %dma_wait3A_838 = arith.constant 1 : i32
    %dma_wait3A_839 = arith.constant 2 : i32
    %dma_wait3A_840 = arith.constant 256 : i32
    %dma_wait3A_841 = arith.constant 0 : i32
    %dma_wait3A_842 = tpu.memref_slice %arg9[%dma_wait3A_840, %dma_wait3A_841] : memref<1024x9xf32, #tpu.memory_space<vmem>> -> memref<128x9xf32, #tpu.memory_space<vmem>>
    %dma_wait3A_843 = arith.constant 0 : i32
    %dma_wait3A_844 = arith.constant 0 : i32
    %dma_wait3A_845 = tpu.memref_slice %arg7[%dma_wait3A_838, %dma_wait3A_843, %dma_wait3A_844] : memref<2x8x128xi32, #tpu.memory_space<vmem>> -> memref<1x8x128xi32, #tpu.memory_space<vmem>>
    %dma_wait3A_846 = tpu.memref_squeeze %dma_wait3A_845 : memref<1x8x128xi32, #tpu.memory_space<vmem>> -> memref<8x128xi32, #tpu.memory_space<vmem>>
    %dma_wait3A_847 = arith.constant 0 : i32
    %dma_wait3A_848 = tpu.memref_slice %dma_wait3A_846[%dma_wait3A_839, %dma_wait3A_847] : memref<8x128xi32, #tpu.memory_space<vmem>> -> memref<1x128xi32, #tpu.memory_space<vmem>>
    %dma_wait3A_849 = tpu.memref_squeeze %dma_wait3A_848 : memref<1x128xi32, #tpu.memory_space<vmem>> -> memref<128xi32, #tpu.memory_space<vmem>>
    %dma_wait3A_850 = arith.constant 0 : i32
    %dma_wait3A_851 = arith.constant 0 : i32
    %dma_wait3A_852 = tpu.memref_slice %arg2[%dma_wait3A_850, %dma_wait3A_851] : memref<200000x9xf32, #tpu.memory_space<hbm>> -> memref<200000x9xf32, #tpu.memory_space<hbm>>
    tpu.wait_indirect_dma semaphore(%arg12 : memref<!tpu.dma_semaphore, #tpu.memory_space<semaphore_mem>>) src(%dma_wait3A_852 : memref<200000x9xf32, #tpu.memory_space<hbm>>) dst(%dma_wait3A_842 : memref<128x9xf32, #tpu.memory_space<vmem>>)
    %dma_wait3A_853 = arith.constant 1 : i32
    %dma_wait3A_854 = arith.constant 3 : i32
    %dma_wait3A_855 = arith.constant 384 : i32
    %dma_wait3A_856 = arith.constant 0 : i32
    %dma_wait3A_857 = tpu.memref_slice %arg9[%dma_wait3A_855, %dma_wait3A_856] : memref<1024x9xf32, #tpu.memory_space<vmem>> -> memref<128x9xf32, #tpu.memory_space<vmem>>
    %dma_wait3A_858 = arith.constant 0 : i32
    %dma_wait3A_859 = arith.constant 0 : i32
    %dma_wait3A_860 = tpu.memref_slice %arg7[%dma_wait3A_853, %dma_wait3A_858, %dma_wait3A_859] : memref<2x8x128xi32, #tpu.memory_space<vmem>> -> memref<1x8x128xi32, #tpu.memory_space<vmem>>
    %dma_wait3A_861 = tpu.memref_squeeze %dma_wait3A_860 : memref<1x8x128xi32, #tpu.memory_space<vmem>> -> memref<8x128xi32, #tpu.memory_space<vmem>>
    %dma_wait3A_862 = arith.constant 0 : i32
    %dma_wait3A_863 = tpu.memref_slice %dma_wait3A_861[%dma_wait3A_854, %dma_wait3A_862] : memref<8x128xi32, #tpu.memory_space<vmem>> -> memref<1x128xi32, #tpu.memory_space<vmem>>
    %dma_wait3A_864 = tpu.memref_squeeze %dma_wait3A_863 : memref<1x128xi32, #tpu.memory_space<vmem>> -> memref<128xi32, #tpu.memory_space<vmem>>
    %dma_wait3A_865 = arith.constant 0 : i32
    %dma_wait3A_866 = arith.constant 0 : i32
    %dma_wait3A_867 = tpu.memref_slice %arg2[%dma_wait3A_865, %dma_wait3A_866] : memref<200000x9xf32, #tpu.memory_space<hbm>> -> memref<200000x9xf32, #tpu.memory_space<hbm>>
    tpu.wait_indirect_dma semaphore(%arg12 : memref<!tpu.dma_semaphore, #tpu.memory_space<semaphore_mem>>) src(%dma_wait3A_867 : memref<200000x9xf32, #tpu.memory_space<hbm>>) dst(%dma_wait3A_857 : memref<128x9xf32, #tpu.memory_space<vmem>>)
    %dma_wait3A_868 = arith.constant 1 : i32
    %dma_wait3A_869 = arith.constant 4 : i32
    %dma_wait3A_870 = arith.constant 512 : i32
    %dma_wait3A_871 = arith.constant 0 : i32
    %dma_wait3A_872 = tpu.memref_slice %arg9[%dma_wait3A_870, %dma_wait3A_871] : memref<1024x9xf32, #tpu.memory_space<vmem>> -> memref<128x9xf32, #tpu.memory_space<vmem>>
    %dma_wait3A_873 = arith.constant 0 : i32
    %dma_wait3A_874 = arith.constant 0 : i32
    %dma_wait3A_875 = tpu.memref_slice %arg7[%dma_wait3A_868, %dma_wait3A_873, %dma_wait3A_874] : memref<2x8x128xi32, #tpu.memory_space<vmem>> -> memref<1x8x128xi32, #tpu.memory_space<vmem>>
    %dma_wait3A_876 = tpu.memref_squeeze %dma_wait3A_875 : memref<1x8x128xi32, #tpu.memory_space<vmem>> -> memref<8x128xi32, #tpu.memory_space<vmem>>
    %dma_wait3A_877 = arith.constant 0 : i32
    %dma_wait3A_878 = tpu.memref_slice %dma_wait3A_876[%dma_wait3A_869, %dma_wait3A_877] : memref<8x128xi32, #tpu.memory_space<vmem>> -> memref<1x128xi32, #tpu.memory_space<vmem>>
    %dma_wait3A_879 = tpu.memref_squeeze %dma_wait3A_878 : memref<1x128xi32, #tpu.memory_space<vmem>> -> memref<128xi32, #tpu.memory_space<vmem>>
    %dma_wait3A_880 = arith.constant 0 : i32
    %dma_wait3A_881 = arith.constant 0 : i32
    %dma_wait3A_882 = tpu.memref_slice %arg2[%dma_wait3A_880, %dma_wait3A_881] : memref<200000x9xf32, #tpu.memory_space<hbm>> -> memref<200000x9xf32, #tpu.memory_space<hbm>>
    tpu.wait_indirect_dma semaphore(%arg12 : memref<!tpu.dma_semaphore, #tpu.memory_space<semaphore_mem>>) src(%dma_wait3A_882 : memref<200000x9xf32, #tpu.memory_space<hbm>>) dst(%dma_wait3A_872 : memref<128x9xf32, #tpu.memory_space<vmem>>)
    %dma_wait3A_883 = arith.constant 1 : i32
    %dma_wait3A_884 = arith.constant 5 : i32
    %dma_wait3A_885 = arith.constant 640 : i32
    %dma_wait3A_886 = arith.constant 0 : i32
    %dma_wait3A_887 = tpu.memref_slice %arg9[%dma_wait3A_885, %dma_wait3A_886] : memref<1024x9xf32, #tpu.memory_space<vmem>> -> memref<128x9xf32, #tpu.memory_space<vmem>>
    %dma_wait3A_888 = arith.constant 0 : i32
    %dma_wait3A_889 = arith.constant 0 : i32
    %dma_wait3A_890 = tpu.memref_slice %arg7[%dma_wait3A_883, %dma_wait3A_888, %dma_wait3A_889] : memref<2x8x128xi32, #tpu.memory_space<vmem>> -> memref<1x8x128xi32, #tpu.memory_space<vmem>>
    %dma_wait3A_891 = tpu.memref_squeeze %dma_wait3A_890 : memref<1x8x128xi32, #tpu.memory_space<vmem>> -> memref<8x128xi32, #tpu.memory_space<vmem>>
    %dma_wait3A_892 = arith.constant 0 : i32
    %dma_wait3A_893 = tpu.memref_slice %dma_wait3A_891[%dma_wait3A_884, %dma_wait3A_892] : memref<8x128xi32, #tpu.memory_space<vmem>> -> memref<1x128xi32, #tpu.memory_space<vmem>>
    %dma_wait3A_894 = tpu.memref_squeeze %dma_wait3A_893 : memref<1x128xi32, #tpu.memory_space<vmem>> -> memref<128xi32, #tpu.memory_space<vmem>>
    %dma_wait3A_895 = arith.constant 0 : i32
    %dma_wait3A_896 = arith.constant 0 : i32
    %dma_wait3A_897 = tpu.memref_slice %arg2[%dma_wait3A_895, %dma_wait3A_896] : memref<200000x9xf32, #tpu.memory_space<hbm>> -> memref<200000x9xf32, #tpu.memory_space<hbm>>
    tpu.wait_indirect_dma semaphore(%arg12 : memref<!tpu.dma_semaphore, #tpu.memory_space<semaphore_mem>>) src(%dma_wait3A_897 : memref<200000x9xf32, #tpu.memory_space<hbm>>) dst(%dma_wait3A_887 : memref<128x9xf32, #tpu.memory_space<vmem>>)
    %dma_wait3A_898 = arith.constant 1 : i32
    %dma_wait3A_899 = arith.constant 6 : i32
    %dma_wait3A_900 = arith.constant 768 : i32
    %dma_wait3A_901 = arith.constant 0 : i32
    %dma_wait3A_902 = tpu.memref_slice %arg9[%dma_wait3A_900, %dma_wait3A_901] : memref<1024x9xf32, #tpu.memory_space<vmem>> -> memref<128x9xf32, #tpu.memory_space<vmem>>
    %dma_wait3A_903 = arith.constant 0 : i32
    %dma_wait3A_904 = arith.constant 0 : i32
    %dma_wait3A_905 = tpu.memref_slice %arg7[%dma_wait3A_898, %dma_wait3A_903, %dma_wait3A_904] : memref<2x8x128xi32, #tpu.memory_space<vmem>> -> memref<1x8x128xi32, #tpu.memory_space<vmem>>
    %dma_wait3A_906 = tpu.memref_squeeze %dma_wait3A_905 : memref<1x8x128xi32, #tpu.memory_space<vmem>> -> memref<8x128xi32, #tpu.memory_space<vmem>>
    %dma_wait3A_907 = arith.constant 0 : i32
    %dma_wait3A_908 = tpu.memref_slice %dma_wait3A_906[%dma_wait3A_899, %dma_wait3A_907] : memref<8x128xi32, #tpu.memory_space<vmem>> -> memref<1x128xi32, #tpu.memory_space<vmem>>
    %dma_wait3A_909 = tpu.memref_squeeze %dma_wait3A_908 : memref<1x128xi32, #tpu.memory_space<vmem>> -> memref<128xi32, #tpu.memory_space<vmem>>
    %dma_wait3A_910 = arith.constant 0 : i32
    %dma_wait3A_911 = arith.constant 0 : i32
    %dma_wait3A_912 = tpu.memref_slice %arg2[%dma_wait3A_910, %dma_wait3A_911] : memref<200000x9xf32, #tpu.memory_space<hbm>> -> memref<200000x9xf32, #tpu.memory_space<hbm>>
    tpu.wait_indirect_dma semaphore(%arg12 : memref<!tpu.dma_semaphore, #tpu.memory_space<semaphore_mem>>) src(%dma_wait3A_912 : memref<200000x9xf32, #tpu.memory_space<hbm>>) dst(%dma_wait3A_902 : memref<128x9xf32, #tpu.memory_space<vmem>>)
    %dma_wait3A_913 = arith.constant 1 : i32
    %dma_wait3A_914 = arith.constant 7 : i32
    %dma_wait3A_915 = arith.constant 896 : i32
    %dma_wait3A_916 = arith.constant 0 : i32
    %dma_wait3A_917 = tpu.memref_slice %arg9[%dma_wait3A_915, %dma_wait3A_916] : memref<1024x9xf32, #tpu.memory_space<vmem>> -> memref<128x9xf32, #tpu.memory_space<vmem>>
    %dma_wait3A_918 = arith.constant 0 : i32
    %dma_wait3A_919 = arith.constant 0 : i32
    %dma_wait3A_920 = tpu.memref_slice %arg7[%dma_wait3A_913, %dma_wait3A_918, %dma_wait3A_919] : memref<2x8x128xi32, #tpu.memory_space<vmem>> -> memref<1x8x128xi32, #tpu.memory_space<vmem>>
    %dma_wait3A_921 = tpu.memref_squeeze %dma_wait3A_920 : memref<1x8x128xi32, #tpu.memory_space<vmem>> -> memref<8x128xi32, #tpu.memory_space<vmem>>
    %dma_wait3A_922 = arith.constant 0 : i32
    %dma_wait3A_923 = tpu.memref_slice %dma_wait3A_921[%dma_wait3A_914, %dma_wait3A_922] : memref<8x128xi32, #tpu.memory_space<vmem>> -> memref<1x128xi32, #tpu.memory_space<vmem>>
    %dma_wait3A_924 = tpu.memref_squeeze %dma_wait3A_923 : memref<1x128xi32, #tpu.memory_space<vmem>> -> memref<128xi32, #tpu.memory_space<vmem>>
    %dma_wait3A_925 = arith.constant 0 : i32
    %dma_wait3A_926 = arith.constant 0 : i32
    %dma_wait3A_927 = tpu.memref_slice %arg2[%dma_wait3A_925, %dma_wait3A_926] : memref<200000x9xf32, #tpu.memory_space<hbm>> -> memref<200000x9xf32, #tpu.memory_space<hbm>>
    tpu.wait_indirect_dma semaphore(%arg12 : memref<!tpu.dma_semaphore, #tpu.memory_space<semaphore_mem>>) src(%dma_wait3A_927 : memref<200000x9xf32, #tpu.memory_space<hbm>>) dst(%dma_wait3A_917 : memref<128x9xf32, #tpu.memory_space<vmem>>)
    %dma_start3A_928 = arith.constant 1 : i32
    %dma_start3A_929 = arith.constant 0 : i32
    %dma_start3A_930 = arith.constant 0 : i32
    %dma_start3A_931 = arith.constant 0 : i32
    %dma_start3A_932 = tpu.memref_slice %arg9[%dma_start3A_930, %dma_start3A_931] : memref<1024x9xf32, #tpu.memory_space<vmem>> -> memref<128x9xf32, #tpu.memory_space<vmem>>
    %dma_start3A_933 = arith.constant 0 : i32
    %dma_start3A_934 = arith.constant 0 : i32
    %dma_start3A_935 = tpu.memref_slice %arg8[%dma_start3A_928, %dma_start3A_933, %dma_start3A_934] : memref<2x8x128xi32, #tpu.memory_space<vmem>> -> memref<1x8x128xi32, #tpu.memory_space<vmem>>
    %dma_start3A_936 = tpu.memref_squeeze %dma_start3A_935 : memref<1x8x128xi32, #tpu.memory_space<vmem>> -> memref<8x128xi32, #tpu.memory_space<vmem>>
    %dma_start3A_937 = arith.constant 0 : i32
    %dma_start3A_938 = tpu.memref_slice %dma_start3A_936[%dma_start3A_929, %dma_start3A_937] : memref<8x128xi32, #tpu.memory_space<vmem>> -> memref<1x128xi32, #tpu.memory_space<vmem>>
    %dma_start3A_939 = tpu.memref_squeeze %dma_start3A_938 : memref<1x128xi32, #tpu.memory_space<vmem>> -> memref<128xi32, #tpu.memory_space<vmem>>
    %dma_start3A_940 = arith.constant 0 : i32
    %dma_start3A_941 = arith.constant 0 : i32
    %dma_start3A_942 = tpu.memref_slice %arg10[%dma_start3A_940, %dma_start3A_941] : memref<100352x9xf32, #tpu.memory_space<vmem_shared>> -> memref<100352x9xf32, #tpu.memory_space<vmem_shared>>
    tpu.enqueue_indirect_dma source(%dma_start3A_932 : memref<128x9xf32, #tpu.memory_space<vmem>>) target(%dma_start3A_942 : memref<100352x9xf32, #tpu.memory_space<vmem_shared>>) offsets(%dma_start3A_939 : memref<128xi32, #tpu.memory_space<vmem>>) semaphore(%arg13 : memref<!tpu.dma_semaphore, #tpu.memory_space<semaphore_mem>>) {add = true}
    %dma_start3A_943 = arith.constant 1 : i32
    %dma_start3A_944 = arith.constant 1 : i32
    %dma_start3A_945 = arith.constant 128 : i32
    %dma_start3A_946 = arith.constant 0 : i32
    %dma_start3A_947 = tpu.memref_slice %arg9[%dma_start3A_945, %dma_start3A_946] : memref<1024x9xf32, #tpu.memory_space<vmem>> -> memref<128x9xf32, #tpu.memory_space<vmem>>
    %dma_start3A_948 = arith.constant 0 : i32
    %dma_start3A_949 = arith.constant 0 : i32
    %dma_start3A_950 = tpu.memref_slice %arg8[%dma_start3A_943, %dma_start3A_948, %dma_start3A_949] : memref<2x8x128xi32, #tpu.memory_space<vmem>> -> memref<1x8x128xi32, #tpu.memory_space<vmem>>
    %dma_start3A_951 = tpu.memref_squeeze %dma_start3A_950 : memref<1x8x128xi32, #tpu.memory_space<vmem>> -> memref<8x128xi32, #tpu.memory_space<vmem>>
    %dma_start3A_952 = arith.constant 0 : i32
    %dma_start3A_953 = tpu.memref_slice %dma_start3A_951[%dma_start3A_944, %dma_start3A_952] : memref<8x128xi32, #tpu.memory_space<vmem>> -> memref<1x128xi32, #tpu.memory_space<vmem>>
    %dma_start3A_954 = tpu.memref_squeeze %dma_start3A_953 : memref<1x128xi32, #tpu.memory_space<vmem>> -> memref<128xi32, #tpu.memory_space<vmem>>
    %dma_start3A_955 = arith.constant 0 : i32
    %dma_start3A_956 = arith.constant 0 : i32
    %dma_start3A_957 = tpu.memref_slice %arg10[%dma_start3A_955, %dma_start3A_956] : memref<100352x9xf32, #tpu.memory_space<vmem_shared>> -> memref<100352x9xf32, #tpu.memory_space<vmem_shared>>
    tpu.enqueue_indirect_dma source(%dma_start3A_947 : memref<128x9xf32, #tpu.memory_space<vmem>>) target(%dma_start3A_957 : memref<100352x9xf32, #tpu.memory_space<vmem_shared>>) offsets(%dma_start3A_954 : memref<128xi32, #tpu.memory_space<vmem>>) semaphore(%arg13 : memref<!tpu.dma_semaphore, #tpu.memory_space<semaphore_mem>>) {add = true}
    %dma_start3A_958 = arith.constant 1 : i32
    %dma_start3A_959 = arith.constant 2 : i32
    %dma_start3A_960 = arith.constant 256 : i32
    %dma_start3A_961 = arith.constant 0 : i32
    %dma_start3A_962 = tpu.memref_slice %arg9[%dma_start3A_960, %dma_start3A_961] : memref<1024x9xf32, #tpu.memory_space<vmem>> -> memref<128x9xf32, #tpu.memory_space<vmem>>
    %dma_start3A_963 = arith.constant 0 : i32
    %dma_start3A_964 = arith.constant 0 : i32
    %dma_start3A_965 = tpu.memref_slice %arg8[%dma_start3A_958, %dma_start3A_963, %dma_start3A_964] : memref<2x8x128xi32, #tpu.memory_space<vmem>> -> memref<1x8x128xi32, #tpu.memory_space<vmem>>
    %dma_start3A_966 = tpu.memref_squeeze %dma_start3A_965 : memref<1x8x128xi32, #tpu.memory_space<vmem>> -> memref<8x128xi32, #tpu.memory_space<vmem>>
    %dma_start3A_967 = arith.constant 0 : i32
    %dma_start3A_968 = tpu.memref_slice %dma_start3A_966[%dma_start3A_959, %dma_start3A_967] : memref<8x128xi32, #tpu.memory_space<vmem>> -> memref<1x128xi32, #tpu.memory_space<vmem>>
    %dma_start3A_969 = tpu.memref_squeeze %dma_start3A_968 : memref<1x128xi32, #tpu.memory_space<vmem>> -> memref<128xi32, #tpu.memory_space<vmem>>
    %dma_start3A_970 = arith.constant 0 : i32
    %dma_start3A_971 = arith.constant 0 : i32
    %dma_start3A_972 = tpu.memref_slice %arg10[%dma_start3A_970, %dma_start3A_971] : memref<100352x9xf32, #tpu.memory_space<vmem_shared>> -> memref<100352x9xf32, #tpu.memory_space<vmem_shared>>
    tpu.enqueue_indirect_dma source(%dma_start3A_962 : memref<128x9xf32, #tpu.memory_space<vmem>>) target(%dma_start3A_972 : memref<100352x9xf32, #tpu.memory_space<vmem_shared>>) offsets(%dma_start3A_969 : memref<128xi32, #tpu.memory_space<vmem>>) semaphore(%arg13 : memref<!tpu.dma_semaphore, #tpu.memory_space<semaphore_mem>>) {add = true}
    %dma_start3A_973 = arith.constant 1 : i32
    %dma_start3A_974 = arith.constant 3 : i32
    %dma_start3A_975 = arith.constant 384 : i32
    %dma_start3A_976 = arith.constant 0 : i32
    %dma_start3A_977 = tpu.memref_slice %arg9[%dma_start3A_975, %dma_start3A_976] : memref<1024x9xf32, #tpu.memory_space<vmem>> -> memref<128x9xf32, #tpu.memory_space<vmem>>
    %dma_start3A_978 = arith.constant 0 : i32
    %dma_start3A_979 = arith.constant 0 : i32
    %dma_start3A_980 = tpu.memref_slice %arg8[%dma_start3A_973, %dma_start3A_978, %dma_start3A_979] : memref<2x8x128xi32, #tpu.memory_space<vmem>> -> memref<1x8x128xi32, #tpu.memory_space<vmem>>
    %dma_start3A_981 = tpu.memref_squeeze %dma_start3A_980 : memref<1x8x128xi32, #tpu.memory_space<vmem>> -> memref<8x128xi32, #tpu.memory_space<vmem>>
    %dma_start3A_982 = arith.constant 0 : i32
    %dma_start3A_983 = tpu.memref_slice %dma_start3A_981[%dma_start3A_974, %dma_start3A_982] : memref<8x128xi32, #tpu.memory_space<vmem>> -> memref<1x128xi32, #tpu.memory_space<vmem>>
    %dma_start3A_984 = tpu.memref_squeeze %dma_start3A_983 : memref<1x128xi32, #tpu.memory_space<vmem>> -> memref<128xi32, #tpu.memory_space<vmem>>
    %dma_start3A_985 = arith.constant 0 : i32
    %dma_start3A_986 = arith.constant 0 : i32
    %dma_start3A_987 = tpu.memref_slice %arg10[%dma_start3A_985, %dma_start3A_986] : memref<100352x9xf32, #tpu.memory_space<vmem_shared>> -> memref<100352x9xf32, #tpu.memory_space<vmem_shared>>
    tpu.enqueue_indirect_dma source(%dma_start3A_977 : memref<128x9xf32, #tpu.memory_space<vmem>>) target(%dma_start3A_987 : memref<100352x9xf32, #tpu.memory_space<vmem_shared>>) offsets(%dma_start3A_984 : memref<128xi32, #tpu.memory_space<vmem>>) semaphore(%arg13 : memref<!tpu.dma_semaphore, #tpu.memory_space<semaphore_mem>>) {add = true}
    %dma_start3A_988 = arith.constant 1 : i32
    %dma_start3A_989 = arith.constant 4 : i32
    %dma_start3A_990 = arith.constant 512 : i32
    %dma_start3A_991 = arith.constant 0 : i32
    %dma_start3A_992 = tpu.memref_slice %arg9[%dma_start3A_990, %dma_start3A_991] : memref<1024x9xf32, #tpu.memory_space<vmem>> -> memref<128x9xf32, #tpu.memory_space<vmem>>
    %dma_start3A_993 = arith.constant 0 : i32
    %dma_start3A_994 = arith.constant 0 : i32
    %dma_start3A_995 = tpu.memref_slice %arg8[%dma_start3A_988, %dma_start3A_993, %dma_start3A_994] : memref<2x8x128xi32, #tpu.memory_space<vmem>> -> memref<1x8x128xi32, #tpu.memory_space<vmem>>
    %dma_start3A_996 = tpu.memref_squeeze %dma_start3A_995 : memref<1x8x128xi32, #tpu.memory_space<vmem>> -> memref<8x128xi32, #tpu.memory_space<vmem>>
    %dma_start3A_997 = arith.constant 0 : i32
    %dma_start3A_998 = tpu.memref_slice %dma_start3A_996[%dma_start3A_989, %dma_start3A_997] : memref<8x128xi32, #tpu.memory_space<vmem>> -> memref<1x128xi32, #tpu.memory_space<vmem>>
    %dma_start3A_999 = tpu.memref_squeeze %dma_start3A_998 : memref<1x128xi32, #tpu.memory_space<vmem>> -> memref<128xi32, #tpu.memory_space<vmem>>
    %dma_start3A_1000 = arith.constant 0 : i32
    %dma_start3A_1001 = arith.constant 0 : i32
    %dma_start3A_1002 = tpu.memref_slice %arg10[%dma_start3A_1000, %dma_start3A_1001] : memref<100352x9xf32, #tpu.memory_space<vmem_shared>> -> memref<100352x9xf32, #tpu.memory_space<vmem_shared>>
    tpu.enqueue_indirect_dma source(%dma_start3A_992 : memref<128x9xf32, #tpu.memory_space<vmem>>) target(%dma_start3A_1002 : memref<100352x9xf32, #tpu.memory_space<vmem_shared>>) offsets(%dma_start3A_999 : memref<128xi32, #tpu.memory_space<vmem>>) semaphore(%arg13 : memref<!tpu.dma_semaphore, #tpu.memory_space<semaphore_mem>>) {add = true}
    %dma_start3A_1003 = arith.constant 1 : i32
    %dma_start3A_1004 = arith.constant 5 : i32
    %dma_start3A_1005 = arith.constant 640 : i32
    %dma_start3A_1006 = arith.constant 0 : i32
    %dma_start3A_1007 = tpu.memref_slice %arg9[%dma_start3A_1005, %dma_start3A_1006] : memref<1024x9xf32, #tpu.memory_space<vmem>> -> memref<128x9xf32, #tpu.memory_space<vmem>>
    %dma_start3A_1008 = arith.constant 0 : i32
    %dma_start3A_1009 = arith.constant 0 : i32
    %dma_start3A_1010 = tpu.memref_slice %arg8[%dma_start3A_1003, %dma_start3A_1008, %dma_start3A_1009] : memref<2x8x128xi32, #tpu.memory_space<vmem>> -> memref<1x8x128xi32, #tpu.memory_space<vmem>>
    %dma_start3A_1011 = tpu.memref_squeeze %dma_start3A_1010 : memref<1x8x128xi32, #tpu.memory_space<vmem>> -> memref<8x128xi32, #tpu.memory_space<vmem>>
    %dma_start3A_1012 = arith.constant 0 : i32
    %dma_start3A_1013 = tpu.memref_slice %dma_start3A_1011[%dma_start3A_1004, %dma_start3A_1012] : memref<8x128xi32, #tpu.memory_space<vmem>> -> memref<1x128xi32, #tpu.memory_space<vmem>>
    %dma_start3A_1014 = tpu.memref_squeeze %dma_start3A_1013 : memref<1x128xi32, #tpu.memory_space<vmem>> -> memref<128xi32, #tpu.memory_space<vmem>>
    %dma_start3A_1015 = arith.constant 0 : i32
    %dma_start3A_1016 = arith.constant 0 : i32
    %dma_start3A_1017 = tpu.memref_slice %arg10[%dma_start3A_1015, %dma_start3A_1016] : memref<100352x9xf32, #tpu.memory_space<vmem_shared>> -> memref<100352x9xf32, #tpu.memory_space<vmem_shared>>
    tpu.enqueue_indirect_dma source(%dma_start3A_1007 : memref<128x9xf32, #tpu.memory_space<vmem>>) target(%dma_start3A_1017 : memref<100352x9xf32, #tpu.memory_space<vmem_shared>>) offsets(%dma_start3A_1014 : memref<128xi32, #tpu.memory_space<vmem>>) semaphore(%arg13 : memref<!tpu.dma_semaphore, #tpu.memory_space<semaphore_mem>>) {add = true}
    %dma_start3A_1018 = arith.constant 1 : i32
    %dma_start3A_1019 = arith.constant 6 : i32
    %dma_start3A_1020 = arith.constant 768 : i32
    %dma_start3A_1021 = arith.constant 0 : i32
    %dma_start3A_1022 = tpu.memref_slice %arg9[%dma_start3A_1020, %dma_start3A_1021] : memref<1024x9xf32, #tpu.memory_space<vmem>> -> memref<128x9xf32, #tpu.memory_space<vmem>>
    %dma_start3A_1023 = arith.constant 0 : i32
    %dma_start3A_1024 = arith.constant 0 : i32
    %dma_start3A_1025 = tpu.memref_slice %arg8[%dma_start3A_1018, %dma_start3A_1023, %dma_start3A_1024] : memref<2x8x128xi32, #tpu.memory_space<vmem>> -> memref<1x8x128xi32, #tpu.memory_space<vmem>>
    %dma_start3A_1026 = tpu.memref_squeeze %dma_start3A_1025 : memref<1x8x128xi32, #tpu.memory_space<vmem>> -> memref<8x128xi32, #tpu.memory_space<vmem>>
    %dma_start3A_1027 = arith.constant 0 : i32
    %dma_start3A_1028 = tpu.memref_slice %dma_start3A_1026[%dma_start3A_1019, %dma_start3A_1027] : memref<8x128xi32, #tpu.memory_space<vmem>> -> memref<1x128xi32, #tpu.memory_space<vmem>>
    %dma_start3A_1029 = tpu.memref_squeeze %dma_start3A_1028 : memref<1x128xi32, #tpu.memory_space<vmem>> -> memref<128xi32, #tpu.memory_space<vmem>>
    %dma_start3A_1030 = arith.constant 0 : i32
    %dma_start3A_1031 = arith.constant 0 : i32
    %dma_start3A_1032 = tpu.memref_slice %arg10[%dma_start3A_1030, %dma_start3A_1031] : memref<100352x9xf32, #tpu.memory_space<vmem_shared>> -> memref<100352x9xf32, #tpu.memory_space<vmem_shared>>
    tpu.enqueue_indirect_dma source(%dma_start3A_1022 : memref<128x9xf32, #tpu.memory_space<vmem>>) target(%dma_start3A_1032 : memref<100352x9xf32, #tpu.memory_space<vmem_shared>>) offsets(%dma_start3A_1029 : memref<128xi32, #tpu.memory_space<vmem>>) semaphore(%arg13 : memref<!tpu.dma_semaphore, #tpu.memory_space<semaphore_mem>>) {add = true}
    %dma_start3A_1033 = arith.constant 1 : i32
    %dma_start3A_1034 = arith.constant 7 : i32
    %dma_start3A_1035 = arith.constant 896 : i32
    %dma_start3A_1036 = arith.constant 0 : i32
    %dma_start3A_1037 = tpu.memref_slice %arg9[%dma_start3A_1035, %dma_start3A_1036] : memref<1024x9xf32, #tpu.memory_space<vmem>> -> memref<128x9xf32, #tpu.memory_space<vmem>>
    %dma_start3A_1038 = arith.constant 0 : i32
    %dma_start3A_1039 = arith.constant 0 : i32
    %dma_start3A_1040 = tpu.memref_slice %arg8[%dma_start3A_1033, %dma_start3A_1038, %dma_start3A_1039] : memref<2x8x128xi32, #tpu.memory_space<vmem>> -> memref<1x8x128xi32, #tpu.memory_space<vmem>>
    %dma_start3A_1041 = tpu.memref_squeeze %dma_start3A_1040 : memref<1x8x128xi32, #tpu.memory_space<vmem>> -> memref<8x128xi32, #tpu.memory_space<vmem>>
    %dma_start3A_1042 = arith.constant 0 : i32
    %dma_start3A_1043 = tpu.memref_slice %dma_start3A_1041[%dma_start3A_1034, %dma_start3A_1042] : memref<8x128xi32, #tpu.memory_space<vmem>> -> memref<1x128xi32, #tpu.memory_space<vmem>>
    %dma_start3A_1044 = tpu.memref_squeeze %dma_start3A_1043 : memref<1x128xi32, #tpu.memory_space<vmem>> -> memref<128xi32, #tpu.memory_space<vmem>>
    %dma_start3A_1045 = arith.constant 0 : i32
    %dma_start3A_1046 = arith.constant 0 : i32
    %dma_start3A_1047 = tpu.memref_slice %arg10[%dma_start3A_1045, %dma_start3A_1046] : memref<100352x9xf32, #tpu.memory_space<vmem_shared>> -> memref<100352x9xf32, #tpu.memory_space<vmem_shared>>
    tpu.enqueue_indirect_dma source(%dma_start3A_1037 : memref<128x9xf32, #tpu.memory_space<vmem>>) target(%dma_start3A_1047 : memref<100352x9xf32, #tpu.memory_space<vmem_shared>>) offsets(%dma_start3A_1044 : memref<128xi32, #tpu.memory_space<vmem>>) semaphore(%arg13 : memref<!tpu.dma_semaphore, #tpu.memory_space<semaphore_mem>>) {add = true}
    %dma_wait3A_1048 = arith.constant 1 : i32
    %dma_wait3A_1049 = arith.constant 0 : i32
    %dma_wait3A_1050 = arith.constant 0 : i32
    %dma_wait3A_1051 = arith.constant 0 : i32
    %dma_wait3A_1052 = tpu.memref_slice %arg9[%dma_wait3A_1050, %dma_wait3A_1051] : memref<1024x9xf32, #tpu.memory_space<vmem>> -> memref<128x9xf32, #tpu.memory_space<vmem>>
    %dma_wait3A_1053 = arith.constant 0 : i32
    %dma_wait3A_1054 = arith.constant 0 : i32
    %dma_wait3A_1055 = tpu.memref_slice %arg8[%dma_wait3A_1048, %dma_wait3A_1053, %dma_wait3A_1054] : memref<2x8x128xi32, #tpu.memory_space<vmem>> -> memref<1x8x128xi32, #tpu.memory_space<vmem>>
    %dma_wait3A_1056 = tpu.memref_squeeze %dma_wait3A_1055 : memref<1x8x128xi32, #tpu.memory_space<vmem>> -> memref<8x128xi32, #tpu.memory_space<vmem>>
    %dma_wait3A_1057 = arith.constant 0 : i32
    %dma_wait3A_1058 = tpu.memref_slice %dma_wait3A_1056[%dma_wait3A_1049, %dma_wait3A_1057] : memref<8x128xi32, #tpu.memory_space<vmem>> -> memref<1x128xi32, #tpu.memory_space<vmem>>
    %dma_wait3A_1059 = tpu.memref_squeeze %dma_wait3A_1058 : memref<1x128xi32, #tpu.memory_space<vmem>> -> memref<128xi32, #tpu.memory_space<vmem>>
    %dma_wait3A_1060 = arith.constant 0 : i32
    %dma_wait3A_1061 = arith.constant 0 : i32
    %dma_wait3A_1062 = tpu.memref_slice %arg10[%dma_wait3A_1060, %dma_wait3A_1061] : memref<100352x9xf32, #tpu.memory_space<vmem_shared>> -> memref<100352x9xf32, #tpu.memory_space<vmem_shared>>
    tpu.wait_indirect_dma semaphore(%arg13 : memref<!tpu.dma_semaphore, #tpu.memory_space<semaphore_mem>>) src(%dma_wait3A_1052 : memref<128x9xf32, #tpu.memory_space<vmem>>) dst(%dma_wait3A_1062 : memref<100352x9xf32, #tpu.memory_space<vmem_shared>>)
    %dma_wait3A_1063 = arith.constant 1 : i32
    %dma_wait3A_1064 = arith.constant 1 : i32
    %dma_wait3A_1065 = arith.constant 128 : i32
    %dma_wait3A_1066 = arith.constant 0 : i32
    %dma_wait3A_1067 = tpu.memref_slice %arg9[%dma_wait3A_1065, %dma_wait3A_1066] : memref<1024x9xf32, #tpu.memory_space<vmem>> -> memref<128x9xf32, #tpu.memory_space<vmem>>
    %dma_wait3A_1068 = arith.constant 0 : i32
    %dma_wait3A_1069 = arith.constant 0 : i32
    %dma_wait3A_1070 = tpu.memref_slice %arg8[%dma_wait3A_1063, %dma_wait3A_1068, %dma_wait3A_1069] : memref<2x8x128xi32, #tpu.memory_space<vmem>> -> memref<1x8x128xi32, #tpu.memory_space<vmem>>
    %dma_wait3A_1071 = tpu.memref_squeeze %dma_wait3A_1070 : memref<1x8x128xi32, #tpu.memory_space<vmem>> -> memref<8x128xi32, #tpu.memory_space<vmem>>
    %dma_wait3A_1072 = arith.constant 0 : i32
    %dma_wait3A_1073 = tpu.memref_slice %dma_wait3A_1071[%dma_wait3A_1064, %dma_wait3A_1072] : memref<8x128xi32, #tpu.memory_space<vmem>> -> memref<1x128xi32, #tpu.memory_space<vmem>>
    %dma_wait3A_1074 = tpu.memref_squeeze %dma_wait3A_1073 : memref<1x128xi32, #tpu.memory_space<vmem>> -> memref<128xi32, #tpu.memory_space<vmem>>
    %dma_wait3A_1075 = arith.constant 0 : i32
    %dma_wait3A_1076 = arith.constant 0 : i32
    %dma_wait3A_1077 = tpu.memref_slice %arg10[%dma_wait3A_1075, %dma_wait3A_1076] : memref<100352x9xf32, #tpu.memory_space<vmem_shared>> -> memref<100352x9xf32, #tpu.memory_space<vmem_shared>>
    tpu.wait_indirect_dma semaphore(%arg13 : memref<!tpu.dma_semaphore, #tpu.memory_space<semaphore_mem>>) src(%dma_wait3A_1067 : memref<128x9xf32, #tpu.memory_space<vmem>>) dst(%dma_wait3A_1077 : memref<100352x9xf32, #tpu.memory_space<vmem_shared>>)
    %dma_wait3A_1078 = arith.constant 1 : i32
    %dma_wait3A_1079 = arith.constant 2 : i32
    %dma_wait3A_1080 = arith.constant 256 : i32
    %dma_wait3A_1081 = arith.constant 0 : i32
    %dma_wait3A_1082 = tpu.memref_slice %arg9[%dma_wait3A_1080, %dma_wait3A_1081] : memref<1024x9xf32, #tpu.memory_space<vmem>> -> memref<128x9xf32, #tpu.memory_space<vmem>>
    %dma_wait3A_1083 = arith.constant 0 : i32
    %dma_wait3A_1084 = arith.constant 0 : i32
    %dma_wait3A_1085 = tpu.memref_slice %arg8[%dma_wait3A_1078, %dma_wait3A_1083, %dma_wait3A_1084] : memref<2x8x128xi32, #tpu.memory_space<vmem>> -> memref<1x8x128xi32, #tpu.memory_space<vmem>>
    %dma_wait3A_1086 = tpu.memref_squeeze %dma_wait3A_1085 : memref<1x8x128xi32, #tpu.memory_space<vmem>> -> memref<8x128xi32, #tpu.memory_space<vmem>>
    %dma_wait3A_1087 = arith.constant 0 : i32
    %dma_wait3A_1088 = tpu.memref_slice %dma_wait3A_1086[%dma_wait3A_1079, %dma_wait3A_1087] : memref<8x128xi32, #tpu.memory_space<vmem>> -> memref<1x128xi32, #tpu.memory_space<vmem>>
    %dma_wait3A_1089 = tpu.memref_squeeze %dma_wait3A_1088 : memref<1x128xi32, #tpu.memory_space<vmem>> -> memref<128xi32, #tpu.memory_space<vmem>>
    %dma_wait3A_1090 = arith.constant 0 : i32
    %dma_wait3A_1091 = arith.constant 0 : i32
    %dma_wait3A_1092 = tpu.memref_slice %arg10[%dma_wait3A_1090, %dma_wait3A_1091] : memref<100352x9xf32, #tpu.memory_space<vmem_shared>> -> memref<100352x9xf32, #tpu.memory_space<vmem_shared>>
    tpu.wait_indirect_dma semaphore(%arg13 : memref<!tpu.dma_semaphore, #tpu.memory_space<semaphore_mem>>) src(%dma_wait3A_1082 : memref<128x9xf32, #tpu.memory_space<vmem>>) dst(%dma_wait3A_1092 : memref<100352x9xf32, #tpu.memory_space<vmem_shared>>)
    %dma_wait3A_1093 = arith.constant 1 : i32
    %dma_wait3A_1094 = arith.constant 3 : i32
    %dma_wait3A_1095 = arith.constant 384 : i32
    %dma_wait3A_1096 = arith.constant 0 : i32
    %dma_wait3A_1097 = tpu.memref_slice %arg9[%dma_wait3A_1095, %dma_wait3A_1096] : memref<1024x9xf32, #tpu.memory_space<vmem>> -> memref<128x9xf32, #tpu.memory_space<vmem>>
    %dma_wait3A_1098 = arith.constant 0 : i32
    %dma_wait3A_1099 = arith.constant 0 : i32
    %dma_wait3A_1100 = tpu.memref_slice %arg8[%dma_wait3A_1093, %dma_wait3A_1098, %dma_wait3A_1099] : memref<2x8x128xi32, #tpu.memory_space<vmem>> -> memref<1x8x128xi32, #tpu.memory_space<vmem>>
    %dma_wait3A_1101 = tpu.memref_squeeze %dma_wait3A_1100 : memref<1x8x128xi32, #tpu.memory_space<vmem>> -> memref<8x128xi32, #tpu.memory_space<vmem>>
    %dma_wait3A_1102 = arith.constant 0 : i32
    %dma_wait3A_1103 = tpu.memref_slice %dma_wait3A_1101[%dma_wait3A_1094, %dma_wait3A_1102] : memref<8x128xi32, #tpu.memory_space<vmem>> -> memref<1x128xi32, #tpu.memory_space<vmem>>
    %dma_wait3A_1104 = tpu.memref_squeeze %dma_wait3A_1103 : memref<1x128xi32, #tpu.memory_space<vmem>> -> memref<128xi32, #tpu.memory_space<vmem>>
    %dma_wait3A_1105 = arith.constant 0 : i32
    %dma_wait3A_1106 = arith.constant 0 : i32
    %dma_wait3A_1107 = tpu.memref_slice %arg10[%dma_wait3A_1105, %dma_wait3A_1106] : memref<100352x9xf32, #tpu.memory_space<vmem_shared>> -> memref<100352x9xf32, #tpu.memory_space<vmem_shared>>
    tpu.wait_indirect_dma semaphore(%arg13 : memref<!tpu.dma_semaphore, #tpu.memory_space<semaphore_mem>>) src(%dma_wait3A_1097 : memref<128x9xf32, #tpu.memory_space<vmem>>) dst(%dma_wait3A_1107 : memref<100352x9xf32, #tpu.memory_space<vmem_shared>>)
    %dma_wait3A_1108 = arith.constant 1 : i32
    %dma_wait3A_1109 = arith.constant 4 : i32
    %dma_wait3A_1110 = arith.constant 512 : i32
    %dma_wait3A_1111 = arith.constant 0 : i32
    %dma_wait3A_1112 = tpu.memref_slice %arg9[%dma_wait3A_1110, %dma_wait3A_1111] : memref<1024x9xf32, #tpu.memory_space<vmem>> -> memref<128x9xf32, #tpu.memory_space<vmem>>
    %dma_wait3A_1113 = arith.constant 0 : i32
    %dma_wait3A_1114 = arith.constant 0 : i32
    %dma_wait3A_1115 = tpu.memref_slice %arg8[%dma_wait3A_1108, %dma_wait3A_1113, %dma_wait3A_1114] : memref<2x8x128xi32, #tpu.memory_space<vmem>> -> memref<1x8x128xi32, #tpu.memory_space<vmem>>
    %dma_wait3A_1116 = tpu.memref_squeeze %dma_wait3A_1115 : memref<1x8x128xi32, #tpu.memory_space<vmem>> -> memref<8x128xi32, #tpu.memory_space<vmem>>
    %dma_wait3A_1117 = arith.constant 0 : i32
    %dma_wait3A_1118 = tpu.memref_slice %dma_wait3A_1116[%dma_wait3A_1109, %dma_wait3A_1117] : memref<8x128xi32, #tpu.memory_space<vmem>> -> memref<1x128xi32, #tpu.memory_space<vmem>>
    %dma_wait3A_1119 = tpu.memref_squeeze %dma_wait3A_1118 : memref<1x128xi32, #tpu.memory_space<vmem>> -> memref<128xi32, #tpu.memory_space<vmem>>
    %dma_wait3A_1120 = arith.constant 0 : i32
    %dma_wait3A_1121 = arith.constant 0 : i32
    %dma_wait3A_1122 = tpu.memref_slice %arg10[%dma_wait3A_1120, %dma_wait3A_1121] : memref<100352x9xf32, #tpu.memory_space<vmem_shared>> -> memref<100352x9xf32, #tpu.memory_space<vmem_shared>>
    tpu.wait_indirect_dma semaphore(%arg13 : memref<!tpu.dma_semaphore, #tpu.memory_space<semaphore_mem>>) src(%dma_wait3A_1112 : memref<128x9xf32, #tpu.memory_space<vmem>>) dst(%dma_wait3A_1122 : memref<100352x9xf32, #tpu.memory_space<vmem_shared>>)
    %dma_wait3A_1123 = arith.constant 1 : i32
    %dma_wait3A_1124 = arith.constant 5 : i32
    %dma_wait3A_1125 = arith.constant 640 : i32
    %dma_wait3A_1126 = arith.constant 0 : i32
    %dma_wait3A_1127 = tpu.memref_slice %arg9[%dma_wait3A_1125, %dma_wait3A_1126] : memref<1024x9xf32, #tpu.memory_space<vmem>> -> memref<128x9xf32, #tpu.memory_space<vmem>>
    %dma_wait3A_1128 = arith.constant 0 : i32
    %dma_wait3A_1129 = arith.constant 0 : i32
    %dma_wait3A_1130 = tpu.memref_slice %arg8[%dma_wait3A_1123, %dma_wait3A_1128, %dma_wait3A_1129] : memref<2x8x128xi32, #tpu.memory_space<vmem>> -> memref<1x8x128xi32, #tpu.memory_space<vmem>>
    %dma_wait3A_1131 = tpu.memref_squeeze %dma_wait3A_1130 : memref<1x8x128xi32, #tpu.memory_space<vmem>> -> memref<8x128xi32, #tpu.memory_space<vmem>>
    %dma_wait3A_1132 = arith.constant 0 : i32
    %dma_wait3A_1133 = tpu.memref_slice %dma_wait3A_1131[%dma_wait3A_1124, %dma_wait3A_1132] : memref<8x128xi32, #tpu.memory_space<vmem>> -> memref<1x128xi32, #tpu.memory_space<vmem>>
    %dma_wait3A_1134 = tpu.memref_squeeze %dma_wait3A_1133 : memref<1x128xi32, #tpu.memory_space<vmem>> -> memref<128xi32, #tpu.memory_space<vmem>>
    %dma_wait3A_1135 = arith.constant 0 : i32
    %dma_wait3A_1136 = arith.constant 0 : i32
    %dma_wait3A_1137 = tpu.memref_slice %arg10[%dma_wait3A_1135, %dma_wait3A_1136] : memref<100352x9xf32, #tpu.memory_space<vmem_shared>> -> memref<100352x9xf32, #tpu.memory_space<vmem_shared>>
    tpu.wait_indirect_dma semaphore(%arg13 : memref<!tpu.dma_semaphore, #tpu.memory_space<semaphore_mem>>) src(%dma_wait3A_1127 : memref<128x9xf32, #tpu.memory_space<vmem>>) dst(%dma_wait3A_1137 : memref<100352x9xf32, #tpu.memory_space<vmem_shared>>)
    %dma_wait3A_1138 = arith.constant 1 : i32
    %dma_wait3A_1139 = arith.constant 6 : i32
    %dma_wait3A_1140 = arith.constant 768 : i32
    %dma_wait3A_1141 = arith.constant 0 : i32
    %dma_wait3A_1142 = tpu.memref_slice %arg9[%dma_wait3A_1140, %dma_wait3A_1141] : memref<1024x9xf32, #tpu.memory_space<vmem>> -> memref<128x9xf32, #tpu.memory_space<vmem>>
    %dma_wait3A_1143 = arith.constant 0 : i32
    %dma_wait3A_1144 = arith.constant 0 : i32
    %dma_wait3A_1145 = tpu.memref_slice %arg8[%dma_wait3A_1138, %dma_wait3A_1143, %dma_wait3A_1144] : memref<2x8x128xi32, #tpu.memory_space<vmem>> -> memref<1x8x128xi32, #tpu.memory_space<vmem>>
    %dma_wait3A_1146 = tpu.memref_squeeze %dma_wait3A_1145 : memref<1x8x128xi32, #tpu.memory_space<vmem>> -> memref<8x128xi32, #tpu.memory_space<vmem>>
    %dma_wait3A_1147 = arith.constant 0 : i32
    %dma_wait3A_1148 = tpu.memref_slice %dma_wait3A_1146[%dma_wait3A_1139, %dma_wait3A_1147] : memref<8x128xi32, #tpu.memory_space<vmem>> -> memref<1x128xi32, #tpu.memory_space<vmem>>
    %dma_wait3A_1149 = tpu.memref_squeeze %dma_wait3A_1148 : memref<1x128xi32, #tpu.memory_space<vmem>> -> memref<128xi32, #tpu.memory_space<vmem>>
    %dma_wait3A_1150 = arith.constant 0 : i32
    %dma_wait3A_1151 = arith.constant 0 : i32
    %dma_wait3A_1152 = tpu.memref_slice %arg10[%dma_wait3A_1150, %dma_wait3A_1151] : memref<100352x9xf32, #tpu.memory_space<vmem_shared>> -> memref<100352x9xf32, #tpu.memory_space<vmem_shared>>
    tpu.wait_indirect_dma semaphore(%arg13 : memref<!tpu.dma_semaphore, #tpu.memory_space<semaphore_mem>>) src(%dma_wait3A_1142 : memref<128x9xf32, #tpu.memory_space<vmem>>) dst(%dma_wait3A_1152 : memref<100352x9xf32, #tpu.memory_space<vmem_shared>>)
    %dma_wait3A_1153 = arith.constant 1 : i32
    %dma_wait3A_1154 = arith.constant 7 : i32
    %dma_wait3A_1155 = arith.constant 896 : i32
    %dma_wait3A_1156 = arith.constant 0 : i32
    %dma_wait3A_1157 = tpu.memref_slice %arg9[%dma_wait3A_1155, %dma_wait3A_1156] : memref<1024x9xf32, #tpu.memory_space<vmem>> -> memref<128x9xf32, #tpu.memory_space<vmem>>
    %dma_wait3A_1158 = arith.constant 0 : i32
    %dma_wait3A_1159 = arith.constant 0 : i32
    %dma_wait3A_1160 = tpu.memref_slice %arg8[%dma_wait3A_1153, %dma_wait3A_1158, %dma_wait3A_1159] : memref<2x8x128xi32, #tpu.memory_space<vmem>> -> memref<1x8x128xi32, #tpu.memory_space<vmem>>
    %dma_wait3A_1161 = tpu.memref_squeeze %dma_wait3A_1160 : memref<1x8x128xi32, #tpu.memory_space<vmem>> -> memref<8x128xi32, #tpu.memory_space<vmem>>
    %dma_wait3A_1162 = arith.constant 0 : i32
    %dma_wait3A_1163 = tpu.memref_slice %dma_wait3A_1161[%dma_wait3A_1154, %dma_wait3A_1162] : memref<8x128xi32, #tpu.memory_space<vmem>> -> memref<1x128xi32, #tpu.memory_space<vmem>>
    %dma_wait3A_1164 = tpu.memref_squeeze %dma_wait3A_1163 : memref<1x128xi32, #tpu.memory_space<vmem>> -> memref<128xi32, #tpu.memory_space<vmem>>
    %dma_wait3A_1165 = arith.constant 0 : i32
    %dma_wait3A_1166 = arith.constant 0 : i32
    %dma_wait3A_1167 = tpu.memref_slice %arg10[%dma_wait3A_1165, %dma_wait3A_1166] : memref<100352x9xf32, #tpu.memory_space<vmem_shared>> -> memref<100352x9xf32, #tpu.memory_space<vmem_shared>>
    tpu.wait_indirect_dma semaphore(%arg13 : memref<!tpu.dma_semaphore, #tpu.memory_space<semaphore_mem>>) src(%dma_wait3A_1157 : memref<128x9xf32, #tpu.memory_space<vmem>>) dst(%dma_wait3A_1167 : memref<100352x9xf32, #tpu.memory_space<vmem_shared>>)
    %barrier3A_1168 = arith.constant 0 : index
    tpu.barrier barrier_id(%barrier3A_1168)
    "tpu.region"() ({
      %run_scoped3A = tpu.sem_alloc : memref<!tpu.dma_semaphore, #tpu.memory_space<semaphore_mem>>
      %dma_start3A_1169 = arith.constant 0 : i32
      %dma_start3A_1170 = arith.constant 0 : i32
      %dma_start3A_1171 = tpu.memref_slice %arg6[%arg0, %dma_start3A_1169, %dma_start3A_1170] : memref<2x100352x9xf32, #tpu.memory_space<hbm>> -> memref<1x100352x9xf32, #tpu.memory_space<hbm>>
      %dma_start3A_1172 = tpu.memref_squeeze %dma_start3A_1171 : memref<1x100352x9xf32, #tpu.memory_space<hbm>> -> memref<100352x9xf32, #tpu.memory_space<hbm>>
      %dma_start3A_1173 = arith.constant 0 : i32
      %dma_start3A_1174 = tpu.memref_slice %dma_start3A_1172[%mul3A_2, %dma_start3A_1173] : memref<100352x9xf32, #tpu.memory_space<hbm>> -> memref<6272x9xf32, #tpu.memory_space<hbm>>
      %dma_start3A_1175 = arith.constant 0 : i32
      %dma_start3A_1176 = tpu.memref_slice %arg10[%mul3A_2, %dma_start3A_1175] : memref<100352x9xf32, #tpu.memory_space<vmem_shared>> -> memref<6272x9xf32, #tpu.memory_space<vmem_shared>>
      tpu.enqueue_dma source(%dma_start3A_1176 : memref<6272x9xf32, #tpu.memory_space<vmem_shared>>) target(%dma_start3A_1174 : memref<6272x9xf32, #tpu.memory_space<hbm>>) target_semaphore(%run_scoped3A : memref<!tpu.dma_semaphore, #tpu.memory_space<semaphore_mem>>)
      %dma_wait3A_1177 = arith.constant 0 : i32
      %dma_wait3A_1178 = arith.constant 0 : i32
      %dma_wait3A_1179 = tpu.memref_slice %arg6[%arg0, %dma_wait3A_1177, %dma_wait3A_1178] : memref<2x100352x9xf32, #tpu.memory_space<hbm>> -> memref<1x100352x9xf32, #tpu.memory_space<hbm>>
      %dma_wait3A_1180 = tpu.memref_squeeze %dma_wait3A_1179 : memref<1x100352x9xf32, #tpu.memory_space<hbm>> -> memref<100352x9xf32, #tpu.memory_space<hbm>>
      %dma_wait3A_1181 = arith.constant 0 : i32
      %dma_wait3A_1182 = tpu.memref_slice %dma_wait3A_1180[%mul3A_2, %dma_wait3A_1181] : memref<100352x9xf32, #tpu.memory_space<hbm>> -> memref<6272x9xf32, #tpu.memory_space<hbm>>
      %dma_wait3A_1183 = arith.constant 0 : i32
      %dma_wait3A_1184 = tpu.memref_slice %arg10[%mul3A_2, %dma_wait3A_1183] : memref<100352x9xf32, #tpu.memory_space<vmem_shared>> -> memref<6272x9xf32, #tpu.memory_space<vmem_shared>>
      tpu.wait_dma2 semaphore(%run_scoped3A : memref<!tpu.dma_semaphore, #tpu.memory_space<semaphore_mem>>) src(%dma_wait3A_1184 : memref<6272x9xf32, #tpu.memory_space<vmem_shared>>) dst(%dma_wait3A_1182 : memref<6272x9xf32, #tpu.memory_space<hbm>>)
      tpu.yield
    }) : () -> ()
    return
  }
}

module attributes {stable_mosaic.version = 14 : i64} {
  func.func @_mlp_body(%arg0: i32, %arg1: memref<10000x16xf32, #tpu.memory_space<vmem>>, %arg2: memref<16x16xf32, #tpu.memory_space<vmem>>, %arg3: memref<1x16xf32, #tpu.memory_space<vmem>>, %arg4: memref<16x16xf32, #tpu.memory_space<vmem>>, %arg5: memref<1x16xf32, #tpu.memory_space<vmem>>, %arg6: memref<10000x9xf32, #tpu.memory_space<vmem>>, %arg7: memref<10000x9xf32, #tpu.memory_space<vmem>>) attributes {dimension_semantics = [#tpu.dimension_semantics<arbitrary>], iteration_bounds = array<i64: 10>, scalar_prefetch = 0 : i64, scratch_operands = 0 : i64, tpu.core_type = #tpu.core_type<tc>, window_params = [{transform_indices = @transform_0, window_bounds = array<i64: 10000, 16>}, {pipeline_mode = #tpu.pipeline_mode<synchronous>, transform_indices = @transform_1, window_bounds = array<i64: 16, 16>}, {pipeline_mode = #tpu.pipeline_mode<synchronous>, transform_indices = @transform_2, window_bounds = array<i64: 1, 16>}, {pipeline_mode = #tpu.pipeline_mode<synchronous>, transform_indices = @transform_3, window_bounds = array<i64: 16, 16>}, {pipeline_mode = #tpu.pipeline_mode<synchronous>, transform_indices = @transform_4, window_bounds = array<i64: 1, 16>}, {transform_indices = @transform_5, window_bounds = array<i64: 10000, 9>}, {transform_indices = @transform_6, window_bounds = array<i64: 10000, 9>}]} {
    %get3A = arith.constant 0 : index
    %get3A_0 = arith.constant 0 : index
    %get3A_1 = vector.load %arg1[%get3A, %get3A_0] : memref<10000x16xf32, #tpu.memory_space<vmem>>, vector<10000x16xf32>
    %get3A_2 = arith.constant 0 : index
    %get3A_3 = arith.constant 0 : index
    %get3A_4 = vector.load %arg2[%get3A_2, %get3A_3] : memref<16x16xf32, #tpu.memory_space<vmem>>, vector<16x16xf32>
    %dot_general3A = arith.constant dense<0.000000e+00> : vector<10000x16xf32>
    %dot_general3A_5 = tpu.matmul %get3A_1, %get3A_4, %dot_general3A {dimension_numbers = #tpu.dot_dimension_numbers<[1], [0], [0], [1], [0, 0, 1, 1], [], []>, transpose_lhs_hint = false} : vector<10000x16xf32>, vector<16x16xf32>, vector<10000x16xf32> -> vector<10000x16xf32>
    %get3A_6 = arith.constant 0 : index
    %get3A_7 = arith.constant 0 : index
    %get3A_8 = vector.load %arg3[%get3A_6, %get3A_7] : memref<1x16xf32, #tpu.memory_space<vmem>>, vector<1x16xf32>
    %add3A = vector.broadcast %get3A_8 : vector<1x16xf32> to vector<10000x16xf32>
    %add3A_9 = arith.addf %dot_general3A_5, %add3A : vector<10000x16xf32>
    %max3A = arith.constant 0.000000e+00 : f32
    %max3A_10 = vector.broadcast %max3A : f32 to vector<10000x16xf32>
    %max3A_11 = arith.maximumf %add3A_9, %max3A_10 : vector<10000x16xf32>
    %get3A_12 = arith.constant 0 : index
    %get3A_13 = arith.constant 0 : index
    %get3A_14 = vector.load %arg4[%get3A_12, %get3A_13] : memref<16x16xf32, #tpu.memory_space<vmem>>, vector<16x16xf32>
    %dot_general3A_15 = arith.constant dense<0.000000e+00> : vector<10000x16xf32>
    %dot_general3A_16 = tpu.matmul %max3A_11, %get3A_14, %dot_general3A_15 {dimension_numbers = #tpu.dot_dimension_numbers<[1], [0], [0], [1], [0, 0, 1, 1], [], []>, transpose_lhs_hint = false} : vector<10000x16xf32>, vector<16x16xf32>, vector<10000x16xf32> -> vector<10000x16xf32>
    %get3A_17 = arith.constant 0 : index
    %get3A_18 = arith.constant 0 : index
    %get3A_19 = vector.load %arg5[%get3A_17, %get3A_18] : memref<1x16xf32, #tpu.memory_space<vmem>>, vector<1x16xf32>
    %add3A_20 = vector.broadcast %get3A_19 : vector<1x16xf32> to vector<10000x16xf32>
    %add3A_21 = arith.addf %dot_general3A_16, %add3A_20 : vector<10000x16xf32>
    %broadcast_in_dim3A = arith.constant 1.000000e+00 : f32
    %broadcast_in_dim3A_22 = vector.broadcast %broadcast_in_dim3A : f32 to vector<10000x1xf32>
    %slice3A = vector.extract_strided_slice %add3A_21 {offsets = [0, 0], sizes = [10000, 8], strides = [1, 1]} : vector<10000x16xf32> to vector<10000x8xf32>
    %concatenate3A = tpu.concatenate %slice3A, %broadcast_in_dim3A_22 in 1 : vector<10000x8xf32>, vector<10000x1xf32> -> vector<10000x9xf32>
    %swap3A = arith.constant 0 : index
    %swap3A_23 = arith.constant 0 : index
    %swap3A_24 = vector.load %arg6[%swap3A, %swap3A_23] : memref<10000x9xf32, #tpu.memory_space<vmem>>, vector<10000x9xf32>
    tpu.vector_store %arg6[%swap3A, %swap3A_23], %concatenate3A {strides = array<i32>} : memref<10000x9xf32, #tpu.memory_space<vmem>>, vector<10000x9xf32>,
    %slice3A_25 = vector.extract_strided_slice %add3A_21 {offsets = [0, 8], sizes = [10000, 8], strides = [1, 1]} : vector<10000x16xf32> to vector<10000x8xf32>
    %concatenate3A_26 = tpu.concatenate %slice3A_25, %broadcast_in_dim3A_22 in 1 : vector<10000x8xf32>, vector<10000x1xf32> -> vector<10000x9xf32>
    %swap3A_27 = arith.constant 0 : index
    %swap3A_28 = arith.constant 0 : index
    %swap3A_29 = vector.load %arg7[%swap3A_27, %swap3A_28] : memref<10000x9xf32, #tpu.memory_space<vmem>>, vector<10000x9xf32>
    tpu.vector_store %arg7[%swap3A_27, %swap3A_28], %concatenate3A_26 {strides = array<i32>} : memref<10000x9xf32, #tpu.memory_space<vmem>>, vector<10000x9xf32>,
    return
  }
  func.func @transform_0(%arg0: i32) -> (i32, i32) {
    %c0_i32 = arith.constant 0 : i32
    %c0_i32_0 = arith.constant 0 : i32
    return %arg0, %c0_i32 : i32, i32
  }
  func.func @transform_1(%arg0: i32) -> (i32, i32) {
    %c0_i32 = arith.constant 0 : i32
    %c0_i32_0 = arith.constant 0 : i32
    %c0_i32_1 = arith.constant 0 : i32
    return %c0_i32, %c0_i32_0 : i32, i32
  }
  func.func @transform_2(%arg0: i32) -> (i32, i32) {
    %c0_i32 = arith.constant 0 : i32
    %c0_i32_0 = arith.constant 0 : i32
    %c0_i32_1 = arith.constant 0 : i32
    return %c0_i32, %c0_i32_0 : i32, i32
  }
  func.func @transform_3(%arg0: i32) -> (i32, i32) {
    %c0_i32 = arith.constant 0 : i32
    %c0_i32_0 = arith.constant 0 : i32
    %c0_i32_1 = arith.constant 0 : i32
    return %c0_i32, %c0_i32_0 : i32, i32
  }
  func.func @transform_4(%arg0: i32) -> (i32, i32) {
    %c0_i32 = arith.constant 0 : i32
    %c0_i32_0 = arith.constant 0 : i32
    %c0_i32_1 = arith.constant 0 : i32
    return %c0_i32, %c0_i32_0 : i32, i32
  }
  func.func @transform_5(%arg0: i32) -> (i32, i32) {
    %c0_i32 = arith.constant 0 : i32
    %c0_i32_0 = arith.constant 0 : i32
    return %arg0, %c0_i32 : i32, i32
  }
  func.func @transform_6(%arg0: i32) -> (i32, i32) {
    %c0_i32 = arith.constant 0 : i32
    %c0_i32_0 = arith.constant 0 : i32
    return %arg0, %c0_i32 : i32, i32
  }
}

module attributes {stable_mosaic.version = 14 : i64} {
  func.func @_fin_body(%arg0: i32, %arg1: memref<2000x9xf32, #tpu.memory_space<vmem>>, %arg2: memref<2000x9xf32, #tpu.memory_space<vmem>>, %arg3: memref<2000x9xf32, #tpu.memory_space<vmem>>, %arg4: memref<2000x9xf32, #tpu.memory_space<vmem>>, %arg5: memref<16x16xf32, #tpu.memory_space<vmem>>, %arg6: memref<1x16xf32, #tpu.memory_space<vmem>>, %arg7: memref<2000x16xf32, #tpu.memory_space<vmem>>) attributes {dimension_semantics = [#tpu.dimension_semantics<arbitrary>], iteration_bounds = array<i64: 50>, scalar_prefetch = 0 : i64, scratch_operands = 0 : i64, tpu.core_type = #tpu.core_type<tc>, window_params = [{transform_indices = @transform_0, window_bounds = array<i64: 2000, 9>}, {transform_indices = @transform_1, window_bounds = array<i64: 2000, 9>}, {transform_indices = @transform_2, window_bounds = array<i64: 2000, 9>}, {transform_indices = @transform_3, window_bounds = array<i64: 2000, 9>}, {pipeline_mode = #tpu.pipeline_mode<synchronous>, transform_indices = @transform_4, window_bounds = array<i64: 16, 16>}, {pipeline_mode = #tpu.pipeline_mode<synchronous>, transform_indices = @transform_5, window_bounds = array<i64: 1, 16>}, {transform_indices = @transform_6, window_bounds = array<i64: 2000, 16>}]} {
    %get3A = arith.constant 0 : index
    %get3A_0 = arith.constant 0 : index
    %get3A_1 = vector.load %arg1[%get3A, %get3A_0] : memref<2000x9xf32, #tpu.memory_space<vmem>>, vector<2000x9xf32>
    %get3A_2 = arith.constant 0 : index
    %get3A_3 = arith.constant 0 : index
    %get3A_4 = vector.load %arg3[%get3A_2, %get3A_3] : memref<2000x9xf32, #tpu.memory_space<vmem>>, vector<2000x9xf32>
    %add3A = arith.addf %get3A_1, %get3A_4 : vector<2000x9xf32>
    %get3A_5 = arith.constant 0 : index
    %get3A_6 = arith.constant 0 : index
    %get3A_7 = vector.load %arg2[%get3A_5, %get3A_6] : memref<2000x9xf32, #tpu.memory_space<vmem>>, vector<2000x9xf32>
    %get3A_8 = arith.constant 0 : index
    %get3A_9 = arith.constant 0 : index
    %get3A_10 = vector.load %arg4[%get3A_8, %get3A_9] : memref<2000x9xf32, #tpu.memory_space<vmem>>, vector<2000x9xf32>
    %add3A_11 = arith.addf %get3A_7, %get3A_10 : vector<2000x9xf32>
    %slice3A = vector.extract_strided_slice %add3A {offsets = [0, 8], sizes = [2000, 1], strides = [1, 1]} : vector<2000x9xf32> to vector<2000x1xf32>
    %slice3A_12 = vector.extract_strided_slice %add3A {offsets = [0, 0], sizes = [2000, 8], strides = [1, 1]} : vector<2000x9xf32> to vector<2000x8xf32>
    %slice3A_13 = vector.extract_strided_slice %add3A_11 {offsets = [0, 0], sizes = [2000, 8], strides = [1, 1]} : vector<2000x9xf32> to vector<2000x8xf32>
    %concatenate3A = tpu.concatenate %slice3A_12, %slice3A_13 in 1 : vector<2000x8xf32>, vector<2000x8xf32> -> vector<2000x16xf32>
    %div3A = vector.broadcast %slice3A : vector<2000x1xf32> to vector<2000x16xf32>
    %div3A_14 = arith.divf %concatenate3A, %div3A : vector<2000x16xf32>
    %get3A_15 = arith.constant 0 : index
    %get3A_16 = arith.constant 0 : index
    %get3A_17 = vector.load %arg5[%get3A_15, %get3A_16] : memref<16x16xf32, #tpu.memory_space<vmem>>, vector<16x16xf32>
    %dot_general3A = arith.constant dense<0.000000e+00> : vector<2000x16xf32>
    %dot_general3A_18 = tpu.matmul %div3A_14, %get3A_17, %dot_general3A {dimension_numbers = #tpu.dot_dimension_numbers<[1], [0], [0], [1], [0, 0, 1, 1], [], []>, transpose_lhs_hint = false} : vector<2000x16xf32>, vector<16x16xf32>, vector<2000x16xf32> -> vector<2000x16xf32>
    %get3A_19 = arith.constant 0 : index
    %get3A_20 = arith.constant 0 : index
    %get3A_21 = vector.load %arg6[%get3A_19, %get3A_20] : memref<1x16xf32, #tpu.memory_space<vmem>>, vector<1x16xf32>
    %add3A_22 = vector.broadcast %get3A_21 : vector<1x16xf32> to vector<2000x16xf32>
    %add3A_23 = arith.addf %dot_general3A_18, %add3A_22 : vector<2000x16xf32>
    %swap3A = arith.constant 0 : index
    %swap3A_24 = arith.constant 0 : index
    %swap3A_25 = vector.load %arg7[%swap3A, %swap3A_24] : memref<2000x16xf32, #tpu.memory_space<vmem>>, vector<2000x16xf32>
    tpu.vector_store %arg7[%swap3A, %swap3A_24], %add3A_23 {strides = array<i32>} : memref<2000x16xf32, #tpu.memory_space<vmem>>, vector<2000x16xf32>,
    return
  }
  func.func @transform_0(%arg0: i32) -> (i32, i32) {
    %c0_i32 = arith.constant 0 : i32
    %c0_i32_0 = arith.constant 0 : i32
    return %arg0, %c0_i32 : i32, i32
  }
  func.func @transform_1(%arg0: i32) -> (i32, i32) {
    %c0_i32 = arith.constant 0 : i32
    %c0_i32_0 = arith.constant 0 : i32
    return %arg0, %c0_i32 : i32, i32
  }
  func.func @transform_2(%arg0: i32) -> (i32, i32) {
    %c0_i32 = arith.constant 0 : i32
    %c0_i32_0 = arith.constant 0 : i32
    return %arg0, %c0_i32 : i32, i32
  }
  func.func @transform_3(%arg0: i32) -> (i32, i32) {
    %c0_i32 = arith.constant 0 : i32
    %c0_i32_0 = arith.constant 0 : i32
    return %arg0, %c0_i32 : i32, i32
  }
  func.func @transform_4(%arg0: i32) -> (i32, i32) {
    %c0_i32 = arith.constant 0 : i32
    %c0_i32_0 = arith.constant 0 : i32
    %c0_i32_1 = arith.constant 0 : i32
    return %c0_i32, %c0_i32_0 : i32, i32
  }
  func.func @transform_5(%arg0: i32) -> (i32, i32) {
    %c0_i32 = arith.constant 0 : i32
    %c0_i32_0 = arith.constant 0 : i32
    %c0_i32_1 = arith.constant 0 : i32
    return %c0_i32, %c0_i32_0 : i32, i32
  }
  func.func @transform_6(%arg0: i32) -> (i32, i32) {
    %c0_i32 = arith.constant 0 : i32
    %c0_i32_0 = arith.constant 0 : i32
    return %arg0, %c0_i32 : i32, i32
  }
}

</mosaic_0001>

<sc_bundles>
// kernel: kernel.5.cloned.1.call-start
scs
__scs_entry_jumppad:
0x0: {  	(pc) =	sbr.rel $0x88, $3  }
0x1: {  	(tag) =	ssettag $0x0;
	lr =	simm.s32 $0x1  }
0x2: {  	[smem:$0x3F99] =	sst lr;
	_ =	strace $0xD0000000  }
0x3: {  	_ = 	snop  }
0x4: {  	_ = 	snop  }
0x5: {  	_ = 	snop  }
0x6: {  	_ = 	snop  }
0x7: {  	_ = 	snop  }
__scs_overlays_trampoline_lowered:
0x8: {  	[smem:$0x3FA8] =	sst s0  }
0x9: {  	[smem:$0x3FA9] =	sst s1  }
0xa: {  	[smem:$0x3FAA] =	sst s2  }
0xb: {  	[smem:$0x3FAB] =	sst s3  }
0xc: {  	[smem:$0x3FAC] =	sst s4  }
0xd: {  	[smem:$0x3FAD] =	sst s5  }
0xe: {  	[smem:$0x3FAE] =	sst s6  }
0xf: {  	[smem:$0x3FAF] =	sst s7  }
0x10: {  	[smem:$0x3FB0] =	sst s8  }
0x11: {  	[smem:$0x3FB1] =	sst s9;
	s0 =	simm.s32 @!p0 $0x0  }
0x12: {  	s1 =	sld [smem:$0x3F97];
	s0 =	simm.s32 @p0 $0x1  }
0x13: {  	[smem:$0x3FB2] =	sst s0;
	s0 =	simm.s32 @!p1 $0x0  }
0x14: {  	s2 =	sld [smem:$0x3F96];
	s0 =	simm.s32 @p1 $0x1  }
0x15: {  	[smem:$0x3FB3] =	sst s0;
	s0 =	simm.s32 @!p2 $0x0  }
0x16: {  	s3 =	sld [smem:$0x3FDB];
	s0 =	simm.s32 @p2 $0x1  }
0x17: {  	s4 =	simm.s32 $0x1BF5;
	[smem:$0x3FB5] =	sst s0  }
0x18: {  	s0 =	sld [smem:$0x3F98];
	_ =	swait.ge [sflag:s4], $0x0  }
0x19: {  	s7 =	sld [smem:$0x3F99]  }
0x1a: {  	s8 =	sadd.s32 $0xFFFFE003, lr  }
0x1b: {  	s9 =	sadd.s32 $0xFFFFFEF7, lr;
	s5 =	simm.s32 $0xFFFFFFFF;
	p2 =	slt.u32 s8, $0xFFFFF086  }
0x1c: {  	p1 =	slt.u32 s9, $0xF7A;
	s5 =	simm.s32 @!p2 $0x0  }
0x1d: {  	s5 =	simm.s32 @p1 $0x1;
	p0 =	seq.s32 s7, s2  }
0x1e: {  	s7 =	smul.u32 @!p0 $0xF7A, s2;
	p2 =	seq.s32 @!p0 s5, $0x0  }
0x1f: {  	s9 =	smul.u32 $0xF7A, s1;
	s8 =	simm.s32 @!p0 $0x1BF5;
	p2 =	por !p2, p0  }
0x20: {  	[sflag:s8] =	ssyncset.s32 @!p0 $0xFFFFF086;
	s6 =	sadd.s32 @!p0 s3, s7;
	s7 =	simm.s32 @!p0 $0x108  }
0x21: {  	s3 =	sadd.s32 s3, s9;
	s6 =	sadd.s32 @!p0 $0x88, s6;
	s7 =	simm.s32 @p2 $0x1082  }
0x22: {  	[simem:s7], [sflag:s8] =	dma.local @!p0 [hbm:s6], $0xF7A  }
0x23: {  	s9 =	sor.u32 $0xD0000000, s2;
	s6 =	simm.s32 $0x108;
	_ =	swait.ge @!p0 [sflag:s8], $0x0  }
0x24: {  	s3 =	sadd.s32 $0x88, s3;
	s6 =	simm.s32 @!p1 $0x1082;
	[sflag:s4] =	ssyncset.s32 $0xFFFFF086  }
0x25: {  	[simem:s6], [sflag:s4] =	dma.local [hbm:s3], $0xF7A  }
0x26: {  	[smem:$0x3F99] =	sst s1;
	(tag) =	ssettag s2;
	_ =	strace s9  }
0x27: {  	s1 =	sld [smem:$0x3FA9]  }
0x28: {  	s2 =	sld [smem:$0x3FAA]  }
0x29: {  	s4 =	sld [smem:$0x3FAC]  }
0x2a: {  	p0 =	seq.s32 s5, $0x0;
	s5 =	sld [smem:$0x3FAD]  }
0x2b: {  	s6 =	sld [smem:$0x3FAE]  }
0x2c: {  	s7 =	sld [smem:$0x3FAF]  }
0x2d: {  	s3 =	simm.s32 $0x108;
	s8 =	sld [smem:$0x3FB0]  }
0x2e: {  	s3 =	simm.s32 @!p0 $0x1082;
	s9 =	sld [smem:$0x3FB1]  }
0x2f: {  	lr =	sadd.s32 s0, s3;
	s0 =	sld [smem:$0x3FA8]  }
0x30: {  	s3 =	sld [smem:$0x3FAB]  }
0x31: {  	[smem:$0x3FB4] =	sst s10  }
0x32: {  	s10 =	sld [smem:$0x3FB2];
	_ =	sdelay $0x3  }
0x33: {  	p0 =	seq.s32 s10, $0x1;
	s10 =	sld [smem:$0x3FB4];
	_ =	sdelay $0x3  }
0x34: {  	[smem:$0x3FB4] =	sst s10  }
0x35: {  	s10 =	sld [smem:$0x3FB3];
	_ =	sdelay $0x3  }
0x36: {  	p1 =	seq.s32 s10, $0x1;
	s10 =	sld [smem:$0x3FB4];
	_ =	sdelay $0x3  }
0x37: {  	[smem:$0x3FB4] =	sst s10  }
0x38: {  	s10 =	sld [smem:$0x3FB5]  }
0x39: {  	_ = 	snop;
	(pc) =	sbr.ind lr, $3  }
0x3a: {  	_ = 	snop  }
0x3b: {  	_ = 	snop  }
0x3c: {  	p2 =	seq.s32 s10, $0x1;
	s10 =	sld [smem:$0x3FB4]  }
0x3d: {  	_ =	shalt  }
0x3e: {  	_ =	shalt  }
0x3f: {  	_ =	shalt  }
0x40: {  	_ =	shalt  }
0x41: {  	_ =	shalt  }
0x42: {  	_ =	shalt  }
0x43: {  	_ =	shalt  }
0x44: {  	_ =	shalt  }
0x45: {  	_ =	shalt  }
0x46: {  	_ =	shalt  }
0x47: {  	_ =	shalt  }
0x48: {  	_ =	shalt  }
0x49: {  	_ =	shalt  }
0x4a: {  	_ =	shalt  }
0x4b: {  	_ =	shalt  }
0x4c: {  	_ =	shalt  }
0x4d: {  	_ =	shalt  }
0x4e: {  	_ =	shalt  }
0x4f: {  	_ =	shalt  }
0x50: {  	_ =	shalt  }
0x51: {  	_ =	shalt  }
0x52: {  	_ =	shalt  }
0x53: {  	_ =	shalt  }
0x54: {  	_ =	shalt  }
0x55: {  	_ =	shalt  }
0x56: {  	_ =	shalt  }
0x57: {  	_ =	shalt  }
0x58: {  	_ =	shalt  }
0x59: {  	_ =	shalt  }
0x5a: {  	_ =	shalt  }
0x5b: {  	_ =	shalt  }
0x5c: {  	_ =	shalt  }
0x5d: {  	_ =	shalt  }
0x5e: {  	_ =	shalt  }
0x5f: {  	_ =	shalt  }
0x60: {  	_ =	shalt  }
0x61: {  	_ =	shalt  }
0x62: {  	_ =	shalt  }
0x63: {  	_ =	shalt  }
0x64: {  	_ =	shalt  }
0x65: {  	_ =	shalt  }
0x66: {  	_ =	shalt  }
0x67: {  	_ =	shalt  }
0x68: {  	_ =	shalt  }
0x69: {  	_ =	shalt  }
0x6a: {  	_ =	shalt  }
0x6b: {  	_ =	shalt  }
0x6c: {  	_ =	shalt  }
0x6d: {  	_ =	shalt  }
0x6e: {  	_ =	shalt  }
0x6f: {  	_ =	shalt  }
0x70: {  	_ =	shalt  }
0x71: {  	_ =	shalt  }
0x72: {  	_ =	shalt  }
0x73: {  	_ =	shalt  }
0x74: {  	_ =	shalt  }
0x75: {  	_ =	shalt  }
0x76: {  	_ =	shalt  }
0x77: {  	_ =	shalt  }
0x78: {  	_ =	shalt  }
0x79: {  	_ =	shalt  }
0x7a: {  	_ =	shalt  }
0x7b: {  	_ =	shalt  }
0x7c: {  	_ =	shalt  }
0x7d: {  	_ =	shalt  }
0x7e: {  	_ =	shalt  }
0x7f: {  	_ =	shalt  }
0x80: {  	_ =	shalt  }
0x81: {  	_ =	shalt  }
0x82: {  	_ =	shalt  }
0x83: {  	_ =	shalt  }
0x84: {  	_ =	shalt  }
0x85: {  	_ =	shalt  }
0x86: {  	_ =	shalt  }
0x87: {  	_ =	shalt  }
.Lfunc_end0:
.L_simem_size_0:
called_computation_lowered:
.L_overlay_start_0:
0x88: {  	s2 =	sld [smem:$0x3FD9]  }
0x89: {  	s3 =	sld [smem:$0x3FFE];
	_ =	sdelay $0x1  }
0x8a: {  	s1 =	srdreg.scid  }
0x8b: {  	s0 =	sand.u32 $0x1, s1  }
0x8c: {  	s17 =	sshll.u32 s0, $0xA;
	s2 =	sadd.s32 s3, s2  }
0x8d: {  	s2 =	sadd.s32 s2, s17  }
0x8e: {  	[smem:$0x3FC0] =	sst s2  }
0x8f: {  	_ = 	snop  }
0x90: {  	s2 =	sld [smem:$0x3FD0];
	(tm) =	ssettm $0x1  }
0x91: {  	s18 =	sld [smem:$0x3FFB];
	_ =	sdelay $0x3  }
0x92: {  	_ =	strace s18  }
0x93: {  	s3 =	sld [smem:$0x3FFC];
	_ =	sdelay $0x3  }
0x94: {  	_ =	strace s3  }
0x95: {  	s3 =	sld [smem:$0x3FFD];
	_ =	sdelay $0x3  }
0x96: {  	_ =	strace s3  }
0x97: {  	_ =	strace $0x8FFFFFFF  }
0x98: {  	s19 =	sld [smem:$0x3FDB];
	_ =	sdelay $0x1  }
0x99: {  	s4 =	simm.s32 $_scs_section_size  }
0x9a: {  	s5 =	simm.s32 $_size__tile_overlayer_lowered;
	s6 =	simm.s32 $_tile_overlayer_lowered  }
0x9b: {  	s22 =	simm.s32 $0x1BFF;
	s21 =	sshll.u32 s6, $0x1;
	s3 =	sadd.s32 s4, s19  }
0x9c: {  	s7 =	simm.s32 $0x0;
	s20 =	sshll.u32 s5, $0x1;
	s5 =	sadd.s32 s21, s3  }
0x9d: {  	[timem:s7], [sflag:s22] =	dma.local [hbm:s5], s20  }
0x9e: {  	_ =	swait.ge [sflag:s22], s20  }
0x9f: {  	s4 =	ssub.s32 $0x0, s20;
	[sflag:s22] =	ssyncset.done $0x0  }
0xa0: {  	[sflag:s22] =	ssyncadd.s32 s4;
	_ =	sdelay $0x1  }
0xa1: {  	s23 =	simm.s32 $0x1B8B  }
0xa2: {  	_ =	swait.ge [sflag:s23], $0x1  }
0xa3: {  	[sflag:s23] =	ssyncset.done $0x0  }
0xa4: {  	s25 =	simm.s32 $0x1B8E;
	s24 =	sld [smem:$0x3FFE];
	[sflag:s23] =	ssyncadd.s32 $0xFFFFFFFF  }
0xa5: {  	s26 =	simm.s32 $execute0_lowered;
	[smem:$0x3FD2] =	sst s25  }
0xa6: {  	s5 =	sshll.u32 s26, $0x1;
	_ =	strace $0x80000046;
	[dreg:$0x1] =	wrdreg $0xFFFFFFFF  }
0xa7: {  	s28 =	simm.s32 $_size_execute0_lowered;
	s3 =	sadd.s32 s3, s5;
	[dreg:$0x0] =	wrdreg $0x0  }
0xa8: {  	s5 =	sshll.u32 s28, $0x1;
	[dreg:$0x2] =	wrdreg s3  }
0xa9: {  	[dreg:$0x3] =	wrdreg s5  }
0xaa: {  	[dreg:$0x4] =	wrdreg $0xC0  }
0xab: {  	_ =	task [dreg:s7], $0x5FFFF  }
0xac: {  	[dreg:$0x1] =	wrdreg $0xFFFFFFFF  }
0xad: {  	[dreg:$0x0] =	wrdreg $0x60  }
0xae: {  	[dreg:$0x2] =	wrdreg s24  }
0xaf: {  	[dreg:$0x3] =	wrdreg s2  }
0xb0: {  	[dreg:$0x4] =	wrdreg $0x50000  }
0xb1: {  	[dreg:$0x5] =	wrdreg $0x9  }
0xb2: {  	_ =	task.clear_ibuf [dreg:s7], $0x6FFFF;
	_ =	strace $0x90000046  }
0xb3: {  	s29 =	simm.s32 $0x9;
	_ =	strace $0x80000048  }
0xb4: {  	_ =	swait.ge [sflag:s29], $0x1  }
0xb5: {  	[sflag:s29] =	ssyncadd.s32 $0xFFFFFFFF  }
0xb6: {  	_ =	strace $0x90000048  }
0xb7: {  	_ =	sfence  }
0xb8: {  	s30 =	sld [smem:$0x0];
	_ =	sdelay $0x2  }
0xb9: {  	s31 =	sshll.u32 s1, $0xD;
	s1 =	sshrl.u32 s1, $0x2  }
0xba: {  	s3 =	sand.u32 $0x4000, s31;
	s1 =	sadd.s32 s1, s30  }
0xbb: {  	s0 =	sor.u32 s3, s0;
	s1 =	sshll.u32 s1, $0x11  }
0xbc: {  	s0 =	sor.u32 s1, s0  }
0xbd: {  	s0 =	sadd.s32 $0x8F2B, s0  }
0xbe: {  	[sflag:s0] =	ssyncadd.remote.s32 $0x1  }
0xbf: {  	_ =	sfence.sel $0xFFFF  }
0xc0: {  	[dreg:$0x0] =	wrdreg $0xFFFFFFFF;
	(pc) =	sbr.abs _section_cstart, $3  }
0xc1: {  	[dreg:$0x1] =	wrdreg $0xFFFFFFFF  }
0xc2: {  	_ =	task.clear_ibuf [dreg:s7], $0x2FFFF;
	_ =	strace $0x9FFFFFFF  }
0xc3: {  	(tm) =	ssettm $0x7FFFFFFF  }
tec
execute0_lowered:
.L_overlay_start_1:
0x0: {  	(tag) =	ssettag $0x1  }
0x1: {  	s0 =	rddreg [dreg:$0x0]  }
0x2: {  	s2 =	rddreg [dreg:$0x2]  }
0x3: {  	s1 =	srdreg.scid;
	s3 =	simm.s32 $0x0;
	s16 =	stileid.u32  }
0x4: {  	s28 =	simm.s32 $0x1800;
	s30 =	simm.s32 $0x2000;
	s7 =	smul.u32 $0x62000, s16  }
0x5: {  	s29 =	simm.s32 $0x3;
	s31 =	simm.s32 $0xF00;
	s10 =	smul.u32 $0x18800, s16  }
0x6: {  	s1 =	sand.u32 $0x1, s1;
	[smem:$0x7FF] =	sst s3;
	s9 =	smul.u32 $0x31000, s16  }
0x7: {  	s5 =	sadd.s32 $0x3800, s0;
	s8 =	sadd.s32 $0x55B600, s0;
	s19 =	smul.u32 $0x6200, s16  }
0x8: {  	s24 =	sshll.u32 s16, $0x6;
	s16 =	simm.s32 $0x4;
	s4 =	smul.u32 $0x62000, s1  }
0x9: {  	_ =	strace $0x80000047;
	s6 =	smul.u32 $0x31000, s1;
	s1 =	ssub.s32 $0x2, s1  }
0xa: {  	s18 =	sor.u32 $0x1C04, s24;
	s23 =	sshrl.u32 s1, $0x1;
	s7 =	sshrl.u32 s7, $0x2  }
0xb: {  	s11 =	sadd.s32 s10, s2;
	s17 =	sshrl.u32 s9, $0x3;
	[dreg:$0x5] =	wrdreg s19  }
0xc: {  	s9 =	sadd.s32 s8, s19;
	s19 =	sshrl.u32 s10, $0x3;
	[dreg:$0x4] =	wrdreg s18  }
0xd: {  	s4 =	sadd.s32 s4, s0;
	s0 =	sadd.s32 s6, s0;
	s7 =	sadd.s32 s7, s2  }
0xe: {  	s1 =	ssub.s32 s1, s23;
	s17 =	sadd.s32 $0x6180, s17;
	s25 =	sadd.s32 $0x3100, s7  }
0xf: {  	s12 =	sadd.s32 $0x6200, s7;
	s13 =	sadd.s32 $0x9300, s7;
	s14 =	sadd.s32 $0xC400, s7  }
0x10: {  	s15 =	sadd.s32 $0xF500, s7;
	s26 =	sadd.s32 $0x12600, s7;
	s7 =	sadd.s32 $0x15700, s7  }
0x11: {  	s20 =	sadd.s32 $0x497600, s4;
	[dreg:$0x7] =	wrdreg s17;
	s4 =	sadd.s32 s8, s17  }
0x12: {  	s0 =	sadd.s32 $0x65400, s0;
	s1 =	smax.u32 s1, $0x1;
	s17 =	simm.s32 $0x4000  }
0x13: {  	s8 =	simm.s32 $0xC80;
	[dreg:$0x8] =	wrdreg s4;
	s10 =	smov.u32 s20  }
0x14: {  	[dreg:$0x9] =	wrdreg s1;
	s20 =	sshrl.u32 s11, $0x3;
	s6 =	sshrl.u32 s25, $0x3  }
0x15: {  	s21 =	sshrl.u32 s12, $0x3;
	s22 =	sshrl.u32 s13, $0x3;
	s23 =	sshrl.u32 s14, $0x3  }
0x16: {  	s24 =	sshrl.u32 s15, $0x3;
	s25 =	sshrl.u32 s26, $0x3;
	[dreg:$0xb] =	wrdreg s6  }
0x17: {  	s26 =	sshrl.u32 s7, $0x3;
	s0 =	sadd.s32 s19, s0;
	[dreg:$0xc] =	wrdreg s21  }
0x18: {  	s11 =	simm.s32 $0x3000;
	s15 =	simm.s32 $0x3800;
	[dreg:$0xd] =	wrdreg s22  }
0x19: {  	s19 =	simm.s32 $0x4800;
	s13 =	simm.s32 $0xD00;
	[dreg:$0xe] =	wrdreg s23  }
0x1a: {  	s1 =	simm.s32 $0xD80;
	s14 =	simm.s32 $0xE80;
	[dreg:$0xf] =	wrdreg s24  }
0x1b: {  	s4 =	simm.s32 $0xF80;
	s7 =	simm.s32 $0x0;
	[dreg:$0x10] =	wrdreg s25  }
0x1c: {  	s12 =	smov.u32 s20;
	[dreg:$0x11] =	wrdreg s26;
	s22 =	simm.s32 $0x800  }
0x1d: {  	s23 =	simm.s32 $0x1;
	[dreg:$0x12] =	wrdreg s0;
	s25 =	simm.s32 $0x80  }
0x1e: {  	s26 =	simm.s32 $0x1000;
	s0 =	simm.s32 $0x2800;
	[dreg:$0x13] =	wrdreg s7  }
0x1f: {  	s20 =	simm.s32 $0x2;
	s21 =	simm.s32 $0x400;
	[dreg:$0x6] =	wrdreg s10  }
0x20: {  	s24 =	simm.s32 $0xC00;
	s6 =	simm.s32 $0xE00;
	[dreg:$0xa] =	wrdreg s12  }
.LBB2_1:
0x21: {  	s7 =	rddreg [dreg:$0x1]  }
0x22: {  	[spmem:s12], [sflag:s18] =	dma.local [hbm:s7], $0x620  }
0x23: {  	_ =	swait.ge [sflag:s16], $0x620  }
0x24: {  	[sflag:s16] =	ssyncset.done $0x0  }
0x25: {  	s12 =	rddreg [dreg:$0xb];
	[sflag:s16] =	ssyncadd.s32 $0xFFFFF9E0  }
0x26: {  	[spmem:s12], [sflag:s18] =	dma.local [hbm:s7], $0x620  }
0x27: {  	_ =	swait.ge [sflag:s16], $0x620  }
0x28: {  	[sflag:s16] =	ssyncset.done $0x0  }
0x29: {  	s12 =	rddreg [dreg:$0xc];
	[sflag:s16] =	ssyncadd.s32 $0xFFFFF9E0  }
0x2a: {  	[spmem:s12], [sflag:s18] =	dma.local [hbm:s7], $0x620  }
0x2b: {  	_ =	swait.ge [sflag:s16], $0x620  }
0x2c: {  	[sflag:s16] =	ssyncset.done $0x0  }
0x2d: {  	s12 =	rddreg [dreg:$0xd];
	[sflag:s16] =	ssyncadd.s32 $0xFFFFF9E0  }
0x2e: {  	[spmem:s12], [sflag:s18] =	dma.local [hbm:s7], $0x620  }
0x2f: {  	_ =	swait.ge [sflag:s16], $0x620  }
0x30: {  	[sflag:s16] =	ssyncset.done $0x0  }
0x31: {  	s12 =	rddreg [dreg:$0xe];
	[sflag:s16] =	ssyncadd.s32 $0xFFFFF9E0  }
0x32: {  	[spmem:s12], [sflag:s18] =	dma.local [hbm:s7], $0x620  }
0x33: {  	_ =	swait.ge [sflag:s16], $0x620  }
0x34: {  	[sflag:s16] =	ssyncset.done $0x0  }
0x35: {  	s12 =	rddreg [dreg:$0xf];
	[sflag:s16] =	ssyncadd.s32 $0xFFFFF9E0  }
0x36: {  	[spmem:s12], [sflag:s18] =	dma.local [hbm:s7], $0x620  }
0x37: {  	_ =	swait.ge [sflag:s16], $0x620  }
0x38: {  	[sflag:s16] =	ssyncset.done $0x0  }
0x39: {  	s12 =	rddreg [dreg:$0x10];
	[sflag:s16] =	ssyncadd.s32 $0xFFFFF9E0  }
0x3a: {  	[spmem:s12], [sflag:s18] =	dma.local [hbm:s7], $0x620  }
0x3b: {  	_ =	swait.ge [sflag:s16], $0x620  }
0x3c: {  	[sflag:s16] =	ssyncset.done $0x0  }
0x3d: {  	s12 =	rddreg [dreg:$0x11];
	[sflag:s16] =	ssyncadd.s32 $0xFFFFF9E0  }
0x3e: {  	[spmem:s12], [sflag:s18] =	dma.local [hbm:s7], $0x620  }
0x3f: {  	_ =	swait.ge [sflag:s16], $0x620  }
0x40: {  	[sflag:s16] =	ssyncset.done $0x0  }
0x41: {  	[sflag:s16] =	ssyncadd.s32 $0xFFFFF9E0  }
0x42: {  	[bflag:$0x0] =	sbarrier.arrive $0xFFFF  }
0x43: {  	s18 =	rddreg [dreg:$0x5]  }
0x44: {  	s12 =	sadd.s32 s18, s10  }
0x45: {  	[tilespmem:s3], [sflag:$0x1] =	stream.linear.gather [hbm4b:s12+s3], $0x400, $0x38;
	[tilespmem:$0x12C80] =	vst v63  }
0x46: {  	_ = 	snop  }
0x47: {  	[tilespmem:s22], [sflag:$0x1] =	stream.linear.gather [hbm4b:s9+s3], $0x400, $0x38;
	[tilespmem:$0x12C80] =	vst v63  }
0x48: {  	_ =	swait.ge [sflag:s23], $0x400  }
0x49: {  	[sflag:s23] =	ssyncset.done $0x0  }
0x4a: {  	[sflag:s23] =	ssyncadd.s32 $0xFFFFFC00  }
0x4b: {  	_ =	swait.ge [sflag:s23], $0x400  }
0x4c: {  	[sflag:s23] =	ssyncset.done $0x0  }
0x4d: {  	[sflag:s23] =	ssyncadd.s32 $0xFFFFFC00  }
0x4e: {  	[tilespmem:s26], [sflag:$0x2] =	stream.indirect.gather [hbm4b:s5+s25], $0x9, s3, s25, $0xb8;
	[tilespmem:$0x12C80] =	vst v63  }
0x4f: {  	_ = 	snop  }
0x50: {  	[tilespmem:s28], [sflag:$0x2] =	stream.indirect.gather [hbm4b:s5+s25], $0x9, s25, s25, $0xb8;
	[tilespmem:$0x12C80] =	vst v63  }
0x51: {  	s10 =	simm.s32 $0x100  }
0x52: {  	[tilespmem:s30], [sflag:$0x2] =	stream.indirect.gather [hbm4b:s5+s25], $0x9, s10, s25, $0xb8;
	[tilespmem:$0x12C80] =	vst v63  }
0x53: {  	s16 =	simm.s32 $0x180  }
0x54: {  	[tilespmem:s0], [sflag:$0x2] =	stream.indirect.gather [hbm4b:s5+s25], $0x9, s16, s25, $0xb8;
	[tilespmem:$0x12C80] =	vst v63  }
0x55: {  	s18 =	simm.s32 $0x200  }
0x56: {  	[tilespmem:s11], [sflag:$0x2] =	stream.indirect.gather [hbm4b:s5+s25], $0x9, s18, s25, $0xb8;
	[tilespmem:$0x12C80] =	vst v63  }
0x57: {  	s10 =	simm.s32 $0x280  }
0x58: {  	[tilespmem:s15], [sflag:$0x2] =	stream.indirect.gather [hbm4b:s5+s25], $0x9, s10, s25, $0xb8;
	[tilespmem:$0x12C80] =	vst v63  }
0x59: {  	s16 =	simm.s32 $0x300  }
0x5a: {  	[tilespmem:s17], [sflag:$0x2] =	stream.indirect.gather [hbm4b:s5+s25], $0x9, s16, s25, $0xb8;
	[tilespmem:$0x12C80] =	vst v63  }
0x5b: {  	s18 =	simm.s32 $0x380  }
0x5c: {  	[tilespmem:s19], [sflag:$0x2] =	stream.indirect.gather [hbm4b:s5+s25], $0x9, s18, s25, $0xb8;
	[tilespmem:$0x12C80] =	vst v63  }
0x5d: {  	_ =	swait.ge [sflag:s20], $0x480  }
0x5e: {  	[sflag:s20] =	ssyncset.done $0x0  }
0x5f: {  	[sflag:s20] =	ssyncadd.s32 $0xFFFFFB80  }
0x60: {  	_ =	swait.ge [sflag:s20], $0x480  }
0x61: {  	[sflag:s20] =	ssyncset.done $0x0  }
0x62: {  	[sflag:s20] =	ssyncadd.s32 $0xFFFFFB80  }
0x63: {  	_ =	swait.ge [sflag:s20], $0x480  }
0x64: {  	[sflag:s20] =	ssyncset.done $0x0  }
0x65: {  	[sflag:s20] =	ssyncadd.s32 $0xFFFFFB80  }
0x66: {  	_ =	swait.ge [sflag:s20], $0x480  }
0x67: {  	[sflag:s20] =	ssyncset.done $0x0  }
0x68: {  	[sflag:s20] =	ssyncadd.s32 $0xFFFFFB80  }
0x69: {  	_ =	swait.ge [sflag:s20], $0x480  }
0x6a: {  	[sflag:s20] =	ssyncset.done $0x0  }
0x6b: {  	[sflag:s20] =	ssyncadd.s32 $0xFFFFFB80  }
0x6c: {  	_ =	swait.ge [sflag:s20], $0x480  }
0x6d: {  	[sflag:s20] =	ssyncset.done $0x0  }
0x6e: {  	[sflag:s20] =	ssyncadd.s32 $0xFFFFFB80  }
0x6f: {  	_ =	swait.ge [sflag:s20], $0x480  }
0x70: {  	[sflag:s20] =	ssyncset.done $0x0  }
0x71: {  	[sflag:s20] =	ssyncadd.s32 $0xFFFFFB80  }
0x72: {  	_ =	swait.ge [sflag:s20], $0x480  }
0x73: {  	s7 =	sadd.s32 $0xFFFF9F00, s12;
	[sflag:s20] =	ssyncset.done $0x0  }
0x74: {  	s10 =	sadd.s32 $0x6180, s7;
	s16 =	sadd.s32 $0xFFFF9F00, s9;
	[sflag:s20] =	ssyncadd.s32 $0xFFFFFB80  }
0x75: {  	[tilespmem:s21], [sflag:$0x1] =	stream.linear.gather [hbm4b:s10+s3], $0x400, $0x38;
	[tilespmem:$0x12C80] =	vst v63  }
0x76: {  	s10 =	sadd.s32 $0x6180, s16  }
0x77: {  	[tilespmem:s24], [sflag:$0x1] =	stream.linear.gather [hbm4b:s10+s3], $0x400, $0x38;
	[tilespmem:$0x12C80] =	vst v63  }
0x78: {  	_ = 	snop  }
0x79: {  	[spmem:s2] =	stream.indirect.scatter.add.f32 [tilespmem:s26], [sflag:$0x3], $0x9, s22, s25, $0xb8;
	[tilespmem:$0x12C80] =	vst v63  }
0x7a: {  	s18 =	simm.s32 $0x880  }
0x7b: {  	[spmem:s2] =	stream.indirect.scatter.add.f32 [tilespmem:s28], [sflag:$0x3], $0x9, s18, s25, $0xb8;
	[tilespmem:$0x12C80] =	vst v63  }
0x7c: {  	s18 =	simm.s32 $0x900  }
0x7d: {  	[spmem:s2] =	stream.indirect.scatter.add.f32 [tilespmem:s30], [sflag:$0x3], $0x9, s18, s25, $0xb8;
	[tilespmem:$0x12C80] =	vst v63  }
0x7e: {  	s18 =	simm.s32 $0x980  }
0x7f: {  	[spmem:s2] =	stream.indirect.scatter.add.f32 [tilespmem:s0], [sflag:$0x3], $0x9, s18, s25, $0xb8;
	[tilespmem:$0x12C80] =	vst v63  }
0x80: {  	s18 =	simm.s32 $0xA00  }
0x81: {  	[spmem:s2] =	stream.indirect.scatter.add.f32 [tilespmem:s11], [sflag:$0x3], $0x9, s18, s25, $0xb8;
	[tilespmem:$0x12C80] =	vst v63  }
0x82: {  	s18 =	simm.s32 $0xA80  }
0x83: {  	[spmem:s2] =	stream.indirect.scatter.add.f32 [tilespmem:s15], [sflag:$0x3], $0x9, s18, s25, $0xb8;
	[tilespmem:$0x12C80] =	vst v63  }
0x84: {  	s18 =	simm.s32 $0xB00  }
0x85: {  	[spmem:s2] =	stream.indirect.scatter.add.f32 [tilespmem:s17], [sflag:$0x3], $0x9, s18, s25, $0xb8;
	[tilespmem:$0x12C80] =	vst v63  }
0x86: {  	s18 =	simm.s32 $0xB80  }
0x87: {  	[spmem:s2] =	stream.indirect.scatter.add.f32 [tilespmem:s19], [sflag:$0x3], $0x9, s18, s25, $0xb8;
	[tilespmem:$0x12C80] =	vst v63  }
0x88: {  	_ =	swait.ge [sflag:s29], $0x480  }
0x89: {  	[sflag:s29] =	ssyncset.done $0x0  }
0x8a: {  	[sflag:s29] =	ssyncadd.s32 $0xFFFFFB80  }
0x8b: {  	_ =	swait.ge [sflag:s29], $0x480  }
0x8c: {  	[sflag:s29] =	ssyncset.done $0x0  }
0x8d: {  	[sflag:s29] =	ssyncadd.s32 $0xFFFFFB80  }
0x8e: {  	_ =	swait.ge [sflag:s29], $0x480  }
0x8f: {  	[sflag:s29] =	ssyncset.done $0x0  }
0x90: {  	[sflag:s29] =	ssyncadd.s32 $0xFFFFFB80  }
0x91: {  	_ =	swait.ge [sflag:s29], $0x480  }
0x92: {  	[sflag:s29] =	ssyncset.done $0x0  }
0x93: {  	[sflag:s29] =	ssyncadd.s32 $0xFFFFFB80  }
0x94: {  	_ =	swait.ge [sflag:s29], $0x480  }
0x95: {  	[sflag:s29] =	ssyncset.done $0x0  }
0x96: {  	[sflag:s29] =	ssyncadd.s32 $0xFFFFFB80  }
0x97: {  	_ =	swait.ge [sflag:s29], $0x480  }
0x98: {  	[sflag:s29] =	ssyncset.done $0x0  }
0x99: {  	[sflag:s29] =	ssyncadd.s32 $0xFFFFFB80  }
0x9a: {  	_ =	swait.ge [sflag:s29], $0x480  }
0x9b: {  	[sflag:s29] =	ssyncset.done $0x0  }
0x9c: {  	[sflag:s29] =	ssyncadd.s32 $0xFFFFFB80  }
0x9d: {  	_ =	swait.ge [sflag:s29], $0x480  }
0x9e: {  	[sflag:s29] =	ssyncset.done $0x0  }
0x9f: {  	[sflag:s29] =	ssyncadd.s32 $0xFFFFFB80  }
0xa0: {  	_ =	swait.ge [sflag:s23], $0x400  }
0xa1: {  	[sflag:s23] =	ssyncset.done $0x0  }
0xa2: {  	[sflag:s23] =	ssyncadd.s32 $0xFFFFFC00  }
0xa3: {  	_ =	swait.ge [sflag:s23], $0x400  }
0xa4: {  	[sflag:s23] =	ssyncset.done $0x0  }
0xa5: {  	[sflag:s23] =	ssyncadd.s32 $0xFFFFFC00  }
0xa6: {  	[tilespmem:s26], [sflag:$0x2] =	stream.indirect.gather [hbm4b:s5+s25], $0x9, s21, s25, $0xb8;
	[tilespmem:$0x12C80] =	vst v63  }
0xa7: {  	s18 =	simm.s32 $0x480  }
0xa8: {  	[tilespmem:s28], [sflag:$0x2] =	stream.indirect.gather [hbm4b:s5+s25], $0x9, s18, s25, $0xb8;
	[tilespmem:$0x12C80] =	vst v63  }
0xa9: {  	s18 =	simm.s32 $0x500  }
0xaa: {  	[tilespmem:s30], [sflag:$0x2] =	stream.indirect.gather [hbm4b:s5+s25], $0x9, s18, s25, $0xb8;
	[tilespmem:$0x12C80] =	vst v63  }
0xab: {  	s18 =	simm.s32 $0x580  }
0xac: {  	[tilespmem:s0], [sflag:$0x2] =	stream.indirect.gather [hbm4b:s5+s25], $0x9, s18, s25, $0xb8;
	[tilespmem:$0x12C80] =	vst v63  }
0xad: {  	s18 =	simm.s32 $0x600  }
0xae: {  	[tilespmem:s11], [sflag:$0x2] =	stream.indirect.gather [hbm4b:s5+s25], $0x9, s18, s25, $0xb8;
	[tilespmem:$0x12C80] =	vst v63  }
0xaf: {  	s18 =	simm.s32 $0x680  }
0xb0: {  	[tilespmem:s15], [sflag:$0x2] =	stream.indirect.gather [hbm4b:s5+s25], $0x9, s18, s25, $0xb8;
	[tilespmem:$0x12C80] =	vst v63  }
0xb1: {  	s18 =	simm.s32 $0x700  }
0xb2: {  	[tilespmem:s17], [sflag:$0x2] =	stream.indirect.gather [hbm4b:s5+s25], $0x9, s18, s25, $0xb8;
	[tilespmem:$0x12C80] =	vst v63  }
0xb3: {  	s18 =	simm.s32 $0x780  }
0xb4: {  	[tilespmem:s19], [sflag:$0x2] =	stream.indirect.gather [hbm4b:s5+s25], $0x9, s18, s25, $0xb8;
	[tilespmem:$0x12C80] =	vst v63  }
0xb5: {  	_ =	swait.ge [sflag:s20], $0x480  }
0xb6: {  	[sflag:s20] =	ssyncset.done $0x0  }
0xb7: {  	[sflag:s20] =	ssyncadd.s32 $0xFFFFFB80  }
0xb8: {  	_ =	swait.ge [sflag:s20], $0x480  }
0xb9: {  	[sflag:s20] =	ssyncset.done $0x0  }
0xba: {  	[sflag:s20] =	ssyncadd.s32 $0xFFFFFB80  }
0xbb: {  	_ =	swait.ge [sflag:s20], $0x480  }
0xbc: {  	[sflag:s20] =	ssyncset.done $0x0  }
0xbd: {  	[sflag:s20] =	ssyncadd.s32 $0xFFFFFB80  }
0xbe: {  	_ =	swait.ge [sflag:s20], $0x480  }
0xbf: {  	[sflag:s20] =	ssyncset.done $0x0  }
0xc0: {  	[sflag:s20] =	ssyncadd.s32 $0xFFFFFB80  }
0xc1: {  	_ =	swait.ge [sflag:s20], $0x480  }
0xc2: {  	[sflag:s20] =	ssyncset.done $0x0  }
0xc3: {  	[sflag:s20] =	ssyncadd.s32 $0xFFFFFB80  }
0xc4: {  	_ =	swait.ge [sflag:s20], $0x480  }
0xc5: {  	[sflag:s20] =	ssyncset.done $0x0  }
0xc6: {  	[sflag:s20] =	ssyncadd.s32 $0xFFFFFB80  }
0xc7: {  	_ =	swait.ge [sflag:s20], $0x480  }
0xc8: {  	[sflag:s20] =	ssyncset.done $0x0  }
0xc9: {  	[sflag:s20] =	ssyncadd.s32 $0xFFFFFB80  }
0xca: {  	_ =	swait.ge [sflag:s20], $0x480  }
0xcb: {  	[sflag:s20] =	ssyncset.done $0x0  }
0xcc: {  	s7 =	sadd.s32 $0x6200, s7;
	[sflag:s20] =	ssyncadd.s32 $0xFFFFFB80  }
0xcd: {  	[tilespmem:s3], [sflag:$0x1] =	stream.linear.gather [hbm4b:s7+s3], $0x400, $0x38;
	[tilespmem:$0x12C80] =	vst v63  }
0xce: {  	s18 =	sadd.s32 $0x6200, s16  }
0xcf: {  	[tilespmem:s22], [sflag:$0x1] =	stream.linear.gather [hbm4b:s18+s3], $0x400, $0x38;
	[tilespmem:$0x12C80] =	vst v63  }
0xd0: {  	_ = 	snop  }
0xd1: {  	[spmem:s2] =	stream.indirect.scatter.add.f32 [tilespmem:s26], [sflag:$0x3], $0x9, s24, s25, $0xb8;
	[tilespmem:$0x12C80] =	vst v63  }
0xd2: {  	_ = 	snop  }
0xd3: {  	[spmem:s2] =	stream.indirect.scatter.add.f32 [tilespmem:s28], [sflag:$0x3], $0x9, s8, s25, $0xb8;
	[tilespmem:$0x12C80] =	vst v63  }
0xd4: {  	_ = 	snop  }
0xd5: {  	[spmem:s2] =	stream.indirect.scatter.add.f32 [tilespmem:s30], [sflag:$0x3], $0x9, s13, s25, $0xb8;
	[tilespmem:$0x12C80] =	vst v63  }
0xd6: {  	_ = 	snop  }
0xd7: {  	[spmem:s2] =	stream.indirect.scatter.add.f32 [tilespmem:s0], [sflag:$0x3], $0x9, s1, s25, $0xb8;
	[tilespmem:$0x12C80] =	vst v63  }
0xd8: {  	_ = 	snop  }
0xd9: {  	[spmem:s2] =	stream.indirect.scatter.add.f32 [tilespmem:s11], [sflag:$0x3], $0x9, s6, s25, $0xb8;
	[tilespmem:$0x12C80] =	vst v63  }
0xda: {  	_ = 	snop  }
0xdb: {  	[spmem:s2] =	stream.indirect.scatter.add.f32 [tilespmem:s15], [sflag:$0x3], $0x9, s14, s25, $0xb8;
	[tilespmem:$0x12C80] =	vst v63  }
0xdc: {  	_ = 	snop  }
0xdd: {  	[spmem:s2] =	stream.indirect.scatter.add.f32 [tilespmem:s17], [sflag:$0x3], $0x9, s31, s25, $0xb8;
	[tilespmem:$0x12C80] =	vst v63  }
0xde: {  	_ = 	snop  }
0xdf: {  	[spmem:s2] =	stream.indirect.scatter.add.f32 [tilespmem:s19], [sflag:$0x3], $0x9, s4, s25, $0xb8;
	[tilespmem:$0x12C80] =	vst v63  }
0xe0: {  	_ =	swait.ge [sflag:s29], $0x480  }
0xe1: {  	[sflag:s29] =	ssyncset.done $0x0  }
0xe2: {  	[sflag:s29] =	ssyncadd.s32 $0xFFFFFB80  }
0xe3: {  	_ =	swait.ge [sflag:s29], $0x480  }
0xe4: {  	[sflag:s29] =	ssyncset.done $0x0  }
0xe5: {  	[sflag:s29] =	ssyncadd.s32 $0xFFFFFB80  }
0xe6: {  	_ =	swait.ge [sflag:s29], $0x480  }
0xe7: {  	[sflag:s29] =	ssyncset.done $0x0  }
0xe8: {  	[sflag:s29] =	ssyncadd.s32 $0xFFFFFB80  }
0xe9: {  	_ =	swait.ge [sflag:s29], $0x480  }
0xea: {  	[sflag:s29] =	ssyncset.done $0x0  }
0xeb: {  	[sflag:s29] =	ssyncadd.s32 $0xFFFFFB80  }
0xec: {  	_ =	swait.ge [sflag:s29], $0x480  }
0xed: {  	[sflag:s29] =	ssyncset.done $0x0  }
0xee: {  	[sflag:s29] =	ssyncadd.s32 $0xFFFFFB80  }
0xef: {  	_ =	swait.ge [sflag:s29], $0x480  }
0xf0: {  	[sflag:s29] =	ssyncset.done $0x0  }
0xf1: {  	[sflag:s29] =	ssyncadd.s32 $0xFFFFFB80  }
0xf2: {  	_ =	swait.ge [sflag:s29], $0x480  }
0xf3: {  	[sflag:s29] =	ssyncset.done $0x0  }
0xf4: {  	[sflag:s29] =	ssyncadd.s32 $0xFFFFFB80  }
0xf5: {  	_ =	swait.ge [sflag:s29], $0x480  }
0xf6: {  	s16 =	simm.s32 $0xFFFFA000;
	[sflag:s29] =	ssyncset.done $0x0  }
.LBB2_2:
0xf7: {  	p0 =	sne.s32 s16, $0xFFFFFF00  }
0xf8: {  	[sflag:s29] =	ssyncadd.s32 $0xFFFFFB80;
	s7 =	smov.u32 s16;
	s16 =	sadd.s32 $0x100, s16  }
0xf9: {  	_ =	swait.ge [sflag:s23], $0x400  }
0xfa: {  	[sflag:s23] =	ssyncset.done $0x0  }
0xfb: {  	[sflag:s23] =	ssyncadd.s32 $0xFFFFFC00  }
0xfc: {  	_ =	swait.ge [sflag:s23], $0x400  }
0xfd: {  	[sflag:s23] =	ssyncset.done $0x0  }
0xfe: {  	[sflag:s23] =	ssyncadd.s32 $0xFFFFFC00  }
0xff: {  	[tilespmem:s26], [sflag:$0x2] =	stream.indirect.gather [hbm4b:s5+s25], $0x9, s3, s25, $0xb8;
	[tilespmem:$0x12C80] =	vst v63  }
0x100: {  	_ = 	snop  }
0x101: {  	[tilespmem:s28], [sflag:$0x2] =	stream.indirect.gather [hbm4b:s5+s25], $0x9, s25, s25, $0xb8;
	[tilespmem:$0x12C80] =	vst v63  }
0x102: {  	s10 =	simm.s32 $0x100  }
0x103: {  	[tilespmem:s30], [sflag:$0x2] =	stream.indirect.gather [hbm4b:s5+s25], $0x9, s10, s25, $0xb8;
	[tilespmem:$0x12C80] =	vst v63  }
0x104: {  	s10 =	simm.s32 $0x180  }
0x105: {  	[tilespmem:s0], [sflag:$0x2] =	stream.indirect.gather [hbm4b:s5+s25], $0x9, s10, s25, $0xb8;
	[tilespmem:$0x12C80] =	vst v63  }
0x106: {  	s10 =	simm.s32 $0x200  }
0x107: {  	[tilespmem:s11], [sflag:$0x2] =	stream.indirect.gather [hbm4b:s5+s25], $0x9, s10, s25, $0xb8;
	[tilespmem:$0x12C80] =	vst v63  }
0x108: {  	s10 =	simm.s32 $0x280  }
0x109: {  	[tilespmem:s15], [sflag:$0x2] =	stream.indirect.gather [hbm4b:s5+s25], $0x9, s10, s25, $0xb8;
	[tilespmem:$0x12C80] =	vst v63  }
0x10a: {  	s10 =	simm.s32 $0x300  }
0x10b: {  	[tilespmem:s17], [sflag:$0x2] =	stream.indirect.gather [hbm4b:s5+s25], $0x9, s10, s25, $0xb8;
	[tilespmem:$0x12C80] =	vst v63  }
0x10c: {  	s10 =	simm.s32 $0x380  }
0x10d: {  	[tilespmem:s19], [sflag:$0x2] =	stream.indirect.gather [hbm4b:s5+s25], $0x9, s10, s25, $0xb8;
	[tilespmem:$0x12C80] =	vst v63  }
0x10e: {  	_ =	swait.ge [sflag:s20], $0x480  }
0x10f: {  	[sflag:s20] =	ssyncset.done $0x0  }
0x110: {  	[sflag:s20] =	ssyncadd.s32 $0xFFFFFB80  }
0x111: {  	_ =	swait.ge [sflag:s20], $0x480  }
0x112: {  	[sflag:s20] =	ssyncset.done $0x0  }
0x113: {  	[sflag:s20] =	ssyncadd.s32 $0xFFFFFB80  }
0x114: {  	_ =	swait.ge [sflag:s20], $0x480  }
0x115: {  	[sflag:s20] =	ssyncset.done $0x0  }
0x116: {  	[sflag:s20] =	ssyncadd.s32 $0xFFFFFB80  }
0x117: {  	_ =	swait.ge [sflag:s20], $0x480  }
0x118: {  	[sflag:s20] =	ssyncset.done $0x0  }
0x119: {  	[sflag:s20] =	ssyncadd.s32 $0xFFFFFB80  }
0x11a: {  	_ =	swait.ge [sflag:s20], $0x480  }
0x11b: {  	[sflag:s20] =	ssyncset.done $0x0  }
0x11c: {  	[sflag:s20] =	ssyncadd.s32 $0xFFFFFB80  }
0x11d: {  	_ =	swait.ge [sflag:s20], $0x480  }
0x11e: {  	[sflag:s20] =	ssyncset.done $0x0  }
0x11f: {  	[sflag:s20] =	ssyncadd.s32 $0xFFFFFB80  }
0x120: {  	_ =	swait.ge [sflag:s20], $0x480  }
0x121: {  	[sflag:s20] =	ssyncset.done $0x0  }
0x122: {  	[sflag:s20] =	ssyncadd.s32 $0xFFFFFB80  }
0x123: {  	_ =	swait.ge [sflag:s20], $0x480  }
0x124: {  	s18 =	sadd.s32 s7, s12;
	[sflag:s20] =	ssyncset.done $0x0  }
0x125: {  	s7 =	sadd.s32 s7, s9;
	s10 =	sadd.s32 $0x6180, s18;
	[sflag:s20] =	ssyncadd.s32 $0xFFFFFB80  }
0x126: {  	[tilespmem:s21], [sflag:$0x1] =	stream.linear.gather [hbm4b:s10+s3], $0x400, $0x38;
	[tilespmem:$0x12C80] =	vst v63  }
0x127: {  	s10 =	sadd.s32 $0x6180, s7  }
0x128: {  	[tilespmem:s24], [sflag:$0x1] =	stream.linear.gather [hbm4b:s10+s3], $0x400, $0x38;
	[tilespmem:$0x12C80] =	vst v63  }
0x129: {  	_ = 	snop  }
0x12a: {  	[spmem:s2] =	stream.indirect.scatter.add.f32 [tilespmem:s26], [sflag:$0x3], $0x9, s22, s25, $0xb8;
	[tilespmem:$0x12C80] =	vst v63  }
0x12b: {  	s10 =	simm.s32 $0x880  }
0x12c: {  	[spmem:s2] =	stream.indirect.scatter.add.f32 [tilespmem:s28], [sflag:$0x3], $0x9, s10, s25, $0xb8;
	[tilespmem:$0x12C80] =	vst v63  }
0x12d: {  	s10 =	simm.s32 $0x900  }
0x12e: {  	[spmem:s2] =	stream.indirect.scatter.add.f32 [tilespmem:s30], [sflag:$0x3], $0x9, s10, s25, $0xb8;
	[tilespmem:$0x12C80] =	vst v63  }
0x12f: {  	s10 =	simm.s32 $0x980  }
0x130: {  	[spmem:s2] =	stream.indirect.scatter.add.f32 [tilespmem:s0], [sflag:$0x3], $0x9, s10, s25, $0xb8;
	[tilespmem:$0x12C80] =	vst v63  }
0x131: {  	s10 =	simm.s32 $0xA00  }
0x132: {  	[spmem:s2] =	stream.indirect.scatter.add.f32 [tilespmem:s11], [sflag:$0x3], $0x9, s10, s25, $0xb8;
	[tilespmem:$0x12C80] =	vst v63  }
0x133: {  	s10 =	simm.s32 $0xA80  }
0x134: {  	[spmem:s2] =	stream.indirect.scatter.add.f32 [tilespmem:s15], [sflag:$0x3], $0x9, s10, s25, $0xb8;
	[tilespmem:$0x12C80] =	vst v63  }
0x135: {  	s10 =	simm.s32 $0xB00  }
0x136: {  	[spmem:s2] =	stream.indirect.scatter.add.f32 [tilespmem:s17], [sflag:$0x3], $0x9, s10, s25, $0xb8;
	[tilespmem:$0x12C80] =	vst v63  }
0x137: {  	s10 =	simm.s32 $0xB80  }
0x138: {  	[spmem:s2] =	stream.indirect.scatter.add.f32 [tilespmem:s19], [sflag:$0x3], $0x9, s10, s25, $0xb8;
	[tilespmem:$0x12C80] =	vst v63  }
0x139: {  	_ =	swait.ge [sflag:s29], $0x480  }
0x13a: {  	[sflag:s29] =	ssyncset.done $0x0  }
0x13b: {  	[sflag:s29] =	ssyncadd.s32 $0xFFFFFB80  }
0x13c: {  	_ =	swait.ge [sflag:s29], $0x480  }
0x13d: {  	[sflag:s29] =	ssyncset.done $0x0  }
0x13e: {  	[sflag:s29] =	ssyncadd.s32 $0xFFFFFB80  }
0x13f: {  	_ =	swait.ge [sflag:s29], $0x480  }
0x140: {  	[sflag:s29] =	ssyncset.done $0x0  }
0x141: {  	[sflag:s29] =	ssyncadd.s32 $0xFFFFFB80  }
0x142: {  	_ =	swait.ge [sflag:s29], $0x480  }
0x143: {  	[sflag:s29] =	ssyncset.done $0x0  }
0x144: {  	[sflag:s29] =	ssyncadd.s32 $0xFFFFFB80  }
0x145: {  	_ =	swait.ge [sflag:s29], $0x480  }
0x146: {  	[sflag:s29] =	ssyncset.done $0x0  }
0x147: {  	[sflag:s29] =	ssyncadd.s32 $0xFFFFFB80  }
0x148: {  	_ =	swait.ge [sflag:s29], $0x480  }
0x149: {  	[sflag:s29] =	ssyncset.done $0x0  }
0x14a: {  	[sflag:s29] =	ssyncadd.s32 $0xFFFFFB80  }
0x14b: {  	_ =	swait.ge [sflag:s29], $0x480  }
0x14c: {  	[sflag:s29] =	ssyncset.done $0x0  }
0x14d: {  	[sflag:s29] =	ssyncadd.s32 $0xFFFFFB80  }
0x14e: {  	_ =	swait.ge [sflag:s29], $0x480  }
0x14f: {  	[sflag:s29] =	ssyncset.done $0x0  }
0x150: {  	[sflag:s29] =	ssyncadd.s32 $0xFFFFFB80  }
0x151: {  	_ =	swait.ge [sflag:s23], $0x400  }
0x152: {  	[sflag:s23] =	ssyncset.done $0x0  }
0x153: {  	[sflag:s23] =	ssyncadd.s32 $0xFFFFFC00  }
0x154: {  	_ =	swait.ge [sflag:s23], $0x400  }
0x155: {  	[sflag:s23] =	ssyncset.done $0x0  }
0x156: {  	[sflag:s23] =	ssyncadd.s32 $0xFFFFFC00  }
0x157: {  	[tilespmem:s26], [sflag:$0x2] =	stream.indirect.gather [hbm4b:s5+s25], $0x9, s21, s25, $0xb8;
	[tilespmem:$0x12C80] =	vst v63  }
0x158: {  	s10 =	simm.s32 $0x480  }
0x159: {  	[tilespmem:s28], [sflag:$0x2] =	stream.indirect.gather [hbm4b:s5+s25], $0x9, s10, s25, $0xb8;
	[tilespmem:$0x12C80] =	vst v63  }
0x15a: {  	s10 =	simm.s32 $0x500  }
0x15b: {  	[tilespmem:s30], [sflag:$0x2] =	stream.indirect.gather [hbm4b:s5+s25], $0x9, s10, s25, $0xb8;
	[tilespmem:$0x12C80] =	vst v63  }
0x15c: {  	s10 =	simm.s32 $0x580  }
0x15d: {  	[tilespmem:s0], [sflag:$0x2] =	stream.indirect.gather [hbm4b:s5+s25], $0x9, s10, s25, $0xb8;
	[tilespmem:$0x12C80] =	vst v63  }
0x15e: {  	s10 =	simm.s32 $0x600  }
0x15f: {  	[tilespmem:s11], [sflag:$0x2] =	stream.indirect.gather [hbm4b:s5+s25], $0x9, s10, s25, $0xb8;
	[tilespmem:$0x12C80] =	vst v63  }
0x160: {  	s10 =	simm.s32 $0x680  }
0x161: {  	[tilespmem:s15], [sflag:$0x2] =	stream.indirect.gather [hbm4b:s5+s25], $0x9, s10, s25, $0xb8;
	[tilespmem:$0x12C80] =	vst v63  }
0x162: {  	s10 =	simm.s32 $0x700  }
0x163: {  	[tilespmem:s17], [sflag:$0x2] =	stream.indirect.gather [hbm4b:s5+s25], $0x9, s10, s25, $0xb8;
	[tilespmem:$0x12C80] =	vst v63  }
0x164: {  	s10 =	simm.s32 $0x780  }
0x165: {  	[tilespmem:s19], [sflag:$0x2] =	stream.indirect.gather [hbm4b:s5+s25], $0x9, s10, s25, $0xb8;
	[tilespmem:$0x12C80] =	vst v63  }
0x166: {  	_ =	swait.ge [sflag:s20], $0x480  }
0x167: {  	[sflag:s20] =	ssyncset.done $0x0  }
0x168: {  	[sflag:s20] =	ssyncadd.s32 $0xFFFFFB80  }
0x169: {  	_ =	swait.ge [sflag:s20], $0x480  }
0x16a: {  	[sflag:s20] =	ssyncset.done $0x0  }
0x16b: {  	[sflag:s20] =	ssyncadd.s32 $0xFFFFFB80  }
0x16c: {  	_ =	swait.ge [sflag:s20], $0x480  }
0x16d: {  	[sflag:s20] =	ssyncset.done $0x0  }
0x16e: {  	[sflag:s20] =	ssyncadd.s32 $0xFFFFFB80  }
0x16f: {  	_ =	swait.ge [sflag:s20], $0x480  }
0x170: {  	[sflag:s20] =	ssyncset.done $0x0  }
0x171: {  	[sflag:s20] =	ssyncadd.s32 $0xFFFFFB80  }
0x172: {  	_ =	swait.ge [sflag:s20], $0x480  }
0x173: {  	[sflag:s20] =	ssyncset.done $0x0  }
0x174: {  	[sflag:s20] =	ssyncadd.s32 $0xFFFFFB80  }
0x175: {  	_ =	swait.ge [sflag:s20], $0x480  }
0x176: {  	[sflag:s20] =	ssyncset.done $0x0  }
0x177: {  	[sflag:s20] =	ssyncadd.s32 $0xFFFFFB80  }
0x178: {  	_ =	swait.ge [sflag:s20], $0x480  }
0x179: {  	[sflag:s20] =	ssyncset.done $0x0  }
0x17a: {  	[sflag:s20] =	ssyncadd.s32 $0xFFFFFB80  }
0x17b: {  	_ =	swait.ge [sflag:s20], $0x480  }
0x17c: {  	[sflag:s20] =	ssyncset.done $0x0  }
0x17d: {  	s10 =	sadd.s32 $0x6200, s18;
	[sflag:s20] =	ssyncadd.s32 $0xFFFFFB80  }
0x17e: {  	[tilespmem:s3], [sflag:$0x1] =	stream.linear.gather [hbm4b:s10+s3], $0x400, $0x38;
	[tilespmem:$0x12C80] =	vst v63  }
0x17f: {  	s7 =	sadd.s32 $0x6200, s7  }
0x180: {  	[tilespmem:s22], [sflag:$0x1] =	stream.linear.gather [hbm4b:s7+s3], $0x400, $0x38;
	[tilespmem:$0x12C80] =	vst v63  }
0x181: {  	_ = 	snop  }
0x182: {  	[spmem:s2] =	stream.indirect.scatter.add.f32 [tilespmem:s26], [sflag:$0x3], $0x9, s24, s25, $0xb8;
	[tilespmem:$0x12C80] =	vst v63  }
0x183: {  	_ = 	snop  }
0x184: {  	[spmem:s2] =	stream.indirect.scatter.add.f32 [tilespmem:s28], [sflag:$0x3], $0x9, s8, s25, $0xb8;
	[tilespmem:$0x12C80] =	vst v63  }
0x185: {  	_ = 	snop  }
0x186: {  	[spmem:s2] =	stream.indirect.scatter.add.f32 [tilespmem:s30], [sflag:$0x3], $0x9, s13, s25, $0xb8;
	[tilespmem:$0x12C80] =	vst v63  }
0x187: {  	_ = 	snop  }
0x188: {  	[spmem:s2] =	stream.indirect.scatter.add.f32 [tilespmem:s0], [sflag:$0x3], $0x9, s1, s25, $0xb8;
	[tilespmem:$0x12C80] =	vst v63  }
0x189: {  	_ = 	snop  }
0x18a: {  	[spmem:s2] =	stream.indirect.scatter.add.f32 [tilespmem:s11], [sflag:$0x3], $0x9, s6, s25, $0xb8;
	[tilespmem:$0x12C80] =	vst v63  }
0x18b: {  	_ = 	snop  }
0x18c: {  	[spmem:s2] =	stream.indirect.scatter.add.f32 [tilespmem:s15], [sflag:$0x3], $0x9, s14, s25, $0xb8;
	[tilespmem:$0x12C80] =	vst v63  }
0x18d: {  	_ = 	snop  }
0x18e: {  	[spmem:s2] =	stream.indirect.scatter.add.f32 [tilespmem:s17], [sflag:$0x3], $0x9, s31, s25, $0xb8;
	[tilespmem:$0x12C80] =	vst v63  }
0x18f: {  	_ = 	snop  }
0x190: {  	[spmem:s2] =	stream.indirect.scatter.add.f32 [tilespmem:s19], [sflag:$0x3], $0x9, s4, s25, $0xb8;
	[tilespmem:$0x12C80] =	vst v63  }
0x191: {  	_ =	swait.ge [sflag:s29], $0x480  }
0x192: {  	[sflag:s29] =	ssyncset.done $0x0  }
0x193: {  	[sflag:s29] =	ssyncadd.s32 $0xFFFFFB80  }
0x194: {  	_ =	swait.ge [sflag:s29], $0x480  }
0x195: {  	[sflag:s29] =	ssyncset.done $0x0  }
0x196: {  	[sflag:s29] =	ssyncadd.s32 $0xFFFFFB80  }
0x197: {  	_ =	swait.ge [sflag:s29], $0x480  }
0x198: {  	[sflag:s29] =	ssyncset.done $0x0  }
0x199: {  	[sflag:s29] =	ssyncadd.s32 $0xFFFFFB80  }
0x19a: {  	_ =	swait.ge [sflag:s29], $0x480  }
0x19b: {  	[sflag:s29] =	ssyncset.done $0x0  }
0x19c: {  	[sflag:s29] =	ssyncadd.s32 $0xFFFFFB80  }
0x19d: {  	_ =	swait.ge [sflag:s29], $0x480  }
0x19e: {  	[sflag:s29] =	ssyncset.done $0x0  }
0x19f: {  	[sflag:s29] =	ssyncadd.s32 $0xFFFFFB80  }
0x1a0: {  	_ =	swait.ge [sflag:s29], $0x480  }
0x1a1: {  	[sflag:s29] =	ssyncset.done $0x0  }
0x1a2: {  	[sflag:s29] =	ssyncadd.s32 $0xFFFFFB80  }
.Ltmp0:
0x1a3: {  	_ =	swait.ge [sflag:s29], $0x480;
	(pc) =	sbr.rel @p0 .LBB2_2-.Ltmp0, $4  }
0x1a4: {  	[sflag:s29] =	ssyncset.done $0x0  }
0x1a5: {  	[sflag:s29] =	ssyncadd.s32 $0xFFFFFB80  }
0x1a6: {  	_ =	swait.ge [sflag:s29], $0x480  }
0x1a7: {  	[sflag:s29] =	ssyncset.done $0x0  }
0x1a8: {  	[sflag:s29] =	ssyncadd.s32 $0xFFFFFB80  }
0x1a9: {  	_ =	swait.ge [sflag:s23], $0x400  }
0x1aa: {  	[sflag:s23] =	ssyncset.done $0x0  }
0x1ab: {  	[sflag:s23] =	ssyncadd.s32 $0xFFFFFC00  }
0x1ac: {  	_ =	swait.ge [sflag:s23], $0x400  }
0x1ad: {  	[sflag:s23] =	ssyncset.done $0x0  }
0x1ae: {  	[sflag:s23] =	ssyncadd.s32 $0xFFFFFC00  }
0x1af: {  	[tilespmem:s26], [sflag:$0x2] =	stream.indirect.gather [hbm4b:s5+s25], $0x9, s3, s25, $0xb8;
	[tilespmem:$0x12C80] =	vst v63  }
0x1b0: {  	_ = 	snop  }
0x1b1: {  	[tilespmem:s28], [sflag:$0x2] =	stream.indirect.gather [hbm4b:s5+s25], $0x9, s25, s25, $0xb8;
	[tilespmem:$0x12C80] =	vst v63  }
0x1b2: {  	s7 =	simm.s32 $0x100  }
0x1b3: {  	[tilespmem:s30], [sflag:$0x2] =	stream.indirect.gather [hbm4b:s5+s25], $0x9, s7, s25, $0xb8;
	[tilespmem:$0x12C80] =	vst v63  }
0x1b4: {  	s12 =	simm.s32 $0x180  }
0x1b5: {  	[tilespmem:s0], [sflag:$0x2] =	stream.indirect.gather [hbm4b:s5+s25], $0x9, s12, s25, $0xb8;
	[tilespmem:$0x12C80] =	vst v63  }
0x1b6: {  	s16 =	simm.s32 $0x200  }
0x1b7: {  	[tilespmem:s11], [sflag:$0x2] =	stream.indirect.gather [hbm4b:s5+s25], $0x9, s16, s25, $0xb8;
	[tilespmem:$0x12C80] =	vst v63  }
0x1b8: {  	s18 =	simm.s32 $0x280  }
0x1b9: {  	[tilespmem:s15], [sflag:$0x2] =	stream.indirect.gather [hbm4b:s5+s25], $0x9, s18, s25, $0xb8;
	[tilespmem:$0x12C80] =	vst v63  }
0x1ba: {  	s10 =	simm.s32 $0x300  }
0x1bb: {  	[tilespmem:s17], [sflag:$0x2] =	stream.indirect.gather [hbm4b:s5+s25], $0x9, s10, s25, $0xb8;
	[tilespmem:$0x12C80] =	vst v63  }
0x1bc: {  	s12 =	simm.s32 $0x380  }
0x1bd: {  	[tilespmem:s19], [sflag:$0x2] =	stream.indirect.gather [hbm4b:s5+s25], $0x9, s12, s25, $0xb8;
	[tilespmem:$0x12C80] =	vst v63  }
0x1be: {  	_ =	swait.ge [sflag:s20], $0x480  }
0x1bf: {  	[sflag:s20] =	ssyncset.done $0x0  }
0x1c0: {  	[sflag:s20] =	ssyncadd.s32 $0xFFFFFB80  }
0x1c1: {  	_ =	swait.ge [sflag:s20], $0x480  }
0x1c2: {  	[sflag:s20] =	ssyncset.done $0x0  }
0x1c3: {  	[sflag:s20] =	ssyncadd.s32 $0xFFFFFB80  }
0x1c4: {  	_ =	swait.ge [sflag:s20], $0x480  }
0x1c5: {  	[sflag:s20] =	ssyncset.done $0x0  }
0x1c6: {  	[sflag:s20] =	ssyncadd.s32 $0xFFFFFB80  }
0x1c7: {  	_ =	swait.ge [sflag:s20], $0x480  }
0x1c8: {  	[sflag:s20] =	ssyncset.done $0x0  }
0x1c9: {  	[sflag:s20] =	ssyncadd.s32 $0xFFFFFB80  }
0x1ca: {  	_ =	swait.ge [sflag:s20], $0x480  }
0x1cb: {  	[sflag:s20] =	ssyncset.done $0x0  }
0x1cc: {  	[sflag:s20] =	ssyncadd.s32 $0xFFFFFB80  }
0x1cd: {  	_ =	swait.ge [sflag:s20], $0x480  }
0x1ce: {  	[sflag:s20] =	ssyncset.done $0x0  }
0x1cf: {  	[sflag:s20] =	ssyncadd.s32 $0xFFFFFB80  }
0x1d0: {  	_ =	swait.ge [sflag:s20], $0x480  }
0x1d1: {  	[sflag:s20] =	ssyncset.done $0x0  }
0x1d2: {  	[sflag:s20] =	ssyncadd.s32 $0xFFFFFB80  }
0x1d3: {  	_ =	swait.ge [sflag:s20], $0x480  }
0x1d4: {  	s10 =	rddreg [dreg:$0x6]  }
0x1d5: {  	[sflag:s20] =	ssyncset.done $0x0;
	s16 =	rddreg [dreg:$0x7]  }
0x1d6: {  	[sflag:s20] =	ssyncadd.s32 $0xFFFFFB80;
	s7 =	sadd.s32 s16, s10  }
0x1d7: {  	[tilespmem:s21], [sflag:$0x1] =	stream.linear.gather [hbm4b:s7+s3], $0x400, $0x38;
	[tilespmem:$0x12C80] =	vst v63  }
0x1d8: {  	s18 =	rddreg [dreg:$0x8]  }
0x1d9: {  	[tilespmem:s24], [sflag:$0x1] =	stream.linear.gather [hbm4b:s18+s3], $0x400, $0x38;
	[tilespmem:$0x12C80] =	vst v63  }
0x1da: {  	_ = 	snop  }
0x1db: {  	[spmem:s2] =	stream.indirect.scatter.add.f32 [tilespmem:s26], [sflag:$0x3], $0x9, s22, s25, $0xb8;
	[tilespmem:$0x12C80] =	vst v63  }
0x1dc: {  	s10 =	simm.s32 $0x880  }
0x1dd: {  	[spmem:s2] =	stream.indirect.scatter.add.f32 [tilespmem:s28], [sflag:$0x3], $0x9, s10, s25, $0xb8;
	[tilespmem:$0x12C80] =	vst v63  }
0x1de: {  	s12 =	simm.s32 $0x900  }
0x1df: {  	[spmem:s2] =	stream.indirect.scatter.add.f32 [tilespmem:s30], [sflag:$0x3], $0x9, s12, s25, $0xb8;
	[tilespmem:$0x12C80] =	vst v63  }
0x1e0: {  	s16 =	simm.s32 $0x980  }
0x1e1: {  	[spmem:s2] =	stream.indirect.scatter.add.f32 [tilespmem:s0], [sflag:$0x3], $0x9, s16, s25, $0xb8;
	[tilespmem:$0x12C80] =	vst v63  }
0x1e2: {  	s18 =	simm.s32 $0xA00  }
0x1e3: {  	[spmem:s2] =	stream.indirect.scatter.add.f32 [tilespmem:s11], [sflag:$0x3], $0x9, s18, s25, $0xb8;
	[tilespmem:$0x12C80] =	vst v63  }
0x1e4: {  	s10 =	simm.s32 $0xA80  }
0x1e5: {  	[spmem:s2] =	stream.indirect.scatter.add.f32 [tilespmem:s15], [sflag:$0x3], $0x9, s10, s25, $0xb8;
	[tilespmem:$0x12C80] =	vst v63  }
0x1e6: {  	s12 =	simm.s32 $0xB00  }
0x1e7: {  	[spmem:s2] =	stream.indirect.scatter.add.f32 [tilespmem:s17], [sflag:$0x3], $0x9, s12, s25, $0xb8;
	[tilespmem:$0x12C80] =	vst v63  }
0x1e8: {  	s16 =	simm.s32 $0xB80  }
0x1e9: {  	[spmem:s2] =	stream.indirect.scatter.add.f32 [tilespmem:s19], [sflag:$0x3], $0x9, s16, s25, $0xb8;
	[tilespmem:$0x12C80] =	vst v63  }
0x1ea: {  	_ =	swait.ge [sflag:s29], $0x480  }
0x1eb: {  	[sflag:s29] =	ssyncset.done $0x0  }
0x1ec: {  	[sflag:s29] =	ssyncadd.s32 $0xFFFFFB80  }
0x1ed: {  	_ =	swait.ge [sflag:s29], $0x480  }
0x1ee: {  	[sflag:s29] =	ssyncset.done $0x0  }
0x1ef: {  	[sflag:s29] =	ssyncadd.s32 $0xFFFFFB80  }
0x1f0: {  	_ =	swait.ge [sflag:s29], $0x480  }
0x1f1: {  	[sflag:s29] =	ssyncset.done $0x0  }
0x1f2: {  	[sflag:s29] =	ssyncadd.s32 $0xFFFFFB80  }
0x1f3: {  	_ =	swait.ge [sflag:s29], $0x480  }
0x1f4: {  	[sflag:s29] =	ssyncset.done $0x0  }
0x1f5: {  	[sflag:s29] =	ssyncadd.s32 $0xFFFFFB80  }
0x1f6: {  	_ =	swait.ge [sflag:s29], $0x480  }
0x1f7: {  	[sflag:s29] =	ssyncset.done $0x0  }
0x1f8: {  	[sflag:s29] =	ssyncadd.s32 $0xFFFFFB80  }
0x1f9: {  	_ =	swait.ge [sflag:s29], $0x480  }
0x1fa: {  	[sflag:s29] =	ssyncset.done $0x0  }
0x1fb: {  	[sflag:s29] =	ssyncadd.s32 $0xFFFFFB80  }
0x1fc: {  	_ =	swait.ge [sflag:s29], $0x480  }
0x1fd: {  	[sflag:s29] =	ssyncset.done $0x0  }
0x1fe: {  	[sflag:s29] =	ssyncadd.s32 $0xFFFFFB80  }
0x1ff: {  	_ =	swait.ge [sflag:s29], $0x480  }
0x200: {  	[sflag:s29] =	ssyncset.done $0x0  }
0x201: {  	[sflag:s29] =	ssyncadd.s32 $0xFFFFFB80  }
0x202: {  	_ =	swait.ge [sflag:s23], $0x400  }
0x203: {  	[sflag:s23] =	ssyncset.done $0x0  }
0x204: {  	[sflag:s23] =	ssyncadd.s32 $0xFFFFFC00  }
0x205: {  	_ =	swait.ge [sflag:s23], $0x400  }
0x206: {  	[sflag:s23] =	ssyncset.done $0x0  }
0x207: {  	[sflag:s23] =	ssyncadd.s32 $0xFFFFFC00  }
0x208: {  	[tilespmem:s26], [sflag:$0x2] =	stream.indirect.gather [hbm4b:s5+s25], $0x9, s21, s25, $0xb8;
	[tilespmem:$0x12C80] =	vst v63  }
0x209: {  	s18 =	simm.s32 $0x480  }
0x20a: {  	[tilespmem:s28], [sflag:$0x2] =	stream.indirect.gather [hbm4b:s5+s25], $0x9, s18, s25, $0xb8;
	[tilespmem:$0x12C80] =	vst v63  }
0x20b: {  	s10 =	simm.s32 $0x500  }
0x20c: {  	[tilespmem:s30], [sflag:$0x2] =	stream.indirect.gather [hbm4b:s5+s25], $0x9, s10, s25, $0xb8;
	[tilespmem:$0x12C80] =	vst v63  }
0x20d: {  	s12 =	simm.s32 $0x580  }
0x20e: {  	[tilespmem:s0], [sflag:$0x2] =	stream.indirect.gather [hbm4b:s5+s25], $0x9, s12, s25, $0xb8;
	[tilespmem:$0x12C80] =	vst v63  }
0x20f: {  	s16 =	simm.s32 $0x600  }
0x210: {  	[tilespmem:s11], [sflag:$0x2] =	stream.indirect.gather [hbm4b:s5+s25], $0x9, s16, s25, $0xb8;
	[tilespmem:$0x12C80] =	vst v63  }
0x211: {  	s18 =	simm.s32 $0x680  }
0x212: {  	[tilespmem:s15], [sflag:$0x2] =	stream.indirect.gather [hbm4b:s5+s25], $0x9, s18, s25, $0xb8;
	[tilespmem:$0x12C80] =	vst v63  }
0x213: {  	s10 =	simm.s32 $0x700  }
0x214: {  	[tilespmem:s17], [sflag:$0x2] =	stream.indirect.gather [hbm4b:s5+s25], $0x9, s10, s25, $0xb8;
	[tilespmem:$0x12C80] =	vst v63  }
0x215: {  	s12 =	simm.s32 $0x780  }
0x216: {  	[tilespmem:s19], [sflag:$0x2] =	stream.indirect.gather [hbm4b:s5+s25], $0x9, s12, s25, $0xb8;
	[tilespmem:$0x12C80] =	vst v63  }
0x217: {  	_ =	swait.ge [sflag:s20], $0x480  }
0x218: {  	[sflag:s20] =	ssyncset.done $0x0  }
0x219: {  	[sflag:s20] =	ssyncadd.s32 $0xFFFFFB80  }
0x21a: {  	_ =	swait.ge [sflag:s20], $0x480  }
0x21b: {  	[sflag:s20] =	ssyncset.done $0x0  }
0x21c: {  	[sflag:s20] =	ssyncadd.s32 $0xFFFFFB80  }
0x21d: {  	_ =	swait.ge [sflag:s20], $0x480  }
0x21e: {  	[sflag:s20] =	ssyncset.done $0x0  }
0x21f: {  	[sflag:s20] =	ssyncadd.s32 $0xFFFFFB80  }
0x220: {  	_ =	swait.ge [sflag:s20], $0x480  }
0x221: {  	[sflag:s20] =	ssyncset.done $0x0  }
0x222: {  	[sflag:s20] =	ssyncadd.s32 $0xFFFFFB80  }
0x223: {  	_ =	swait.ge [sflag:s20], $0x480  }
0x224: {  	[sflag:s20] =	ssyncset.done $0x0  }
0x225: {  	[sflag:s20] =	ssyncadd.s32 $0xFFFFFB80  }
0x226: {  	_ =	swait.ge [sflag:s20], $0x480  }
0x227: {  	[sflag:s20] =	ssyncset.done $0x0  }
0x228: {  	[sflag:s20] =	ssyncadd.s32 $0xFFFFFB80  }
0x229: {  	_ =	swait.ge [sflag:s20], $0x480  }
0x22a: {  	[sflag:s20] =	ssyncset.done $0x0  }
0x22b: {  	[sflag:s20] =	ssyncadd.s32 $0xFFFFFB80  }
0x22c: {  	_ =	swait.ge [sflag:s20], $0x480  }
0x22d: {  	[sflag:s20] =	ssyncset.done $0x0  }
0x22e: {  	[sflag:s20] =	ssyncadd.s32 $0xFFFFFB80  }
0x22f: {  	[spmem:s2] =	stream.indirect.scatter.add.f32 [tilespmem:s26], [sflag:$0x3], $0x9, s24, s25, $0xb8;
	[tilespmem:$0x12C80] =	vst v63  }
0x230: {  	_ = 	snop  }
0x231: {  	[spmem:s2] =	stream.indirect.scatter.add.f32 [tilespmem:s28], [sflag:$0x3], $0x9, s8, s25, $0xb8;
	[tilespmem:$0x12C80] =	vst v63  }
0x232: {  	_ = 	snop  }
0x233: {  	[spmem:s2] =	stream.indirect.scatter.add.f32 [tilespmem:s30], [sflag:$0x3], $0x9, s13, s25, $0xb8;
	[tilespmem:$0x12C80] =	vst v63  }
0x234: {  	_ = 	snop  }
0x235: {  	[spmem:s2] =	stream.indirect.scatter.add.f32 [tilespmem:s0], [sflag:$0x3], $0x9, s1, s25, $0xb8;
	[tilespmem:$0x12C80] =	vst v63  }
0x236: {  	_ = 	snop  }
0x237: {  	[spmem:s2] =	stream.indirect.scatter.add.f32 [tilespmem:s11], [sflag:$0x3], $0x9, s6, s25, $0xb8;
	[tilespmem:$0x12C80] =	vst v63  }
0x238: {  	_ = 	snop  }
0x239: {  	[spmem:s2] =	stream.indirect.scatter.add.f32 [tilespmem:s15], [sflag:$0x3], $0x9, s14, s25, $0xb8;
	[tilespmem:$0x12C80] =	vst v63  }
0x23a: {  	_ = 	snop  }
0x23b: {  	[spmem:s2] =	stream.indirect.scatter.add.f32 [tilespmem:s17], [sflag:$0x3], $0x9, s31, s25, $0xb8;
	[tilespmem:$0x12C80] =	vst v63  }
0x23c: {  	_ = 	snop  }
0x23d: {  	[spmem:s2] =	stream.indirect.scatter.add.f32 [tilespmem:s19], [sflag:$0x3], $0x9, s4, s25, $0xb8;
	[tilespmem:$0x12C80] =	vst v63  }
0x23e: {  	_ =	swait.ge [sflag:s29], $0x480  }
0x23f: {  	[sflag:s29] =	ssyncset.done $0x0  }
0x240: {  	[sflag:s29] =	ssyncadd.s32 $0xFFFFFB80  }
0x241: {  	_ =	swait.ge [sflag:s29], $0x480  }
0x242: {  	[sflag:s29] =	ssyncset.done $0x0  }
0x243: {  	[sflag:s29] =	ssyncadd.s32 $0xFFFFFB80  }
0x244: {  	_ =	swait.ge [sflag:s29], $0x480  }
0x245: {  	[sflag:s29] =	ssyncset.done $0x0  }
0x246: {  	[sflag:s29] =	ssyncadd.s32 $0xFFFFFB80  }
0x247: {  	_ =	swait.ge [sflag:s29], $0x480  }
0x248: {  	[sflag:s29] =	ssyncset.done $0x0  }
0x249: {  	[sflag:s29] =	ssyncadd.s32 $0xFFFFFB80  }
0x24a: {  	_ =	swait.ge [sflag:s29], $0x480  }
0x24b: {  	[sflag:s29] =	ssyncset.done $0x0  }
0x24c: {  	[sflag:s29] =	ssyncadd.s32 $0xFFFFFB80  }
0x24d: {  	_ =	swait.ge [sflag:s29], $0x480  }
0x24e: {  	[sflag:s29] =	ssyncset.done $0x0  }
0x24f: {  	[sflag:s29] =	ssyncadd.s32 $0xFFFFFB80  }
0x250: {  	_ =	swait.ge [sflag:s29], $0x480  }
0x251: {  	[sflag:s29] =	ssyncset.done $0x0  }
0x252: {  	[sflag:s29] =	ssyncadd.s32 $0xFFFFFB80  }
0x253: {  	_ =	swait.ge [sflag:s29], $0x480  }
0x254: {  	[sflag:s29] =	ssyncset.done $0x0  }
0x255: {  	[sflag:s29] =	ssyncadd.s32 $0xFFFFFB80  }
0x256: {  	[bflag:$0x0] =	sbarrier.arrive $0xFFFF  }
0x257: {  	s18 =	rddreg [dreg:$0x4]  }
0x258: {  	s12 =	rddreg [dreg:$0xa]  }
0x259: {  	s16 =	rddreg [dreg:$0x12]  }
0x25a: {  	[hbm:s16], [sflag:s18] =	dma.local [spmem:s12], $0x3100  }
0x25b: {  	s16 =	simm.s32 $0x4  }
0x25c: {  	_ =	swait.ge [sflag:s16], $0x3100  }
0x25d: {  	s7 =	rddreg [dreg:$0x13]  }
0x25e: {  	s10 =	sadd.s32 $0x1, s7;
	s7 =	rddreg [dreg:$0x9]  }
0x25f: {  	p0 =	sne.s32 s10, s7  }
.Ltmp1:
0x260: {  	_ = 	snop;
	(pc) =	sbr.rel @p0 .LBB2_1-.Ltmp1, $3  }
0x261: {  	_ =	sdelay $0x1  }
0x262: {  	[sflag:s16] =	ssyncset.done $0x0;
	[dreg:$0x13] =	wrdreg s10  }
0x263: {  	[sflag:s16] =	ssyncadd.s32 $0xFFFFCF00;
	s10 =	rddreg [dreg:$0x6]  }
0x264: {  	_ =	sfence.sel $0x180000  }
0x265: {  	[bflag:$0x0] =	sbarrier.arrive $0xFFFF  }
0x266: {  	_ =	strace $0x90000047  }
0x267: {  	s0 =	stileid.u32;
	[bflag:$0x2] =	sbarrier.arrive $0xFFFF  }
0x268: {  	p0 =	sne.s32 s0, $0x0;
	s0 =	rddreg [dreg:$0x3]  }
0x269: {  	s0 =	sadd.s32 @!p0 $0x100000, s0  }
0x26a: {  	[sflag:s0] =	ssyncadd.tile.s32 @!p0 $0x1;
	_ =	shalt  }
.Lfunc_end2:
_tile_overlayer_lowered:
.L_overlay_start_2:
0x26b: {  	(tag) =	ssettag $0x2  }
0x26c: {  	s0 =	rddreg [dreg:$0x0];
	s2 =	stileid.u32  }
0x26d: {  	s1 =	rddreg [dreg:$0x1];
	p0 =	sne.s32 s2, $0x0  }
0x26e: {  	s3 =	rddreg [dreg:$0x2];
	[bflag:$0x3] =	sbarrier.arrive $0xFFFF;
	s2 =	simm.s32 @!p0 $0x1C04  }
0x26f: {  	[timem:s3], [sflag:s2] =	dma.local @!p0 [hbm:s0], s1  }
0x270: {  	s0 =	simm.s32 @!p0 $0x4  }
0x271: {  	_ =	swait.ge @!p0 [sflag:s0], s1  }
0x272: {  	s1 =	ssub.s32 @!p0 $0x0, s1;
	[sflag:s0] =	ssyncset.done @!p0 $0x0  }
0x273: {  	[sflag:s0] =	ssyncadd.s32 @!p0 s1  }
0x274: {  	[bflag:$0x3] =	sbarrier.arrive $0xFFFF  }
0x275: {  	_ =	shalt  }

</sc_bundles>
